<compile_context>
chip_gen: v7x
topology: tpu7x:2x2x1
jax: 0.10.2.dev20260603
libtpu: 0.0.44.dev20260713+nightly
codegen_flags: <defaults>
</compile_context>

<pallas_src>
import functools

import jax
import jax.numpy as jnp
from jax import lax
from jax.experimental import pallas as pl
from jax.experimental.pallas import tpu as pltpu
from jax.experimental.pallas import tpu_sc as plsc

F32 = jnp.float32

KN = 10000
KE = 320000
KDIN = 128
KDE = 16
KH = 32
KHF = 64
KL = 4
KG = 4
KNG = 64

NC = 2
NS = 16
NW = NC * NS
EPW = KE // NW
CH = 80
NCHUNK = EPW // CH
NPAD = 10240
RPT = NPAD // NS



def _make_edge_pass(with_deg):
  mesh = plsc.VectorSubcoreMesh(core_axis_name="c", subcore_axis_name="s")
  out_type = [jax.ShapeDtypeStruct((NC, NPAD, 4 * KH), F32)]
  scratch = [
      pltpu.VMEM_SHARED((NPAD, 4 * KH), F32),
      pltpu.VMEM((CH,), jnp.int32),
      pltpu.VMEM((CH,), jnp.int32),
      pltpu.VMEM((CH, 4 * KH), F32),
      pltpu.VMEM((CH, 4 * KH), F32),
      pltpu.VMEM((CH, KH), F32),
      pltpu.VMEM((CH, 4 * KH), F32),
      pltpu.SemaphoreType.DMA,
      pltpu.SemaphoreType.DMA,
      pltpu.SemaphoreType.DMA,
  ]
  if with_deg:
    out_type.append(jax.ShapeDtypeStruct((NC * NPAD,), F32))
    scratch += [
        pltpu.VMEM_SHARED((NPAD,), F32),
        pltpu.VMEM((CH,), F32),
        pltpu.VMEM((CH,), F32),
    ]

  def body(tab, ef, sidx_hbm, didx_hbm, *rest):
    if with_deg:
      (out, degout, acc, sidx_v, didx_v, srows, drows, efc, arows,
       sem0, sem1, sem2, dacc, dstage, ones_v) = rest
    else:
      (out, acc, sidx_v, didx_v, srows, drows, efc, arows,
       sem0, sem1, sem2) = rest
    c = lax.axis_index("c")
    s = lax.axis_index("s")
    wid = s * NC + c
    z16 = jnp.zeros((16,), F32)
    r0 = s * RPT

    def zrow(j, carry):
      for k in range(4 * KH // 16):
        arows[j, pl.ds(16 * k, 16)] = z16
      return carry
    lax.fori_loop(0, CH, zrow, 0, unroll=4)

    def zacc(j, carry):
      pltpu.sync_copy(arows,
                      acc.at[pl.ds(pl.multiple_of(r0 + j * CH, 8), CH)])
      return carry
    lax.fori_loop(0, RPT // CH, zacc, 0)
    if with_deg:
      for k in range(CH // 16):
        dstage[pl.ds(16 * k, 16)] = z16
      def zdacc(j, carry):
        pltpu.sync_copy(dstage,
                        dacc.at[pl.ds(pl.multiple_of(r0 + j * CH, 8), CH)])
        return carry
      lax.fori_loop(0, RPT // CH, zdacc, 0)
      one16 = jnp.ones((16,), F32)
      for k in range(CH // 16):
        ones_v[pl.ds(16 * k, 16)] = one16
    plsc.subcore_barrier()

    ebase = wid * EPW

    def chunk(i, carry):
      base = pl.multiple_of(ebase + i * CH, 8)
      pltpu.sync_copy(sidx_hbm.at[pl.ds(base, CH)], sidx_v)
      pltpu.sync_copy(didx_hbm.at[pl.ds(base, CH)], didx_v)
      g0 = pltpu.async_copy(tab.at[sidx_v], srows, sem0)
      g1 = pltpu.async_copy(tab.at[didx_v], drows, sem1)
      g2 = pltpu.async_copy(ef.at[pl.ds(base, CH)], efc, sem2)
      g0.wait()
      g1.wait()
      g2.wait()

      def row(j, rcarry):
        for h in range(KH // 16):
          arows[j, pl.ds(16 * h, 16)] = srows[j, pl.ds(16 * h, 16)]
          a = drows[j, pl.ds(2 * KH + 16 * h, 16)]
          b = srows[j, pl.ds(KH + 16 * h, 16)]
          e = efc[j, pl.ds(16 * h, 16)]
          arows[j, pl.ds(KH + 16 * h, 16)] = jnp.maximum(a + b + e, 0.0)
        return rcarry
      lax.fori_loop(0, CH, row, 0, unroll=4)
      pltpu.sync_copy(arows, acc.at[didx_v], add=True)
      if with_deg:
        pltpu.sync_copy(ones_v, dacc.at[didx_v], add=True)
      return carry
    lax.fori_loop(0, NCHUNK, chunk, 0)

    plsc.subcore_barrier()
    pltpu.sync_copy(acc.at[pl.ds(r0, RPT)], out.at[c, pl.ds(r0, RPT)])
    if with_deg:
      pltpu.sync_copy(dacc.at[pl.ds(r0, RPT)],
                      degout.at[pl.ds(c * NPAD + r0, RPT)])

  return pl.kernel(body, out_type=out_type, mesh=mesh, scratch_types=scratch)


_edge_pass_deg = _make_edge_pass(True)
_edge_pass = _make_edge_pass(False)



def _graph_onehot_t(brow):
  gids = lax.broadcasted_iota(jnp.int32, (KNG, 1), 0)
  pt = (brow == gids).astype(F32)
  cnt = jnp.maximum(jnp.sum(pt, axis=1, keepdims=True), 1.0)
  return pt, cnt


def _mm(a, b):
  return jnp.dot(a, b, preferred_element_type=F32)


def _tc0_body(x_ref, brow_ref, wi_ref, bi_ref, wne_ref, bne_ref, wnl_ref,
              bnl_ref, msgw_ref, msgb_ref, bdi_ref, bdj_ref,
              out0_ref, u0_ref, st_ref):
  x = x_ref[...]
  pt, cnt = _graph_onehot_t(brow_ref[...])
  g = _mm(pt, x) / cnt
  o = _mm(g, wne_ref[...]) + bne_ref[...]
  o = o + jnp.maximum(_mm(o, wnl_ref[...]) + bnl_ref[...], 0.0)
  out0_ref[...] = o
  u0 = _mm(x, wi_ref[...]) + bi_ref[...]
  u0_ref[...] = u0
  um = _mm(u0, msgw_ref[...]) + msgb_ref[...]
  u1 = _mm(um, bdi_ref[...])
  u2 = _mm(um, bdj_ref[...])
  st_ref[0:KN, 0:KH] = um
  st_ref[0:KN, KH:2 * KH] = u2
  st_ref[0:KN, 2 * KH:3 * KH] = u1
  st_ref[0:KN, 3 * KH:4 * KH] = jnp.zeros((KN, KH), F32)
  st_ref[KN:NPAD, :] = jnp.zeros((NPAD - KN, 4 * KH), F32)


_EB = 2000


def _ef_body(ea_ref, w_ref, b_ref, out_ref):
  ea = ea_ref[...]
  for l in range(KL):
    out_ref[l] = _mm(ea, w_ref[l]) + b_ref[l]


def _avg_body(deg_ref, bcol_ref, avg_out):
  degrow = deg_ref[0:1, 0:KN] + deg_ref[1:2, 0:KN]
  pcol = (bcol_ref[...] ==
          lax.broadcasted_iota(jnp.int32, (1, KNG), 1)).astype(F32)
  eg = _mm(degrow, pcol)
  cnt = jnp.maximum(jnp.sum(pcol, axis=0, keepdims=True), 1.0)
  avg_g = eg / cnt
  avgn = lax.dot_general(pcol, avg_g, (((1,), (1,)), ((), ())),
                         preferred_element_type=F32)
  avg_out[...] = jnp.maximum(avgn, 1.0)


def _nodeupd_body(u_ref, st_ref, s01_ref, avg_ref, bdo_ref, w1a_ref,
                  w1b_ref, b1_ref, w2_ref, b2_ref, un_out):
  um = st_ref[:, 0:KH]
  s0 = s01_ref[0, :, 0:KH] + s01_ref[1, :, 0:KH]
  s1 = s01_ref[0, :, KH:2 * KH] + s01_ref[1, :, KH:2 * KH]
  aggr = s0 + _mm(s1, bdo_ref[...])
  up1 = _mm(um, w1a_ref[...]) + _mm(aggr, w1b_ref[...]) + b1_ref[...]
  up2 = up1 + _mm(up1, w2_ref[...]) + b2_ref[...]
  un_out[...] = u_ref[...] + (up2 + um) / avg_ref[...]


_NB = 2000


def _make_graph_body(l):
  def body(*refs):
    it = iter(refs)
    un_ref = next(it)
    brow_ref = next(it)
    out0_ref = next(it)
    extw_ref = next(it)
    extb_ref = next(it)
    extlw_ref = next(it)
    extlb_ref = next(it)
    if l < KL - 1:
      gam_ref = next(it)
      bet_ref = next(it)
      msgw_ref = next(it)
      msgb_ref = next(it)
      bdi_ref = next(it)
      bdj_ref = next(it)
      un_out = next(it)
      out0_out = next(it)
      st_out = next(it)
    else:
      aftw_ref = next(it)
      aftb_ref = next(it)
      finw_ref = next(it)
      finb_ref = next(it)
      res_out = next(it)

    un = un_ref[...]
    pt, cnt = _graph_onehot_t(brow_ref[...])
    gm = _mm(pt, un) / cnt
    ge = _mm(gm, extw_ref[...]) + extb_ref[...]
    ge = ge + jnp.maximum(_mm(ge, extlw_ref[...]) + extlb_ref[...], 0.0)
    o = out0_ref[...] + ge * (1.0 / KL)
    if l < KL - 1:
      out0_out[...] = o
      mu = jnp.mean(un, axis=0, keepdims=True)
      var = jnp.mean((un - mu) ** 2, axis=0, keepdims=True)
      ub = (un - mu) * lax.rsqrt(var + 1e-5) * gam_ref[...] + bet_ref[...]
      un_out[...] = ub
      um2 = _mm(ub, msgw_ref[...]) + msgb_ref[...]
      u1n = _mm(um2, bdi_ref[...])
      u2n = _mm(um2, bdj_ref[...])
      st_out[0:KN, 0:KH] = um2
      st_out[0:KN, KH:2 * KH] = u2n
      st_out[0:KN, 2 * KH:3 * KH] = u1n
      st_out[0:KN, 3 * KH:4 * KH] = jnp.zeros((KN, KH), F32)
      st_out[KN:NPAD, :] = jnp.zeros((NPAD - KN, 4 * KH), F32)
    else:
      t = jnp.maximum(_mm(o, aftw_ref[...]) + aftb_ref[...], 0.0) + o
      res_out[...] = _mm(t, finw_ref[...]) + finb_ref[...]
  return body


def _blockdiag(w):
  return jax.scipy.linalg.block_diag(*[w[g] for g in range(KG)])


def kernel(x, edge_index, edge_attr, batch, params):
  p = params
  src = edge_index[0].astype(jnp.int32)
  dst = edge_index[1].astype(jnp.int32)
  brow = batch.reshape(1, KN).astype(jnp.int32)
  bcol = batch.reshape(KN, 1).astype(jnp.int32)

  bdi = [_blockdiag(p['o2i_W'][l]) for l in range(KL)]
  bdj = [_blockdiag(p['o2j_W'][l]) for l in range(KL)]
  bdo = [_blockdiag(p['o2_W'][l]) for l in range(KL)]
  r1 = lambda b: b.reshape(1, -1)

  out0, u0, st = pl.pallas_call(
      _tc0_body,
      out_shape=[
          jax.ShapeDtypeStruct((KNG, KHF), F32),
          jax.ShapeDtypeStruct((KN, KH), F32),
          jax.ShapeDtypeStruct((NPAD, 4 * KH), F32),
      ],
  )(x, brow, p['initial_W'], r1(p['initial_b']),
    p['noprop_ext_W'], r1(p['noprop_ext_b']),
    p['noprop_lin_W'], r1(p['noprop_lin_b']),
    p['msg_W'][0], r1(p['msg_b'][0]), bdi[0], bdj[0])

  ef_all = pl.pallas_call(
      _ef_body,
      grid=(KE // _EB,),
      in_specs=[
          pl.BlockSpec((_EB, KDE), lambda e: (e, 0)),
          pl.BlockSpec((KL, KDE, KH), lambda e: (0, 0, 0)),
          pl.BlockSpec((KL, 1, KH), lambda e: (0, 0, 0)),
      ],
      out_specs=pl.BlockSpec((KL, _EB, KH), lambda e: (0, e, 0)),
      out_shape=jax.ShapeDtypeStruct((KL, KE, KH), F32),
  )(edge_attr, p['edge_W'], p['edge_b'].reshape(KL, 1, KH))

  u_state = u0
  avg = None
  res = None
  for l in range(KL):
    if l == 0:
      s01, deg = _edge_pass_deg(st, ef_all[l], src, dst)
    else:
      (s01,) = _edge_pass(st, ef_all[l], src, dst)

    if l == 0:
      avg = pl.pallas_call(
          _avg_body,
          out_shape=jax.ShapeDtypeStruct((KN, 1), F32),
      )(deg.reshape(NC, NPAD), bcol)

    wspec = lambda shp: pl.BlockSpec(shp, lambda i: (0,) * len(shp))
    un = pl.pallas_call(
        _nodeupd_body,
        grid=(KN // _NB,),
        in_specs=[
            pl.BlockSpec((_NB, KH), lambda i: (i, 0)),
            pl.BlockSpec((_NB, 4 * KH), lambda i: (i, 0)),
            pl.BlockSpec((NC, _NB, 4 * KH), lambda i: (0, i, 0)),
            pl.BlockSpec((_NB, 1), lambda i: (i, 0)),
            wspec((KH, KH)), wspec((KH, KH)), wspec((KH, KH)),
            wspec((1, KH)), wspec((KH, KH)), wspec((1, KH)),
        ],
        out_specs=pl.BlockSpec((_NB, KH), lambda i: (i, 0)),
        out_shape=jax.ShapeDtypeStruct((KN, KH), F32),
    )(u_state, st, s01, avg, bdo[l],
      p['upd1_W'][l][:KH], p['upd1_W'][l][KH:], r1(p['upd1_b'][l]),
      p['upd2_W'][l], r1(p['upd2_b'][l]))

    ins = [un, brow, out0,
           p['ext_W'][l], r1(p['ext_b'][l]),
           p['ext_lin_W'][l], r1(p['ext_lin_b'][l])]
    if l < KL - 1:
      ins += [r1(p['bn_gamma'][l + 1]), r1(p['bn_beta'][l + 1]),
              p['msg_W'][l + 1], r1(p['msg_b'][l + 1]),
              bdi[l + 1], bdj[l + 1]]
      out_shape = [
          jax.ShapeDtypeStruct((KN, KH), F32),
          jax.ShapeDtypeStruct((KNG, KHF), F32),
          jax.ShapeDtypeStruct((NPAD, 4 * KH), F32),
      ]
    else:
      ins += [p['after_W'], r1(p['after_b']),
              p['final_W'], p['final_b'].reshape(1, 1)]
      out_shape = [jax.ShapeDtypeStruct((KNG, 1), F32)]
    outs = pl.pallas_call(_make_graph_body(l), out_shape=out_shape)(*ins)
    if l < KL - 1:
      u_state, out0, st = outs
    else:
      res = outs[0]

  return res.reshape(KNG)

# --- scband reference (transcript-rebuilt; emitter-appended) ---
"""Pipeline reference for scband-smpzinc-2422361555577 (READ-ONLY COPY).

The authoritative reference and input builder live on the scoring server;
editing this copy changes nothing except your own understanding.
"""

import jax, jax.numpy as jnp
import numpy as np

N = 10000
E = 320000
D_IN = 128
D_EDGE = 16
HIDDEN = 32
HF = 64
L = 4
G = 4
NG = 64


def _glorot(key, shape):
    fan_in, fan_out = shape[-2], shape[-1]
    lim = float(np.sqrt(6.0 / (fan_in + fan_out)))
    return jax.random.uniform(key, shape, jnp.float32, -lim, lim)


def _segment_mean(x, seg, num):
    s = jax.ops.segment_sum(x, seg, num_segments=num)
    c = jax.ops.segment_sum(jnp.ones((x.shape[0],), x.dtype), seg, num_segments=num)
    return s / jnp.maximum(c, 1.0)[:, None]


def _grouped_linear(x, w):
    # grouped (towered) pointwise linear == Conv1d(k=1, groups=G, bias=False)
    n = x.shape[0]
    g, ig, og = w.shape
    return jnp.einsum('ngi,gio->ngo', x.reshape(n, g, ig), w).reshape(n, g * og)


def _batch_norm(x, gamma, beta, eps=1e-5):
    mu = jnp.mean(x, axis=0)
    var = jnp.var(x, axis=0)
    return (x - mu) / jnp.sqrt(var + eps) * gamma + beta


def setup_inputs(seed: int = 0):
    key = jax.random.key(seed)
    ks = jax.random.split(key, 24)
    hg = HIDDEN // G
    inp = {}
    inp['x'] = jax.random.normal(ks[0], (N, D_IN), jnp.float32)
    inp['edge_index'] = jax.random.randint(ks[1], (2, E), 0, N, jnp.int32)
    inp['edge_attr'] = jax.random.normal(ks[2], (E, D_EDGE), jnp.float32)
    inp['batch'] = jnp.sort(jax.random.randint(ks[3], (N,), 0, NG, jnp.int32))
    params = {
        'initial_W': _glorot(ks[4], (D_IN, HIDDEN)), 'initial_b': jnp.zeros((HIDDEN,), jnp.float32),
        'noprop_ext_W': _glorot(ks[5], (D_IN, HF)), 'noprop_ext_b': jnp.zeros((HF,), jnp.float32),
        'noprop_lin_W': _glorot(ks[6], (HF, HF)), 'noprop_lin_b': jnp.zeros((HF,), jnp.float32),
        'msg_W': _glorot(ks[7], (L, HIDDEN, HIDDEN)), 'msg_b': jnp.zeros((L, HIDDEN), jnp.float32),
        'edge_W': _glorot(ks[8], (L, D_EDGE, HIDDEN)), 'edge_b': jnp.zeros((L, HIDDEN), jnp.float32),
        'o2i_W': _glorot(ks[9], (L, G, hg, hg)),
        'o2j_W': _glorot(ks[10], (L, G, hg, hg)),
        'o2_W': _glorot(ks[11], (L, G, hg, hg)),
        'upd1_W': _glorot(ks[12], (L, 2 * HIDDEN, HIDDEN)), 'upd1_b': jnp.zeros((L, HIDDEN), jnp.float32),
        'upd2_W': _glorot(ks[13], (L, HIDDEN, HIDDEN)), 'upd2_b': jnp.zeros((L, HIDDEN), jnp.float32),
        'bn_gamma': jnp.ones((L, HIDDEN), jnp.float32), 'bn_beta': jnp.zeros((L, HIDDEN), jnp.float32),
        'ext_W': _glorot(ks[14], (L, HIDDEN, HF)), 'ext_b': jnp.zeros((L, HF), jnp.float32),
        'ext_lin_W': _glorot(ks[15], (L, HF, HF)), 'ext_lin_b': jnp.zeros((L, HF), jnp.float32),
        'after_W': _glorot(ks[16], (HF, HF)), 'after_b': jnp.zeros((HF,), jnp.float32),
        'final_W': _glorot(ks[17], (HF, 1)), 'final_b': jnp.zeros((1,), jnp.float32),
    }
    inp['params'] = params
    return inp


def _forward(x, edge_attr, p, edge_index, batch):
    src = edge_index[0]
    dst = edge_index[1]
    n = x.shape[0]
    # create_batch_info: EdgeCounter (scatter-add of ones = in-degree) then
    # global_mean_pool over graphs, broadcast back to nodes -> average_edges
    deg = jax.ops.segment_sum(jnp.ones((edge_attr.shape[0],), jnp.float32), dst, num_segments=n)
    avg_edges = _segment_mean(deg[:, None], batch, NG)[batch]
    avg_edges = jnp.maximum(avg_edges, 1.0)
    u = x  # use_x=True -> local context is the node features
    # no_prop GraphExtractor: XtoGlobal (mean pool + linear) with residual relu-linear
    g = _segment_mean(u, batch, NG)
    out = g @ p['noprop_ext_W'] + p['noprop_ext_b']
    out = out + jax.nn.relu(out @ p['noprop_lin_W'] + p['noprop_lin_b'])
    u = x @ p['initial_W'] + p['initial_b']
    for i in range(L):
        if i > 0:  # use_batch_norm and i > 0
            u = _batch_norm(u, p['bn_gamma'][i], p['bn_beta'][i])
        # ZincSMPLayer (use_x path)
        um = u @ p['msg_W'][i] + p['msg_b'][i]          # message_nn (XtoX)
        u1 = _grouped_linear(um, p['o2i_W'][i])          # order2_i (EntrywiseX)
        u2 = _grouped_linear(um, p['o2j_W'][i])          # order2_j
        ef = edge_attr @ p['edge_W'][i] + p['edge_b'][i]  # edge_nn
        # message: u_j + order2(relu(u1_i + u2_j + edge_feat))
        msg = um[src] + _grouped_linear(jax.nn.relu(u1[dst] + u2[src] + ef), p['o2_W'][i])
        aggr = jax.ops.segment_sum(msg, dst, num_segments=n)  # aggr='add'
        # update: up1 = lin(cat(u, aggr)); up2 = up1 + lin(up1); return up2 + u
        up1 = jnp.concatenate([um, aggr], axis=-1) @ p['upd1_W'][i] + p['upd1_b'][i]
        up2 = up1 + (up1 @ p['upd2_W'][i] + p['upd2_b'][i])
        new_u = (up2 + um) / avg_edges  # new_u /= average_edges
        u = new_u + u  # residual=True in SMPZinc.forward
        # per-layer GraphExtractor
        ge = _segment_mean(u, batch, NG) @ p['ext_W'][i] + p['ext_b'][i]
        ge = ge + jax.nn.relu(ge @ p['ext_lin_W'][i] + p['ext_lin_b'][i])
        out = out + ge / float(L)
    out = (jax.nn.relu(out @ p['after_W'] + p['after_b']) + out) @ p['final_W'] + p['final_b']
    return out[:, 0]


def reference(x, edge_index, edge_attr, batch, params):
    return _forward(x, edge_attr, params, edge_index, batch)

if __name__ == "__main__":
    import jax
    _d = setup_inputs()
    print(jax.jit(kernel)(*tuple(_d.values())))

</pallas_src>

<mosaic_0001>
#map = affine_map<(d0, d1) -> (0, 0)>
#map1 = affine_map<(d0, d1) -> (0)>
#map2 = affine_map<(d0, d1) -> (0, 0, 0)>
module attributes {stable_mosaic.version = 14 : i64} {
  func.func @body(%arg0: i32, %arg1: i32, %arg2: memref<10240x128xf32, #tpu.memory_space<hbm>>, %arg3: memref<320000x32xf32, #tpu.memory_space<hbm>>, %arg4: memref<320000xi32, #tpu.memory_space<hbm>>, %arg5: memref<320000xi32, #tpu.memory_space<hbm>>, %arg6: memref<2x10240x128xf32, #tpu.memory_space<hbm>>, %arg7: memref<10240x128xf32, #tpu.memory_space<vmem_shared>>, %arg8: memref<80xi32, #tpu.memory_space<vmem>>, %arg9: memref<80xi32, #tpu.memory_space<vmem>>, %arg10: memref<80x128xf32, #tpu.memory_space<vmem>>, %arg11: memref<80x128xf32, #tpu.memory_space<vmem>>, %arg12: memref<80x32xf32, #tpu.memory_space<vmem>>, %arg13: memref<80x128xf32, #tpu.memory_space<vmem>>, %arg14: memref<!tpu.dma_semaphore, #tpu.memory_space<semaphore_mem>>, %arg15: memref<!tpu.dma_semaphore, #tpu.memory_space<semaphore_mem>>, %arg16: memref<!tpu.dma_semaphore, #tpu.memory_space<semaphore_mem>>) attributes {dimension_semantics = [#tpu.dimension_semantics<core_parallel>, #tpu.dimension_semantics<subcore_parallel>], iteration_bounds = array<i64: 2, 16>, scalar_prefetch = 0 : i64, scratch_operands = 10 : i64, tpu.core_type = #tpu.core_type<sc_vector_subcore>, window_params = [{transform_indices = #map}, {transform_indices = #map}, {transform_indices = #map1}, {transform_indices = #map1}, {transform_indices = #map2}]} {
    %mul3A = arith.constant 2 : i32
    %mul3A_0 = arith.muli %arg1, %mul3A : i32
    %add3A = arith.addi %mul3A_0, %arg0 : i32
    %broadcast_in_dim3A = arith.constant 0.000000e+00 : f32
    %broadcast_in_dim3A_1 = vector.broadcast %broadcast_in_dim3A : f32 to vector<16xf32>
    %mul3A_2 = arith.constant 640 : i32
    %mul3A_3 = arith.muli %arg1, %mul3A_2 : i32
    %scan3A = arith.constant 0 : i32
    %scan3A_4 = arith.constant 0 : i32
    %scan3A_5 = arith.constant 80 : i32
    %scan3A_6 = arith.addi %scan3A_4, %scan3A_5 : i32
    %scan3A_7 = arith.constant 4 : i32
    scf.for %scan3A_24 = %scan3A_4 to %scan3A_6 step %scan3A_7  : i32 {
      %swap3A = arith.index_cast %scan3A_24 : i32 to index
      %swap3A_25 = arith.constant 0 : index
      %swap3A_26 = tpu.vector_load %arg13[%swap3A, %swap3A_25] {strides = array<i32>} : memref<80x128xf32, #tpu.memory_space<vmem>>, vector<1x16xf32>,
      %swap3A_27 = vector.shape_cast %swap3A_26 : vector<1x16xf32> to vector<16xf32>
      %swap3A_28 = vector.shape_cast %broadcast_in_dim3A_1 : vector<16xf32> to vector<1x16xf32>
      tpu.vector_store %arg13[%swap3A, %swap3A_25], %swap3A_28 {strides = array<i32>} : memref<80x128xf32, #tpu.memory_space<vmem>>, vector<1x16xf32>,
      %swap3A_29 = arith.index_cast %scan3A_24 : i32 to index
      %swap3A_30 = arith.constant 16 : index
      %swap3A_31 = tpu.vector_load %arg13[%swap3A_29, %swap3A_30] {strides = array<i32>} : memref<80x128xf32, #tpu.memory_space<vmem>>, vector<1x16xf32>,
      %swap3A_32 = vector.shape_cast %swap3A_31 : vector<1x16xf32> to vector<16xf32>
      %swap3A_33 = vector.shape_cast %broadcast_in_dim3A_1 : vector<16xf32> to vector<1x16xf32>
      tpu.vector_store %arg13[%swap3A_29, %swap3A_30], %swap3A_33 {strides = array<i32>} : memref<80x128xf32, #tpu.memory_space<vmem>>, vector<1x16xf32>,
      %swap3A_34 = arith.index_cast %scan3A_24 : i32 to index
      %swap3A_35 = arith.constant 32 : index
      %swap3A_36 = tpu.vector_load %arg13[%swap3A_34, %swap3A_35] {strides = array<i32>} : memref<80x128xf32, #tpu.memory_space<vmem>>, vector<1x16xf32>,
      %swap3A_37 = vector.shape_cast %swap3A_36 : vector<1x16xf32> to vector<16xf32>
      %swap3A_38 = vector.shape_cast %broadcast_in_dim3A_1 : vector<16xf32> to vector<1x16xf32>
      tpu.vector_store %arg13[%swap3A_34, %swap3A_35], %swap3A_38 {strides = array<i32>} : memref<80x128xf32, #tpu.memory_space<vmem>>, vector<1x16xf32>,
      %swap3A_39 = arith.index_cast %scan3A_24 : i32 to index
      %swap3A_40 = arith.constant 48 : index
      %swap3A_41 = tpu.vector_load %arg13[%swap3A_39, %swap3A_40] {strides = array<i32>} : memref<80x128xf32, #tpu.memory_space<vmem>>, vector<1x16xf32>,
      %swap3A_42 = vector.shape_cast %swap3A_41 : vector<1x16xf32> to vector<16xf32>
      %swap3A_43 = vector.shape_cast %broadcast_in_dim3A_1 : vector<16xf32> to vector<1x16xf32>
      tpu.vector_store %arg13[%swap3A_39, %swap3A_40], %swap3A_43 {strides = array<i32>} : memref<80x128xf32, #tpu.memory_space<vmem>>, vector<1x16xf32>,
      %swap3A_44 = arith.index_cast %scan3A_24 : i32 to index
      %swap3A_45 = arith.constant 64 : index
      %swap3A_46 = tpu.vector_load %arg13[%swap3A_44, %swap3A_45] {strides = array<i32>} : memref<80x128xf32, #tpu.memory_space<vmem>>, vector<1x16xf32>,
      %swap3A_47 = vector.shape_cast %swap3A_46 : vector<1x16xf32> to vector<16xf32>
      %swap3A_48 = vector.shape_cast %broadcast_in_dim3A_1 : vector<16xf32> to vector<1x16xf32>
      tpu.vector_store %arg13[%swap3A_44, %swap3A_45], %swap3A_48 {strides = array<i32>} : memref<80x128xf32, #tpu.memory_space<vmem>>, vector<1x16xf32>,
      %swap3A_49 = arith.index_cast %scan3A_24 : i32 to index
      %swap3A_50 = arith.constant 80 : index
      %swap3A_51 = tpu.vector_load %arg13[%swap3A_49, %swap3A_50] {strides = array<i32>} : memref<80x128xf32, #tpu.memory_space<vmem>>, vector<1x16xf32>,
      %swap3A_52 = vector.shape_cast %swap3A_51 : vector<1x16xf32> to vector<16xf32>
      %swap3A_53 = vector.shape_cast %broadcast_in_dim3A_1 : vector<16xf32> to vector<1x16xf32>
      tpu.vector_store %arg13[%swap3A_49, %swap3A_50], %swap3A_53 {strides = array<i32>} : memref<80x128xf32, #tpu.memory_space<vmem>>, vector<1x16xf32>,
      %swap3A_54 = arith.index_cast %scan3A_24 : i32 to index
      %swap3A_55 = arith.constant 96 : index
      %swap3A_56 = tpu.vector_load %arg13[%swap3A_54, %swap3A_55] {strides = array<i32>} : memref<80x128xf32, #tpu.memory_space<vmem>>, vector<1x16xf32>,
      %swap3A_57 = vector.shape_cast %swap3A_56 : vector<1x16xf32> to vector<16xf32>
      %swap3A_58 = vector.shape_cast %broadcast_in_dim3A_1 : vector<16xf32> to vector<1x16xf32>
      tpu.vector_store %arg13[%swap3A_54, %swap3A_55], %swap3A_58 {strides = array<i32>} : memref<80x128xf32, #tpu.memory_space<vmem>>, vector<1x16xf32>,
      %swap3A_59 = arith.index_cast %scan3A_24 : i32 to index
      %swap3A_60 = arith.constant 112 : index
      %swap3A_61 = tpu.vector_load %arg13[%swap3A_59, %swap3A_60] {strides = array<i32>} : memref<80x128xf32, #tpu.memory_space<vmem>>, vector<1x16xf32>,
      %swap3A_62 = vector.shape_cast %swap3A_61 : vector<1x16xf32> to vector<16xf32>
      %swap3A_63 = vector.shape_cast %broadcast_in_dim3A_1 : vector<16xf32> to vector<1x16xf32>
      tpu.vector_store %arg13[%swap3A_59, %swap3A_60], %swap3A_63 {strides = array<i32>} : memref<80x128xf32, #tpu.memory_space<vmem>>, vector<1x16xf32>,
      %scan3A_64 = arith.constant 1 : i32
      %scan3A_65 = arith.addi %scan3A_24, %scan3A_64 : i32
      %swap3A_66 = arith.index_cast %scan3A_65 : i32 to index
      %swap3A_67 = arith.constant 0 : index
      %swap3A_68 = tpu.vector_load %arg13[%swap3A_66, %swap3A_67] {strides = array<i32>} : memref<80x128xf32, #tpu.memory_space<vmem>>, vector<1x16xf32>,
      %swap3A_69 = vector.shape_cast %swap3A_68 : vector<1x16xf32> to vector<16xf32>
      %swap3A_70 = vector.shape_cast %broadcast_in_dim3A_1 : vector<16xf32> to vector<1x16xf32>
      tpu.vector_store %arg13[%swap3A_66, %swap3A_67], %swap3A_70 {strides = array<i32>} : memref<80x128xf32, #tpu.memory_space<vmem>>, vector<1x16xf32>,
      %swap3A_71 = arith.index_cast %scan3A_65 : i32 to index
      %swap3A_72 = arith.constant 16 : index
      %swap3A_73 = tpu.vector_load %arg13[%swap3A_71, %swap3A_72] {strides = array<i32>} : memref<80x128xf32, #tpu.memory_space<vmem>>, vector<1x16xf32>,
      %swap3A_74 = vector.shape_cast %swap3A_73 : vector<1x16xf32> to vector<16xf32>
      %swap3A_75 = vector.shape_cast %broadcast_in_dim3A_1 : vector<16xf32> to vector<1x16xf32>
      tpu.vector_store %arg13[%swap3A_71, %swap3A_72], %swap3A_75 {strides = array<i32>} : memref<80x128xf32, #tpu.memory_space<vmem>>, vector<1x16xf32>,
      %swap3A_76 = arith.index_cast %scan3A_65 : i32 to index
      %swap3A_77 = arith.constant 32 : index
      %swap3A_78 = tpu.vector_load %arg13[%swap3A_76, %swap3A_77] {strides = array<i32>} : memref<80x128xf32, #tpu.memory_space<vmem>>, vector<1x16xf32>,
      %swap3A_79 = vector.shape_cast %swap3A_78 : vector<1x16xf32> to vector<16xf32>
      %swap3A_80 = vector.shape_cast %broadcast_in_dim3A_1 : vector<16xf32> to vector<1x16xf32>
      tpu.vector_store %arg13[%swap3A_76, %swap3A_77], %swap3A_80 {strides = array<i32>} : memref<80x128xf32, #tpu.memory_space<vmem>>, vector<1x16xf32>,
      %swap3A_81 = arith.index_cast %scan3A_65 : i32 to index
      %swap3A_82 = arith.constant 48 : index
      %swap3A_83 = tpu.vector_load %arg13[%swap3A_81, %swap3A_82] {strides = array<i32>} : memref<80x128xf32, #tpu.memory_space<vmem>>, vector<1x16xf32>,
      %swap3A_84 = vector.shape_cast %swap3A_83 : vector<1x16xf32> to vector<16xf32>
      %swap3A_85 = vector.shape_cast %broadcast_in_dim3A_1 : vector<16xf32> to vector<1x16xf32>
      tpu.vector_store %arg13[%swap3A_81, %swap3A_82], %swap3A_85 {strides = array<i32>} : memref<80x128xf32, #tpu.memory_space<vmem>>, vector<1x16xf32>,
      %swap3A_86 = arith.index_cast %scan3A_65 : i32 to index
      %swap3A_87 = arith.constant 64 : index
      %swap3A_88 = tpu.vector_load %arg13[%swap3A_86, %swap3A_87] {strides = array<i32>} : memref<80x128xf32, #tpu.memory_space<vmem>>, vector<1x16xf32>,
      %swap3A_89 = vector.shape_cast %swap3A_88 : vector<1x16xf32> to vector<16xf32>
      %swap3A_90 = vector.shape_cast %broadcast_in_dim3A_1 : vector<16xf32> to vector<1x16xf32>
      tpu.vector_store %arg13[%swap3A_86, %swap3A_87], %swap3A_90 {strides = array<i32>} : memref<80x128xf32, #tpu.memory_space<vmem>>, vector<1x16xf32>,
      %swap3A_91 = arith.index_cast %scan3A_65 : i32 to index
      %swap3A_92 = arith.constant 80 : index
      %swap3A_93 = tpu.vector_load %arg13[%swap3A_91, %swap3A_92] {strides = array<i32>} : memref<80x128xf32, #tpu.memory_space<vmem>>, vector<1x16xf32>,
      %swap3A_94 = vector.shape_cast %swap3A_93 : vector<1x16xf32> to vector<16xf32>
      %swap3A_95 = vector.shape_cast %broadcast_in_dim3A_1 : vector<16xf32> to vector<1x16xf32>
      tpu.vector_store %arg13[%swap3A_91, %swap3A_92], %swap3A_95 {strides = array<i32>} : memref<80x128xf32, #tpu.memory_space<vmem>>, vector<1x16xf32>,
      %swap3A_96 = arith.index_cast %scan3A_65 : i32 to index
      %swap3A_97 = arith.constant 96 : index
      %swap3A_98 = tpu.vector_load %arg13[%swap3A_96, %swap3A_97] {strides = array<i32>} : memref<80x128xf32, #tpu.memory_space<vmem>>, vector<1x16xf32>,
      %swap3A_99 = vector.shape_cast %swap3A_98 : vector<1x16xf32> to vector<16xf32>
      %swap3A_100 = vector.shape_cast %broadcast_in_dim3A_1 : vector<16xf32> to vector<1x16xf32>
      tpu.vector_store %arg13[%swap3A_96, %swap3A_97], %swap3A_100 {strides = array<i32>} : memref<80x128xf32, #tpu.memory_space<vmem>>, vector<1x16xf32>,
      %swap3A_101 = arith.index_cast %scan3A_65 : i32 to index
      %swap3A_102 = arith.constant 112 : index
      %swap3A_103 = tpu.vector_load %arg13[%swap3A_101, %swap3A_102] {strides = array<i32>} : memref<80x128xf32, #tpu.memory_space<vmem>>, vector<1x16xf32>,
      %swap3A_104 = vector.shape_cast %swap3A_103 : vector<1x16xf32> to vector<16xf32>
      %swap3A_105 = vector.shape_cast %broadcast_in_dim3A_1 : vector<16xf32> to vector<1x16xf32>
      tpu.vector_store %arg13[%swap3A_101, %swap3A_102], %swap3A_105 {strides = array<i32>} : memref<80x128xf32, #tpu.memory_space<vmem>>, vector<1x16xf32>,
      %scan3A_106 = arith.constant 2 : i32
      %scan3A_107 = arith.addi %scan3A_24, %scan3A_106 : i32
      %swap3A_108 = arith.index_cast %scan3A_107 : i32 to index
      %swap3A_109 = arith.constant 0 : index
      %swap3A_110 = tpu.vector_load %arg13[%swap3A_108, %swap3A_109] {strides = array<i32>} : memref<80x128xf32, #tpu.memory_space<vmem>>, vector<1x16xf32>,
      %swap3A_111 = vector.shape_cast %swap3A_110 : vector<1x16xf32> to vector<16xf32>
      %swap3A_112 = vector.shape_cast %broadcast_in_dim3A_1 : vector<16xf32> to vector<1x16xf32>
      tpu.vector_store %arg13[%swap3A_108, %swap3A_109], %swap3A_112 {strides = array<i32>} : memref<80x128xf32, #tpu.memory_space<vmem>>, vector<1x16xf32>,
      %swap3A_113 = arith.index_cast %scan3A_107 : i32 to index
      %swap3A_114 = arith.constant 16 : index
      %swap3A_115 = tpu.vector_load %arg13[%swap3A_113, %swap3A_114] {strides = array<i32>} : memref<80x128xf32, #tpu.memory_space<vmem>>, vector<1x16xf32>,
      %swap3A_116 = vector.shape_cast %swap3A_115 : vector<1x16xf32> to vector<16xf32>
      %swap3A_117 = vector.shape_cast %broadcast_in_dim3A_1 : vector<16xf32> to vector<1x16xf32>
      tpu.vector_store %arg13[%swap3A_113, %swap3A_114], %swap3A_117 {strides = array<i32>} : memref<80x128xf32, #tpu.memory_space<vmem>>, vector<1x16xf32>,
      %swap3A_118 = arith.index_cast %scan3A_107 : i32 to index
      %swap3A_119 = arith.constant 32 : index
      %swap3A_120 = tpu.vector_load %arg13[%swap3A_118, %swap3A_119] {strides = array<i32>} : memref<80x128xf32, #tpu.memory_space<vmem>>, vector<1x16xf32>,
      %swap3A_121 = vector.shape_cast %swap3A_120 : vector<1x16xf32> to vector<16xf32>
      %swap3A_122 = vector.shape_cast %broadcast_in_dim3A_1 : vector<16xf32> to vector<1x16xf32>
      tpu.vector_store %arg13[%swap3A_118, %swap3A_119], %swap3A_122 {strides = array<i32>} : memref<80x128xf32, #tpu.memory_space<vmem>>, vector<1x16xf32>,
      %swap3A_123 = arith.index_cast %scan3A_107 : i32 to index
      %swap3A_124 = arith.constant 48 : index
      %swap3A_125 = tpu.vector_load %arg13[%swap3A_123, %swap3A_124] {strides = array<i32>} : memref<80x128xf32, #tpu.memory_space<vmem>>, vector<1x16xf32>,
      %swap3A_126 = vector.shape_cast %swap3A_125 : vector<1x16xf32> to vector<16xf32>
      %swap3A_127 = vector.shape_cast %broadcast_in_dim3A_1 : vector<16xf32> to vector<1x16xf32>
      tpu.vector_store %arg13[%swap3A_123, %swap3A_124], %swap3A_127 {strides = array<i32>} : memref<80x128xf32, #tpu.memory_space<vmem>>, vector<1x16xf32>,
      %swap3A_128 = arith.index_cast %scan3A_107 : i32 to index
      %swap3A_129 = arith.constant 64 : index
      %swap3A_130 = tpu.vector_load %arg13[%swap3A_128, %swap3A_129] {strides = array<i32>} : memref<80x128xf32, #tpu.memory_space<vmem>>, vector<1x16xf32>,
      %swap3A_131 = vector.shape_cast %swap3A_130 : vector<1x16xf32> to vector<16xf32>
      %swap3A_132 = vector.shape_cast %broadcast_in_dim3A_1 : vector<16xf32> to vector<1x16xf32>
      tpu.vector_store %arg13[%swap3A_128, %swap3A_129], %swap3A_132 {strides = array<i32>} : memref<80x128xf32, #tpu.memory_space<vmem>>, vector<1x16xf32>,
      %swap3A_133 = arith.index_cast %scan3A_107 : i32 to index
      %swap3A_134 = arith.constant 80 : index
      %swap3A_135 = tpu.vector_load %arg13[%swap3A_133, %swap3A_134] {strides = array<i32>} : memref<80x128xf32, #tpu.memory_space<vmem>>, vector<1x16xf32>,
      %swap3A_136 = vector.shape_cast %swap3A_135 : vector<1x16xf32> to vector<16xf32>
      %swap3A_137 = vector.shape_cast %broadcast_in_dim3A_1 : vector<16xf32> to vector<1x16xf32>
      tpu.vector_store %arg13[%swap3A_133, %swap3A_134], %swap3A_137 {strides = array<i32>} : memref<80x128xf32, #tpu.memory_space<vmem>>, vector<1x16xf32>,
      %swap3A_138 = arith.index_cast %scan3A_107 : i32 to index
      %swap3A_139 = arith.constant 96 : index
      %swap3A_140 = tpu.vector_load %arg13[%swap3A_138, %swap3A_139] {strides = array<i32>} : memref<80x128xf32, #tpu.memory_space<vmem>>, vector<1x16xf32>,
      %swap3A_141 = vector.shape_cast %swap3A_140 : vector<1x16xf32> to vector<16xf32>
      %swap3A_142 = vector.shape_cast %broadcast_in_dim3A_1 : vector<16xf32> to vector<1x16xf32>
      tpu.vector_store %arg13[%swap3A_138, %swap3A_139], %swap3A_142 {strides = array<i32>} : memref<80x128xf32, #tpu.memory_space<vmem>>, vector<1x16xf32>,
      %swap3A_143 = arith.index_cast %scan3A_107 : i32 to index
      %swap3A_144 = arith.constant 112 : index
      %swap3A_145 = tpu.vector_load %arg13[%swap3A_143, %swap3A_144] {strides = array<i32>} : memref<80x128xf32, #tpu.memory_space<vmem>>, vector<1x16xf32>,
      %swap3A_146 = vector.shape_cast %swap3A_145 : vector<1x16xf32> to vector<16xf32>
      %swap3A_147 = vector.shape_cast %broadcast_in_dim3A_1 : vector<16xf32> to vector<1x16xf32>
      tpu.vector_store %arg13[%swap3A_143, %swap3A_144], %swap3A_147 {strides = array<i32>} : memref<80x128xf32, #tpu.memory_space<vmem>>, vector<1x16xf32>,
      %scan3A_148 = arith.constant 3 : i32
      %scan3A_149 = arith.addi %scan3A_24, %scan3A_148 : i32
      %swap3A_150 = arith.index_cast %scan3A_149 : i32 to index
      %swap3A_151 = arith.constant 0 : index
      %swap3A_152 = tpu.vector_load %arg13[%swap3A_150, %swap3A_151] {strides = array<i32>} : memref<80x128xf32, #tpu.memory_space<vmem>>, vector<1x16xf32>,
      %swap3A_153 = vector.shape_cast %swap3A_152 : vector<1x16xf32> to vector<16xf32>
      %swap3A_154 = vector.shape_cast %broadcast_in_dim3A_1 : vector<16xf32> to vector<1x16xf32>
      tpu.vector_store %arg13[%swap3A_150, %swap3A_151], %swap3A_154 {strides = array<i32>} : memref<80x128xf32, #tpu.memory_space<vmem>>, vector<1x16xf32>,
      %swap3A_155 = arith.index_cast %scan3A_149 : i32 to index
      %swap3A_156 = arith.constant 16 : index
      %swap3A_157 = tpu.vector_load %arg13[%swap3A_155, %swap3A_156] {strides = array<i32>} : memref<80x128xf32, #tpu.memory_space<vmem>>, vector<1x16xf32>,
      %swap3A_158 = vector.shape_cast %swap3A_157 : vector<1x16xf32> to vector<16xf32>
      %swap3A_159 = vector.shape_cast %broadcast_in_dim3A_1 : vector<16xf32> to vector<1x16xf32>
      tpu.vector_store %arg13[%swap3A_155, %swap3A_156], %swap3A_159 {strides = array<i32>} : memref<80x128xf32, #tpu.memory_space<vmem>>, vector<1x16xf32>,
      %swap3A_160 = arith.index_cast %scan3A_149 : i32 to index
      %swap3A_161 = arith.constant 32 : index
      %swap3A_162 = tpu.vector_load %arg13[%swap3A_160, %swap3A_161] {strides = array<i32>} : memref<80x128xf32, #tpu.memory_space<vmem>>, vector<1x16xf32>,
      %swap3A_163 = vector.shape_cast %swap3A_162 : vector<1x16xf32> to vector<16xf32>
      %swap3A_164 = vector.shape_cast %broadcast_in_dim3A_1 : vector<16xf32> to vector<1x16xf32>
      tpu.vector_store %arg13[%swap3A_160, %swap3A_161], %swap3A_164 {strides = array<i32>} : memref<80x128xf32, #tpu.memory_space<vmem>>, vector<1x16xf32>,
      %swap3A_165 = arith.index_cast %scan3A_149 : i32 to index
      %swap3A_166 = arith.constant 48 : index
      %swap3A_167 = tpu.vector_load %arg13[%swap3A_165, %swap3A_166] {strides = array<i32>} : memref<80x128xf32, #tpu.memory_space<vmem>>, vector<1x16xf32>,
      %swap3A_168 = vector.shape_cast %swap3A_167 : vector<1x16xf32> to vector<16xf32>
      %swap3A_169 = vector.shape_cast %broadcast_in_dim3A_1 : vector<16xf32> to vector<1x16xf32>
      tpu.vector_store %arg13[%swap3A_165, %swap3A_166], %swap3A_169 {strides = array<i32>} : memref<80x128xf32, #tpu.memory_space<vmem>>, vector<1x16xf32>,
      %swap3A_170 = arith.index_cast %scan3A_149 : i32 to index
      %swap3A_171 = arith.constant 64 : index
      %swap3A_172 = tpu.vector_load %arg13[%swap3A_170, %swap3A_171] {strides = array<i32>} : memref<80x128xf32, #tpu.memory_space<vmem>>, vector<1x16xf32>,
      %swap3A_173 = vector.shape_cast %swap3A_172 : vector<1x16xf32> to vector<16xf32>
      %swap3A_174 = vector.shape_cast %broadcast_in_dim3A_1 : vector<16xf32> to vector<1x16xf32>
      tpu.vector_store %arg13[%swap3A_170, %swap3A_171], %swap3A_174 {strides = array<i32>} : memref<80x128xf32, #tpu.memory_space<vmem>>, vector<1x16xf32>,
      %swap3A_175 = arith.index_cast %scan3A_149 : i32 to index
      %swap3A_176 = arith.constant 80 : index
      %swap3A_177 = tpu.vector_load %arg13[%swap3A_175, %swap3A_176] {strides = array<i32>} : memref<80x128xf32, #tpu.memory_space<vmem>>, vector<1x16xf32>,
      %swap3A_178 = vector.shape_cast %swap3A_177 : vector<1x16xf32> to vector<16xf32>
      %swap3A_179 = vector.shape_cast %broadcast_in_dim3A_1 : vector<16xf32> to vector<1x16xf32>
      tpu.vector_store %arg13[%swap3A_175, %swap3A_176], %swap3A_179 {strides = array<i32>} : memref<80x128xf32, #tpu.memory_space<vmem>>, vector<1x16xf32>,
      %swap3A_180 = arith.index_cast %scan3A_149 : i32 to index
      %swap3A_181 = arith.constant 96 : index
      %swap3A_182 = tpu.vector_load %arg13[%swap3A_180, %swap3A_181] {strides = array<i32>} : memref<80x128xf32, #tpu.memory_space<vmem>>, vector<1x16xf32>,
      %swap3A_183 = vector.shape_cast %swap3A_182 : vector<1x16xf32> to vector<16xf32>
      %swap3A_184 = vector.shape_cast %broadcast_in_dim3A_1 : vector<16xf32> to vector<1x16xf32>
      tpu.vector_store %arg13[%swap3A_180, %swap3A_181], %swap3A_184 {strides = array<i32>} : memref<80x128xf32, #tpu.memory_space<vmem>>, vector<1x16xf32>,
      %swap3A_185 = arith.index_cast %scan3A_149 : i32 to index
      %swap3A_186 = arith.constant 112 : index
      %swap3A_187 = tpu.vector_load %arg13[%swap3A_185, %swap3A_186] {strides = array<i32>} : memref<80x128xf32, #tpu.memory_space<vmem>>, vector<1x16xf32>,
      %swap3A_188 = vector.shape_cast %swap3A_187 : vector<1x16xf32> to vector<16xf32>
      %swap3A_189 = vector.shape_cast %broadcast_in_dim3A_1 : vector<16xf32> to vector<1x16xf32>
      tpu.vector_store %arg13[%swap3A_185, %swap3A_186], %swap3A_189 {strides = array<i32>} : memref<80x128xf32, #tpu.memory_space<vmem>>, vector<1x16xf32>,
    }
    %scan3A_8 = arith.constant 80 : i32
    %scan3A_9 = arith.constant 0 : i32
    %scan3A_10 = arith.constant 0 : i32
    %scan3A_11 = arith.constant 8 : i32
    %scan3A_12 = arith.addi %scan3A_10, %scan3A_11 : i32
    %scan3A_13 = arith.constant 1 : i32
    scf.for %scan3A_24 = %scan3A_10 to %scan3A_12 step %scan3A_13  : i32 {
      %mul3A_25 = arith.constant 80 : i32
      %mul3A_26 = arith.muli %scan3A_24, %mul3A_25 : i32
      %add3A_27 = arith.addi %mul3A_3, %mul3A_26 : i32
      %multiple_of3A = tpu.assume_multiple %add3A_27, 8 : i32
      "tpu.region"() ({
        %run_scoped3A = tpu.sem_alloc : memref<!tpu.dma_semaphore, #tpu.memory_space<semaphore_mem>>
        %dma_start3A = arith.constant 0 : i32
        %dma_start3A_28 = tpu.memref_slice %arg7[%multiple_of3A, %dma_start3A] : memref<10240x128xf32, #tpu.memory_space<vmem_shared>> -> memref<80x128xf32, #tpu.memory_space<vmem_shared>>
        %dma_start3A_29 = arith.constant 0 : i32
        %dma_start3A_30 = tpu.memref_slice %arg7[%multiple_of3A, %dma_start3A_29] : memref<10240x128xf32, #tpu.memory_space<vmem_shared>> -> memref<80x128xf32, #tpu.memory_space<vmem_shared>>
        tpu.enqueue_dma source(%arg13 : memref<80x128xf32, #tpu.memory_space<vmem>>) target(%dma_start3A_30 : memref<80x128xf32, #tpu.memory_space<vmem_shared>>) target_semaphore(%run_scoped3A : memref<!tpu.dma_semaphore, #tpu.memory_space<semaphore_mem>>)
        %dma_wait3A = arith.constant 0 : i32
        %dma_wait3A_31 = tpu.memref_slice %arg7[%multiple_of3A, %dma_wait3A] : memref<10240x128xf32, #tpu.memory_space<vmem_shared>> -> memref<80x128xf32, #tpu.memory_space<vmem_shared>>
        %dma_wait3A_32 = arith.constant 0 : i32
        %dma_wait3A_33 = tpu.memref_slice %arg7[%multiple_of3A, %dma_wait3A_32] : memref<10240x128xf32, #tpu.memory_space<vmem_shared>> -> memref<80x128xf32, #tpu.memory_space<vmem_shared>>
        tpu.wait_dma2 semaphore(%run_scoped3A : memref<!tpu.dma_semaphore, #tpu.memory_space<semaphore_mem>>) src(%arg13 : memref<80x128xf32, #tpu.memory_space<vmem>>) dst(%dma_wait3A_33 : memref<80x128xf32, #tpu.memory_space<vmem_shared>>)
        tpu.yield
      }) : () -> ()
    }
    %scan3A_14 = arith.constant 8 : i32
    %barrier3A = arith.constant 0 : index
    tpu.barrier barrier_id(%barrier3A)
    %mul3A_15 = arith.constant 10000 : i32
    %mul3A_16 = arith.muli %add3A, %mul3A_15 : i32
    %scan3A_17 = arith.constant 0 : i32
    %scan3A_18 = arith.constant 0 : i32
    %scan3A_19 = arith.constant 125 : i32
    %scan3A_20 = arith.addi %scan3A_18, %scan3A_19 : i32
    %scan3A_21 = arith.constant 1 : i32
    scf.for %scan3A_24 = %scan3A_18 to %scan3A_20 step %scan3A_21  : i32 {
      %mul3A_25 = arith.constant 80 : i32
      %mul3A_26 = arith.muli %scan3A_24, %mul3A_25 : i32
      %add3A_27 = arith.addi %mul3A_16, %mul3A_26 : i32
      %multiple_of3A = tpu.assume_multiple %add3A_27, 8 : i32
      "tpu.region"() ({
        %run_scoped3A = tpu.sem_alloc : memref<!tpu.dma_semaphore, #tpu.memory_space<semaphore_mem>>
        %dma_start3A_52 = tpu.memref_slice %arg4[%multiple_of3A] : memref<320000xi32, #tpu.memory_space<hbm>> -> memref<80xi32, #tpu.memory_space<hbm>>
        %dma_start3A_53 = tpu.memref_slice %arg4[%multiple_of3A] : memref<320000xi32, #tpu.memory_space<hbm>> -> memref<80xi32, #tpu.memory_space<hbm>>
        tpu.enqueue_dma source(%dma_start3A_53 : memref<80xi32, #tpu.memory_space<hbm>>) target(%arg8 : memref<80xi32, #tpu.memory_space<vmem>>) target_semaphore(%run_scoped3A : memref<!tpu.dma_semaphore, #tpu.memory_space<semaphore_mem>>)
        %dma_wait3A_54 = tpu.memref_slice %arg4[%multiple_of3A] : memref<320000xi32, #tpu.memory_space<hbm>> -> memref<80xi32, #tpu.memory_space<hbm>>
        %dma_wait3A_55 = tpu.memref_slice %arg4[%multiple_of3A] : memref<320000xi32, #tpu.memory_space<hbm>> -> memref<80xi32, #tpu.memory_space<hbm>>
        tpu.wait_dma2 semaphore(%run_scoped3A : memref<!tpu.dma_semaphore, #tpu.memory_space<semaphore_mem>>) src(%dma_wait3A_55 : memref<80xi32, #tpu.memory_space<hbm>>) dst(%arg8 : memref<80xi32, #tpu.memory_space<vmem>>)
        tpu.yield
      }) : () -> ()
      "tpu.region"() ({
        %run_scoped3A = tpu.sem_alloc : memref<!tpu.dma_semaphore, #tpu.memory_space<semaphore_mem>>
        %dma_start3A_52 = tpu.memref_slice %arg5[%multiple_of3A] : memref<320000xi32, #tpu.memory_space<hbm>> -> memref<80xi32, #tpu.memory_space<hbm>>
        %dma_start3A_53 = tpu.memref_slice %arg5[%multiple_of3A] : memref<320000xi32, #tpu.memory_space<hbm>> -> memref<80xi32, #tpu.memory_space<hbm>>
        tpu.enqueue_dma source(%dma_start3A_53 : memref<80xi32, #tpu.memory_space<hbm>>) target(%arg9 : memref<80xi32, #tpu.memory_space<vmem>>) target_semaphore(%run_scoped3A : memref<!tpu.dma_semaphore, #tpu.memory_space<semaphore_mem>>)
        %dma_wait3A_54 = tpu.memref_slice %arg5[%multiple_of3A] : memref<320000xi32, #tpu.memory_space<hbm>> -> memref<80xi32, #tpu.memory_space<hbm>>
        %dma_wait3A_55 = tpu.memref_slice %arg5[%multiple_of3A] : memref<320000xi32, #tpu.memory_space<hbm>> -> memref<80xi32, #tpu.memory_space<hbm>>
        tpu.wait_dma2 semaphore(%run_scoped3A : memref<!tpu.dma_semaphore, #tpu.memory_space<semaphore_mem>>) src(%dma_wait3A_55 : memref<80xi32, #tpu.memory_space<hbm>>) dst(%arg9 : memref<80xi32, #tpu.memory_space<vmem>>)
        tpu.yield
      }) : () -> ()
      %dma_start3A = arith.constant 0 : i32
      %dma_start3A_28 = arith.constant 0 : i32
      %dma_start3A_29 = tpu.memref_slice %arg2[%dma_start3A, %dma_start3A_28] : memref<10240x128xf32, #tpu.memory_space<hbm>> -> memref<10240x128xf32, #tpu.memory_space<hbm>>
      tpu.enqueue_indirect_dma source(%dma_start3A_29 : memref<10240x128xf32, #tpu.memory_space<hbm>>) target(%arg10 : memref<80x128xf32, #tpu.memory_space<vmem>>) offsets(%arg8 : memref<80xi32, #tpu.memory_space<vmem>>) semaphore(%arg14 : memref<!tpu.dma_semaphore, #tpu.memory_space<semaphore_mem>>)
      %dma_start3A_30 = arith.constant 0 : i32
      %dma_start3A_31 = arith.constant 0 : i32
      %dma_start3A_32 = tpu.memref_slice %arg2[%dma_start3A_30, %dma_start3A_31] : memref<10240x128xf32, #tpu.memory_space<hbm>> -> memref<10240x128xf32, #tpu.memory_space<hbm>>
      tpu.enqueue_indirect_dma source(%dma_start3A_32 : memref<10240x128xf32, #tpu.memory_space<hbm>>) target(%arg11 : memref<80x128xf32, #tpu.memory_space<vmem>>) offsets(%arg9 : memref<80xi32, #tpu.memory_space<vmem>>) semaphore(%arg15 : memref<!tpu.dma_semaphore, #tpu.memory_space<semaphore_mem>>)
      %dma_start3A_33 = arith.constant 0 : i32
      %dma_start3A_34 = tpu.memref_slice %arg3[%multiple_of3A, %dma_start3A_33] : memref<320000x32xf32, #tpu.memory_space<hbm>> -> memref<80x32xf32, #tpu.memory_space<hbm>>
      %dma_start3A_35 = arith.constant 0 : i32
      %dma_start3A_36 = tpu.memref_slice %arg3[%multiple_of3A, %dma_start3A_35] : memref<320000x32xf32, #tpu.memory_space<hbm>> -> memref<80x32xf32, #tpu.memory_space<hbm>>
      tpu.enqueue_dma source(%dma_start3A_36 : memref<80x32xf32, #tpu.memory_space<hbm>>) target(%arg12 : memref<80x32xf32, #tpu.memory_space<vmem>>) target_semaphore(%arg16 : memref<!tpu.dma_semaphore, #tpu.memory_space<semaphore_mem>>)
      %dma_wait3A = arith.constant 0 : i32
      %dma_wait3A_37 = arith.constant 0 : i32
      %dma_wait3A_38 = tpu.memref_slice %arg2[%dma_wait3A, %dma_wait3A_37] : memref<10240x128xf32, #tpu.memory_space<hbm>> -> memref<10240x128xf32, #tpu.memory_space<hbm>>
      tpu.wait_indirect_dma semaphore(%arg14 : memref<!tpu.dma_semaphore, #tpu.memory_space<semaphore_mem>>) src(%dma_wait3A_38 : memref<10240x128xf32, #tpu.memory_space<hbm>>) dst(%arg10 : memref<80x128xf32, #tpu.memory_space<vmem>>)
      %dma_wait3A_39 = arith.constant 0 : i32
      %dma_wait3A_40 = arith.constant 0 : i32
      %dma_wait3A_41 = tpu.memref_slice %arg2[%dma_wait3A_39, %dma_wait3A_40] : memref<10240x128xf32, #tpu.memory_space<hbm>> -> memref<10240x128xf32, #tpu.memory_space<hbm>>
      tpu.wait_indirect_dma semaphore(%arg15 : memref<!tpu.dma_semaphore, #tpu.memory_space<semaphore_mem>>) src(%dma_wait3A_41 : memref<10240x128xf32, #tpu.memory_space<hbm>>) dst(%arg11 : memref<80x128xf32, #tpu.memory_space<vmem>>)
      %dma_wait3A_42 = arith.constant 0 : i32
      %dma_wait3A_43 = tpu.memref_slice %arg3[%multiple_of3A, %dma_wait3A_42] : memref<320000x32xf32, #tpu.memory_space<hbm>> -> memref<80x32xf32, #tpu.memory_space<hbm>>
      %dma_wait3A_44 = arith.constant 0 : i32
      %dma_wait3A_45 = tpu.memref_slice %arg3[%multiple_of3A, %dma_wait3A_44] : memref<320000x32xf32, #tpu.memory_space<hbm>> -> memref<80x32xf32, #tpu.memory_space<hbm>>
      tpu.wait_dma2 semaphore(%arg16 : memref<!tpu.dma_semaphore, #tpu.memory_space<semaphore_mem>>) src(%dma_wait3A_45 : memref<80x32xf32, #tpu.memory_space<hbm>>) dst(%arg12 : memref<80x32xf32, #tpu.memory_space<vmem>>)
      %scan3A_46 = arith.constant 0 : i32
      %scan3A_47 = arith.constant 0 : i32
      %scan3A_48 = arith.constant 80 : i32
      %scan3A_49 = arith.addi %scan3A_47, %scan3A_48 : i32
      %scan3A_50 = arith.constant 4 : i32
      scf.for %scan3A_52 = %scan3A_47 to %scan3A_49 step %scan3A_50  : i32 {
        %get3A = arith.index_cast %scan3A_52 : i32 to index
        %get3A_53 = arith.constant 0 : index
        %get3A_54 = tpu.vector_load %arg10[%get3A, %get3A_53] {strides = array<i32>} : memref<80x128xf32, #tpu.memory_space<vmem>>, vector<1x16xf32>,
        %get3A_55 = vector.shape_cast %get3A_54 : vector<1x16xf32> to vector<16xf32>
        %swap3A = arith.index_cast %scan3A_52 : i32 to index
        %swap3A_56 = arith.constant 0 : index
        %swap3A_57 = tpu.vector_load %arg13[%swap3A, %swap3A_56] {strides = array<i32>} : memref<80x128xf32, #tpu.memory_space<vmem>>, vector<1x16xf32>,
        %swap3A_58 = vector.shape_cast %swap3A_57 : vector<1x16xf32> to vector<16xf32>
        %swap3A_59 = vector.shape_cast %get3A_55 : vector<16xf32> to vector<1x16xf32>
        tpu.vector_store %arg13[%swap3A, %swap3A_56], %swap3A_59 {strides = array<i32>} : memref<80x128xf32, #tpu.memory_space<vmem>>, vector<1x16xf32>,
        %get3A_60 = arith.index_cast %scan3A_52 : i32 to index
        %get3A_61 = arith.constant 64 : index
        %get3A_62 = tpu.vector_load %arg11[%get3A_60, %get3A_61] {strides = array<i32>} : memref<80x128xf32, #tpu.memory_space<vmem>>, vector<1x16xf32>,
        %get3A_63 = vector.shape_cast %get3A_62 : vector<1x16xf32> to vector<16xf32>
        %get3A_64 = arith.index_cast %scan3A_52 : i32 to index
        %get3A_65 = arith.constant 32 : index
        %get3A_66 = tpu.vector_load %arg10[%get3A_64, %get3A_65] {strides = array<i32>} : memref<80x128xf32, #tpu.memory_space<vmem>>, vector<1x16xf32>,
        %get3A_67 = vector.shape_cast %get3A_66 : vector<1x16xf32> to vector<16xf32>
        %get3A_68 = arith.index_cast %scan3A_52 : i32 to index
        %get3A_69 = arith.constant 0 : index
        %get3A_70 = tpu.vector_load %arg12[%get3A_68, %get3A_69] {strides = array<i32>} : memref<80x32xf32, #tpu.memory_space<vmem>>, vector<1x16xf32>,
        %get3A_71 = vector.shape_cast %get3A_70 : vector<1x16xf32> to vector<16xf32>
        %add3A_72 = arith.addf %get3A_63, %get3A_67 : vector<16xf32>
        %add3A_73 = arith.addf %add3A_72, %get3A_71 : vector<16xf32>
        %max3A = arith.constant 0.000000e+00 : f32
        %max3A_74 = vector.broadcast %max3A : f32 to vector<16xf32>
        %max3A_75 = arith.maximumf %add3A_73, %max3A_74 : vector<16xf32>
        %swap3A_76 = arith.index_cast %scan3A_52 : i32 to index
        %swap3A_77 = arith.constant 32 : index
        %swap3A_78 = tpu.vector_load %arg13[%swap3A_76, %swap3A_77] {strides = array<i32>} : memref<80x128xf32, #tpu.memory_space<vmem>>, vector<1x16xf32>,
        %swap3A_79 = vector.shape_cast %swap3A_78 : vector<1x16xf32> to vector<16xf32>
        %swap3A_80 = vector.shape_cast %max3A_75 : vector<16xf32> to vector<1x16xf32>
        tpu.vector_store %arg13[%swap3A_76, %swap3A_77], %swap3A_80 {strides = array<i32>} : memref<80x128xf32, #tpu.memory_space<vmem>>, vector<1x16xf32>,
        %get3A_81 = arith.index_cast %scan3A_52 : i32 to index
        %get3A_82 = arith.constant 16 : index
        %get3A_83 = tpu.vector_load %arg10[%get3A_81, %get3A_82] {strides = array<i32>} : memref<80x128xf32, #tpu.memory_space<vmem>>, vector<1x16xf32>,
        %get3A_84 = vector.shape_cast %get3A_83 : vector<1x16xf32> to vector<16xf32>
        %swap3A_85 = arith.index_cast %scan3A_52 : i32 to index
        %swap3A_86 = arith.constant 16 : index
        %swap3A_87 = tpu.vector_load %arg13[%swap3A_85, %swap3A_86] {strides = array<i32>} : memref<80x128xf32, #tpu.memory_space<vmem>>, vector<1x16xf32>,
        %swap3A_88 = vector.shape_cast %swap3A_87 : vector<1x16xf32> to vector<16xf32>
        %swap3A_89 = vector.shape_cast %get3A_84 : vector<16xf32> to vector<1x16xf32>
        tpu.vector_store %arg13[%swap3A_85, %swap3A_86], %swap3A_89 {strides = array<i32>} : memref<80x128xf32, #tpu.memory_space<vmem>>, vector<1x16xf32>,
        %get3A_90 = arith.index_cast %scan3A_52 : i32 to index
        %get3A_91 = arith.constant 80 : index
        %get3A_92 = tpu.vector_load %arg11[%get3A_90, %get3A_91] {strides = array<i32>} : memref<80x128xf32, #tpu.memory_space<vmem>>, vector<1x16xf32>,
        %get3A_93 = vector.shape_cast %get3A_92 : vector<1x16xf32> to vector<16xf32>
        %get3A_94 = arith.index_cast %scan3A_52 : i32 to index
        %get3A_95 = arith.constant 48 : index
        %get3A_96 = tpu.vector_load %arg10[%get3A_94, %get3A_95] {strides = array<i32>} : memref<80x128xf32, #tpu.memory_space<vmem>>, vector<1x16xf32>,
        %get3A_97 = vector.shape_cast %get3A_96 : vector<1x16xf32> to vector<16xf32>
        %get3A_98 = arith.index_cast %scan3A_52 : i32 to index
        %get3A_99 = arith.constant 16 : index
        %get3A_100 = tpu.vector_load %arg12[%get3A_98, %get3A_99] {strides = array<i32>} : memref<80x32xf32, #tpu.memory_space<vmem>>, vector<1x16xf32>,
        %get3A_101 = vector.shape_cast %get3A_100 : vector<1x16xf32> to vector<16xf32>
        %add3A_102 = arith.addf %get3A_93, %get3A_97 : vector<16xf32>
        %add3A_103 = arith.addf %add3A_102, %get3A_101 : vector<16xf32>
        %max3A_104 = arith.constant 0.000000e+00 : f32
        %max3A_105 = vector.broadcast %max3A_104 : f32 to vector<16xf32>
        %max3A_106 = arith.maximumf %add3A_103, %max3A_105 : vector<16xf32>
        %swap3A_107 = arith.index_cast %scan3A_52 : i32 to index
        %swap3A_108 = arith.constant 48 : index
        %swap3A_109 = tpu.vector_load %arg13[%swap3A_107, %swap3A_108] {strides = array<i32>} : memref<80x128xf32, #tpu.memory_space<vmem>>, vector<1x16xf32>,
        %swap3A_110 = vector.shape_cast %swap3A_109 : vector<1x16xf32> to vector<16xf32>
        %swap3A_111 = vector.shape_cast %max3A_106 : vector<16xf32> to vector<1x16xf32>
        tpu.vector_store %arg13[%swap3A_107, %swap3A_108], %swap3A_111 {strides = array<i32>} : memref<80x128xf32, #tpu.memory_space<vmem>>, vector<1x16xf32>,
        %scan3A_112 = arith.constant 1 : i32
        %scan3A_113 = arith.addi %scan3A_52, %scan3A_112 : i32
        %get3A_114 = arith.index_cast %scan3A_113 : i32 to index
        %get3A_115 = arith.constant 0 : index
        %get3A_116 = tpu.vector_load %arg10[%get3A_114, %get3A_115] {strides = array<i32>} : memref<80x128xf32, #tpu.memory_space<vmem>>, vector<1x16xf32>,
        %get3A_117 = vector.shape_cast %get3A_116 : vector<1x16xf32> to vector<16xf32>
        %swap3A_118 = arith.index_cast %scan3A_113 : i32 to index
        %swap3A_119 = arith.constant 0 : index
        %swap3A_120 = tpu.vector_load %arg13[%swap3A_118, %swap3A_119] {strides = array<i32>} : memref<80x128xf32, #tpu.memory_space<vmem>>, vector<1x16xf32>,
        %swap3A_121 = vector.shape_cast %swap3A_120 : vector<1x16xf32> to vector<16xf32>
        %swap3A_122 = vector.shape_cast %get3A_117 : vector<16xf32> to vector<1x16xf32>
        tpu.vector_store %arg13[%swap3A_118, %swap3A_119], %swap3A_122 {strides = array<i32>} : memref<80x128xf32, #tpu.memory_space<vmem>>, vector<1x16xf32>,
        %get3A_123 = arith.index_cast %scan3A_113 : i32 to index
        %get3A_124 = arith.constant 64 : index
        %get3A_125 = tpu.vector_load %arg11[%get3A_123, %get3A_124] {strides = array<i32>} : memref<80x128xf32, #tpu.memory_space<vmem>>, vector<1x16xf32>,
        %get3A_126 = vector.shape_cast %get3A_125 : vector<1x16xf32> to vector<16xf32>
        %get3A_127 = arith.index_cast %scan3A_113 : i32 to index
        %get3A_128 = arith.constant 32 : index
        %get3A_129 = tpu.vector_load %arg10[%get3A_127, %get3A_128] {strides = array<i32>} : memref<80x128xf32, #tpu.memory_space<vmem>>, vector<1x16xf32>,
        %get3A_130 = vector.shape_cast %get3A_129 : vector<1x16xf32> to vector<16xf32>
        %get3A_131 = arith.index_cast %scan3A_113 : i32 to index
        %get3A_132 = arith.constant 0 : index
        %get3A_133 = tpu.vector_load %arg12[%get3A_131, %get3A_132] {strides = array<i32>} : memref<80x32xf32, #tpu.memory_space<vmem>>, vector<1x16xf32>,
        %get3A_134 = vector.shape_cast %get3A_133 : vector<1x16xf32> to vector<16xf32>
        %add3A_135 = arith.addf %get3A_126, %get3A_130 : vector<16xf32>
        %add3A_136 = arith.addf %add3A_135, %get3A_134 : vector<16xf32>
        %max3A_137 = arith.constant 0.000000e+00 : f32
        %max3A_138 = vector.broadcast %max3A_137 : f32 to vector<16xf32>
        %max3A_139 = arith.maximumf %add3A_136, %max3A_138 : vector<16xf32>
        %swap3A_140 = arith.index_cast %scan3A_113 : i32 to index
        %swap3A_141 = arith.constant 32 : index
        %swap3A_142 = tpu.vector_load %arg13[%swap3A_140, %swap3A_141] {strides = array<i32>} : memref<80x128xf32, #tpu.memory_space<vmem>>, vector<1x16xf32>,
        %swap3A_143 = vector.shape_cast %swap3A_142 : vector<1x16xf32> to vector<16xf32>
        %swap3A_144 = vector.shape_cast %max3A_139 : vector<16xf32> to vector<1x16xf32>
        tpu.vector_store %arg13[%swap3A_140, %swap3A_141], %swap3A_144 {strides = array<i32>} : memref<80x128xf32, #tpu.memory_space<vmem>>, vector<1x16xf32>,
        %get3A_145 = arith.index_cast %scan3A_113 : i32 to index
        %get3A_146 = arith.constant 16 : index
        %get3A_147 = tpu.vector_load %arg10[%get3A_145, %get3A_146] {strides = array<i32>} : memref<80x128xf32, #tpu.memory_space<vmem>>, vector<1x16xf32>,
        %get3A_148 = vector.shape_cast %get3A_147 : vector<1x16xf32> to vector<16xf32>
        %swap3A_149 = arith.index_cast %scan3A_113 : i32 to index
        %swap3A_150 = arith.constant 16 : index
        %swap3A_151 = tpu.vector_load %arg13[%swap3A_149, %swap3A_150] {strides = array<i32>} : memref<80x128xf32, #tpu.memory_space<vmem>>, vector<1x16xf32>,
        %swap3A_152 = vector.shape_cast %swap3A_151 : vector<1x16xf32> to vector<16xf32>
        %swap3A_153 = vector.shape_cast %get3A_148 : vector<16xf32> to vector<1x16xf32>
        tpu.vector_store %arg13[%swap3A_149, %swap3A_150], %swap3A_153 {strides = array<i32>} : memref<80x128xf32, #tpu.memory_space<vmem>>, vector<1x16xf32>,
        %get3A_154 = arith.index_cast %scan3A_113 : i32 to index
        %get3A_155 = arith.constant 80 : index
        %get3A_156 = tpu.vector_load %arg11[%get3A_154, %get3A_155] {strides = array<i32>} : memref<80x128xf32, #tpu.memory_space<vmem>>, vector<1x16xf32>,
        %get3A_157 = vector.shape_cast %get3A_156 : vector<1x16xf32> to vector<16xf32>
        %get3A_158 = arith.index_cast %scan3A_113 : i32 to index
        %get3A_159 = arith.constant 48 : index
        %get3A_160 = tpu.vector_load %arg10[%get3A_158, %get3A_159] {strides = array<i32>} : memref<80x128xf32, #tpu.memory_space<vmem>>, vector<1x16xf32>,
        %get3A_161 = vector.shape_cast %get3A_160 : vector<1x16xf32> to vector<16xf32>
        %get3A_162 = arith.index_cast %scan3A_113 : i32 to index
        %get3A_163 = arith.constant 16 : index
        %get3A_164 = tpu.vector_load %arg12[%get3A_162, %get3A_163] {strides = array<i32>} : memref<80x32xf32, #tpu.memory_space<vmem>>, vector<1x16xf32>,
        %get3A_165 = vector.shape_cast %get3A_164 : vector<1x16xf32> to vector<16xf32>
        %add3A_166 = arith.addf %get3A_157, %get3A_161 : vector<16xf32>
        %add3A_167 = arith.addf %add3A_166, %get3A_165 : vector<16xf32>
        %max3A_168 = arith.constant 0.000000e+00 : f32
        %max3A_169 = vector.broadcast %max3A_168 : f32 to vector<16xf32>
        %max3A_170 = arith.maximumf %add3A_167, %max3A_169 : vector<16xf32>
        %swap3A_171 = arith.index_cast %scan3A_113 : i32 to index
        %swap3A_172 = arith.constant 48 : index
        %swap3A_173 = tpu.vector_load %arg13[%swap3A_171, %swap3A_172] {strides = array<i32>} : memref<80x128xf32, #tpu.memory_space<vmem>>, vector<1x16xf32>,
        %swap3A_174 = vector.shape_cast %swap3A_173 : vector<1x16xf32> to vector<16xf32>
        %swap3A_175 = vector.shape_cast %max3A_170 : vector<16xf32> to vector<1x16xf32>
        tpu.vector_store %arg13[%swap3A_171, %swap3A_172], %swap3A_175 {strides = array<i32>} : memref<80x128xf32, #tpu.memory_space<vmem>>, vector<1x16xf32>,
        %scan3A_176 = arith.constant 2 : i32
        %scan3A_177 = arith.addi %scan3A_52, %scan3A_176 : i32
        %get3A_178 = arith.index_cast %scan3A_177 : i32 to index
        %get3A_179 = arith.constant 0 : index
        %get3A_180 = tpu.vector_load %arg10[%get3A_178, %get3A_179] {strides = array<i32>} : memref<80x128xf32, #tpu.memory_space<vmem>>, vector<1x16xf32>,
        %get3A_181 = vector.shape_cast %get3A_180 : vector<1x16xf32> to vector<16xf32>
        %swap3A_182 = arith.index_cast %scan3A_177 : i32 to index
        %swap3A_183 = arith.constant 0 : index
        %swap3A_184 = tpu.vector_load %arg13[%swap3A_182, %swap3A_183] {strides = array<i32>} : memref<80x128xf32, #tpu.memory_space<vmem>>, vector<1x16xf32>,
        %swap3A_185 = vector.shape_cast %swap3A_184 : vector<1x16xf32> to vector<16xf32>
        %swap3A_186 = vector.shape_cast %get3A_181 : vector<16xf32> to vector<1x16xf32>
        tpu.vector_store %arg13[%swap3A_182, %swap3A_183], %swap3A_186 {strides = array<i32>} : memref<80x128xf32, #tpu.memory_space<vmem>>, vector<1x16xf32>,
        %get3A_187 = arith.index_cast %scan3A_177 : i32 to index
        %get3A_188 = arith.constant 64 : index
        %get3A_189 = tpu.vector_load %arg11[%get3A_187, %get3A_188] {strides = array<i32>} : memref<80x128xf32, #tpu.memory_space<vmem>>, vector<1x16xf32>,
        %get3A_190 = vector.shape_cast %get3A_189 : vector<1x16xf32> to vector<16xf32>
        %get3A_191 = arith.index_cast %scan3A_177 : i32 to index
        %get3A_192 = arith.constant 32 : index
        %get3A_193 = tpu.vector_load %arg10[%get3A_191, %get3A_192] {strides = array<i32>} : memref<80x128xf32, #tpu.memory_space<vmem>>, vector<1x16xf32>,
        %get3A_194 = vector.shape_cast %get3A_193 : vector<1x16xf32> to vector<16xf32>
        %get3A_195 = arith.index_cast %scan3A_177 : i32 to index
        %get3A_196 = arith.constant 0 : index
        %get3A_197 = tpu.vector_load %arg12[%get3A_195, %get3A_196] {strides = array<i32>} : memref<80x32xf32, #tpu.memory_space<vmem>>, vector<1x16xf32>,
        %get3A_198 = vector.shape_cast %get3A_197 : vector<1x16xf32> to vector<16xf32>
        %add3A_199 = arith.addf %get3A_190, %get3A_194 : vector<16xf32>
        %add3A_200 = arith.addf %add3A_199, %get3A_198 : vector<16xf32>
        %max3A_201 = arith.constant 0.000000e+00 : f32
        %max3A_202 = vector.broadcast %max3A_201 : f32 to vector<16xf32>
        %max3A_203 = arith.maximumf %add3A_200, %max3A_202 : vector<16xf32>
        %swap3A_204 = arith.index_cast %scan3A_177 : i32 to index
        %swap3A_205 = arith.constant 32 : index
        %swap3A_206 = tpu.vector_load %arg13[%swap3A_204, %swap3A_205] {strides = array<i32>} : memref<80x128xf32, #tpu.memory_space<vmem>>, vector<1x16xf32>,
        %swap3A_207 = vector.shape_cast %swap3A_206 : vector<1x16xf32> to vector<16xf32>
        %swap3A_208 = vector.shape_cast %max3A_203 : vector<16xf32> to vector<1x16xf32>
        tpu.vector_store %arg13[%swap3A_204, %swap3A_205], %swap3A_208 {strides = array<i32>} : memref<80x128xf32, #tpu.memory_space<vmem>>, vector<1x16xf32>,
        %get3A_209 = arith.index_cast %scan3A_177 : i32 to index
        %get3A_210 = arith.constant 16 : index
        %get3A_211 = tpu.vector_load %arg10[%get3A_209, %get3A_210] {strides = array<i32>} : memref<80x128xf32, #tpu.memory_space<vmem>>, vector<1x16xf32>,
        %get3A_212 = vector.shape_cast %get3A_211 : vector<1x16xf32> to vector<16xf32>
        %swap3A_213 = arith.index_cast %scan3A_177 : i32 to index
        %swap3A_214 = arith.constant 16 : index
        %swap3A_215 = tpu.vector_load %arg13[%swap3A_213, %swap3A_214] {strides = array<i32>} : memref<80x128xf32, #tpu.memory_space<vmem>>, vector<1x16xf32>,
        %swap3A_216 = vector.shape_cast %swap3A_215 : vector<1x16xf32> to vector<16xf32>
        %swap3A_217 = vector.shape_cast %get3A_212 : vector<16xf32> to vector<1x16xf32>
        tpu.vector_store %arg13[%swap3A_213, %swap3A_214], %swap3A_217 {strides = array<i32>} : memref<80x128xf32, #tpu.memory_space<vmem>>, vector<1x16xf32>,
        %get3A_218 = arith.index_cast %scan3A_177 : i32 to index
        %get3A_219 = arith.constant 80 : index
        %get3A_220 = tpu.vector_load %arg11[%get3A_218, %get3A_219] {strides = array<i32>} : memref<80x128xf32, #tpu.memory_space<vmem>>, vector<1x16xf32>,
        %get3A_221 = vector.shape_cast %get3A_220 : vector<1x16xf32> to vector<16xf32>
        %get3A_222 = arith.index_cast %scan3A_177 : i32 to index
        %get3A_223 = arith.constant 48 : index
        %get3A_224 = tpu.vector_load %arg10[%get3A_222, %get3A_223] {strides = array<i32>} : memref<80x128xf32, #tpu.memory_space<vmem>>, vector<1x16xf32>,
        %get3A_225 = vector.shape_cast %get3A_224 : vector<1x16xf32> to vector<16xf32>
        %get3A_226 = arith.index_cast %scan3A_177 : i32 to index
        %get3A_227 = arith.constant 16 : index
        %get3A_228 = tpu.vector_load %arg12[%get3A_226, %get3A_227] {strides = array<i32>} : memref<80x32xf32, #tpu.memory_space<vmem>>, vector<1x16xf32>,
        %get3A_229 = vector.shape_cast %get3A_228 : vector<1x16xf32> to vector<16xf32>
        %add3A_230 = arith.addf %get3A_221, %get3A_225 : vector<16xf32>
        %add3A_231 = arith.addf %add3A_230, %get3A_229 : vector<16xf32>
        %max3A_232 = arith.constant 0.000000e+00 : f32
        %max3A_233 = vector.broadcast %max3A_232 : f32 to vector<16xf32>
        %max3A_234 = arith.maximumf %add3A_231, %max3A_233 : vector<16xf32>
        %swap3A_235 = arith.index_cast %scan3A_177 : i32 to index
        %swap3A_236 = arith.constant 48 : index
        %swap3A_237 = tpu.vector_load %arg13[%swap3A_235, %swap3A_236] {strides = array<i32>} : memref<80x128xf32, #tpu.memory_space<vmem>>, vector<1x16xf32>,
        %swap3A_238 = vector.shape_cast %swap3A_237 : vector<1x16xf32> to vector<16xf32>
        %swap3A_239 = vector.shape_cast %max3A_234 : vector<16xf32> to vector<1x16xf32>
        tpu.vector_store %arg13[%swap3A_235, %swap3A_236], %swap3A_239 {strides = array<i32>} : memref<80x128xf32, #tpu.memory_space<vmem>>, vector<1x16xf32>,
        %scan3A_240 = arith.constant 3 : i32
        %scan3A_241 = arith.addi %scan3A_52, %scan3A_240 : i32
        %get3A_242 = arith.index_cast %scan3A_241 : i32 to index
        %get3A_243 = arith.constant 0 : index
        %get3A_244 = tpu.vector_load %arg10[%get3A_242, %get3A_243] {strides = array<i32>} : memref<80x128xf32, #tpu.memory_space<vmem>>, vector<1x16xf32>,
        %get3A_245 = vector.shape_cast %get3A_244 : vector<1x16xf32> to vector<16xf32>
        %swap3A_246 = arith.index_cast %scan3A_241 : i32 to index
        %swap3A_247 = arith.constant 0 : index
        %swap3A_248 = tpu.vector_load %arg13[%swap3A_246, %swap3A_247] {strides = array<i32>} : memref<80x128xf32, #tpu.memory_space<vmem>>, vector<1x16xf32>,
        %swap3A_249 = vector.shape_cast %swap3A_248 : vector<1x16xf32> to vector<16xf32>
        %swap3A_250 = vector.shape_cast %get3A_245 : vector<16xf32> to vector<1x16xf32>
        tpu.vector_store %arg13[%swap3A_246, %swap3A_247], %swap3A_250 {strides = array<i32>} : memref<80x128xf32, #tpu.memory_space<vmem>>, vector<1x16xf32>,
        %get3A_251 = arith.index_cast %scan3A_241 : i32 to index
        %get3A_252 = arith.constant 64 : index
        %get3A_253 = tpu.vector_load %arg11[%get3A_251, %get3A_252] {strides = array<i32>} : memref<80x128xf32, #tpu.memory_space<vmem>>, vector<1x16xf32>,
        %get3A_254 = vector.shape_cast %get3A_253 : vector<1x16xf32> to vector<16xf32>
        %get3A_255 = arith.index_cast %scan3A_241 : i32 to index
        %get3A_256 = arith.constant 32 : index
        %get3A_257 = tpu.vector_load %arg10[%get3A_255, %get3A_256] {strides = array<i32>} : memref<80x128xf32, #tpu.memory_space<vmem>>, vector<1x16xf32>,
        %get3A_258 = vector.shape_cast %get3A_257 : vector<1x16xf32> to vector<16xf32>
        %get3A_259 = arith.index_cast %scan3A_241 : i32 to index
        %get3A_260 = arith.constant 0 : index
        %get3A_261 = tpu.vector_load %arg12[%get3A_259, %get3A_260] {strides = array<i32>} : memref<80x32xf32, #tpu.memory_space<vmem>>, vector<1x16xf32>,
        %get3A_262 = vector.shape_cast %get3A_261 : vector<1x16xf32> to vector<16xf32>
        %add3A_263 = arith.addf %get3A_254, %get3A_258 : vector<16xf32>
        %add3A_264 = arith.addf %add3A_263, %get3A_262 : vector<16xf32>
        %max3A_265 = arith.constant 0.000000e+00 : f32
        %max3A_266 = vector.broadcast %max3A_265 : f32 to vector<16xf32>
        %max3A_267 = arith.maximumf %add3A_264, %max3A_266 : vector<16xf32>
        %swap3A_268 = arith.index_cast %scan3A_241 : i32 to index
        %swap3A_269 = arith.constant 32 : index
        %swap3A_270 = tpu.vector_load %arg13[%swap3A_268, %swap3A_269] {strides = array<i32>} : memref<80x128xf32, #tpu.memory_space<vmem>>, vector<1x16xf32>,
        %swap3A_271 = vector.shape_cast %swap3A_270 : vector<1x16xf32> to vector<16xf32>
        %swap3A_272 = vector.shape_cast %max3A_267 : vector<16xf32> to vector<1x16xf32>
        tpu.vector_store %arg13[%swap3A_268, %swap3A_269], %swap3A_272 {strides = array<i32>} : memref<80x128xf32, #tpu.memory_space<vmem>>, vector<1x16xf32>,
        %get3A_273 = arith.index_cast %scan3A_241 : i32 to index
        %get3A_274 = arith.constant 16 : index
        %get3A_275 = tpu.vector_load %arg10[%get3A_273, %get3A_274] {strides = array<i32>} : memref<80x128xf32, #tpu.memory_space<vmem>>, vector<1x16xf32>,
        %get3A_276 = vector.shape_cast %get3A_275 : vector<1x16xf32> to vector<16xf32>
        %swap3A_277 = arith.index_cast %scan3A_241 : i32 to index
        %swap3A_278 = arith.constant 16 : index
        %swap3A_279 = tpu.vector_load %arg13[%swap3A_277, %swap3A_278] {strides = array<i32>} : memref<80x128xf32, #tpu.memory_space<vmem>>, vector<1x16xf32>,
        %swap3A_280 = vector.shape_cast %swap3A_279 : vector<1x16xf32> to vector<16xf32>
        %swap3A_281 = vector.shape_cast %get3A_276 : vector<16xf32> to vector<1x16xf32>
        tpu.vector_store %arg13[%swap3A_277, %swap3A_278], %swap3A_281 {strides = array<i32>} : memref<80x128xf32, #tpu.memory_space<vmem>>, vector<1x16xf32>,
        %get3A_282 = arith.index_cast %scan3A_241 : i32 to index
        %get3A_283 = arith.constant 80 : index
        %get3A_284 = tpu.vector_load %arg11[%get3A_282, %get3A_283] {strides = array<i32>} : memref<80x128xf32, #tpu.memory_space<vmem>>, vector<1x16xf32>,
        %get3A_285 = vector.shape_cast %get3A_284 : vector<1x16xf32> to vector<16xf32>
        %get3A_286 = arith.index_cast %scan3A_241 : i32 to index
        %get3A_287 = arith.constant 48 : index
        %get3A_288 = tpu.vector_load %arg10[%get3A_286, %get3A_287] {strides = array<i32>} : memref<80x128xf32, #tpu.memory_space<vmem>>, vector<1x16xf32>,
        %get3A_289 = vector.shape_cast %get3A_288 : vector<1x16xf32> to vector<16xf32>
        %get3A_290 = arith.index_cast %scan3A_241 : i32 to index
        %get3A_291 = arith.constant 16 : index
        %get3A_292 = tpu.vector_load %arg12[%get3A_290, %get3A_291] {strides = array<i32>} : memref<80x32xf32, #tpu.memory_space<vmem>>, vector<1x16xf32>,
        %get3A_293 = vector.shape_cast %get3A_292 : vector<1x16xf32> to vector<16xf32>
        %add3A_294 = arith.addf %get3A_285, %get3A_289 : vector<16xf32>
        %add3A_295 = arith.addf %add3A_294, %get3A_293 : vector<16xf32>
        %max3A_296 = arith.constant 0.000000e+00 : f32
        %max3A_297 = vector.broadcast %max3A_296 : f32 to vector<16xf32>
        %max3A_298 = arith.maximumf %add3A_295, %max3A_297 : vector<16xf32>
        %swap3A_299 = arith.index_cast %scan3A_241 : i32 to index
        %swap3A_300 = arith.constant 48 : index
        %swap3A_301 = tpu.vector_load %arg13[%swap3A_299, %swap3A_300] {strides = array<i32>} : memref<80x128xf32, #tpu.memory_space<vmem>>, vector<1x16xf32>,
        %swap3A_302 = vector.shape_cast %swap3A_301 : vector<1x16xf32> to vector<16xf32>
        %swap3A_303 = vector.shape_cast %max3A_298 : vector<16xf32> to vector<1x16xf32>
        tpu.vector_store %arg13[%swap3A_299, %swap3A_300], %swap3A_303 {strides = array<i32>} : memref<80x128xf32, #tpu.memory_space<vmem>>, vector<1x16xf32>,
      }
      %scan3A_51 = arith.constant 80 : i32
      "tpu.region"() ({
        %run_scoped3A = tpu.sem_alloc : memref<!tpu.dma_semaphore, #tpu.memory_space<semaphore_mem>>
        %dma_start3A_52 = arith.constant 0 : i32
        %dma_start3A_53 = arith.constant 0 : i32
        %dma_start3A_54 = tpu.memref_slice %arg7[%dma_start3A_52, %dma_start3A_53] : memref<10240x128xf32, #tpu.memory_space<vmem_shared>> -> memref<10240x128xf32, #tpu.memory_space<vmem_shared>>
        tpu.enqueue_indirect_dma source(%arg13 : memref<80x128xf32, #tpu.memory_space<vmem>>) target(%dma_start3A_54 : memref<10240x128xf32, #tpu.memory_space<vmem_shared>>) offsets(%arg9 : memref<80xi32, #tpu.memory_space<vmem>>) semaphore(%run_scoped3A : memref<!tpu.dma_semaphore, #tpu.memory_space<semaphore_mem>>) {add = true}
        %dma_wait3A_55 = arith.constant 0 : i32
        %dma_wait3A_56 = arith.constant 0 : i32
        %dma_wait3A_57 = tpu.memref_slice %arg7[%dma_wait3A_55, %dma_wait3A_56] : memref<10240x128xf32, #tpu.memory_space<vmem_shared>> -> memref<10240x128xf32, #tpu.memory_space<vmem_shared>>
        tpu.wait_indirect_dma semaphore(%run_scoped3A : memref<!tpu.dma_semaphore, #tpu.memory_space<semaphore_mem>>) src(%arg13 : memref<80x128xf32, #tpu.memory_space<vmem>>) dst(%dma_wait3A_57 : memref<10240x128xf32, #tpu.memory_space<vmem_shared>>)
        tpu.yield
      }) : () -> ()
    }
    %scan3A_22 = arith.constant 125 : i32
    %barrier3A_23 = arith.constant 0 : index
    tpu.barrier barrier_id(%barrier3A_23)
    "tpu.region"() ({
      %run_scoped3A = tpu.sem_alloc : memref<!tpu.dma_semaphore, #tpu.memory_space<semaphore_mem>>
      %dma_start3A = arith.constant 0 : i32
      %dma_start3A_24 = tpu.memref_slice %arg6[%arg0, %mul3A_3, %dma_start3A] : memref<2x10240x128xf32, #tpu.memory_space<hbm>> -> memref<1x640x128xf32, #tpu.memory_space<hbm>>
      %dma_start3A_25 = tpu.memref_squeeze %dma_start3A_24 : memref<1x640x128xf32, #tpu.memory_space<hbm>> -> memref<640x128xf32, #tpu.memory_space<hbm>>
      %dma_start3A_26 = arith.constant 0 : i32
      %dma_start3A_27 = tpu.memref_slice %arg7[%mul3A_3, %dma_start3A_26] : memref<10240x128xf32, #tpu.memory_space<vmem_shared>> -> memref<640x128xf32, #tpu.memory_space<vmem_shared>>
      tpu.enqueue_dma source(%dma_start3A_27 : memref<640x128xf32, #tpu.memory_space<vmem_shared>>) target(%dma_start3A_25 : memref<640x128xf32, #tpu.memory_space<hbm>>) target_semaphore(%run_scoped3A : memref<!tpu.dma_semaphore, #tpu.memory_space<semaphore_mem>>)
      %dma_wait3A = arith.constant 0 : i32
      %dma_wait3A_28 = tpu.memref_slice %arg6[%arg0, %mul3A_3, %dma_wait3A] : memref<2x10240x128xf32, #tpu.memory_space<hbm>> -> memref<1x640x128xf32, #tpu.memory_space<hbm>>
      %dma_wait3A_29 = tpu.memref_squeeze %dma_wait3A_28 : memref<1x640x128xf32, #tpu.memory_space<hbm>> -> memref<640x128xf32, #tpu.memory_space<hbm>>
      %dma_wait3A_30 = arith.constant 0 : i32
      %dma_wait3A_31 = tpu.memref_slice %arg7[%mul3A_3, %dma_wait3A_30] : memref<10240x128xf32, #tpu.memory_space<vmem_shared>> -> memref<640x128xf32, #tpu.memory_space<vmem_shared>>
      tpu.wait_dma2 semaphore(%run_scoped3A : memref<!tpu.dma_semaphore, #tpu.memory_space<semaphore_mem>>) src(%dma_wait3A_31 : memref<640x128xf32, #tpu.memory_space<vmem_shared>>) dst(%dma_wait3A_29 : memref<640x128xf32, #tpu.memory_space<hbm>>)
      tpu.yield
    }) : () -> ()
    return
  }
}

#map = affine_map<(d0, d1) -> (0, 0)>
#map1 = affine_map<(d0, d1) -> (0)>
#map2 = affine_map<(d0, d1) -> (0, 0, 0)>
module attributes {stable_mosaic.version = 14 : i64} {
  func.func @body(%arg0: i32, %arg1: i32, %arg2: memref<10240x128xf32, #tpu.memory_space<hbm>>, %arg3: memref<320000x32xf32, #tpu.memory_space<hbm>>, %arg4: memref<320000xi32, #tpu.memory_space<hbm>>, %arg5: memref<320000xi32, #tpu.memory_space<hbm>>, %arg6: memref<2x10240x128xf32, #tpu.memory_space<hbm>>, %arg7: memref<10240x128xf32, #tpu.memory_space<vmem_shared>>, %arg8: memref<80xi32, #tpu.memory_space<vmem>>, %arg9: memref<80xi32, #tpu.memory_space<vmem>>, %arg10: memref<80x128xf32, #tpu.memory_space<vmem>>, %arg11: memref<80x128xf32, #tpu.memory_space<vmem>>, %arg12: memref<80x32xf32, #tpu.memory_space<vmem>>, %arg13: memref<80x128xf32, #tpu.memory_space<vmem>>, %arg14: memref<!tpu.dma_semaphore, #tpu.memory_space<semaphore_mem>>, %arg15: memref<!tpu.dma_semaphore, #tpu.memory_space<semaphore_mem>>, %arg16: memref<!tpu.dma_semaphore, #tpu.memory_space<semaphore_mem>>) attributes {dimension_semantics = [#tpu.dimension_semantics<core_parallel>, #tpu.dimension_semantics<subcore_parallel>], iteration_bounds = array<i64: 2, 16>, scalar_prefetch = 0 : i64, scratch_operands = 10 : i64, tpu.core_type = #tpu.core_type<sc_vector_subcore>, window_params = [{transform_indices = #map}, {transform_indices = #map}, {transform_indices = #map1}, {transform_indices = #map1}, {transform_indices = #map2}]} {
    %mul3A = arith.constant 2 : i32
    %mul3A_0 = arith.muli %arg1, %mul3A : i32
    %add3A = arith.addi %mul3A_0, %arg0 : i32
    %broadcast_in_dim3A = arith.constant 0.000000e+00 : f32
    %broadcast_in_dim3A_1 = vector.broadcast %broadcast_in_dim3A : f32 to vector<16xf32>
    %mul3A_2 = arith.constant 640 : i32
    %mul3A_3 = arith.muli %arg1, %mul3A_2 : i32
    %scan3A = arith.constant 0 : i32
    %scan3A_4 = arith.constant 0 : i32
    %scan3A_5 = arith.constant 80 : i32
    %scan3A_6 = arith.addi %scan3A_4, %scan3A_5 : i32
    %scan3A_7 = arith.constant 4 : i32
    scf.for %scan3A_24 = %scan3A_4 to %scan3A_6 step %scan3A_7  : i32 {
      %swap3A = arith.index_cast %scan3A_24 : i32 to index
      %swap3A_25 = arith.constant 0 : index
      %swap3A_26 = tpu.vector_load %arg13[%swap3A, %swap3A_25] {strides = array<i32>} : memref<80x128xf32, #tpu.memory_space<vmem>>, vector<1x16xf32>,
      %swap3A_27 = vector.shape_cast %swap3A_26 : vector<1x16xf32> to vector<16xf32>
      %swap3A_28 = vector.shape_cast %broadcast_in_dim3A_1 : vector<16xf32> to vector<1x16xf32>
      tpu.vector_store %arg13[%swap3A, %swap3A_25], %swap3A_28 {strides = array<i32>} : memref<80x128xf32, #tpu.memory_space<vmem>>, vector<1x16xf32>,
      %swap3A_29 = arith.index_cast %scan3A_24 : i32 to index
      %swap3A_30 = arith.constant 16 : index
      %swap3A_31 = tpu.vector_load %arg13[%swap3A_29, %swap3A_30] {strides = array<i32>} : memref<80x128xf32, #tpu.memory_space<vmem>>, vector<1x16xf32>,
      %swap3A_32 = vector.shape_cast %swap3A_31 : vector<1x16xf32> to vector<16xf32>
      %swap3A_33 = vector.shape_cast %broadcast_in_dim3A_1 : vector<16xf32> to vector<1x16xf32>
      tpu.vector_store %arg13[%swap3A_29, %swap3A_30], %swap3A_33 {strides = array<i32>} : memref<80x128xf32, #tpu.memory_space<vmem>>, vector<1x16xf32>,
      %swap3A_34 = arith.index_cast %scan3A_24 : i32 to index
      %swap3A_35 = arith.constant 32 : index
      %swap3A_36 = tpu.vector_load %arg13[%swap3A_34, %swap3A_35] {strides = array<i32>} : memref<80x128xf32, #tpu.memory_space<vmem>>, vector<1x16xf32>,
      %swap3A_37 = vector.shape_cast %swap3A_36 : vector<1x16xf32> to vector<16xf32>
      %swap3A_38 = vector.shape_cast %broadcast_in_dim3A_1 : vector<16xf32> to vector<1x16xf32>
      tpu.vector_store %arg13[%swap3A_34, %swap3A_35], %swap3A_38 {strides = array<i32>} : memref<80x128xf32, #tpu.memory_space<vmem>>, vector<1x16xf32>,
      %swap3A_39 = arith.index_cast %scan3A_24 : i32 to index
      %swap3A_40 = arith.constant 48 : index
      %swap3A_41 = tpu.vector_load %arg13[%swap3A_39, %swap3A_40] {strides = array<i32>} : memref<80x128xf32, #tpu.memory_space<vmem>>, vector<1x16xf32>,
      %swap3A_42 = vector.shape_cast %swap3A_41 : vector<1x16xf32> to vector<16xf32>
      %swap3A_43 = vector.shape_cast %broadcast_in_dim3A_1 : vector<16xf32> to vector<1x16xf32>
      tpu.vector_store %arg13[%swap3A_39, %swap3A_40], %swap3A_43 {strides = array<i32>} : memref<80x128xf32, #tpu.memory_space<vmem>>, vector<1x16xf32>,
      %swap3A_44 = arith.index_cast %scan3A_24 : i32 to index
      %swap3A_45 = arith.constant 64 : index
      %swap3A_46 = tpu.vector_load %arg13[%swap3A_44, %swap3A_45] {strides = array<i32>} : memref<80x128xf32, #tpu.memory_space<vmem>>, vector<1x16xf32>,
      %swap3A_47 = vector.shape_cast %swap3A_46 : vector<1x16xf32> to vector<16xf32>
      %swap3A_48 = vector.shape_cast %broadcast_in_dim3A_1 : vector<16xf32> to vector<1x16xf32>
      tpu.vector_store %arg13[%swap3A_44, %swap3A_45], %swap3A_48 {strides = array<i32>} : memref<80x128xf32, #tpu.memory_space<vmem>>, vector<1x16xf32>,
      %swap3A_49 = arith.index_cast %scan3A_24 : i32 to index
      %swap3A_50 = arith.constant 80 : index
      %swap3A_51 = tpu.vector_load %arg13[%swap3A_49, %swap3A_50] {strides = array<i32>} : memref<80x128xf32, #tpu.memory_space<vmem>>, vector<1x16xf32>,
      %swap3A_52 = vector.shape_cast %swap3A_51 : vector<1x16xf32> to vector<16xf32>
      %swap3A_53 = vector.shape_cast %broadcast_in_dim3A_1 : vector<16xf32> to vector<1x16xf32>
      tpu.vector_store %arg13[%swap3A_49, %swap3A_50], %swap3A_53 {strides = array<i32>} : memref<80x128xf32, #tpu.memory_space<vmem>>, vector<1x16xf32>,
      %swap3A_54 = arith.index_cast %scan3A_24 : i32 to index
      %swap3A_55 = arith.constant 96 : index
      %swap3A_56 = tpu.vector_load %arg13[%swap3A_54, %swap3A_55] {strides = array<i32>} : memref<80x128xf32, #tpu.memory_space<vmem>>, vector<1x16xf32>,
      %swap3A_57 = vector.shape_cast %swap3A_56 : vector<1x16xf32> to vector<16xf32>
      %swap3A_58 = vector.shape_cast %broadcast_in_dim3A_1 : vector<16xf32> to vector<1x16xf32>
      tpu.vector_store %arg13[%swap3A_54, %swap3A_55], %swap3A_58 {strides = array<i32>} : memref<80x128xf32, #tpu.memory_space<vmem>>, vector<1x16xf32>,
      %swap3A_59 = arith.index_cast %scan3A_24 : i32 to index
      %swap3A_60 = arith.constant 112 : index
      %swap3A_61 = tpu.vector_load %arg13[%swap3A_59, %swap3A_60] {strides = array<i32>} : memref<80x128xf32, #tpu.memory_space<vmem>>, vector<1x16xf32>,
      %swap3A_62 = vector.shape_cast %swap3A_61 : vector<1x16xf32> to vector<16xf32>
      %swap3A_63 = vector.shape_cast %broadcast_in_dim3A_1 : vector<16xf32> to vector<1x16xf32>
      tpu.vector_store %arg13[%swap3A_59, %swap3A_60], %swap3A_63 {strides = array<i32>} : memref<80x128xf32, #tpu.memory_space<vmem>>, vector<1x16xf32>,
      %scan3A_64 = arith.constant 1 : i32
      %scan3A_65 = arith.addi %scan3A_24, %scan3A_64 : i32
      %swap3A_66 = arith.index_cast %scan3A_65 : i32 to index
      %swap3A_67 = arith.constant 0 : index
      %swap3A_68 = tpu.vector_load %arg13[%swap3A_66, %swap3A_67] {strides = array<i32>} : memref<80x128xf32, #tpu.memory_space<vmem>>, vector<1x16xf32>,
      %swap3A_69 = vector.shape_cast %swap3A_68 : vector<1x16xf32> to vector<16xf32>
      %swap3A_70 = vector.shape_cast %broadcast_in_dim3A_1 : vector<16xf32> to vector<1x16xf32>
      tpu.vector_store %arg13[%swap3A_66, %swap3A_67], %swap3A_70 {strides = array<i32>} : memref<80x128xf32, #tpu.memory_space<vmem>>, vector<1x16xf32>,
      %swap3A_71 = arith.index_cast %scan3A_65 : i32 to index
      %swap3A_72 = arith.constant 16 : index
      %swap3A_73 = tpu.vector_load %arg13[%swap3A_71, %swap3A_72] {strides = array<i32>} : memref<80x128xf32, #tpu.memory_space<vmem>>, vector<1x16xf32>,
      %swap3A_74 = vector.shape_cast %swap3A_73 : vector<1x16xf32> to vector<16xf32>
      %swap3A_75 = vector.shape_cast %broadcast_in_dim3A_1 : vector<16xf32> to vector<1x16xf32>
      tpu.vector_store %arg13[%swap3A_71, %swap3A_72], %swap3A_75 {strides = array<i32>} : memref<80x128xf32, #tpu.memory_space<vmem>>, vector<1x16xf32>,
      %swap3A_76 = arith.index_cast %scan3A_65 : i32 to index
      %swap3A_77 = arith.constant 32 : index
      %swap3A_78 = tpu.vector_load %arg13[%swap3A_76, %swap3A_77] {strides = array<i32>} : memref<80x128xf32, #tpu.memory_space<vmem>>, vector<1x16xf32>,
      %swap3A_79 = vector.shape_cast %swap3A_78 : vector<1x16xf32> to vector<16xf32>
      %swap3A_80 = vector.shape_cast %broadcast_in_dim3A_1 : vector<16xf32> to vector<1x16xf32>
      tpu.vector_store %arg13[%swap3A_76, %swap3A_77], %swap3A_80 {strides = array<i32>} : memref<80x128xf32, #tpu.memory_space<vmem>>, vector<1x16xf32>,
      %swap3A_81 = arith.index_cast %scan3A_65 : i32 to index
      %swap3A_82 = arith.constant 48 : index
      %swap3A_83 = tpu.vector_load %arg13[%swap3A_81, %swap3A_82] {strides = array<i32>} : memref<80x128xf32, #tpu.memory_space<vmem>>, vector<1x16xf32>,
      %swap3A_84 = vector.shape_cast %swap3A_83 : vector<1x16xf32> to vector<16xf32>
      %swap3A_85 = vector.shape_cast %broadcast_in_dim3A_1 : vector<16xf32> to vector<1x16xf32>
      tpu.vector_store %arg13[%swap3A_81, %swap3A_82], %swap3A_85 {strides = array<i32>} : memref<80x128xf32, #tpu.memory_space<vmem>>, vector<1x16xf32>,
      %swap3A_86 = arith.index_cast %scan3A_65 : i32 to index
      %swap3A_87 = arith.constant 64 : index
      %swap3A_88 = tpu.vector_load %arg13[%swap3A_86, %swap3A_87] {strides = array<i32>} : memref<80x128xf32, #tpu.memory_space<vmem>>, vector<1x16xf32>,
      %swap3A_89 = vector.shape_cast %swap3A_88 : vector<1x16xf32> to vector<16xf32>
      %swap3A_90 = vector.shape_cast %broadcast_in_dim3A_1 : vector<16xf32> to vector<1x16xf32>
      tpu.vector_store %arg13[%swap3A_86, %swap3A_87], %swap3A_90 {strides = array<i32>} : memref<80x128xf32, #tpu.memory_space<vmem>>, vector<1x16xf32>,
      %swap3A_91 = arith.index_cast %scan3A_65 : i32 to index
      %swap3A_92 = arith.constant 80 : index
      %swap3A_93 = tpu.vector_load %arg13[%swap3A_91, %swap3A_92] {strides = array<i32>} : memref<80x128xf32, #tpu.memory_space<vmem>>, vector<1x16xf32>,
      %swap3A_94 = vector.shape_cast %swap3A_93 : vector<1x16xf32> to vector<16xf32>
      %swap3A_95 = vector.shape_cast %broadcast_in_dim3A_1 : vector<16xf32> to vector<1x16xf32>
      tpu.vector_store %arg13[%swap3A_91, %swap3A_92], %swap3A_95 {strides = array<i32>} : memref<80x128xf32, #tpu.memory_space<vmem>>, vector<1x16xf32>,
      %swap3A_96 = arith.index_cast %scan3A_65 : i32 to index
      %swap3A_97 = arith.constant 96 : index
      %swap3A_98 = tpu.vector_load %arg13[%swap3A_96, %swap3A_97] {strides = array<i32>} : memref<80x128xf32, #tpu.memory_space<vmem>>, vector<1x16xf32>,
      %swap3A_99 = vector.shape_cast %swap3A_98 : vector<1x16xf32> to vector<16xf32>
      %swap3A_100 = vector.shape_cast %broadcast_in_dim3A_1 : vector<16xf32> to vector<1x16xf32>
      tpu.vector_store %arg13[%swap3A_96, %swap3A_97], %swap3A_100 {strides = array<i32>} : memref<80x128xf32, #tpu.memory_space<vmem>>, vector<1x16xf32>,
      %swap3A_101 = arith.index_cast %scan3A_65 : i32 to index
      %swap3A_102 = arith.constant 112 : index
      %swap3A_103 = tpu.vector_load %arg13[%swap3A_101, %swap3A_102] {strides = array<i32>} : memref<80x128xf32, #tpu.memory_space<vmem>>, vector<1x16xf32>,
      %swap3A_104 = vector.shape_cast %swap3A_103 : vector<1x16xf32> to vector<16xf32>
      %swap3A_105 = vector.shape_cast %broadcast_in_dim3A_1 : vector<16xf32> to vector<1x16xf32>
      tpu.vector_store %arg13[%swap3A_101, %swap3A_102], %swap3A_105 {strides = array<i32>} : memref<80x128xf32, #tpu.memory_space<vmem>>, vector<1x16xf32>,
      %scan3A_106 = arith.constant 2 : i32
      %scan3A_107 = arith.addi %scan3A_24, %scan3A_106 : i32
      %swap3A_108 = arith.index_cast %scan3A_107 : i32 to index
      %swap3A_109 = arith.constant 0 : index
      %swap3A_110 = tpu.vector_load %arg13[%swap3A_108, %swap3A_109] {strides = array<i32>} : memref<80x128xf32, #tpu.memory_space<vmem>>, vector<1x16xf32>,
      %swap3A_111 = vector.shape_cast %swap3A_110 : vector<1x16xf32> to vector<16xf32>
      %swap3A_112 = vector.shape_cast %broadcast_in_dim3A_1 : vector<16xf32> to vector<1x16xf32>
      tpu.vector_store %arg13[%swap3A_108, %swap3A_109], %swap3A_112 {strides = array<i32>} : memref<80x128xf32, #tpu.memory_space<vmem>>, vector<1x16xf32>,
      %swap3A_113 = arith.index_cast %scan3A_107 : i32 to index
      %swap3A_114 = arith.constant 16 : index
      %swap3A_115 = tpu.vector_load %arg13[%swap3A_113, %swap3A_114] {strides = array<i32>} : memref<80x128xf32, #tpu.memory_space<vmem>>, vector<1x16xf32>,
      %swap3A_116 = vector.shape_cast %swap3A_115 : vector<1x16xf32> to vector<16xf32>
      %swap3A_117 = vector.shape_cast %broadcast_in_dim3A_1 : vector<16xf32> to vector<1x16xf32>
      tpu.vector_store %arg13[%swap3A_113, %swap3A_114], %swap3A_117 {strides = array<i32>} : memref<80x128xf32, #tpu.memory_space<vmem>>, vector<1x16xf32>,
      %swap3A_118 = arith.index_cast %scan3A_107 : i32 to index
      %swap3A_119 = arith.constant 32 : index
      %swap3A_120 = tpu.vector_load %arg13[%swap3A_118, %swap3A_119] {strides = array<i32>} : memref<80x128xf32, #tpu.memory_space<vmem>>, vector<1x16xf32>,
      %swap3A_121 = vector.shape_cast %swap3A_120 : vector<1x16xf32> to vector<16xf32>
      %swap3A_122 = vector.shape_cast %broadcast_in_dim3A_1 : vector<16xf32> to vector<1x16xf32>
      tpu.vector_store %arg13[%swap3A_118, %swap3A_119], %swap3A_122 {strides = array<i32>} : memref<80x128xf32, #tpu.memory_space<vmem>>, vector<1x16xf32>,
      %swap3A_123 = arith.index_cast %scan3A_107 : i32 to index
      %swap3A_124 = arith.constant 48 : index
      %swap3A_125 = tpu.vector_load %arg13[%swap3A_123, %swap3A_124] {strides = array<i32>} : memref<80x128xf32, #tpu.memory_space<vmem>>, vector<1x16xf32>,
      %swap3A_126 = vector.shape_cast %swap3A_125 : vector<1x16xf32> to vector<16xf32>
      %swap3A_127 = vector.shape_cast %broadcast_in_dim3A_1 : vector<16xf32> to vector<1x16xf32>
      tpu.vector_store %arg13[%swap3A_123, %swap3A_124], %swap3A_127 {strides = array<i32>} : memref<80x128xf32, #tpu.memory_space<vmem>>, vector<1x16xf32>,
      %swap3A_128 = arith.index_cast %scan3A_107 : i32 to index
      %swap3A_129 = arith.constant 64 : index
      %swap3A_130 = tpu.vector_load %arg13[%swap3A_128, %swap3A_129] {strides = array<i32>} : memref<80x128xf32, #tpu.memory_space<vmem>>, vector<1x16xf32>,
      %swap3A_131 = vector.shape_cast %swap3A_130 : vector<1x16xf32> to vector<16xf32>
      %swap3A_132 = vector.shape_cast %broadcast_in_dim3A_1 : vector<16xf32> to vector<1x16xf32>
      tpu.vector_store %arg13[%swap3A_128, %swap3A_129], %swap3A_132 {strides = array<i32>} : memref<80x128xf32, #tpu.memory_space<vmem>>, vector<1x16xf32>,
      %swap3A_133 = arith.index_cast %scan3A_107 : i32 to index
      %swap3A_134 = arith.constant 80 : index
      %swap3A_135 = tpu.vector_load %arg13[%swap3A_133, %swap3A_134] {strides = array<i32>} : memref<80x128xf32, #tpu.memory_space<vmem>>, vector<1x16xf32>,
      %swap3A_136 = vector.shape_cast %swap3A_135 : vector<1x16xf32> to vector<16xf32>
      %swap3A_137 = vector.shape_cast %broadcast_in_dim3A_1 : vector<16xf32> to vector<1x16xf32>
      tpu.vector_store %arg13[%swap3A_133, %swap3A_134], %swap3A_137 {strides = array<i32>} : memref<80x128xf32, #tpu.memory_space<vmem>>, vector<1x16xf32>,
      %swap3A_138 = arith.index_cast %scan3A_107 : i32 to index
      %swap3A_139 = arith.constant 96 : index
      %swap3A_140 = tpu.vector_load %arg13[%swap3A_138, %swap3A_139] {strides = array<i32>} : memref<80x128xf32, #tpu.memory_space<vmem>>, vector<1x16xf32>,
      %swap3A_141 = vector.shape_cast %swap3A_140 : vector<1x16xf32> to vector<16xf32>
      %swap3A_142 = vector.shape_cast %broadcast_in_dim3A_1 : vector<16xf32> to vector<1x16xf32>
      tpu.vector_store %arg13[%swap3A_138, %swap3A_139], %swap3A_142 {strides = array<i32>} : memref<80x128xf32, #tpu.memory_space<vmem>>, vector<1x16xf32>,
      %swap3A_143 = arith.index_cast %scan3A_107 : i32 to index
      %swap3A_144 = arith.constant 112 : index
      %swap3A_145 = tpu.vector_load %arg13[%swap3A_143, %swap3A_144] {strides = array<i32>} : memref<80x128xf32, #tpu.memory_space<vmem>>, vector<1x16xf32>,
      %swap3A_146 = vector.shape_cast %swap3A_145 : vector<1x16xf32> to vector<16xf32>
      %swap3A_147 = vector.shape_cast %broadcast_in_dim3A_1 : vector<16xf32> to vector<1x16xf32>
      tpu.vector_store %arg13[%swap3A_143, %swap3A_144], %swap3A_147 {strides = array<i32>} : memref<80x128xf32, #tpu.memory_space<vmem>>, vector<1x16xf32>,
      %scan3A_148 = arith.constant 3 : i32
      %scan3A_149 = arith.addi %scan3A_24, %scan3A_148 : i32
      %swap3A_150 = arith.index_cast %scan3A_149 : i32 to index
      %swap3A_151 = arith.constant 0 : index
      %swap3A_152 = tpu.vector_load %arg13[%swap3A_150, %swap3A_151] {strides = array<i32>} : memref<80x128xf32, #tpu.memory_space<vmem>>, vector<1x16xf32>,
      %swap3A_153 = vector.shape_cast %swap3A_152 : vector<1x16xf32> to vector<16xf32>
      %swap3A_154 = vector.shape_cast %broadcast_in_dim3A_1 : vector<16xf32> to vector<1x16xf32>
      tpu.vector_store %arg13[%swap3A_150, %swap3A_151], %swap3A_154 {strides = array<i32>} : memref<80x128xf32, #tpu.memory_space<vmem>>, vector<1x16xf32>,
      %swap3A_155 = arith.index_cast %scan3A_149 : i32 to index
      %swap3A_156 = arith.constant 16 : index
      %swap3A_157 = tpu.vector_load %arg13[%swap3A_155, %swap3A_156] {strides = array<i32>} : memref<80x128xf32, #tpu.memory_space<vmem>>, vector<1x16xf32>,
      %swap3A_158 = vector.shape_cast %swap3A_157 : vector<1x16xf32> to vector<16xf32>
      %swap3A_159 = vector.shape_cast %broadcast_in_dim3A_1 : vector<16xf32> to vector<1x16xf32>
      tpu.vector_store %arg13[%swap3A_155, %swap3A_156], %swap3A_159 {strides = array<i32>} : memref<80x128xf32, #tpu.memory_space<vmem>>, vector<1x16xf32>,
      %swap3A_160 = arith.index_cast %scan3A_149 : i32 to index
      %swap3A_161 = arith.constant 32 : index
      %swap3A_162 = tpu.vector_load %arg13[%swap3A_160, %swap3A_161] {strides = array<i32>} : memref<80x128xf32, #tpu.memory_space<vmem>>, vector<1x16xf32>,
      %swap3A_163 = vector.shape_cast %swap3A_162 : vector<1x16xf32> to vector<16xf32>
      %swap3A_164 = vector.shape_cast %broadcast_in_dim3A_1 : vector<16xf32> to vector<1x16xf32>
      tpu.vector_store %arg13[%swap3A_160, %swap3A_161], %swap3A_164 {strides = array<i32>} : memref<80x128xf32, #tpu.memory_space<vmem>>, vector<1x16xf32>,
      %swap3A_165 = arith.index_cast %scan3A_149 : i32 to index
      %swap3A_166 = arith.constant 48 : index
      %swap3A_167 = tpu.vector_load %arg13[%swap3A_165, %swap3A_166] {strides = array<i32>} : memref<80x128xf32, #tpu.memory_space<vmem>>, vector<1x16xf32>,
      %swap3A_168 = vector.shape_cast %swap3A_167 : vector<1x16xf32> to vector<16xf32>
      %swap3A_169 = vector.shape_cast %broadcast_in_dim3A_1 : vector<16xf32> to vector<1x16xf32>
      tpu.vector_store %arg13[%swap3A_165, %swap3A_166], %swap3A_169 {strides = array<i32>} : memref<80x128xf32, #tpu.memory_space<vmem>>, vector<1x16xf32>,
      %swap3A_170 = arith.index_cast %scan3A_149 : i32 to index
      %swap3A_171 = arith.constant 64 : index
      %swap3A_172 = tpu.vector_load %arg13[%swap3A_170, %swap3A_171] {strides = array<i32>} : memref<80x128xf32, #tpu.memory_space<vmem>>, vector<1x16xf32>,
      %swap3A_173 = vector.shape_cast %swap3A_172 : vector<1x16xf32> to vector<16xf32>
      %swap3A_174 = vector.shape_cast %broadcast_in_dim3A_1 : vector<16xf32> to vector<1x16xf32>
      tpu.vector_store %arg13[%swap3A_170, %swap3A_171], %swap3A_174 {strides = array<i32>} : memref<80x128xf32, #tpu.memory_space<vmem>>, vector<1x16xf32>,
      %swap3A_175 = arith.index_cast %scan3A_149 : i32 to index
      %swap3A_176 = arith.constant 80 : index
      %swap3A_177 = tpu.vector_load %arg13[%swap3A_175, %swap3A_176] {strides = array<i32>} : memref<80x128xf32, #tpu.memory_space<vmem>>, vector<1x16xf32>,
      %swap3A_178 = vector.shape_cast %swap3A_177 : vector<1x16xf32> to vector<16xf32>
      %swap3A_179 = vector.shape_cast %broadcast_in_dim3A_1 : vector<16xf32> to vector<1x16xf32>
      tpu.vector_store %arg13[%swap3A_175, %swap3A_176], %swap3A_179 {strides = array<i32>} : memref<80x128xf32, #tpu.memory_space<vmem>>, vector<1x16xf32>,
      %swap3A_180 = arith.index_cast %scan3A_149 : i32 to index
      %swap3A_181 = arith.constant 96 : index
      %swap3A_182 = tpu.vector_load %arg13[%swap3A_180, %swap3A_181] {strides = array<i32>} : memref<80x128xf32, #tpu.memory_space<vmem>>, vector<1x16xf32>,
      %swap3A_183 = vector.shape_cast %swap3A_182 : vector<1x16xf32> to vector<16xf32>
      %swap3A_184 = vector.shape_cast %broadcast_in_dim3A_1 : vector<16xf32> to vector<1x16xf32>
      tpu.vector_store %arg13[%swap3A_180, %swap3A_181], %swap3A_184 {strides = array<i32>} : memref<80x128xf32, #tpu.memory_space<vmem>>, vector<1x16xf32>,
      %swap3A_185 = arith.index_cast %scan3A_149 : i32 to index
      %swap3A_186 = arith.constant 112 : index
      %swap3A_187 = tpu.vector_load %arg13[%swap3A_185, %swap3A_186] {strides = array<i32>} : memref<80x128xf32, #tpu.memory_space<vmem>>, vector<1x16xf32>,
      %swap3A_188 = vector.shape_cast %swap3A_187 : vector<1x16xf32> to vector<16xf32>
      %swap3A_189 = vector.shape_cast %broadcast_in_dim3A_1 : vector<16xf32> to vector<1x16xf32>
      tpu.vector_store %arg13[%swap3A_185, %swap3A_186], %swap3A_189 {strides = array<i32>} : memref<80x128xf32, #tpu.memory_space<vmem>>, vector<1x16xf32>,
    }
    %scan3A_8 = arith.constant 80 : i32
    %scan3A_9 = arith.constant 0 : i32
    %scan3A_10 = arith.constant 0 : i32
    %scan3A_11 = arith.constant 8 : i32
    %scan3A_12 = arith.addi %scan3A_10, %scan3A_11 : i32
    %scan3A_13 = arith.constant 1 : i32
    scf.for %scan3A_24 = %scan3A_10 to %scan3A_12 step %scan3A_13  : i32 {
      %mul3A_25 = arith.constant 80 : i32
      %mul3A_26 = arith.muli %scan3A_24, %mul3A_25 : i32
      %add3A_27 = arith.addi %mul3A_3, %mul3A_26 : i32
      %multiple_of3A = tpu.assume_multiple %add3A_27, 8 : i32
      "tpu.region"() ({
        %run_scoped3A = tpu.sem_alloc : memref<!tpu.dma_semaphore, #tpu.memory_space<semaphore_mem>>
        %dma_start3A = arith.constant 0 : i32
        %dma_start3A_28 = tpu.memref_slice %arg7[%multiple_of3A, %dma_start3A] : memref<10240x128xf32, #tpu.memory_space<vmem_shared>> -> memref<80x128xf32, #tpu.memory_space<vmem_shared>>
        %dma_start3A_29 = arith.constant 0 : i32
        %dma_start3A_30 = tpu.memref_slice %arg7[%multiple_of3A, %dma_start3A_29] : memref<10240x128xf32, #tpu.memory_space<vmem_shared>> -> memref<80x128xf32, #tpu.memory_space<vmem_shared>>
        tpu.enqueue_dma source(%arg13 : memref<80x128xf32, #tpu.memory_space<vmem>>) target(%dma_start3A_30 : memref<80x128xf32, #tpu.memory_space<vmem_shared>>) target_semaphore(%run_scoped3A : memref<!tpu.dma_semaphore, #tpu.memory_space<semaphore_mem>>)
        %dma_wait3A = arith.constant 0 : i32
        %dma_wait3A_31 = tpu.memref_slice %arg7[%multiple_of3A, %dma_wait3A] : memref<10240x128xf32, #tpu.memory_space<vmem_shared>> -> memref<80x128xf32, #tpu.memory_space<vmem_shared>>
        %dma_wait3A_32 = arith.constant 0 : i32
        %dma_wait3A_33 = tpu.memref_slice %arg7[%multiple_of3A, %dma_wait3A_32] : memref<10240x128xf32, #tpu.memory_space<vmem_shared>> -> memref<80x128xf32, #tpu.memory_space<vmem_shared>>
        tpu.wait_dma2 semaphore(%run_scoped3A : memref<!tpu.dma_semaphore, #tpu.memory_space<semaphore_mem>>) src(%arg13 : memref<80x128xf32, #tpu.memory_space<vmem>>) dst(%dma_wait3A_33 : memref<80x128xf32, #tpu.memory_space<vmem_shared>>)
        tpu.yield
      }) : () -> ()
    }
    %scan3A_14 = arith.constant 8 : i32
    %barrier3A = arith.constant 0 : index
    tpu.barrier barrier_id(%barrier3A)
    %mul3A_15 = arith.constant 10000 : i32
    %mul3A_16 = arith.muli %add3A, %mul3A_15 : i32
    %scan3A_17 = arith.constant 0 : i32
    %scan3A_18 = arith.constant 0 : i32
    %scan3A_19 = arith.constant 125 : i32
    %scan3A_20 = arith.addi %scan3A_18, %scan3A_19 : i32
    %scan3A_21 = arith.constant 1 : i32
    scf.for %scan3A_24 = %scan3A_18 to %scan3A_20 step %scan3A_21  : i32 {
      %mul3A_25 = arith.constant 80 : i32
      %mul3A_26 = arith.muli %scan3A_24, %mul3A_25 : i32
      %add3A_27 = arith.addi %mul3A_16, %mul3A_26 : i32
      %multiple_of3A = tpu.assume_multiple %add3A_27, 8 : i32
      "tpu.region"() ({
        %run_scoped3A = tpu.sem_alloc : memref<!tpu.dma_semaphore, #tpu.memory_space<semaphore_mem>>
        %dma_start3A_52 = tpu.memref_slice %arg4[%multiple_of3A] : memref<320000xi32, #tpu.memory_space<hbm>> -> memref<80xi32, #tpu.memory_space<hbm>>
        %dma_start3A_53 = tpu.memref_slice %arg4[%multiple_of3A] : memref<320000xi32, #tpu.memory_space<hbm>> -> memref<80xi32, #tpu.memory_space<hbm>>
        tpu.enqueue_dma source(%dma_start3A_53 : memref<80xi32, #tpu.memory_space<hbm>>) target(%arg8 : memref<80xi32, #tpu.memory_space<vmem>>) target_semaphore(%run_scoped3A : memref<!tpu.dma_semaphore, #tpu.memory_space<semaphore_mem>>)
        %dma_wait3A_54 = tpu.memref_slice %arg4[%multiple_of3A] : memref<320000xi32, #tpu.memory_space<hbm>> -> memref<80xi32, #tpu.memory_space<hbm>>
        %dma_wait3A_55 = tpu.memref_slice %arg4[%multiple_of3A] : memref<320000xi32, #tpu.memory_space<hbm>> -> memref<80xi32, #tpu.memory_space<hbm>>
        tpu.wait_dma2 semaphore(%run_scoped3A : memref<!tpu.dma_semaphore, #tpu.memory_space<semaphore_mem>>) src(%dma_wait3A_55 : memref<80xi32, #tpu.memory_space<hbm>>) dst(%arg8 : memref<80xi32, #tpu.memory_space<vmem>>)
        tpu.yield
      }) : () -> ()
      "tpu.region"() ({
        %run_scoped3A = tpu.sem_alloc : memref<!tpu.dma_semaphore, #tpu.memory_space<semaphore_mem>>
        %dma_start3A_52 = tpu.memref_slice %arg5[%multiple_of3A] : memref<320000xi32, #tpu.memory_space<hbm>> -> memref<80xi32, #tpu.memory_space<hbm>>
        %dma_start3A_53 = tpu.memref_slice %arg5[%multiple_of3A] : memref<320000xi32, #tpu.memory_space<hbm>> -> memref<80xi32, #tpu.memory_space<hbm>>
        tpu.enqueue_dma source(%dma_start3A_53 : memref<80xi32, #tpu.memory_space<hbm>>) target(%arg9 : memref<80xi32, #tpu.memory_space<vmem>>) target_semaphore(%run_scoped3A : memref<!tpu.dma_semaphore, #tpu.memory_space<semaphore_mem>>)
        %dma_wait3A_54 = tpu.memref_slice %arg5[%multiple_of3A] : memref<320000xi32, #tpu.memory_space<hbm>> -> memref<80xi32, #tpu.memory_space<hbm>>
        %dma_wait3A_55 = tpu.memref_slice %arg5[%multiple_of3A] : memref<320000xi32, #tpu.memory_space<hbm>> -> memref<80xi32, #tpu.memory_space<hbm>>
        tpu.wait_dma2 semaphore(%run_scoped3A : memref<!tpu.dma_semaphore, #tpu.memory_space<semaphore_mem>>) src(%dma_wait3A_55 : memref<80xi32, #tpu.memory_space<hbm>>) dst(%arg9 : memref<80xi32, #tpu.memory_space<vmem>>)
        tpu.yield
      }) : () -> ()
      %dma_start3A = arith.constant 0 : i32
      %dma_start3A_28 = arith.constant 0 : i32
      %dma_start3A_29 = tpu.memref_slice %arg2[%dma_start3A, %dma_start3A_28] : memref<10240x128xf32, #tpu.memory_space<hbm>> -> memref<10240x128xf32, #tpu.memory_space<hbm>>
      tpu.enqueue_indirect_dma source(%dma_start3A_29 : memref<10240x128xf32, #tpu.memory_space<hbm>>) target(%arg10 : memref<80x128xf32, #tpu.memory_space<vmem>>) offsets(%arg8 : memref<80xi32, #tpu.memory_space<vmem>>) semaphore(%arg14 : memref<!tpu.dma_semaphore, #tpu.memory_space<semaphore_mem>>)
      %dma_start3A_30 = arith.constant 0 : i32
      %dma_start3A_31 = arith.constant 0 : i32
      %dma_start3A_32 = tpu.memref_slice %arg2[%dma_start3A_30, %dma_start3A_31] : memref<10240x128xf32, #tpu.memory_space<hbm>> -> memref<10240x128xf32, #tpu.memory_space<hbm>>
      tpu.enqueue_indirect_dma source(%dma_start3A_32 : memref<10240x128xf32, #tpu.memory_space<hbm>>) target(%arg11 : memref<80x128xf32, #tpu.memory_space<vmem>>) offsets(%arg9 : memref<80xi32, #tpu.memory_space<vmem>>) semaphore(%arg15 : memref<!tpu.dma_semaphore, #tpu.memory_space<semaphore_mem>>)
      %dma_start3A_33 = arith.constant 0 : i32
      %dma_start3A_34 = tpu.memref_slice %arg3[%multiple_of3A, %dma_start3A_33] : memref<320000x32xf32, #tpu.memory_space<hbm>> -> memref<80x32xf32, #tpu.memory_space<hbm>>
      %dma_start3A_35 = arith.constant 0 : i32
      %dma_start3A_36 = tpu.memref_slice %arg3[%multiple_of3A, %dma_start3A_35] : memref<320000x32xf32, #tpu.memory_space<hbm>> -> memref<80x32xf32, #tpu.memory_space<hbm>>
      tpu.enqueue_dma source(%dma_start3A_36 : memref<80x32xf32, #tpu.memory_space<hbm>>) target(%arg12 : memref<80x32xf32, #tpu.memory_space<vmem>>) target_semaphore(%arg16 : memref<!tpu.dma_semaphore, #tpu.memory_space<semaphore_mem>>)
      %dma_wait3A = arith.constant 0 : i32
      %dma_wait3A_37 = arith.constant 0 : i32
      %dma_wait3A_38 = tpu.memref_slice %arg2[%dma_wait3A, %dma_wait3A_37] : memref<10240x128xf32, #tpu.memory_space<hbm>> -> memref<10240x128xf32, #tpu.memory_space<hbm>>
      tpu.wait_indirect_dma semaphore(%arg14 : memref<!tpu.dma_semaphore, #tpu.memory_space<semaphore_mem>>) src(%dma_wait3A_38 : memref<10240x128xf32, #tpu.memory_space<hbm>>) dst(%arg10 : memref<80x128xf32, #tpu.memory_space<vmem>>)
      %dma_wait3A_39 = arith.constant 0 : i32
      %dma_wait3A_40 = arith.constant 0 : i32
      %dma_wait3A_41 = tpu.memref_slice %arg2[%dma_wait3A_39, %dma_wait3A_40] : memref<10240x128xf32, #tpu.memory_space<hbm>> -> memref<10240x128xf32, #tpu.memory_space<hbm>>
      tpu.wait_indirect_dma semaphore(%arg15 : memref<!tpu.dma_semaphore, #tpu.memory_space<semaphore_mem>>) src(%dma_wait3A_41 : memref<10240x128xf32, #tpu.memory_space<hbm>>) dst(%arg11 : memref<80x128xf32, #tpu.memory_space<vmem>>)
      %dma_wait3A_42 = arith.constant 0 : i32
      %dma_wait3A_43 = tpu.memref_slice %arg3[%multiple_of3A, %dma_wait3A_42] : memref<320000x32xf32, #tpu.memory_space<hbm>> -> memref<80x32xf32, #tpu.memory_space<hbm>>
      %dma_wait3A_44 = arith.constant 0 : i32
      %dma_wait3A_45 = tpu.memref_slice %arg3[%multiple_of3A, %dma_wait3A_44] : memref<320000x32xf32, #tpu.memory_space<hbm>> -> memref<80x32xf32, #tpu.memory_space<hbm>>
      tpu.wait_dma2 semaphore(%arg16 : memref<!tpu.dma_semaphore, #tpu.memory_space<semaphore_mem>>) src(%dma_wait3A_45 : memref<80x32xf32, #tpu.memory_space<hbm>>) dst(%arg12 : memref<80x32xf32, #tpu.memory_space<vmem>>)
      %scan3A_46 = arith.constant 0 : i32
      %scan3A_47 = arith.constant 0 : i32
      %scan3A_48 = arith.constant 80 : i32
      %scan3A_49 = arith.addi %scan3A_47, %scan3A_48 : i32
      %scan3A_50 = arith.constant 4 : i32
      scf.for %scan3A_52 = %scan3A_47 to %scan3A_49 step %scan3A_50  : i32 {
        %get3A = arith.index_cast %scan3A_52 : i32 to index
        %get3A_53 = arith.constant 0 : index
        %get3A_54 = tpu.vector_load %arg10[%get3A, %get3A_53] {strides = array<i32>} : memref<80x128xf32, #tpu.memory_space<vmem>>, vector<1x16xf32>,
        %get3A_55 = vector.shape_cast %get3A_54 : vector<1x16xf32> to vector<16xf32>
        %swap3A = arith.index_cast %scan3A_52 : i32 to index
        %swap3A_56 = arith.constant 0 : index
        %swap3A_57 = tpu.vector_load %arg13[%swap3A, %swap3A_56] {strides = array<i32>} : memref<80x128xf32, #tpu.memory_space<vmem>>, vector<1x16xf32>,
        %swap3A_58 = vector.shape_cast %swap3A_57 : vector<1x16xf32> to vector<16xf32>
        %swap3A_59 = vector.shape_cast %get3A_55 : vector<16xf32> to vector<1x16xf32>
        tpu.vector_store %arg13[%swap3A, %swap3A_56], %swap3A_59 {strides = array<i32>} : memref<80x128xf32, #tpu.memory_space<vmem>>, vector<1x16xf32>,
        %get3A_60 = arith.index_cast %scan3A_52 : i32 to index
        %get3A_61 = arith.constant 64 : index
        %get3A_62 = tpu.vector_load %arg11[%get3A_60, %get3A_61] {strides = array<i32>} : memref<80x128xf32, #tpu.memory_space<vmem>>, vector<1x16xf32>,
        %get3A_63 = vector.shape_cast %get3A_62 : vector<1x16xf32> to vector<16xf32>
        %get3A_64 = arith.index_cast %scan3A_52 : i32 to index
        %get3A_65 = arith.constant 32 : index
        %get3A_66 = tpu.vector_load %arg10[%get3A_64, %get3A_65] {strides = array<i32>} : memref<80x128xf32, #tpu.memory_space<vmem>>, vector<1x16xf32>,
        %get3A_67 = vector.shape_cast %get3A_66 : vector<1x16xf32> to vector<16xf32>
        %get3A_68 = arith.index_cast %scan3A_52 : i32 to index
        %get3A_69 = arith.constant 0 : index
        %get3A_70 = tpu.vector_load %arg12[%get3A_68, %get3A_69] {strides = array<i32>} : memref<80x32xf32, #tpu.memory_space<vmem>>, vector<1x16xf32>,
        %get3A_71 = vector.shape_cast %get3A_70 : vector<1x16xf32> to vector<16xf32>
        %add3A_72 = arith.addf %get3A_63, %get3A_67 : vector<16xf32>
        %add3A_73 = arith.addf %add3A_72, %get3A_71 : vector<16xf32>
        %max3A = arith.constant 0.000000e+00 : f32
        %max3A_74 = vector.broadcast %max3A : f32 to vector<16xf32>
        %max3A_75 = arith.maximumf %add3A_73, %max3A_74 : vector<16xf32>
        %swap3A_76 = arith.index_cast %scan3A_52 : i32 to index
        %swap3A_77 = arith.constant 32 : index
        %swap3A_78 = tpu.vector_load %arg13[%swap3A_76, %swap3A_77] {strides = array<i32>} : memref<80x128xf32, #tpu.memory_space<vmem>>, vector<1x16xf32>,
        %swap3A_79 = vector.shape_cast %swap3A_78 : vector<1x16xf32> to vector<16xf32>
        %swap3A_80 = vector.shape_cast %max3A_75 : vector<16xf32> to vector<1x16xf32>
        tpu.vector_store %arg13[%swap3A_76, %swap3A_77], %swap3A_80 {strides = array<i32>} : memref<80x128xf32, #tpu.memory_space<vmem>>, vector<1x16xf32>,
        %get3A_81 = arith.index_cast %scan3A_52 : i32 to index
        %get3A_82 = arith.constant 16 : index
        %get3A_83 = tpu.vector_load %arg10[%get3A_81, %get3A_82] {strides = array<i32>} : memref<80x128xf32, #tpu.memory_space<vmem>>, vector<1x16xf32>,
        %get3A_84 = vector.shape_cast %get3A_83 : vector<1x16xf32> to vector<16xf32>
        %swap3A_85 = arith.index_cast %scan3A_52 : i32 to index
        %swap3A_86 = arith.constant 16 : index
        %swap3A_87 = tpu.vector_load %arg13[%swap3A_85, %swap3A_86] {strides = array<i32>} : memref<80x128xf32, #tpu.memory_space<vmem>>, vector<1x16xf32>,
        %swap3A_88 = vector.shape_cast %swap3A_87 : vector<1x16xf32> to vector<16xf32>
        %swap3A_89 = vector.shape_cast %get3A_84 : vector<16xf32> to vector<1x16xf32>
        tpu.vector_store %arg13[%swap3A_85, %swap3A_86], %swap3A_89 {strides = array<i32>} : memref<80x128xf32, #tpu.memory_space<vmem>>, vector<1x16xf32>,
        %get3A_90 = arith.index_cast %scan3A_52 : i32 to index
        %get3A_91 = arith.constant 80 : index
        %get3A_92 = tpu.vector_load %arg11[%get3A_90, %get3A_91] {strides = array<i32>} : memref<80x128xf32, #tpu.memory_space<vmem>>, vector<1x16xf32>,
        %get3A_93 = vector.shape_cast %get3A_92 : vector<1x16xf32> to vector<16xf32>
        %get3A_94 = arith.index_cast %scan3A_52 : i32 to index
        %get3A_95 = arith.constant 48 : index
        %get3A_96 = tpu.vector_load %arg10[%get3A_94, %get3A_95] {strides = array<i32>} : memref<80x128xf32, #tpu.memory_space<vmem>>, vector<1x16xf32>,
        %get3A_97 = vector.shape_cast %get3A_96 : vector<1x16xf32> to vector<16xf32>
        %get3A_98 = arith.index_cast %scan3A_52 : i32 to index
        %get3A_99 = arith.constant 16 : index
        %get3A_100 = tpu.vector_load %arg12[%get3A_98, %get3A_99] {strides = array<i32>} : memref<80x32xf32, #tpu.memory_space<vmem>>, vector<1x16xf32>,
        %get3A_101 = vector.shape_cast %get3A_100 : vector<1x16xf32> to vector<16xf32>
        %add3A_102 = arith.addf %get3A_93, %get3A_97 : vector<16xf32>
        %add3A_103 = arith.addf %add3A_102, %get3A_101 : vector<16xf32>
        %max3A_104 = arith.constant 0.000000e+00 : f32
        %max3A_105 = vector.broadcast %max3A_104 : f32 to vector<16xf32>
        %max3A_106 = arith.maximumf %add3A_103, %max3A_105 : vector<16xf32>
        %swap3A_107 = arith.index_cast %scan3A_52 : i32 to index
        %swap3A_108 = arith.constant 48 : index
        %swap3A_109 = tpu.vector_load %arg13[%swap3A_107, %swap3A_108] {strides = array<i32>} : memref<80x128xf32, #tpu.memory_space<vmem>>, vector<1x16xf32>,
        %swap3A_110 = vector.shape_cast %swap3A_109 : vector<1x16xf32> to vector<16xf32>
        %swap3A_111 = vector.shape_cast %max3A_106 : vector<16xf32> to vector<1x16xf32>
        tpu.vector_store %arg13[%swap3A_107, %swap3A_108], %swap3A_111 {strides = array<i32>} : memref<80x128xf32, #tpu.memory_space<vmem>>, vector<1x16xf32>,
        %scan3A_112 = arith.constant 1 : i32
        %scan3A_113 = arith.addi %scan3A_52, %scan3A_112 : i32
        %get3A_114 = arith.index_cast %scan3A_113 : i32 to index
        %get3A_115 = arith.constant 0 : index
        %get3A_116 = tpu.vector_load %arg10[%get3A_114, %get3A_115] {strides = array<i32>} : memref<80x128xf32, #tpu.memory_space<vmem>>, vector<1x16xf32>,
        %get3A_117 = vector.shape_cast %get3A_116 : vector<1x16xf32> to vector<16xf32>
        %swap3A_118 = arith.index_cast %scan3A_113 : i32 to index
        %swap3A_119 = arith.constant 0 : index
        %swap3A_120 = tpu.vector_load %arg13[%swap3A_118, %swap3A_119] {strides = array<i32>} : memref<80x128xf32, #tpu.memory_space<vmem>>, vector<1x16xf32>,
        %swap3A_121 = vector.shape_cast %swap3A_120 : vector<1x16xf32> to vector<16xf32>
        %swap3A_122 = vector.shape_cast %get3A_117 : vector<16xf32> to vector<1x16xf32>
        tpu.vector_store %arg13[%swap3A_118, %swap3A_119], %swap3A_122 {strides = array<i32>} : memref<80x128xf32, #tpu.memory_space<vmem>>, vector<1x16xf32>,
        %get3A_123 = arith.index_cast %scan3A_113 : i32 to index
        %get3A_124 = arith.constant 64 : index
        %get3A_125 = tpu.vector_load %arg11[%get3A_123, %get3A_124] {strides = array<i32>} : memref<80x128xf32, #tpu.memory_space<vmem>>, vector<1x16xf32>,
        %get3A_126 = vector.shape_cast %get3A_125 : vector<1x16xf32> to vector<16xf32>
        %get3A_127 = arith.index_cast %scan3A_113 : i32 to index
        %get3A_128 = arith.constant 32 : index
        %get3A_129 = tpu.vector_load %arg10[%get3A_127, %get3A_128] {strides = array<i32>} : memref<80x128xf32, #tpu.memory_space<vmem>>, vector<1x16xf32>,
        %get3A_130 = vector.shape_cast %get3A_129 : vector<1x16xf32> to vector<16xf32>
        %get3A_131 = arith.index_cast %scan3A_113 : i32 to index
        %get3A_132 = arith.constant 0 : index
        %get3A_133 = tpu.vector_load %arg12[%get3A_131, %get3A_132] {strides = array<i32>} : memref<80x32xf32, #tpu.memory_space<vmem>>, vector<1x16xf32>,
        %get3A_134 = vector.shape_cast %get3A_133 : vector<1x16xf32> to vector<16xf32>
        %add3A_135 = arith.addf %get3A_126, %get3A_130 : vector<16xf32>
        %add3A_136 = arith.addf %add3A_135, %get3A_134 : vector<16xf32>
        %max3A_137 = arith.constant 0.000000e+00 : f32
        %max3A_138 = vector.broadcast %max3A_137 : f32 to vector<16xf32>
        %max3A_139 = arith.maximumf %add3A_136, %max3A_138 : vector<16xf32>
        %swap3A_140 = arith.index_cast %scan3A_113 : i32 to index
        %swap3A_141 = arith.constant 32 : index
        %swap3A_142 = tpu.vector_load %arg13[%swap3A_140, %swap3A_141] {strides = array<i32>} : memref<80x128xf32, #tpu.memory_space<vmem>>, vector<1x16xf32>,
        %swap3A_143 = vector.shape_cast %swap3A_142 : vector<1x16xf32> to vector<16xf32>
        %swap3A_144 = vector.shape_cast %max3A_139 : vector<16xf32> to vector<1x16xf32>
        tpu.vector_store %arg13[%swap3A_140, %swap3A_141], %swap3A_144 {strides = array<i32>} : memref<80x128xf32, #tpu.memory_space<vmem>>, vector<1x16xf32>,
        %get3A_145 = arith.index_cast %scan3A_113 : i32 to index
        %get3A_146 = arith.constant 16 : index
        %get3A_147 = tpu.vector_load %arg10[%get3A_145, %get3A_146] {strides = array<i32>} : memref<80x128xf32, #tpu.memory_space<vmem>>, vector<1x16xf32>,
        %get3A_148 = vector.shape_cast %get3A_147 : vector<1x16xf32> to vector<16xf32>
        %swap3A_149 = arith.index_cast %scan3A_113 : i32 to index
        %swap3A_150 = arith.constant 16 : index
        %swap3A_151 = tpu.vector_load %arg13[%swap3A_149, %swap3A_150] {strides = array<i32>} : memref<80x128xf32, #tpu.memory_space<vmem>>, vector<1x16xf32>,
        %swap3A_152 = vector.shape_cast %swap3A_151 : vector<1x16xf32> to vector<16xf32>
        %swap3A_153 = vector.shape_cast %get3A_148 : vector<16xf32> to vector<1x16xf32>
        tpu.vector_store %arg13[%swap3A_149, %swap3A_150], %swap3A_153 {strides = array<i32>} : memref<80x128xf32, #tpu.memory_space<vmem>>, vector<1x16xf32>,
        %get3A_154 = arith.index_cast %scan3A_113 : i32 to index
        %get3A_155 = arith.constant 80 : index
        %get3A_156 = tpu.vector_load %arg11[%get3A_154, %get3A_155] {strides = array<i32>} : memref<80x128xf32, #tpu.memory_space<vmem>>, vector<1x16xf32>,
        %get3A_157 = vector.shape_cast %get3A_156 : vector<1x16xf32> to vector<16xf32>
        %get3A_158 = arith.index_cast %scan3A_113 : i32 to index
        %get3A_159 = arith.constant 48 : index
        %get3A_160 = tpu.vector_load %arg10[%get3A_158, %get3A_159] {strides = array<i32>} : memref<80x128xf32, #tpu.memory_space<vmem>>, vector<1x16xf32>,
        %get3A_161 = vector.shape_cast %get3A_160 : vector<1x16xf32> to vector<16xf32>
        %get3A_162 = arith.index_cast %scan3A_113 : i32 to index
        %get3A_163 = arith.constant 16 : index
        %get3A_164 = tpu.vector_load %arg12[%get3A_162, %get3A_163] {strides = array<i32>} : memref<80x32xf32, #tpu.memory_space<vmem>>, vector<1x16xf32>,
        %get3A_165 = vector.shape_cast %get3A_164 : vector<1x16xf32> to vector<16xf32>
        %add3A_166 = arith.addf %get3A_157, %get3A_161 : vector<16xf32>
        %add3A_167 = arith.addf %add3A_166, %get3A_165 : vector<16xf32>
        %max3A_168 = arith.constant 0.000000e+00 : f32
        %max3A_169 = vector.broadcast %max3A_168 : f32 to vector<16xf32>
        %max3A_170 = arith.maximumf %add3A_167, %max3A_169 : vector<16xf32>
        %swap3A_171 = arith.index_cast %scan3A_113 : i32 to index
        %swap3A_172 = arith.constant 48 : index
        %swap3A_173 = tpu.vector_load %arg13[%swap3A_171, %swap3A_172] {strides = array<i32>} : memref<80x128xf32, #tpu.memory_space<vmem>>, vector<1x16xf32>,
        %swap3A_174 = vector.shape_cast %swap3A_173 : vector<1x16xf32> to vector<16xf32>
        %swap3A_175 = vector.shape_cast %max3A_170 : vector<16xf32> to vector<1x16xf32>
        tpu.vector_store %arg13[%swap3A_171, %swap3A_172], %swap3A_175 {strides = array<i32>} : memref<80x128xf32, #tpu.memory_space<vmem>>, vector<1x16xf32>,
        %scan3A_176 = arith.constant 2 : i32
        %scan3A_177 = arith.addi %scan3A_52, %scan3A_176 : i32
        %get3A_178 = arith.index_cast %scan3A_177 : i32 to index
        %get3A_179 = arith.constant 0 : index
        %get3A_180 = tpu.vector_load %arg10[%get3A_178, %get3A_179] {strides = array<i32>} : memref<80x128xf32, #tpu.memory_space<vmem>>, vector<1x16xf32>,
        %get3A_181 = vector.shape_cast %get3A_180 : vector<1x16xf32> to vector<16xf32>
        %swap3A_182 = arith.index_cast %scan3A_177 : i32 to index
        %swap3A_183 = arith.constant 0 : index
        %swap3A_184 = tpu.vector_load %arg13[%swap3A_182, %swap3A_183] {strides = array<i32>} : memref<80x128xf32, #tpu.memory_space<vmem>>, vector<1x16xf32>,
        %swap3A_185 = vector.shape_cast %swap3A_184 : vector<1x16xf32> to vector<16xf32>
        %swap3A_186 = vector.shape_cast %get3A_181 : vector<16xf32> to vector<1x16xf32>
        tpu.vector_store %arg13[%swap3A_182, %swap3A_183], %swap3A_186 {strides = array<i32>} : memref<80x128xf32, #tpu.memory_space<vmem>>, vector<1x16xf32>,
        %get3A_187 = arith.index_cast %scan3A_177 : i32 to index
        %get3A_188 = arith.constant 64 : index
        %get3A_189 = tpu.vector_load %arg11[%get3A_187, %get3A_188] {strides = array<i32>} : memref<80x128xf32, #tpu.memory_space<vmem>>, vector<1x16xf32>,
        %get3A_190 = vector.shape_cast %get3A_189 : vector<1x16xf32> to vector<16xf32>
        %get3A_191 = arith.index_cast %scan3A_177 : i32 to index
        %get3A_192 = arith.constant 32 : index
        %get3A_193 = tpu.vector_load %arg10[%get3A_191, %get3A_192] {strides = array<i32>} : memref<80x128xf32, #tpu.memory_space<vmem>>, vector<1x16xf32>,
        %get3A_194 = vector.shape_cast %get3A_193 : vector<1x16xf32> to vector<16xf32>
        %get3A_195 = arith.index_cast %scan3A_177 : i32 to index
        %get3A_196 = arith.constant 0 : index
        %get3A_197 = tpu.vector_load %arg12[%get3A_195, %get3A_196] {strides = array<i32>} : memref<80x32xf32, #tpu.memory_space<vmem>>, vector<1x16xf32>,
        %get3A_198 = vector.shape_cast %get3A_197 : vector<1x16xf32> to vector<16xf32>
        %add3A_199 = arith.addf %get3A_190, %get3A_194 : vector<16xf32>
        %add3A_200 = arith.addf %add3A_199, %get3A_198 : vector<16xf32>
        %max3A_201 = arith.constant 0.000000e+00 : f32
        %max3A_202 = vector.broadcast %max3A_201 : f32 to vector<16xf32>
        %max3A_203 = arith.maximumf %add3A_200, %max3A_202 : vector<16xf32>
        %swap3A_204 = arith.index_cast %scan3A_177 : i32 to index
        %swap3A_205 = arith.constant 32 : index
        %swap3A_206 = tpu.vector_load %arg13[%swap3A_204, %swap3A_205] {strides = array<i32>} : memref<80x128xf32, #tpu.memory_space<vmem>>, vector<1x16xf32>,
        %swap3A_207 = vector.shape_cast %swap3A_206 : vector<1x16xf32> to vector<16xf32>
        %swap3A_208 = vector.shape_cast %max3A_203 : vector<16xf32> to vector<1x16xf32>
        tpu.vector_store %arg13[%swap3A_204, %swap3A_205], %swap3A_208 {strides = array<i32>} : memref<80x128xf32, #tpu.memory_space<vmem>>, vector<1x16xf32>,
        %get3A_209 = arith.index_cast %scan3A_177 : i32 to index
        %get3A_210 = arith.constant 16 : index
        %get3A_211 = tpu.vector_load %arg10[%get3A_209, %get3A_210] {strides = array<i32>} : memref<80x128xf32, #tpu.memory_space<vmem>>, vector<1x16xf32>,
        %get3A_212 = vector.shape_cast %get3A_211 : vector<1x16xf32> to vector<16xf32>
        %swap3A_213 = arith.index_cast %scan3A_177 : i32 to index
        %swap3A_214 = arith.constant 16 : index
        %swap3A_215 = tpu.vector_load %arg13[%swap3A_213, %swap3A_214] {strides = array<i32>} : memref<80x128xf32, #tpu.memory_space<vmem>>, vector<1x16xf32>,
        %swap3A_216 = vector.shape_cast %swap3A_215 : vector<1x16xf32> to vector<16xf32>
        %swap3A_217 = vector.shape_cast %get3A_212 : vector<16xf32> to vector<1x16xf32>
        tpu.vector_store %arg13[%swap3A_213, %swap3A_214], %swap3A_217 {strides = array<i32>} : memref<80x128xf32, #tpu.memory_space<vmem>>, vector<1x16xf32>,
        %get3A_218 = arith.index_cast %scan3A_177 : i32 to index
        %get3A_219 = arith.constant 80 : index
        %get3A_220 = tpu.vector_load %arg11[%get3A_218, %get3A_219] {strides = array<i32>} : memref<80x128xf32, #tpu.memory_space<vmem>>, vector<1x16xf32>,
        %get3A_221 = vector.shape_cast %get3A_220 : vector<1x16xf32> to vector<16xf32>
        %get3A_222 = arith.index_cast %scan3A_177 : i32 to index
        %get3A_223 = arith.constant 48 : index
        %get3A_224 = tpu.vector_load %arg10[%get3A_222, %get3A_223] {strides = array<i32>} : memref<80x128xf32, #tpu.memory_space<vmem>>, vector<1x16xf32>,
        %get3A_225 = vector.shape_cast %get3A_224 : vector<1x16xf32> to vector<16xf32>
        %get3A_226 = arith.index_cast %scan3A_177 : i32 to index
        %get3A_227 = arith.constant 16 : index
        %get3A_228 = tpu.vector_load %arg12[%get3A_226, %get3A_227] {strides = array<i32>} : memref<80x32xf32, #tpu.memory_space<vmem>>, vector<1x16xf32>,
        %get3A_229 = vector.shape_cast %get3A_228 : vector<1x16xf32> to vector<16xf32>
        %add3A_230 = arith.addf %get3A_221, %get3A_225 : vector<16xf32>
        %add3A_231 = arith.addf %add3A_230, %get3A_229 : vector<16xf32>
        %max3A_232 = arith.constant 0.000000e+00 : f32
        %max3A_233 = vector.broadcast %max3A_232 : f32 to vector<16xf32>
        %max3A_234 = arith.maximumf %add3A_231, %max3A_233 : vector<16xf32>
        %swap3A_235 = arith.index_cast %scan3A_177 : i32 to index
        %swap3A_236 = arith.constant 48 : index
        %swap3A_237 = tpu.vector_load %arg13[%swap3A_235, %swap3A_236] {strides = array<i32>} : memref<80x128xf32, #tpu.memory_space<vmem>>, vector<1x16xf32>,
        %swap3A_238 = vector.shape_cast %swap3A_237 : vector<1x16xf32> to vector<16xf32>
        %swap3A_239 = vector.shape_cast %max3A_234 : vector<16xf32> to vector<1x16xf32>
        tpu.vector_store %arg13[%swap3A_235, %swap3A_236], %swap3A_239 {strides = array<i32>} : memref<80x128xf32, #tpu.memory_space<vmem>>, vector<1x16xf32>,
        %scan3A_240 = arith.constant 3 : i32
        %scan3A_241 = arith.addi %scan3A_52, %scan3A_240 : i32
        %get3A_242 = arith.index_cast %scan3A_241 : i32 to index
        %get3A_243 = arith.constant 0 : index
        %get3A_244 = tpu.vector_load %arg10[%get3A_242, %get3A_243] {strides = array<i32>} : memref<80x128xf32, #tpu.memory_space<vmem>>, vector<1x16xf32>,
        %get3A_245 = vector.shape_cast %get3A_244 : vector<1x16xf32> to vector<16xf32>
        %swap3A_246 = arith.index_cast %scan3A_241 : i32 to index
        %swap3A_247 = arith.constant 0 : index
        %swap3A_248 = tpu.vector_load %arg13[%swap3A_246, %swap3A_247] {strides = array<i32>} : memref<80x128xf32, #tpu.memory_space<vmem>>, vector<1x16xf32>,
        %swap3A_249 = vector.shape_cast %swap3A_248 : vector<1x16xf32> to vector<16xf32>
        %swap3A_250 = vector.shape_cast %get3A_245 : vector<16xf32> to vector<1x16xf32>
        tpu.vector_store %arg13[%swap3A_246, %swap3A_247], %swap3A_250 {strides = array<i32>} : memref<80x128xf32, #tpu.memory_space<vmem>>, vector<1x16xf32>,
        %get3A_251 = arith.index_cast %scan3A_241 : i32 to index
        %get3A_252 = arith.constant 64 : index
        %get3A_253 = tpu.vector_load %arg11[%get3A_251, %get3A_252] {strides = array<i32>} : memref<80x128xf32, #tpu.memory_space<vmem>>, vector<1x16xf32>,
        %get3A_254 = vector.shape_cast %get3A_253 : vector<1x16xf32> to vector<16xf32>
        %get3A_255 = arith.index_cast %scan3A_241 : i32 to index
        %get3A_256 = arith.constant 32 : index
        %get3A_257 = tpu.vector_load %arg10[%get3A_255, %get3A_256] {strides = array<i32>} : memref<80x128xf32, #tpu.memory_space<vmem>>, vector<1x16xf32>,
        %get3A_258 = vector.shape_cast %get3A_257 : vector<1x16xf32> to vector<16xf32>
        %get3A_259 = arith.index_cast %scan3A_241 : i32 to index
        %get3A_260 = arith.constant 0 : index
        %get3A_261 = tpu.vector_load %arg12[%get3A_259, %get3A_260] {strides = array<i32>} : memref<80x32xf32, #tpu.memory_space<vmem>>, vector<1x16xf32>,
        %get3A_262 = vector.shape_cast %get3A_261 : vector<1x16xf32> to vector<16xf32>
        %add3A_263 = arith.addf %get3A_254, %get3A_258 : vector<16xf32>
        %add3A_264 = arith.addf %add3A_263, %get3A_262 : vector<16xf32>
        %max3A_265 = arith.constant 0.000000e+00 : f32
        %max3A_266 = vector.broadcast %max3A_265 : f32 to vector<16xf32>
        %max3A_267 = arith.maximumf %add3A_264, %max3A_266 : vector<16xf32>
        %swap3A_268 = arith.index_cast %scan3A_241 : i32 to index
        %swap3A_269 = arith.constant 32 : index
        %swap3A_270 = tpu.vector_load %arg13[%swap3A_268, %swap3A_269] {strides = array<i32>} : memref<80x128xf32, #tpu.memory_space<vmem>>, vector<1x16xf32>,
        %swap3A_271 = vector.shape_cast %swap3A_270 : vector<1x16xf32> to vector<16xf32>
        %swap3A_272 = vector.shape_cast %max3A_267 : vector<16xf32> to vector<1x16xf32>
        tpu.vector_store %arg13[%swap3A_268, %swap3A_269], %swap3A_272 {strides = array<i32>} : memref<80x128xf32, #tpu.memory_space<vmem>>, vector<1x16xf32>,
        %get3A_273 = arith.index_cast %scan3A_241 : i32 to index
        %get3A_274 = arith.constant 16 : index
        %get3A_275 = tpu.vector_load %arg10[%get3A_273, %get3A_274] {strides = array<i32>} : memref<80x128xf32, #tpu.memory_space<vmem>>, vector<1x16xf32>,
        %get3A_276 = vector.shape_cast %get3A_275 : vector<1x16xf32> to vector<16xf32>
        %swap3A_277 = arith.index_cast %scan3A_241 : i32 to index
        %swap3A_278 = arith.constant 16 : index
        %swap3A_279 = tpu.vector_load %arg13[%swap3A_277, %swap3A_278] {strides = array<i32>} : memref<80x128xf32, #tpu.memory_space<vmem>>, vector<1x16xf32>,
        %swap3A_280 = vector.shape_cast %swap3A_279 : vector<1x16xf32> to vector<16xf32>
        %swap3A_281 = vector.shape_cast %get3A_276 : vector<16xf32> to vector<1x16xf32>
        tpu.vector_store %arg13[%swap3A_277, %swap3A_278], %swap3A_281 {strides = array<i32>} : memref<80x128xf32, #tpu.memory_space<vmem>>, vector<1x16xf32>,
        %get3A_282 = arith.index_cast %scan3A_241 : i32 to index
        %get3A_283 = arith.constant 80 : index
        %get3A_284 = tpu.vector_load %arg11[%get3A_282, %get3A_283] {strides = array<i32>} : memref<80x128xf32, #tpu.memory_space<vmem>>, vector<1x16xf32>,
        %get3A_285 = vector.shape_cast %get3A_284 : vector<1x16xf32> to vector<16xf32>
        %get3A_286 = arith.index_cast %scan3A_241 : i32 to index
        %get3A_287 = arith.constant 48 : index
        %get3A_288 = tpu.vector_load %arg10[%get3A_286, %get3A_287] {strides = array<i32>} : memref<80x128xf32, #tpu.memory_space<vmem>>, vector<1x16xf32>,
        %get3A_289 = vector.shape_cast %get3A_288 : vector<1x16xf32> to vector<16xf32>
        %get3A_290 = arith.index_cast %scan3A_241 : i32 to index
        %get3A_291 = arith.constant 16 : index
        %get3A_292 = tpu.vector_load %arg12[%get3A_290, %get3A_291] {strides = array<i32>} : memref<80x32xf32, #tpu.memory_space<vmem>>, vector<1x16xf32>,
        %get3A_293 = vector.shape_cast %get3A_292 : vector<1x16xf32> to vector<16xf32>
        %add3A_294 = arith.addf %get3A_285, %get3A_289 : vector<16xf32>
        %add3A_295 = arith.addf %add3A_294, %get3A_293 : vector<16xf32>
        %max3A_296 = arith.constant 0.000000e+00 : f32
        %max3A_297 = vector.broadcast %max3A_296 : f32 to vector<16xf32>
        %max3A_298 = arith.maximumf %add3A_295, %max3A_297 : vector<16xf32>
        %swap3A_299 = arith.index_cast %scan3A_241 : i32 to index
        %swap3A_300 = arith.constant 48 : index
        %swap3A_301 = tpu.vector_load %arg13[%swap3A_299, %swap3A_300] {strides = array<i32>} : memref<80x128xf32, #tpu.memory_space<vmem>>, vector<1x16xf32>,
        %swap3A_302 = vector.shape_cast %swap3A_301 : vector<1x16xf32> to vector<16xf32>
        %swap3A_303 = vector.shape_cast %max3A_298 : vector<16xf32> to vector<1x16xf32>
        tpu.vector_store %arg13[%swap3A_299, %swap3A_300], %swap3A_303 {strides = array<i32>} : memref<80x128xf32, #tpu.memory_space<vmem>>, vector<1x16xf32>,
      }
      %scan3A_51 = arith.constant 80 : i32
      "tpu.region"() ({
        %run_scoped3A = tpu.sem_alloc : memref<!tpu.dma_semaphore, #tpu.memory_space<semaphore_mem>>
        %dma_start3A_52 = arith.constant 0 : i32
        %dma_start3A_53 = arith.constant 0 : i32
        %dma_start3A_54 = tpu.memref_slice %arg7[%dma_start3A_52, %dma_start3A_53] : memref<10240x128xf32, #tpu.memory_space<vmem_shared>> -> memref<10240x128xf32, #tpu.memory_space<vmem_shared>>
        tpu.enqueue_indirect_dma source(%arg13 : memref<80x128xf32, #tpu.memory_space<vmem>>) target(%dma_start3A_54 : memref<10240x128xf32, #tpu.memory_space<vmem_shared>>) offsets(%arg9 : memref<80xi32, #tpu.memory_space<vmem>>) semaphore(%run_scoped3A : memref<!tpu.dma_semaphore, #tpu.memory_space<semaphore_mem>>) {add = true}
        %dma_wait3A_55 = arith.constant 0 : i32
        %dma_wait3A_56 = arith.constant 0 : i32
        %dma_wait3A_57 = tpu.memref_slice %arg7[%dma_wait3A_55, %dma_wait3A_56] : memref<10240x128xf32, #tpu.memory_space<vmem_shared>> -> memref<10240x128xf32, #tpu.memory_space<vmem_shared>>
        tpu.wait_indirect_dma semaphore(%run_scoped3A : memref<!tpu.dma_semaphore, #tpu.memory_space<semaphore_mem>>) src(%arg13 : memref<80x128xf32, #tpu.memory_space<vmem>>) dst(%dma_wait3A_57 : memref<10240x128xf32, #tpu.memory_space<vmem_shared>>)
        tpu.yield
      }) : () -> ()
    }
    %scan3A_22 = arith.constant 125 : i32
    %barrier3A_23 = arith.constant 0 : index
    tpu.barrier barrier_id(%barrier3A_23)
    "tpu.region"() ({
      %run_scoped3A = tpu.sem_alloc : memref<!tpu.dma_semaphore, #tpu.memory_space<semaphore_mem>>
      %dma_start3A = arith.constant 0 : i32
      %dma_start3A_24 = tpu.memref_slice %arg6[%arg0, %mul3A_3, %dma_start3A] : memref<2x10240x128xf32, #tpu.memory_space<hbm>> -> memref<1x640x128xf32, #tpu.memory_space<hbm>>
      %dma_start3A_25 = tpu.memref_squeeze %dma_start3A_24 : memref<1x640x128xf32, #tpu.memory_space<hbm>> -> memref<640x128xf32, #tpu.memory_space<hbm>>
      %dma_start3A_26 = arith.constant 0 : i32
      %dma_start3A_27 = tpu.memref_slice %arg7[%mul3A_3, %dma_start3A_26] : memref<10240x128xf32, #tpu.memory_space<vmem_shared>> -> memref<640x128xf32, #tpu.memory_space<vmem_shared>>
      tpu.enqueue_dma source(%dma_start3A_27 : memref<640x128xf32, #tpu.memory_space<vmem_shared>>) target(%dma_start3A_25 : memref<640x128xf32, #tpu.memory_space<hbm>>) target_semaphore(%run_scoped3A : memref<!tpu.dma_semaphore, #tpu.memory_space<semaphore_mem>>)
      %dma_wait3A = arith.constant 0 : i32
      %dma_wait3A_28 = tpu.memref_slice %arg6[%arg0, %mul3A_3, %dma_wait3A] : memref<2x10240x128xf32, #tpu.memory_space<hbm>> -> memref<1x640x128xf32, #tpu.memory_space<hbm>>
      %dma_wait3A_29 = tpu.memref_squeeze %dma_wait3A_28 : memref<1x640x128xf32, #tpu.memory_space<hbm>> -> memref<640x128xf32, #tpu.memory_space<hbm>>
      %dma_wait3A_30 = arith.constant 0 : i32
      %dma_wait3A_31 = tpu.memref_slice %arg7[%mul3A_3, %dma_wait3A_30] : memref<10240x128xf32, #tpu.memory_space<vmem_shared>> -> memref<640x128xf32, #tpu.memory_space<vmem_shared>>
      tpu.wait_dma2 semaphore(%run_scoped3A : memref<!tpu.dma_semaphore, #tpu.memory_space<semaphore_mem>>) src(%dma_wait3A_31 : memref<640x128xf32, #tpu.memory_space<vmem_shared>>) dst(%dma_wait3A_29 : memref<640x128xf32, #tpu.memory_space<hbm>>)
      tpu.yield
    }) : () -> ()
    return
  }
}

#map = affine_map<(d0, d1) -> (0, 0)>
#map1 = affine_map<(d0, d1) -> (0)>
#map2 = affine_map<(d0, d1) -> (0, 0, 0)>
module attributes {stable_mosaic.version = 14 : i64} {
  func.func @body(%arg0: i32, %arg1: i32, %arg2: memref<10240x128xf32, #tpu.memory_space<hbm>>, %arg3: memref<320000x32xf32, #tpu.memory_space<hbm>>, %arg4: memref<320000xi32, #tpu.memory_space<hbm>>, %arg5: memref<320000xi32, #tpu.memory_space<hbm>>, %arg6: memref<2x10240x128xf32, #tpu.memory_space<hbm>>, %arg7: memref<20480xf32, #tpu.memory_space<hbm>>, %arg8: memref<10240x128xf32, #tpu.memory_space<vmem_shared>>, %arg9: memref<80xi32, #tpu.memory_space<vmem>>, %arg10: memref<80xi32, #tpu.memory_space<vmem>>, %arg11: memref<80x128xf32, #tpu.memory_space<vmem>>, %arg12: memref<80x128xf32, #tpu.memory_space<vmem>>, %arg13: memref<80x32xf32, #tpu.memory_space<vmem>>, %arg14: memref<80x128xf32, #tpu.memory_space<vmem>>, %arg15: memref<!tpu.dma_semaphore, #tpu.memory_space<semaphore_mem>>, %arg16: memref<!tpu.dma_semaphore, #tpu.memory_space<semaphore_mem>>, %arg17: memref<!tpu.dma_semaphore, #tpu.memory_space<semaphore_mem>>, %arg18: memref<10240xf32, #tpu.memory_space<vmem_shared>>, %arg19: memref<80xf32, #tpu.memory_space<vmem>>, %arg20: memref<80xf32, #tpu.memory_space<vmem>>) attributes {dimension_semantics = [#tpu.dimension_semantics<core_parallel>, #tpu.dimension_semantics<subcore_parallel>], iteration_bounds = array<i64: 2, 16>, scalar_prefetch = 0 : i64, scratch_operands = 13 : i64, tpu.core_type = #tpu.core_type<sc_vector_subcore>, window_params = [{transform_indices = #map}, {transform_indices = #map}, {transform_indices = #map1}, {transform_indices = #map1}, {transform_indices = #map2}, {transform_indices = #map1}]} {
    %mul3A = arith.constant 2 : i32
    %mul3A_0 = arith.muli %arg1, %mul3A : i32
    %add3A = arith.addi %mul3A_0, %arg0 : i32
    %broadcast_in_dim3A = arith.constant 0.000000e+00 : f32
    %broadcast_in_dim3A_1 = vector.broadcast %broadcast_in_dim3A : f32 to vector<16xf32>
    %mul3A_2 = arith.constant 640 : i32
    %mul3A_3 = arith.muli %arg1, %mul3A_2 : i32
    %scan3A = arith.constant 0 : i32
    %scan3A_4 = arith.constant 0 : i32
    %scan3A_5 = arith.constant 80 : i32
    %scan3A_6 = arith.addi %scan3A_4, %scan3A_5 : i32
    %scan3A_7 = arith.constant 4 : i32
    scf.for %scan3A_74 = %scan3A_4 to %scan3A_6 step %scan3A_7  : i32 {
      %swap3A_75 = arith.index_cast %scan3A_74 : i32 to index
      %swap3A_76 = arith.constant 0 : index
      %swap3A_77 = tpu.vector_load %arg14[%swap3A_75, %swap3A_76] {strides = array<i32>} : memref<80x128xf32, #tpu.memory_space<vmem>>, vector<1x16xf32>,
      %swap3A_78 = vector.shape_cast %swap3A_77 : vector<1x16xf32> to vector<16xf32>
      %swap3A_79 = vector.shape_cast %broadcast_in_dim3A_1 : vector<16xf32> to vector<1x16xf32>
      tpu.vector_store %arg14[%swap3A_75, %swap3A_76], %swap3A_79 {strides = array<i32>} : memref<80x128xf32, #tpu.memory_space<vmem>>, vector<1x16xf32>,
      %swap3A_80 = arith.index_cast %scan3A_74 : i32 to index
      %swap3A_81 = arith.constant 16 : index
      %swap3A_82 = tpu.vector_load %arg14[%swap3A_80, %swap3A_81] {strides = array<i32>} : memref<80x128xf32, #tpu.memory_space<vmem>>, vector<1x16xf32>,
      %swap3A_83 = vector.shape_cast %swap3A_82 : vector<1x16xf32> to vector<16xf32>
      %swap3A_84 = vector.shape_cast %broadcast_in_dim3A_1 : vector<16xf32> to vector<1x16xf32>
      tpu.vector_store %arg14[%swap3A_80, %swap3A_81], %swap3A_84 {strides = array<i32>} : memref<80x128xf32, #tpu.memory_space<vmem>>, vector<1x16xf32>,
      %swap3A_85 = arith.index_cast %scan3A_74 : i32 to index
      %swap3A_86 = arith.constant 32 : index
      %swap3A_87 = tpu.vector_load %arg14[%swap3A_85, %swap3A_86] {strides = array<i32>} : memref<80x128xf32, #tpu.memory_space<vmem>>, vector<1x16xf32>,
      %swap3A_88 = vector.shape_cast %swap3A_87 : vector<1x16xf32> to vector<16xf32>
      %swap3A_89 = vector.shape_cast %broadcast_in_dim3A_1 : vector<16xf32> to vector<1x16xf32>
      tpu.vector_store %arg14[%swap3A_85, %swap3A_86], %swap3A_89 {strides = array<i32>} : memref<80x128xf32, #tpu.memory_space<vmem>>, vector<1x16xf32>,
      %swap3A_90 = arith.index_cast %scan3A_74 : i32 to index
      %swap3A_91 = arith.constant 48 : index
      %swap3A_92 = tpu.vector_load %arg14[%swap3A_90, %swap3A_91] {strides = array<i32>} : memref<80x128xf32, #tpu.memory_space<vmem>>, vector<1x16xf32>,
      %swap3A_93 = vector.shape_cast %swap3A_92 : vector<1x16xf32> to vector<16xf32>
      %swap3A_94 = vector.shape_cast %broadcast_in_dim3A_1 : vector<16xf32> to vector<1x16xf32>
      tpu.vector_store %arg14[%swap3A_90, %swap3A_91], %swap3A_94 {strides = array<i32>} : memref<80x128xf32, #tpu.memory_space<vmem>>, vector<1x16xf32>,
      %swap3A_95 = arith.index_cast %scan3A_74 : i32 to index
      %swap3A_96 = arith.constant 64 : index
      %swap3A_97 = tpu.vector_load %arg14[%swap3A_95, %swap3A_96] {strides = array<i32>} : memref<80x128xf32, #tpu.memory_space<vmem>>, vector<1x16xf32>,
      %swap3A_98 = vector.shape_cast %swap3A_97 : vector<1x16xf32> to vector<16xf32>
      %swap3A_99 = vector.shape_cast %broadcast_in_dim3A_1 : vector<16xf32> to vector<1x16xf32>
      tpu.vector_store %arg14[%swap3A_95, %swap3A_96], %swap3A_99 {strides = array<i32>} : memref<80x128xf32, #tpu.memory_space<vmem>>, vector<1x16xf32>,
      %swap3A_100 = arith.index_cast %scan3A_74 : i32 to index
      %swap3A_101 = arith.constant 80 : index
      %swap3A_102 = tpu.vector_load %arg14[%swap3A_100, %swap3A_101] {strides = array<i32>} : memref<80x128xf32, #tpu.memory_space<vmem>>, vector<1x16xf32>,
      %swap3A_103 = vector.shape_cast %swap3A_102 : vector<1x16xf32> to vector<16xf32>
      %swap3A_104 = vector.shape_cast %broadcast_in_dim3A_1 : vector<16xf32> to vector<1x16xf32>
      tpu.vector_store %arg14[%swap3A_100, %swap3A_101], %swap3A_104 {strides = array<i32>} : memref<80x128xf32, #tpu.memory_space<vmem>>, vector<1x16xf32>,
      %swap3A_105 = arith.index_cast %scan3A_74 : i32 to index
      %swap3A_106 = arith.constant 96 : index
      %swap3A_107 = tpu.vector_load %arg14[%swap3A_105, %swap3A_106] {strides = array<i32>} : memref<80x128xf32, #tpu.memory_space<vmem>>, vector<1x16xf32>,
      %swap3A_108 = vector.shape_cast %swap3A_107 : vector<1x16xf32> to vector<16xf32>
      %swap3A_109 = vector.shape_cast %broadcast_in_dim3A_1 : vector<16xf32> to vector<1x16xf32>
      tpu.vector_store %arg14[%swap3A_105, %swap3A_106], %swap3A_109 {strides = array<i32>} : memref<80x128xf32, #tpu.memory_space<vmem>>, vector<1x16xf32>,
      %swap3A_110 = arith.index_cast %scan3A_74 : i32 to index
      %swap3A_111 = arith.constant 112 : index
      %swap3A_112 = tpu.vector_load %arg14[%swap3A_110, %swap3A_111] {strides = array<i32>} : memref<80x128xf32, #tpu.memory_space<vmem>>, vector<1x16xf32>,
      %swap3A_113 = vector.shape_cast %swap3A_112 : vector<1x16xf32> to vector<16xf32>
      %swap3A_114 = vector.shape_cast %broadcast_in_dim3A_1 : vector<16xf32> to vector<1x16xf32>
      tpu.vector_store %arg14[%swap3A_110, %swap3A_111], %swap3A_114 {strides = array<i32>} : memref<80x128xf32, #tpu.memory_space<vmem>>, vector<1x16xf32>,
      %scan3A_115 = arith.constant 1 : i32
      %scan3A_116 = arith.addi %scan3A_74, %scan3A_115 : i32
      %swap3A_117 = arith.index_cast %scan3A_116 : i32 to index
      %swap3A_118 = arith.constant 0 : index
      %swap3A_119 = tpu.vector_load %arg14[%swap3A_117, %swap3A_118] {strides = array<i32>} : memref<80x128xf32, #tpu.memory_space<vmem>>, vector<1x16xf32>,
      %swap3A_120 = vector.shape_cast %swap3A_119 : vector<1x16xf32> to vector<16xf32>
      %swap3A_121 = vector.shape_cast %broadcast_in_dim3A_1 : vector<16xf32> to vector<1x16xf32>
      tpu.vector_store %arg14[%swap3A_117, %swap3A_118], %swap3A_121 {strides = array<i32>} : memref<80x128xf32, #tpu.memory_space<vmem>>, vector<1x16xf32>,
      %swap3A_122 = arith.index_cast %scan3A_116 : i32 to index
      %swap3A_123 = arith.constant 16 : index
      %swap3A_124 = tpu.vector_load %arg14[%swap3A_122, %swap3A_123] {strides = array<i32>} : memref<80x128xf32, #tpu.memory_space<vmem>>, vector<1x16xf32>,
      %swap3A_125 = vector.shape_cast %swap3A_124 : vector<1x16xf32> to vector<16xf32>
      %swap3A_126 = vector.shape_cast %broadcast_in_dim3A_1 : vector<16xf32> to vector<1x16xf32>
      tpu.vector_store %arg14[%swap3A_122, %swap3A_123], %swap3A_126 {strides = array<i32>} : memref<80x128xf32, #tpu.memory_space<vmem>>, vector<1x16xf32>,
      %swap3A_127 = arith.index_cast %scan3A_116 : i32 to index
      %swap3A_128 = arith.constant 32 : index
      %swap3A_129 = tpu.vector_load %arg14[%swap3A_127, %swap3A_128] {strides = array<i32>} : memref<80x128xf32, #tpu.memory_space<vmem>>, vector<1x16xf32>,
      %swap3A_130 = vector.shape_cast %swap3A_129 : vector<1x16xf32> to vector<16xf32>
      %swap3A_131 = vector.shape_cast %broadcast_in_dim3A_1 : vector<16xf32> to vector<1x16xf32>
      tpu.vector_store %arg14[%swap3A_127, %swap3A_128], %swap3A_131 {strides = array<i32>} : memref<80x128xf32, #tpu.memory_space<vmem>>, vector<1x16xf32>,
      %swap3A_132 = arith.index_cast %scan3A_116 : i32 to index
      %swap3A_133 = arith.constant 48 : index
      %swap3A_134 = tpu.vector_load %arg14[%swap3A_132, %swap3A_133] {strides = array<i32>} : memref<80x128xf32, #tpu.memory_space<vmem>>, vector<1x16xf32>,
      %swap3A_135 = vector.shape_cast %swap3A_134 : vector<1x16xf32> to vector<16xf32>
      %swap3A_136 = vector.shape_cast %broadcast_in_dim3A_1 : vector<16xf32> to vector<1x16xf32>
      tpu.vector_store %arg14[%swap3A_132, %swap3A_133], %swap3A_136 {strides = array<i32>} : memref<80x128xf32, #tpu.memory_space<vmem>>, vector<1x16xf32>,
      %swap3A_137 = arith.index_cast %scan3A_116 : i32 to index
      %swap3A_138 = arith.constant 64 : index
      %swap3A_139 = tpu.vector_load %arg14[%swap3A_137, %swap3A_138] {strides = array<i32>} : memref<80x128xf32, #tpu.memory_space<vmem>>, vector<1x16xf32>,
      %swap3A_140 = vector.shape_cast %swap3A_139 : vector<1x16xf32> to vector<16xf32>
      %swap3A_141 = vector.shape_cast %broadcast_in_dim3A_1 : vector<16xf32> to vector<1x16xf32>
      tpu.vector_store %arg14[%swap3A_137, %swap3A_138], %swap3A_141 {strides = array<i32>} : memref<80x128xf32, #tpu.memory_space<vmem>>, vector<1x16xf32>,
      %swap3A_142 = arith.index_cast %scan3A_116 : i32 to index
      %swap3A_143 = arith.constant 80 : index
      %swap3A_144 = tpu.vector_load %arg14[%swap3A_142, %swap3A_143] {strides = array<i32>} : memref<80x128xf32, #tpu.memory_space<vmem>>, vector<1x16xf32>,
      %swap3A_145 = vector.shape_cast %swap3A_144 : vector<1x16xf32> to vector<16xf32>
      %swap3A_146 = vector.shape_cast %broadcast_in_dim3A_1 : vector<16xf32> to vector<1x16xf32>
      tpu.vector_store %arg14[%swap3A_142, %swap3A_143], %swap3A_146 {strides = array<i32>} : memref<80x128xf32, #tpu.memory_space<vmem>>, vector<1x16xf32>,
      %swap3A_147 = arith.index_cast %scan3A_116 : i32 to index
      %swap3A_148 = arith.constant 96 : index
      %swap3A_149 = tpu.vector_load %arg14[%swap3A_147, %swap3A_148] {strides = array<i32>} : memref<80x128xf32, #tpu.memory_space<vmem>>, vector<1x16xf32>,
      %swap3A_150 = vector.shape_cast %swap3A_149 : vector<1x16xf32> to vector<16xf32>
      %swap3A_151 = vector.shape_cast %broadcast_in_dim3A_1 : vector<16xf32> to vector<1x16xf32>
      tpu.vector_store %arg14[%swap3A_147, %swap3A_148], %swap3A_151 {strides = array<i32>} : memref<80x128xf32, #tpu.memory_space<vmem>>, vector<1x16xf32>,
      %swap3A_152 = arith.index_cast %scan3A_116 : i32 to index
      %swap3A_153 = arith.constant 112 : index
      %swap3A_154 = tpu.vector_load %arg14[%swap3A_152, %swap3A_153] {strides = array<i32>} : memref<80x128xf32, #tpu.memory_space<vmem>>, vector<1x16xf32>,
      %swap3A_155 = vector.shape_cast %swap3A_154 : vector<1x16xf32> to vector<16xf32>
      %swap3A_156 = vector.shape_cast %broadcast_in_dim3A_1 : vector<16xf32> to vector<1x16xf32>
      tpu.vector_store %arg14[%swap3A_152, %swap3A_153], %swap3A_156 {strides = array<i32>} : memref<80x128xf32, #tpu.memory_space<vmem>>, vector<1x16xf32>,
      %scan3A_157 = arith.constant 2 : i32
      %scan3A_158 = arith.addi %scan3A_74, %scan3A_157 : i32
      %swap3A_159 = arith.index_cast %scan3A_158 : i32 to index
      %swap3A_160 = arith.constant 0 : index
      %swap3A_161 = tpu.vector_load %arg14[%swap3A_159, %swap3A_160] {strides = array<i32>} : memref<80x128xf32, #tpu.memory_space<vmem>>, vector<1x16xf32>,
      %swap3A_162 = vector.shape_cast %swap3A_161 : vector<1x16xf32> to vector<16xf32>
      %swap3A_163 = vector.shape_cast %broadcast_in_dim3A_1 : vector<16xf32> to vector<1x16xf32>
      tpu.vector_store %arg14[%swap3A_159, %swap3A_160], %swap3A_163 {strides = array<i32>} : memref<80x128xf32, #tpu.memory_space<vmem>>, vector<1x16xf32>,
      %swap3A_164 = arith.index_cast %scan3A_158 : i32 to index
      %swap3A_165 = arith.constant 16 : index
      %swap3A_166 = tpu.vector_load %arg14[%swap3A_164, %swap3A_165] {strides = array<i32>} : memref<80x128xf32, #tpu.memory_space<vmem>>, vector<1x16xf32>,
      %swap3A_167 = vector.shape_cast %swap3A_166 : vector<1x16xf32> to vector<16xf32>
      %swap3A_168 = vector.shape_cast %broadcast_in_dim3A_1 : vector<16xf32> to vector<1x16xf32>
      tpu.vector_store %arg14[%swap3A_164, %swap3A_165], %swap3A_168 {strides = array<i32>} : memref<80x128xf32, #tpu.memory_space<vmem>>, vector<1x16xf32>,
      %swap3A_169 = arith.index_cast %scan3A_158 : i32 to index
      %swap3A_170 = arith.constant 32 : index
      %swap3A_171 = tpu.vector_load %arg14[%swap3A_169, %swap3A_170] {strides = array<i32>} : memref<80x128xf32, #tpu.memory_space<vmem>>, vector<1x16xf32>,
      %swap3A_172 = vector.shape_cast %swap3A_171 : vector<1x16xf32> to vector<16xf32>
      %swap3A_173 = vector.shape_cast %broadcast_in_dim3A_1 : vector<16xf32> to vector<1x16xf32>
      tpu.vector_store %arg14[%swap3A_169, %swap3A_170], %swap3A_173 {strides = array<i32>} : memref<80x128xf32, #tpu.memory_space<vmem>>, vector<1x16xf32>,
      %swap3A_174 = arith.index_cast %scan3A_158 : i32 to index
      %swap3A_175 = arith.constant 48 : index
      %swap3A_176 = tpu.vector_load %arg14[%swap3A_174, %swap3A_175] {strides = array<i32>} : memref<80x128xf32, #tpu.memory_space<vmem>>, vector<1x16xf32>,
      %swap3A_177 = vector.shape_cast %swap3A_176 : vector<1x16xf32> to vector<16xf32>
      %swap3A_178 = vector.shape_cast %broadcast_in_dim3A_1 : vector<16xf32> to vector<1x16xf32>
      tpu.vector_store %arg14[%swap3A_174, %swap3A_175], %swap3A_178 {strides = array<i32>} : memref<80x128xf32, #tpu.memory_space<vmem>>, vector<1x16xf32>,
      %swap3A_179 = arith.index_cast %scan3A_158 : i32 to index
      %swap3A_180 = arith.constant 64 : index
      %swap3A_181 = tpu.vector_load %arg14[%swap3A_179, %swap3A_180] {strides = array<i32>} : memref<80x128xf32, #tpu.memory_space<vmem>>, vector<1x16xf32>,
      %swap3A_182 = vector.shape_cast %swap3A_181 : vector<1x16xf32> to vector<16xf32>
      %swap3A_183 = vector.shape_cast %broadcast_in_dim3A_1 : vector<16xf32> to vector<1x16xf32>
      tpu.vector_store %arg14[%swap3A_179, %swap3A_180], %swap3A_183 {strides = array<i32>} : memref<80x128xf32, #tpu.memory_space<vmem>>, vector<1x16xf32>,
      %swap3A_184 = arith.index_cast %scan3A_158 : i32 to index
      %swap3A_185 = arith.constant 80 : index
      %swap3A_186 = tpu.vector_load %arg14[%swap3A_184, %swap3A_185] {strides = array<i32>} : memref<80x128xf32, #tpu.memory_space<vmem>>, vector<1x16xf32>,
      %swap3A_187 = vector.shape_cast %swap3A_186 : vector<1x16xf32> to vector<16xf32>
      %swap3A_188 = vector.shape_cast %broadcast_in_dim3A_1 : vector<16xf32> to vector<1x16xf32>
      tpu.vector_store %arg14[%swap3A_184, %swap3A_185], %swap3A_188 {strides = array<i32>} : memref<80x128xf32, #tpu.memory_space<vmem>>, vector<1x16xf32>,
      %swap3A_189 = arith.index_cast %scan3A_158 : i32 to index
      %swap3A_190 = arith.constant 96 : index
      %swap3A_191 = tpu.vector_load %arg14[%swap3A_189, %swap3A_190] {strides = array<i32>} : memref<80x128xf32, #tpu.memory_space<vmem>>, vector<1x16xf32>,
      %swap3A_192 = vector.shape_cast %swap3A_191 : vector<1x16xf32> to vector<16xf32>
      %swap3A_193 = vector.shape_cast %broadcast_in_dim3A_1 : vector<16xf32> to vector<1x16xf32>
      tpu.vector_store %arg14[%swap3A_189, %swap3A_190], %swap3A_193 {strides = array<i32>} : memref<80x128xf32, #tpu.memory_space<vmem>>, vector<1x16xf32>,
      %swap3A_194 = arith.index_cast %scan3A_158 : i32 to index
      %swap3A_195 = arith.constant 112 : index
      %swap3A_196 = tpu.vector_load %arg14[%swap3A_194, %swap3A_195] {strides = array<i32>} : memref<80x128xf32, #tpu.memory_space<vmem>>, vector<1x16xf32>,
      %swap3A_197 = vector.shape_cast %swap3A_196 : vector<1x16xf32> to vector<16xf32>
      %swap3A_198 = vector.shape_cast %broadcast_in_dim3A_1 : vector<16xf32> to vector<1x16xf32>
      tpu.vector_store %arg14[%swap3A_194, %swap3A_195], %swap3A_198 {strides = array<i32>} : memref<80x128xf32, #tpu.memory_space<vmem>>, vector<1x16xf32>,
      %scan3A_199 = arith.constant 3 : i32
      %scan3A_200 = arith.addi %scan3A_74, %scan3A_199 : i32
      %swap3A_201 = arith.index_cast %scan3A_200 : i32 to index
      %swap3A_202 = arith.constant 0 : index
      %swap3A_203 = tpu.vector_load %arg14[%swap3A_201, %swap3A_202] {strides = array<i32>} : memref<80x128xf32, #tpu.memory_space<vmem>>, vector<1x16xf32>,
      %swap3A_204 = vector.shape_cast %swap3A_203 : vector<1x16xf32> to vector<16xf32>
      %swap3A_205 = vector.shape_cast %broadcast_in_dim3A_1 : vector<16xf32> to vector<1x16xf32>
      tpu.vector_store %arg14[%swap3A_201, %swap3A_202], %swap3A_205 {strides = array<i32>} : memref<80x128xf32, #tpu.memory_space<vmem>>, vector<1x16xf32>,
      %swap3A_206 = arith.index_cast %scan3A_200 : i32 to index
      %swap3A_207 = arith.constant 16 : index
      %swap3A_208 = tpu.vector_load %arg14[%swap3A_206, %swap3A_207] {strides = array<i32>} : memref<80x128xf32, #tpu.memory_space<vmem>>, vector<1x16xf32>,
      %swap3A_209 = vector.shape_cast %swap3A_208 : vector<1x16xf32> to vector<16xf32>
      %swap3A_210 = vector.shape_cast %broadcast_in_dim3A_1 : vector<16xf32> to vector<1x16xf32>
      tpu.vector_store %arg14[%swap3A_206, %swap3A_207], %swap3A_210 {strides = array<i32>} : memref<80x128xf32, #tpu.memory_space<vmem>>, vector<1x16xf32>,
      %swap3A_211 = arith.index_cast %scan3A_200 : i32 to index
      %swap3A_212 = arith.constant 32 : index
      %swap3A_213 = tpu.vector_load %arg14[%swap3A_211, %swap3A_212] {strides = array<i32>} : memref<80x128xf32, #tpu.memory_space<vmem>>, vector<1x16xf32>,
      %swap3A_214 = vector.shape_cast %swap3A_213 : vector<1x16xf32> to vector<16xf32>
      %swap3A_215 = vector.shape_cast %broadcast_in_dim3A_1 : vector<16xf32> to vector<1x16xf32>
      tpu.vector_store %arg14[%swap3A_211, %swap3A_212], %swap3A_215 {strides = array<i32>} : memref<80x128xf32, #tpu.memory_space<vmem>>, vector<1x16xf32>,
      %swap3A_216 = arith.index_cast %scan3A_200 : i32 to index
      %swap3A_217 = arith.constant 48 : index
      %swap3A_218 = tpu.vector_load %arg14[%swap3A_216, %swap3A_217] {strides = array<i32>} : memref<80x128xf32, #tpu.memory_space<vmem>>, vector<1x16xf32>,
      %swap3A_219 = vector.shape_cast %swap3A_218 : vector<1x16xf32> to vector<16xf32>
      %swap3A_220 = vector.shape_cast %broadcast_in_dim3A_1 : vector<16xf32> to vector<1x16xf32>
      tpu.vector_store %arg14[%swap3A_216, %swap3A_217], %swap3A_220 {strides = array<i32>} : memref<80x128xf32, #tpu.memory_space<vmem>>, vector<1x16xf32>,
      %swap3A_221 = arith.index_cast %scan3A_200 : i32 to index
      %swap3A_222 = arith.constant 64 : index
      %swap3A_223 = tpu.vector_load %arg14[%swap3A_221, %swap3A_222] {strides = array<i32>} : memref<80x128xf32, #tpu.memory_space<vmem>>, vector<1x16xf32>,
      %swap3A_224 = vector.shape_cast %swap3A_223 : vector<1x16xf32> to vector<16xf32>
      %swap3A_225 = vector.shape_cast %broadcast_in_dim3A_1 : vector<16xf32> to vector<1x16xf32>
      tpu.vector_store %arg14[%swap3A_221, %swap3A_222], %swap3A_225 {strides = array<i32>} : memref<80x128xf32, #tpu.memory_space<vmem>>, vector<1x16xf32>,
      %swap3A_226 = arith.index_cast %scan3A_200 : i32 to index
      %swap3A_227 = arith.constant 80 : index
      %swap3A_228 = tpu.vector_load %arg14[%swap3A_226, %swap3A_227] {strides = array<i32>} : memref<80x128xf32, #tpu.memory_space<vmem>>, vector<1x16xf32>,
      %swap3A_229 = vector.shape_cast %swap3A_228 : vector<1x16xf32> to vector<16xf32>
      %swap3A_230 = vector.shape_cast %broadcast_in_dim3A_1 : vector<16xf32> to vector<1x16xf32>
      tpu.vector_store %arg14[%swap3A_226, %swap3A_227], %swap3A_230 {strides = array<i32>} : memref<80x128xf32, #tpu.memory_space<vmem>>, vector<1x16xf32>,
      %swap3A_231 = arith.index_cast %scan3A_200 : i32 to index
      %swap3A_232 = arith.constant 96 : index
      %swap3A_233 = tpu.vector_load %arg14[%swap3A_231, %swap3A_232] {strides = array<i32>} : memref<80x128xf32, #tpu.memory_space<vmem>>, vector<1x16xf32>,
      %swap3A_234 = vector.shape_cast %swap3A_233 : vector<1x16xf32> to vector<16xf32>
      %swap3A_235 = vector.shape_cast %broadcast_in_dim3A_1 : vector<16xf32> to vector<1x16xf32>
      tpu.vector_store %arg14[%swap3A_231, %swap3A_232], %swap3A_235 {strides = array<i32>} : memref<80x128xf32, #tpu.memory_space<vmem>>, vector<1x16xf32>,
      %swap3A_236 = arith.index_cast %scan3A_200 : i32 to index
      %swap3A_237 = arith.constant 112 : index
      %swap3A_238 = tpu.vector_load %arg14[%swap3A_236, %swap3A_237] {strides = array<i32>} : memref<80x128xf32, #tpu.memory_space<vmem>>, vector<1x16xf32>,
      %swap3A_239 = vector.shape_cast %swap3A_238 : vector<1x16xf32> to vector<16xf32>
      %swap3A_240 = vector.shape_cast %broadcast_in_dim3A_1 : vector<16xf32> to vector<1x16xf32>
      tpu.vector_store %arg14[%swap3A_236, %swap3A_237], %swap3A_240 {strides = array<i32>} : memref<80x128xf32, #tpu.memory_space<vmem>>, vector<1x16xf32>,
    }
    %scan3A_8 = arith.constant 80 : i32
    %scan3A_9 = arith.constant 0 : i32
    %scan3A_10 = arith.constant 0 : i32
    %scan3A_11 = arith.constant 8 : i32
    %scan3A_12 = arith.addi %scan3A_10, %scan3A_11 : i32
    %scan3A_13 = arith.constant 1 : i32
    scf.for %scan3A_74 = %scan3A_10 to %scan3A_12 step %scan3A_13  : i32 {
      %mul3A_75 = arith.constant 80 : i32
      %mul3A_76 = arith.muli %scan3A_74, %mul3A_75 : i32
      %add3A_77 = arith.addi %mul3A_3, %mul3A_76 : i32
      %multiple_of3A = tpu.assume_multiple %add3A_77, 8 : i32
      "tpu.region"() ({
        %run_scoped3A = tpu.sem_alloc : memref<!tpu.dma_semaphore, #tpu.memory_space<semaphore_mem>>
        %dma_start3A = arith.constant 0 : i32
        %dma_start3A_78 = tpu.memref_slice %arg8[%multiple_of3A, %dma_start3A] : memref<10240x128xf32, #tpu.memory_space<vmem_shared>> -> memref<80x128xf32, #tpu.memory_space<vmem_shared>>
        %dma_start3A_79 = arith.constant 0 : i32
        %dma_start3A_80 = tpu.memref_slice %arg8[%multiple_of3A, %dma_start3A_79] : memref<10240x128xf32, #tpu.memory_space<vmem_shared>> -> memref<80x128xf32, #tpu.memory_space<vmem_shared>>
        tpu.enqueue_dma source(%arg14 : memref<80x128xf32, #tpu.memory_space<vmem>>) target(%dma_start3A_80 : memref<80x128xf32, #tpu.memory_space<vmem_shared>>) target_semaphore(%run_scoped3A : memref<!tpu.dma_semaphore, #tpu.memory_space<semaphore_mem>>)
        %dma_wait3A = arith.constant 0 : i32
        %dma_wait3A_81 = tpu.memref_slice %arg8[%multiple_of3A, %dma_wait3A] : memref<10240x128xf32, #tpu.memory_space<vmem_shared>> -> memref<80x128xf32, #tpu.memory_space<vmem_shared>>
        %dma_wait3A_82 = arith.constant 0 : i32
        %dma_wait3A_83 = tpu.memref_slice %arg8[%multiple_of3A, %dma_wait3A_82] : memref<10240x128xf32, #tpu.memory_space<vmem_shared>> -> memref<80x128xf32, #tpu.memory_space<vmem_shared>>
        tpu.wait_dma2 semaphore(%run_scoped3A : memref<!tpu.dma_semaphore, #tpu.memory_space<semaphore_mem>>) src(%arg14 : memref<80x128xf32, #tpu.memory_space<vmem>>) dst(%dma_wait3A_83 : memref<80x128xf32, #tpu.memory_space<vmem_shared>>)
        tpu.yield
      }) : () -> ()
    }
    %scan3A_14 = arith.constant 8 : i32
    %swap3A = arith.constant 0 : index
    %swap3A_15 = tpu.vector_load %arg19[%swap3A] {strides = array<i32>} : memref<80xf32, #tpu.memory_space<vmem>>, vector<16xf32>,
    %swap3A_16 = vector.shape_cast %swap3A_15 : vector<16xf32> to vector<16xf32>
    %swap3A_17 = vector.shape_cast %broadcast_in_dim3A_1 : vector<16xf32> to vector<16xf32>
    tpu.vector_store %arg19[%swap3A], %swap3A_17 {strides = array<i32>} : memref<80xf32, #tpu.memory_space<vmem>>, vector<16xf32>,
    %swap3A_18 = arith.constant 16 : index
    %swap3A_19 = tpu.vector_load %arg19[%swap3A_18] {strides = array<i32>} : memref<80xf32, #tpu.memory_space<vmem>>, vector<16xf32>,
    %swap3A_20 = vector.shape_cast %swap3A_19 : vector<16xf32> to vector<16xf32>
    %swap3A_21 = vector.shape_cast %broadcast_in_dim3A_1 : vector<16xf32> to vector<16xf32>
    tpu.vector_store %arg19[%swap3A_18], %swap3A_21 {strides = array<i32>} : memref<80xf32, #tpu.memory_space<vmem>>, vector<16xf32>,
    %swap3A_22 = arith.constant 32 : index
    %swap3A_23 = tpu.vector_load %arg19[%swap3A_22] {strides = array<i32>} : memref<80xf32, #tpu.memory_space<vmem>>, vector<16xf32>,
    %swap3A_24 = vector.shape_cast %swap3A_23 : vector<16xf32> to vector<16xf32>
    %swap3A_25 = vector.shape_cast %broadcast_in_dim3A_1 : vector<16xf32> to vector<16xf32>
    tpu.vector_store %arg19[%swap3A_22], %swap3A_25 {strides = array<i32>} : memref<80xf32, #tpu.memory_space<vmem>>, vector<16xf32>,
    %swap3A_26 = arith.constant 48 : index
    %swap3A_27 = tpu.vector_load %arg19[%swap3A_26] {strides = array<i32>} : memref<80xf32, #tpu.memory_space<vmem>>, vector<16xf32>,
    %swap3A_28 = vector.shape_cast %swap3A_27 : vector<16xf32> to vector<16xf32>
    %swap3A_29 = vector.shape_cast %broadcast_in_dim3A_1 : vector<16xf32> to vector<16xf32>
    tpu.vector_store %arg19[%swap3A_26], %swap3A_29 {strides = array<i32>} : memref<80xf32, #tpu.memory_space<vmem>>, vector<16xf32>,
    %swap3A_30 = arith.constant 64 : index
    %swap3A_31 = tpu.vector_load %arg19[%swap3A_30] {strides = array<i32>} : memref<80xf32, #tpu.memory_space<vmem>>, vector<16xf32>,
    %swap3A_32 = vector.shape_cast %swap3A_31 : vector<16xf32> to vector<16xf32>
    %swap3A_33 = vector.shape_cast %broadcast_in_dim3A_1 : vector<16xf32> to vector<16xf32>
    tpu.vector_store %arg19[%swap3A_30], %swap3A_33 {strides = array<i32>} : memref<80xf32, #tpu.memory_space<vmem>>, vector<16xf32>,
    %scan3A_34 = arith.constant 0 : i32
    %scan3A_35 = arith.constant 0 : i32
    %scan3A_36 = arith.constant 8 : i32
    %scan3A_37 = arith.addi %scan3A_35, %scan3A_36 : i32
    %scan3A_38 = arith.constant 1 : i32
    scf.for %scan3A_74 = %scan3A_35 to %scan3A_37 step %scan3A_38  : i32 {
      %mul3A_75 = arith.constant 80 : i32
      %mul3A_76 = arith.muli %scan3A_74, %mul3A_75 : i32
      %add3A_77 = arith.addi %mul3A_3, %mul3A_76 : i32
      %multiple_of3A = tpu.assume_multiple %add3A_77, 8 : i32
      "tpu.region"() ({
        %run_scoped3A = tpu.sem_alloc : memref<!tpu.dma_semaphore, #tpu.memory_space<semaphore_mem>>
        %dma_start3A = tpu.memref_slice %arg18[%multiple_of3A] : memref<10240xf32, #tpu.memory_space<vmem_shared>> -> memref<80xf32, #tpu.memory_space<vmem_shared>>
        %dma_start3A_78 = tpu.memref_slice %arg18[%multiple_of3A] : memref<10240xf32, #tpu.memory_space<vmem_shared>> -> memref<80xf32, #tpu.memory_space<vmem_shared>>
        tpu.enqueue_dma source(%arg19 : memref<80xf32, #tpu.memory_space<vmem>>) target(%dma_start3A_78 : memref<80xf32, #tpu.memory_space<vmem_shared>>) target_semaphore(%run_scoped3A : memref<!tpu.dma_semaphore, #tpu.memory_space<semaphore_mem>>)
        %dma_wait3A = tpu.memref_slice %arg18[%multiple_of3A] : memref<10240xf32, #tpu.memory_space<vmem_shared>> -> memref<80xf32, #tpu.memory_space<vmem_shared>>
        %dma_wait3A_79 = tpu.memref_slice %arg18[%multiple_of3A] : memref<10240xf32, #tpu.memory_space<vmem_shared>> -> memref<80xf32, #tpu.memory_space<vmem_shared>>
        tpu.wait_dma2 semaphore(%run_scoped3A : memref<!tpu.dma_semaphore, #tpu.memory_space<semaphore_mem>>) src(%arg19 : memref<80xf32, #tpu.memory_space<vmem>>) dst(%dma_wait3A_79 : memref<80xf32, #tpu.memory_space<vmem_shared>>)
        tpu.yield
      }) : () -> ()
    }
    %scan3A_39 = arith.constant 8 : i32
    %broadcast_in_dim3A_40 = arith.constant 1.000000e+00 : f32
    %broadcast_in_dim3A_41 = vector.broadcast %broadcast_in_dim3A_40 : f32 to vector<16xf32>
    %swap3A_42 = arith.constant 0 : index
    %swap3A_43 = tpu.vector_load %arg20[%swap3A_42] {strides = array<i32>} : memref<80xf32, #tpu.memory_space<vmem>>, vector<16xf32>,
    %swap3A_44 = vector.shape_cast %swap3A_43 : vector<16xf32> to vector<16xf32>
    %swap3A_45 = vector.shape_cast %broadcast_in_dim3A_41 : vector<16xf32> to vector<16xf32>
    tpu.vector_store %arg20[%swap3A_42], %swap3A_45 {strides = array<i32>} : memref<80xf32, #tpu.memory_space<vmem>>, vector<16xf32>,
    %swap3A_46 = arith.constant 16 : index
    %swap3A_47 = tpu.vector_load %arg20[%swap3A_46] {strides = array<i32>} : memref<80xf32, #tpu.memory_space<vmem>>, vector<16xf32>,
    %swap3A_48 = vector.shape_cast %swap3A_47 : vector<16xf32> to vector<16xf32>
    %swap3A_49 = vector.shape_cast %broadcast_in_dim3A_41 : vector<16xf32> to vector<16xf32>
    tpu.vector_store %arg20[%swap3A_46], %swap3A_49 {strides = array<i32>} : memref<80xf32, #tpu.memory_space<vmem>>, vector<16xf32>,
    %swap3A_50 = arith.constant 32 : index
    %swap3A_51 = tpu.vector_load %arg20[%swap3A_50] {strides = array<i32>} : memref<80xf32, #tpu.memory_space<vmem>>, vector<16xf32>,
    %swap3A_52 = vector.shape_cast %swap3A_51 : vector<16xf32> to vector<16xf32>
    %swap3A_53 = vector.shape_cast %broadcast_in_dim3A_41 : vector<16xf32> to vector<16xf32>
    tpu.vector_store %arg20[%swap3A_50], %swap3A_53 {strides = array<i32>} : memref<80xf32, #tpu.memory_space<vmem>>, vector<16xf32>,
    %swap3A_54 = arith.constant 48 : index
    %swap3A_55 = tpu.vector_load %arg20[%swap3A_54] {strides = array<i32>} : memref<80xf32, #tpu.memory_space<vmem>>, vector<16xf32>,
    %swap3A_56 = vector.shape_cast %swap3A_55 : vector<16xf32> to vector<16xf32>
    %swap3A_57 = vector.shape_cast %broadcast_in_dim3A_41 : vector<16xf32> to vector<16xf32>
    tpu.vector_store %arg20[%swap3A_54], %swap3A_57 {strides = array<i32>} : memref<80xf32, #tpu.memory_space<vmem>>, vector<16xf32>,
    %swap3A_58 = arith.constant 64 : index
    %swap3A_59 = tpu.vector_load %arg20[%swap3A_58] {strides = array<i32>} : memref<80xf32, #tpu.memory_space<vmem>>, vector<16xf32>,
    %swap3A_60 = vector.shape_cast %swap3A_59 : vector<16xf32> to vector<16xf32>
    %swap3A_61 = vector.shape_cast %broadcast_in_dim3A_41 : vector<16xf32> to vector<16xf32>
    tpu.vector_store %arg20[%swap3A_58], %swap3A_61 {strides = array<i32>} : memref<80xf32, #tpu.memory_space<vmem>>, vector<16xf32>,
    %barrier3A = arith.constant 0 : index
    tpu.barrier barrier_id(%barrier3A)
    %mul3A_62 = arith.constant 10000 : i32
    %mul3A_63 = arith.muli %add3A, %mul3A_62 : i32
    %scan3A_64 = arith.constant 0 : i32
    %scan3A_65 = arith.constant 0 : i32
    %scan3A_66 = arith.constant 125 : i32
    %scan3A_67 = arith.addi %scan3A_65, %scan3A_66 : i32
    %scan3A_68 = arith.constant 1 : i32
    scf.for %scan3A_74 = %scan3A_65 to %scan3A_67 step %scan3A_68  : i32 {
      %mul3A_75 = arith.constant 80 : i32
      %mul3A_76 = arith.muli %scan3A_74, %mul3A_75 : i32
      %add3A_77 = arith.addi %mul3A_63, %mul3A_76 : i32
      %multiple_of3A = tpu.assume_multiple %add3A_77, 8 : i32
      "tpu.region"() ({
        %run_scoped3A = tpu.sem_alloc : memref<!tpu.dma_semaphore, #tpu.memory_space<semaphore_mem>>
        %dma_start3A_102 = tpu.memref_slice %arg4[%multiple_of3A] : memref<320000xi32, #tpu.memory_space<hbm>> -> memref<80xi32, #tpu.memory_space<hbm>>
        %dma_start3A_103 = tpu.memref_slice %arg4[%multiple_of3A] : memref<320000xi32, #tpu.memory_space<hbm>> -> memref<80xi32, #tpu.memory_space<hbm>>
        tpu.enqueue_dma source(%dma_start3A_103 : memref<80xi32, #tpu.memory_space<hbm>>) target(%arg9 : memref<80xi32, #tpu.memory_space<vmem>>) target_semaphore(%run_scoped3A : memref<!tpu.dma_semaphore, #tpu.memory_space<semaphore_mem>>)
        %dma_wait3A_104 = tpu.memref_slice %arg4[%multiple_of3A] : memref<320000xi32, #tpu.memory_space<hbm>> -> memref<80xi32, #tpu.memory_space<hbm>>
        %dma_wait3A_105 = tpu.memref_slice %arg4[%multiple_of3A] : memref<320000xi32, #tpu.memory_space<hbm>> -> memref<80xi32, #tpu.memory_space<hbm>>
        tpu.wait_dma2 semaphore(%run_scoped3A : memref<!tpu.dma_semaphore, #tpu.memory_space<semaphore_mem>>) src(%dma_wait3A_105 : memref<80xi32, #tpu.memory_space<hbm>>) dst(%arg9 : memref<80xi32, #tpu.memory_space<vmem>>)
        tpu.yield
      }) : () -> ()
      "tpu.region"() ({
        %run_scoped3A = tpu.sem_alloc : memref<!tpu.dma_semaphore, #tpu.memory_space<semaphore_mem>>
        %dma_start3A_102 = tpu.memref_slice %arg5[%multiple_of3A] : memref<320000xi32, #tpu.memory_space<hbm>> -> memref<80xi32, #tpu.memory_space<hbm>>
        %dma_start3A_103 = tpu.memref_slice %arg5[%multiple_of3A] : memref<320000xi32, #tpu.memory_space<hbm>> -> memref<80xi32, #tpu.memory_space<hbm>>
        tpu.enqueue_dma source(%dma_start3A_103 : memref<80xi32, #tpu.memory_space<hbm>>) target(%arg10 : memref<80xi32, #tpu.memory_space<vmem>>) target_semaphore(%run_scoped3A : memref<!tpu.dma_semaphore, #tpu.memory_space<semaphore_mem>>)
        %dma_wait3A_104 = tpu.memref_slice %arg5[%multiple_of3A] : memref<320000xi32, #tpu.memory_space<hbm>> -> memref<80xi32, #tpu.memory_space<hbm>>
        %dma_wait3A_105 = tpu.memref_slice %arg5[%multiple_of3A] : memref<320000xi32, #tpu.memory_space<hbm>> -> memref<80xi32, #tpu.memory_space<hbm>>
        tpu.wait_dma2 semaphore(%run_scoped3A : memref<!tpu.dma_semaphore, #tpu.memory_space<semaphore_mem>>) src(%dma_wait3A_105 : memref<80xi32, #tpu.memory_space<hbm>>) dst(%arg10 : memref<80xi32, #tpu.memory_space<vmem>>)
        tpu.yield
      }) : () -> ()
      %dma_start3A = arith.constant 0 : i32
      %dma_start3A_78 = arith.constant 0 : i32
      %dma_start3A_79 = tpu.memref_slice %arg2[%dma_start3A, %dma_start3A_78] : memref<10240x128xf32, #tpu.memory_space<hbm>> -> memref<10240x128xf32, #tpu.memory_space<hbm>>
      tpu.enqueue_indirect_dma source(%dma_start3A_79 : memref<10240x128xf32, #tpu.memory_space<hbm>>) target(%arg11 : memref<80x128xf32, #tpu.memory_space<vmem>>) offsets(%arg9 : memref<80xi32, #tpu.memory_space<vmem>>) semaphore(%arg15 : memref<!tpu.dma_semaphore, #tpu.memory_space<semaphore_mem>>)
      %dma_start3A_80 = arith.constant 0 : i32
      %dma_start3A_81 = arith.constant 0 : i32
      %dma_start3A_82 = tpu.memref_slice %arg2[%dma_start3A_80, %dma_start3A_81] : memref<10240x128xf32, #tpu.memory_space<hbm>> -> memref<10240x128xf32, #tpu.memory_space<hbm>>
      tpu.enqueue_indirect_dma source(%dma_start3A_82 : memref<10240x128xf32, #tpu.memory_space<hbm>>) target(%arg12 : memref<80x128xf32, #tpu.memory_space<vmem>>) offsets(%arg10 : memref<80xi32, #tpu.memory_space<vmem>>) semaphore(%arg16 : memref<!tpu.dma_semaphore, #tpu.memory_space<semaphore_mem>>)
      %dma_start3A_83 = arith.constant 0 : i32
      %dma_start3A_84 = tpu.memref_slice %arg3[%multiple_of3A, %dma_start3A_83] : memref<320000x32xf32, #tpu.memory_space<hbm>> -> memref<80x32xf32, #tpu.memory_space<hbm>>
      %dma_start3A_85 = arith.constant 0 : i32
      %dma_start3A_86 = tpu.memref_slice %arg3[%multiple_of3A, %dma_start3A_85] : memref<320000x32xf32, #tpu.memory_space<hbm>> -> memref<80x32xf32, #tpu.memory_space<hbm>>
      tpu.enqueue_dma source(%dma_start3A_86 : memref<80x32xf32, #tpu.memory_space<hbm>>) target(%arg13 : memref<80x32xf32, #tpu.memory_space<vmem>>) target_semaphore(%arg17 : memref<!tpu.dma_semaphore, #tpu.memory_space<semaphore_mem>>)
      %dma_wait3A = arith.constant 0 : i32
      %dma_wait3A_87 = arith.constant 0 : i32
      %dma_wait3A_88 = tpu.memref_slice %arg2[%dma_wait3A, %dma_wait3A_87] : memref<10240x128xf32, #tpu.memory_space<hbm>> -> memref<10240x128xf32, #tpu.memory_space<hbm>>
      tpu.wait_indirect_dma semaphore(%arg15 : memref<!tpu.dma_semaphore, #tpu.memory_space<semaphore_mem>>) src(%dma_wait3A_88 : memref<10240x128xf32, #tpu.memory_space<hbm>>) dst(%arg11 : memref<80x128xf32, #tpu.memory_space<vmem>>)
      %dma_wait3A_89 = arith.constant 0 : i32
      %dma_wait3A_90 = arith.constant 0 : i32
      %dma_wait3A_91 = tpu.memref_slice %arg2[%dma_wait3A_89, %dma_wait3A_90] : memref<10240x128xf32, #tpu.memory_space<hbm>> -> memref<10240x128xf32, #tpu.memory_space<hbm>>
      tpu.wait_indirect_dma semaphore(%arg16 : memref<!tpu.dma_semaphore, #tpu.memory_space<semaphore_mem>>) src(%dma_wait3A_91 : memref<10240x128xf32, #tpu.memory_space<hbm>>) dst(%arg12 : memref<80x128xf32, #tpu.memory_space<vmem>>)
      %dma_wait3A_92 = arith.constant 0 : i32
      %dma_wait3A_93 = tpu.memref_slice %arg3[%multiple_of3A, %dma_wait3A_92] : memref<320000x32xf32, #tpu.memory_space<hbm>> -> memref<80x32xf32, #tpu.memory_space<hbm>>
      %dma_wait3A_94 = arith.constant 0 : i32
      %dma_wait3A_95 = tpu.memref_slice %arg3[%multiple_of3A, %dma_wait3A_94] : memref<320000x32xf32, #tpu.memory_space<hbm>> -> memref<80x32xf32, #tpu.memory_space<hbm>>
      tpu.wait_dma2 semaphore(%arg17 : memref<!tpu.dma_semaphore, #tpu.memory_space<semaphore_mem>>) src(%dma_wait3A_95 : memref<80x32xf32, #tpu.memory_space<hbm>>) dst(%arg13 : memref<80x32xf32, #tpu.memory_space<vmem>>)
      %scan3A_96 = arith.constant 0 : i32
      %scan3A_97 = arith.constant 0 : i32
      %scan3A_98 = arith.constant 80 : i32
      %scan3A_99 = arith.addi %scan3A_97, %scan3A_98 : i32
      %scan3A_100 = arith.constant 4 : i32
      scf.for %scan3A_102 = %scan3A_97 to %scan3A_99 step %scan3A_100  : i32 {
        %get3A = arith.index_cast %scan3A_102 : i32 to index
        %get3A_103 = arith.constant 0 : index
        %get3A_104 = tpu.vector_load %arg11[%get3A, %get3A_103] {strides = array<i32>} : memref<80x128xf32, #tpu.memory_space<vmem>>, vector<1x16xf32>,
        %get3A_105 = vector.shape_cast %get3A_104 : vector<1x16xf32> to vector<16xf32>
        %swap3A_106 = arith.index_cast %scan3A_102 : i32 to index
        %swap3A_107 = arith.constant 0 : index
        %swap3A_108 = tpu.vector_load %arg14[%swap3A_106, %swap3A_107] {strides = array<i32>} : memref<80x128xf32, #tpu.memory_space<vmem>>, vector<1x16xf32>,
        %swap3A_109 = vector.shape_cast %swap3A_108 : vector<1x16xf32> to vector<16xf32>
        %swap3A_110 = vector.shape_cast %get3A_105 : vector<16xf32> to vector<1x16xf32>
        tpu.vector_store %arg14[%swap3A_106, %swap3A_107], %swap3A_110 {strides = array<i32>} : memref<80x128xf32, #tpu.memory_space<vmem>>, vector<1x16xf32>,
        %get3A_111 = arith.index_cast %scan3A_102 : i32 to index
        %get3A_112 = arith.constant 64 : index
        %get3A_113 = tpu.vector_load %arg12[%get3A_111, %get3A_112] {strides = array<i32>} : memref<80x128xf32, #tpu.memory_space<vmem>>, vector<1x16xf32>,
        %get3A_114 = vector.shape_cast %get3A_113 : vector<1x16xf32> to vector<16xf32>
        %get3A_115 = arith.index_cast %scan3A_102 : i32 to index
        %get3A_116 = arith.constant 32 : index
        %get3A_117 = tpu.vector_load %arg11[%get3A_115, %get3A_116] {strides = array<i32>} : memref<80x128xf32, #tpu.memory_space<vmem>>, vector<1x16xf32>,
        %get3A_118 = vector.shape_cast %get3A_117 : vector<1x16xf32> to vector<16xf32>
        %get3A_119 = arith.index_cast %scan3A_102 : i32 to index
        %get3A_120 = arith.constant 0 : index
        %get3A_121 = tpu.vector_load %arg13[%get3A_119, %get3A_120] {strides = array<i32>} : memref<80x32xf32, #tpu.memory_space<vmem>>, vector<1x16xf32>,
        %get3A_122 = vector.shape_cast %get3A_121 : vector<1x16xf32> to vector<16xf32>
        %add3A_123 = arith.addf %get3A_114, %get3A_118 : vector<16xf32>
        %add3A_124 = arith.addf %add3A_123, %get3A_122 : vector<16xf32>
        %max3A = arith.constant 0.000000e+00 : f32
        %max3A_125 = vector.broadcast %max3A : f32 to vector<16xf32>
        %max3A_126 = arith.maximumf %add3A_124, %max3A_125 : vector<16xf32>
        %swap3A_127 = arith.index_cast %scan3A_102 : i32 to index
        %swap3A_128 = arith.constant 32 : index
        %swap3A_129 = tpu.vector_load %arg14[%swap3A_127, %swap3A_128] {strides = array<i32>} : memref<80x128xf32, #tpu.memory_space<vmem>>, vector<1x16xf32>,
        %swap3A_130 = vector.shape_cast %swap3A_129 : vector<1x16xf32> to vector<16xf32>
        %swap3A_131 = vector.shape_cast %max3A_126 : vector<16xf32> to vector<1x16xf32>
        tpu.vector_store %arg14[%swap3A_127, %swap3A_128], %swap3A_131 {strides = array<i32>} : memref<80x128xf32, #tpu.memory_space<vmem>>, vector<1x16xf32>,
        %get3A_132 = arith.index_cast %scan3A_102 : i32 to index
        %get3A_133 = arith.constant 16 : index
        %get3A_134 = tpu.vector_load %arg11[%get3A_132, %get3A_133] {strides = array<i32>} : memref<80x128xf32, #tpu.memory_space<vmem>>, vector<1x16xf32>,
        %get3A_135 = vector.shape_cast %get3A_134 : vector<1x16xf32> to vector<16xf32>
        %swap3A_136 = arith.index_cast %scan3A_102 : i32 to index
        %swap3A_137 = arith.constant 16 : index
        %swap3A_138 = tpu.vector_load %arg14[%swap3A_136, %swap3A_137] {strides = array<i32>} : memref<80x128xf32, #tpu.memory_space<vmem>>, vector<1x16xf32>,
        %swap3A_139 = vector.shape_cast %swap3A_138 : vector<1x16xf32> to vector<16xf32>
        %swap3A_140 = vector.shape_cast %get3A_135 : vector<16xf32> to vector<1x16xf32>
        tpu.vector_store %arg14[%swap3A_136, %swap3A_137], %swap3A_140 {strides = array<i32>} : memref<80x128xf32, #tpu.memory_space<vmem>>, vector<1x16xf32>,
        %get3A_141 = arith.index_cast %scan3A_102 : i32 to index
        %get3A_142 = arith.constant 80 : index
        %get3A_143 = tpu.vector_load %arg12[%get3A_141, %get3A_142] {strides = array<i32>} : memref<80x128xf32, #tpu.memory_space<vmem>>, vector<1x16xf32>,
        %get3A_144 = vector.shape_cast %get3A_143 : vector<1x16xf32> to vector<16xf32>
        %get3A_145 = arith.index_cast %scan3A_102 : i32 to index
        %get3A_146 = arith.constant 48 : index
        %get3A_147 = tpu.vector_load %arg11[%get3A_145, %get3A_146] {strides = array<i32>} : memref<80x128xf32, #tpu.memory_space<vmem>>, vector<1x16xf32>,
        %get3A_148 = vector.shape_cast %get3A_147 : vector<1x16xf32> to vector<16xf32>
        %get3A_149 = arith.index_cast %scan3A_102 : i32 to index
        %get3A_150 = arith.constant 16 : index
        %get3A_151 = tpu.vector_load %arg13[%get3A_149, %get3A_150] {strides = array<i32>} : memref<80x32xf32, #tpu.memory_space<vmem>>, vector<1x16xf32>,
        %get3A_152 = vector.shape_cast %get3A_151 : vector<1x16xf32> to vector<16xf32>
        %add3A_153 = arith.addf %get3A_144, %get3A_148 : vector<16xf32>
        %add3A_154 = arith.addf %add3A_153, %get3A_152 : vector<16xf32>
        %max3A_155 = arith.constant 0.000000e+00 : f32
        %max3A_156 = vector.broadcast %max3A_155 : f32 to vector<16xf32>
        %max3A_157 = arith.maximumf %add3A_154, %max3A_156 : vector<16xf32>
        %swap3A_158 = arith.index_cast %scan3A_102 : i32 to index
        %swap3A_159 = arith.constant 48 : index
        %swap3A_160 = tpu.vector_load %arg14[%swap3A_158, %swap3A_159] {strides = array<i32>} : memref<80x128xf32, #tpu.memory_space<vmem>>, vector<1x16xf32>,
        %swap3A_161 = vector.shape_cast %swap3A_160 : vector<1x16xf32> to vector<16xf32>
        %swap3A_162 = vector.shape_cast %max3A_157 : vector<16xf32> to vector<1x16xf32>
        tpu.vector_store %arg14[%swap3A_158, %swap3A_159], %swap3A_162 {strides = array<i32>} : memref<80x128xf32, #tpu.memory_space<vmem>>, vector<1x16xf32>,
        %scan3A_163 = arith.constant 1 : i32
        %scan3A_164 = arith.addi %scan3A_102, %scan3A_163 : i32
        %get3A_165 = arith.index_cast %scan3A_164 : i32 to index
        %get3A_166 = arith.constant 0 : index
        %get3A_167 = tpu.vector_load %arg11[%get3A_165, %get3A_166] {strides = array<i32>} : memref<80x128xf32, #tpu.memory_space<vmem>>, vector<1x16xf32>,
        %get3A_168 = vector.shape_cast %get3A_167 : vector<1x16xf32> to vector<16xf32>
        %swap3A_169 = arith.index_cast %scan3A_164 : i32 to index
        %swap3A_170 = arith.constant 0 : index
        %swap3A_171 = tpu.vector_load %arg14[%swap3A_169, %swap3A_170] {strides = array<i32>} : memref<80x128xf32, #tpu.memory_space<vmem>>, vector<1x16xf32>,
        %swap3A_172 = vector.shape_cast %swap3A_171 : vector<1x16xf32> to vector<16xf32>
        %swap3A_173 = vector.shape_cast %get3A_168 : vector<16xf32> to vector<1x16xf32>
        tpu.vector_store %arg14[%swap3A_169, %swap3A_170], %swap3A_173 {strides = array<i32>} : memref<80x128xf32, #tpu.memory_space<vmem>>, vector<1x16xf32>,
        %get3A_174 = arith.index_cast %scan3A_164 : i32 to index
        %get3A_175 = arith.constant 64 : index
        %get3A_176 = tpu.vector_load %arg12[%get3A_174, %get3A_175] {strides = array<i32>} : memref<80x128xf32, #tpu.memory_space<vmem>>, vector<1x16xf32>,
        %get3A_177 = vector.shape_cast %get3A_176 : vector<1x16xf32> to vector<16xf32>
        %get3A_178 = arith.index_cast %scan3A_164 : i32 to index
        %get3A_179 = arith.constant 32 : index
        %get3A_180 = tpu.vector_load %arg11[%get3A_178, %get3A_179] {strides = array<i32>} : memref<80x128xf32, #tpu.memory_space<vmem>>, vector<1x16xf32>,
        %get3A_181 = vector.shape_cast %get3A_180 : vector<1x16xf32> to vector<16xf32>
        %get3A_182 = arith.index_cast %scan3A_164 : i32 to index
        %get3A_183 = arith.constant 0 : index
        %get3A_184 = tpu.vector_load %arg13[%get3A_182, %get3A_183] {strides = array<i32>} : memref<80x32xf32, #tpu.memory_space<vmem>>, vector<1x16xf32>,
        %get3A_185 = vector.shape_cast %get3A_184 : vector<1x16xf32> to vector<16xf32>
        %add3A_186 = arith.addf %get3A_177, %get3A_181 : vector<16xf32>
        %add3A_187 = arith.addf %add3A_186, %get3A_185 : vector<16xf32>
        %max3A_188 = arith.constant 0.000000e+00 : f32
        %max3A_189 = vector.broadcast %max3A_188 : f32 to vector<16xf32>
        %max3A_190 = arith.maximumf %add3A_187, %max3A_189 : vector<16xf32>
        %swap3A_191 = arith.index_cast %scan3A_164 : i32 to index
        %swap3A_192 = arith.constant 32 : index
        %swap3A_193 = tpu.vector_load %arg14[%swap3A_191, %swap3A_192] {strides = array<i32>} : memref<80x128xf32, #tpu.memory_space<vmem>>, vector<1x16xf32>,
        %swap3A_194 = vector.shape_cast %swap3A_193 : vector<1x16xf32> to vector<16xf32>
        %swap3A_195 = vector.shape_cast %max3A_190 : vector<16xf32> to vector<1x16xf32>
        tpu.vector_store %arg14[%swap3A_191, %swap3A_192], %swap3A_195 {strides = array<i32>} : memref<80x128xf32, #tpu.memory_space<vmem>>, vector<1x16xf32>,
        %get3A_196 = arith.index_cast %scan3A_164 : i32 to index
        %get3A_197 = arith.constant 16 : index
        %get3A_198 = tpu.vector_load %arg11[%get3A_196, %get3A_197] {strides = array<i32>} : memref<80x128xf32, #tpu.memory_space<vmem>>, vector<1x16xf32>,
        %get3A_199 = vector.shape_cast %get3A_198 : vector<1x16xf32> to vector<16xf32>
        %swap3A_200 = arith.index_cast %scan3A_164 : i32 to index
        %swap3A_201 = arith.constant 16 : index
        %swap3A_202 = tpu.vector_load %arg14[%swap3A_200, %swap3A_201] {strides = array<i32>} : memref<80x128xf32, #tpu.memory_space<vmem>>, vector<1x16xf32>,
        %swap3A_203 = vector.shape_cast %swap3A_202 : vector<1x16xf32> to vector<16xf32>
        %swap3A_204 = vector.shape_cast %get3A_199 : vector<16xf32> to vector<1x16xf32>
        tpu.vector_store %arg14[%swap3A_200, %swap3A_201], %swap3A_204 {strides = array<i32>} : memref<80x128xf32, #tpu.memory_space<vmem>>, vector<1x16xf32>,
        %get3A_205 = arith.index_cast %scan3A_164 : i32 to index
        %get3A_206 = arith.constant 80 : index
        %get3A_207 = tpu.vector_load %arg12[%get3A_205, %get3A_206] {strides = array<i32>} : memref<80x128xf32, #tpu.memory_space<vmem>>, vector<1x16xf32>,
        %get3A_208 = vector.shape_cast %get3A_207 : vector<1x16xf32> to vector<16xf32>
        %get3A_209 = arith.index_cast %scan3A_164 : i32 to index
        %get3A_210 = arith.constant 48 : index
        %get3A_211 = tpu.vector_load %arg11[%get3A_209, %get3A_210] {strides = array<i32>} : memref<80x128xf32, #tpu.memory_space<vmem>>, vector<1x16xf32>,
        %get3A_212 = vector.shape_cast %get3A_211 : vector<1x16xf32> to vector<16xf32>
        %get3A_213 = arith.index_cast %scan3A_164 : i32 to index
        %get3A_214 = arith.constant 16 : index
        %get3A_215 = tpu.vector_load %arg13[%get3A_213, %get3A_214] {strides = array<i32>} : memref<80x32xf32, #tpu.memory_space<vmem>>, vector<1x16xf32>,
        %get3A_216 = vector.shape_cast %get3A_215 : vector<1x16xf32> to vector<16xf32>
        %add3A_217 = arith.addf %get3A_208, %get3A_212 : vector<16xf32>
        %add3A_218 = arith.addf %add3A_217, %get3A_216 : vector<16xf32>
        %max3A_219 = arith.constant 0.000000e+00 : f32
        %max3A_220 = vector.broadcast %max3A_219 : f32 to vector<16xf32>
        %max3A_221 = arith.maximumf %add3A_218, %max3A_220 : vector<16xf32>
        %swap3A_222 = arith.index_cast %scan3A_164 : i32 to index
        %swap3A_223 = arith.constant 48 : index
        %swap3A_224 = tpu.vector_load %arg14[%swap3A_222, %swap3A_223] {strides = array<i32>} : memref<80x128xf32, #tpu.memory_space<vmem>>, vector<1x16xf32>,
        %swap3A_225 = vector.shape_cast %swap3A_224 : vector<1x16xf32> to vector<16xf32>
        %swap3A_226 = vector.shape_cast %max3A_221 : vector<16xf32> to vector<1x16xf32>
        tpu.vector_store %arg14[%swap3A_222, %swap3A_223], %swap3A_226 {strides = array<i32>} : memref<80x128xf32, #tpu.memory_space<vmem>>, vector<1x16xf32>,
        %scan3A_227 = arith.constant 2 : i32
        %scan3A_228 = arith.addi %scan3A_102, %scan3A_227 : i32
        %get3A_229 = arith.index_cast %scan3A_228 : i32 to index
        %get3A_230 = arith.constant 0 : index
        %get3A_231 = tpu.vector_load %arg11[%get3A_229, %get3A_230] {strides = array<i32>} : memref<80x128xf32, #tpu.memory_space<vmem>>, vector<1x16xf32>,
        %get3A_232 = vector.shape_cast %get3A_231 : vector<1x16xf32> to vector<16xf32>
        %swap3A_233 = arith.index_cast %scan3A_228 : i32 to index
        %swap3A_234 = arith.constant 0 : index
        %swap3A_235 = tpu.vector_load %arg14[%swap3A_233, %swap3A_234] {strides = array<i32>} : memref<80x128xf32, #tpu.memory_space<vmem>>, vector<1x16xf32>,
        %swap3A_236 = vector.shape_cast %swap3A_235 : vector<1x16xf32> to vector<16xf32>
        %swap3A_237 = vector.shape_cast %get3A_232 : vector<16xf32> to vector<1x16xf32>
        tpu.vector_store %arg14[%swap3A_233, %swap3A_234], %swap3A_237 {strides = array<i32>} : memref<80x128xf32, #tpu.memory_space<vmem>>, vector<1x16xf32>,
        %get3A_238 = arith.index_cast %scan3A_228 : i32 to index
        %get3A_239 = arith.constant 64 : index
        %get3A_240 = tpu.vector_load %arg12[%get3A_238, %get3A_239] {strides = array<i32>} : memref<80x128xf32, #tpu.memory_space<vmem>>, vector<1x16xf32>,
        %get3A_241 = vector.shape_cast %get3A_240 : vector<1x16xf32> to vector<16xf32>
        %get3A_242 = arith.index_cast %scan3A_228 : i32 to index
        %get3A_243 = arith.constant 32 : index
        %get3A_244 = tpu.vector_load %arg11[%get3A_242, %get3A_243] {strides = array<i32>} : memref<80x128xf32, #tpu.memory_space<vmem>>, vector<1x16xf32>,
        %get3A_245 = vector.shape_cast %get3A_244 : vector<1x16xf32> to vector<16xf32>
        %get3A_246 = arith.index_cast %scan3A_228 : i32 to index
        %get3A_247 = arith.constant 0 : index
        %get3A_248 = tpu.vector_load %arg13[%get3A_246, %get3A_247] {strides = array<i32>} : memref<80x32xf32, #tpu.memory_space<vmem>>, vector<1x16xf32>,
        %get3A_249 = vector.shape_cast %get3A_248 : vector<1x16xf32> to vector<16xf32>
        %add3A_250 = arith.addf %get3A_241, %get3A_245 : vector<16xf32>
        %add3A_251 = arith.addf %add3A_250, %get3A_249 : vector<16xf32>
        %max3A_252 = arith.constant 0.000000e+00 : f32
        %max3A_253 = vector.broadcast %max3A_252 : f32 to vector<16xf32>
        %max3A_254 = arith.maximumf %add3A_251, %max3A_253 : vector<16xf32>
        %swap3A_255 = arith.index_cast %scan3A_228 : i32 to index
        %swap3A_256 = arith.constant 32 : index
        %swap3A_257 = tpu.vector_load %arg14[%swap3A_255, %swap3A_256] {strides = array<i32>} : memref<80x128xf32, #tpu.memory_space<vmem>>, vector<1x16xf32>,
        %swap3A_258 = vector.shape_cast %swap3A_257 : vector<1x16xf32> to vector<16xf32>
        %swap3A_259 = vector.shape_cast %max3A_254 : vector<16xf32> to vector<1x16xf32>
        tpu.vector_store %arg14[%swap3A_255, %swap3A_256], %swap3A_259 {strides = array<i32>} : memref<80x128xf32, #tpu.memory_space<vmem>>, vector<1x16xf32>,
        %get3A_260 = arith.index_cast %scan3A_228 : i32 to index
        %get3A_261 = arith.constant 16 : index
        %get3A_262 = tpu.vector_load %arg11[%get3A_260, %get3A_261] {strides = array<i32>} : memref<80x128xf32, #tpu.memory_space<vmem>>, vector<1x16xf32>,
        %get3A_263 = vector.shape_cast %get3A_262 : vector<1x16xf32> to vector<16xf32>
        %swap3A_264 = arith.index_cast %scan3A_228 : i32 to index
        %swap3A_265 = arith.constant 16 : index
        %swap3A_266 = tpu.vector_load %arg14[%swap3A_264, %swap3A_265] {strides = array<i32>} : memref<80x128xf32, #tpu.memory_space<vmem>>, vector<1x16xf32>,
        %swap3A_267 = vector.shape_cast %swap3A_266 : vector<1x16xf32> to vector<16xf32>
        %swap3A_268 = vector.shape_cast %get3A_263 : vector<16xf32> to vector<1x16xf32>
        tpu.vector_store %arg14[%swap3A_264, %swap3A_265], %swap3A_268 {strides = array<i32>} : memref<80x128xf32, #tpu.memory_space<vmem>>, vector<1x16xf32>,
        %get3A_269 = arith.index_cast %scan3A_228 : i32 to index
        %get3A_270 = arith.constant 80 : index
        %get3A_271 = tpu.vector_load %arg12[%get3A_269, %get3A_270] {strides = array<i32>} : memref<80x128xf32, #tpu.memory_space<vmem>>, vector<1x16xf32>,
        %get3A_272 = vector.shape_cast %get3A_271 : vector<1x16xf32> to vector<16xf32>
        %get3A_273 = arith.index_cast %scan3A_228 : i32 to index
        %get3A_274 = arith.constant 48 : index
        %get3A_275 = tpu.vector_load %arg11[%get3A_273, %get3A_274] {strides = array<i32>} : memref<80x128xf32, #tpu.memory_space<vmem>>, vector<1x16xf32>,
        %get3A_276 = vector.shape_cast %get3A_275 : vector<1x16xf32> to vector<16xf32>
        %get3A_277 = arith.index_cast %scan3A_228 : i32 to index
        %get3A_278 = arith.constant 16 : index
        %get3A_279 = tpu.vector_load %arg13[%get3A_277, %get3A_278] {strides = array<i32>} : memref<80x32xf32, #tpu.memory_space<vmem>>, vector<1x16xf32>,
        %get3A_280 = vector.shape_cast %get3A_279 : vector<1x16xf32> to vector<16xf32>
        %add3A_281 = arith.addf %get3A_272, %get3A_276 : vector<16xf32>
        %add3A_282 = arith.addf %add3A_281, %get3A_280 : vector<16xf32>
        %max3A_283 = arith.constant 0.000000e+00 : f32
        %max3A_284 = vector.broadcast %max3A_283 : f32 to vector<16xf32>
        %max3A_285 = arith.maximumf %add3A_282, %max3A_284 : vector<16xf32>
        %swap3A_286 = arith.index_cast %scan3A_228 : i32 to index
        %swap3A_287 = arith.constant 48 : index
        %swap3A_288 = tpu.vector_load %arg14[%swap3A_286, %swap3A_287] {strides = array<i32>} : memref<80x128xf32, #tpu.memory_space<vmem>>, vector<1x16xf32>,
        %swap3A_289 = vector.shape_cast %swap3A_288 : vector<1x16xf32> to vector<16xf32>
        %swap3A_290 = vector.shape_cast %max3A_285 : vector<16xf32> to vector<1x16xf32>
        tpu.vector_store %arg14[%swap3A_286, %swap3A_287], %swap3A_290 {strides = array<i32>} : memref<80x128xf32, #tpu.memory_space<vmem>>, vector<1x16xf32>,
        %scan3A_291 = arith.constant 3 : i32
        %scan3A_292 = arith.addi %scan3A_102, %scan3A_291 : i32
        %get3A_293 = arith.index_cast %scan3A_292 : i32 to index
        %get3A_294 = arith.constant 0 : index
        %get3A_295 = tpu.vector_load %arg11[%get3A_293, %get3A_294] {strides = array<i32>} : memref<80x128xf32, #tpu.memory_space<vmem>>, vector<1x16xf32>,
        %get3A_296 = vector.shape_cast %get3A_295 : vector<1x16xf32> to vector<16xf32>
        %swap3A_297 = arith.index_cast %scan3A_292 : i32 to index
        %swap3A_298 = arith.constant 0 : index
        %swap3A_299 = tpu.vector_load %arg14[%swap3A_297, %swap3A_298] {strides = array<i32>} : memref<80x128xf32, #tpu.memory_space<vmem>>, vector<1x16xf32>,
        %swap3A_300 = vector.shape_cast %swap3A_299 : vector<1x16xf32> to vector<16xf32>
        %swap3A_301 = vector.shape_cast %get3A_296 : vector<16xf32> to vector<1x16xf32>
        tpu.vector_store %arg14[%swap3A_297, %swap3A_298], %swap3A_301 {strides = array<i32>} : memref<80x128xf32, #tpu.memory_space<vmem>>, vector<1x16xf32>,
        %get3A_302 = arith.index_cast %scan3A_292 : i32 to index
        %get3A_303 = arith.constant 64 : index
        %get3A_304 = tpu.vector_load %arg12[%get3A_302, %get3A_303] {strides = array<i32>} : memref<80x128xf32, #tpu.memory_space<vmem>>, vector<1x16xf32>,
        %get3A_305 = vector.shape_cast %get3A_304 : vector<1x16xf32> to vector<16xf32>
        %get3A_306 = arith.index_cast %scan3A_292 : i32 to index
        %get3A_307 = arith.constant 32 : index
        %get3A_308 = tpu.vector_load %arg11[%get3A_306, %get3A_307] {strides = array<i32>} : memref<80x128xf32, #tpu.memory_space<vmem>>, vector<1x16xf32>,
        %get3A_309 = vector.shape_cast %get3A_308 : vector<1x16xf32> to vector<16xf32>
        %get3A_310 = arith.index_cast %scan3A_292 : i32 to index
        %get3A_311 = arith.constant 0 : index
        %get3A_312 = tpu.vector_load %arg13[%get3A_310, %get3A_311] {strides = array<i32>} : memref<80x32xf32, #tpu.memory_space<vmem>>, vector<1x16xf32>,
        %get3A_313 = vector.shape_cast %get3A_312 : vector<1x16xf32> to vector<16xf32>
        %add3A_314 = arith.addf %get3A_305, %get3A_309 : vector<16xf32>
        %add3A_315 = arith.addf %add3A_314, %get3A_313 : vector<16xf32>
        %max3A_316 = arith.constant 0.000000e+00 : f32
        %max3A_317 = vector.broadcast %max3A_316 : f32 to vector<16xf32>
        %max3A_318 = arith.maximumf %add3A_315, %max3A_317 : vector<16xf32>
        %swap3A_319 = arith.index_cast %scan3A_292 : i32 to index
        %swap3A_320 = arith.constant 32 : index
        %swap3A_321 = tpu.vector_load %arg14[%swap3A_319, %swap3A_320] {strides = array<i32>} : memref<80x128xf32, #tpu.memory_space<vmem>>, vector<1x16xf32>,
        %swap3A_322 = vector.shape_cast %swap3A_321 : vector<1x16xf32> to vector<16xf32>
        %swap3A_323 = vector.shape_cast %max3A_318 : vector<16xf32> to vector<1x16xf32>
        tpu.vector_store %arg14[%swap3A_319, %swap3A_320], %swap3A_323 {strides = array<i32>} : memref<80x128xf32, #tpu.memory_space<vmem>>, vector<1x16xf32>,
        %get3A_324 = arith.index_cast %scan3A_292 : i32 to index
        %get3A_325 = arith.constant 16 : index
        %get3A_326 = tpu.vector_load %arg11[%get3A_324, %get3A_325] {strides = array<i32>} : memref<80x128xf32, #tpu.memory_space<vmem>>, vector<1x16xf32>,
        %get3A_327 = vector.shape_cast %get3A_326 : vector<1x16xf32> to vector<16xf32>
        %swap3A_328 = arith.index_cast %scan3A_292 : i32 to index
        %swap3A_329 = arith.constant 16 : index
        %swap3A_330 = tpu.vector_load %arg14[%swap3A_328, %swap3A_329] {strides = array<i32>} : memref<80x128xf32, #tpu.memory_space<vmem>>, vector<1x16xf32>,
        %swap3A_331 = vector.shape_cast %swap3A_330 : vector<1x16xf32> to vector<16xf32>
        %swap3A_332 = vector.shape_cast %get3A_327 : vector<16xf32> to vector<1x16xf32>
        tpu.vector_store %arg14[%swap3A_328, %swap3A_329], %swap3A_332 {strides = array<i32>} : memref<80x128xf32, #tpu.memory_space<vmem>>, vector<1x16xf32>,
        %get3A_333 = arith.index_cast %scan3A_292 : i32 to index
        %get3A_334 = arith.constant 80 : index
        %get3A_335 = tpu.vector_load %arg12[%get3A_333, %get3A_334] {strides = array<i32>} : memref<80x128xf32, #tpu.memory_space<vmem>>, vector<1x16xf32>,
        %get3A_336 = vector.shape_cast %get3A_335 : vector<1x16xf32> to vector<16xf32>
        %get3A_337 = arith.index_cast %scan3A_292 : i32 to index
        %get3A_338 = arith.constant 48 : index
        %get3A_339 = tpu.vector_load %arg11[%get3A_337, %get3A_338] {strides = array<i32>} : memref<80x128xf32, #tpu.memory_space<vmem>>, vector<1x16xf32>,
        %get3A_340 = vector.shape_cast %get3A_339 : vector<1x16xf32> to vector<16xf32>
        %get3A_341 = arith.index_cast %scan3A_292 : i32 to index
        %get3A_342 = arith.constant 16 : index
        %get3A_343 = tpu.vector_load %arg13[%get3A_341, %get3A_342] {strides = array<i32>} : memref<80x32xf32, #tpu.memory_space<vmem>>, vector<1x16xf32>,
        %get3A_344 = vector.shape_cast %get3A_343 : vector<1x16xf32> to vector<16xf32>
        %add3A_345 = arith.addf %get3A_336, %get3A_340 : vector<16xf32>
        %add3A_346 = arith.addf %add3A_345, %get3A_344 : vector<16xf32>
        %max3A_347 = arith.constant 0.000000e+00 : f32
        %max3A_348 = vector.broadcast %max3A_347 : f32 to vector<16xf32>
        %max3A_349 = arith.maximumf %add3A_346, %max3A_348 : vector<16xf32>
        %swap3A_350 = arith.index_cast %scan3A_292 : i32 to index
        %swap3A_351 = arith.constant 48 : index
        %swap3A_352 = tpu.vector_load %arg14[%swap3A_350, %swap3A_351] {strides = array<i32>} : memref<80x128xf32, #tpu.memory_space<vmem>>, vector<1x16xf32>,
        %swap3A_353 = vector.shape_cast %swap3A_352 : vector<1x16xf32> to vector<16xf32>
        %swap3A_354 = vector.shape_cast %max3A_349 : vector<16xf32> to vector<1x16xf32>
        tpu.vector_store %arg14[%swap3A_350, %swap3A_351], %swap3A_354 {strides = array<i32>} : memref<80x128xf32, #tpu.memory_space<vmem>>, vector<1x16xf32>,
      }
      %scan3A_101 = arith.constant 80 : i32
      "tpu.region"() ({
        %run_scoped3A = tpu.sem_alloc : memref<!tpu.dma_semaphore, #tpu.memory_space<semaphore_mem>>
        %dma_start3A_102 = arith.constant 0 : i32
        %dma_start3A_103 = arith.constant 0 : i32
        %dma_start3A_104 = tpu.memref_slice %arg8[%dma_start3A_102, %dma_start3A_103] : memref<10240x128xf32, #tpu.memory_space<vmem_shared>> -> memref<10240x128xf32, #tpu.memory_space<vmem_shared>>
        tpu.enqueue_indirect_dma source(%arg14 : memref<80x128xf32, #tpu.memory_space<vmem>>) target(%dma_start3A_104 : memref<10240x128xf32, #tpu.memory_space<vmem_shared>>) offsets(%arg10 : memref<80xi32, #tpu.memory_space<vmem>>) semaphore(%run_scoped3A : memref<!tpu.dma_semaphore, #tpu.memory_space<semaphore_mem>>) {add = true}
        %dma_wait3A_105 = arith.constant 0 : i32
        %dma_wait3A_106 = arith.constant 0 : i32
        %dma_wait3A_107 = tpu.memref_slice %arg8[%dma_wait3A_105, %dma_wait3A_106] : memref<10240x128xf32, #tpu.memory_space<vmem_shared>> -> memref<10240x128xf32, #tpu.memory_space<vmem_shared>>
        tpu.wait_indirect_dma semaphore(%run_scoped3A : memref<!tpu.dma_semaphore, #tpu.memory_space<semaphore_mem>>) src(%arg14 : memref<80x128xf32, #tpu.memory_space<vmem>>) dst(%dma_wait3A_107 : memref<10240x128xf32, #tpu.memory_space<vmem_shared>>)
        tpu.yield
      }) : () -> ()
      "tpu.region"() ({
        %run_scoped3A = tpu.sem_alloc : memref<!tpu.dma_semaphore, #tpu.memory_space<semaphore_mem>>
        %dma_start3A_102 = arith.constant 0 : i32
        %dma_start3A_103 = tpu.memref_slice %arg18[%dma_start3A_102] : memref<10240xf32, #tpu.memory_space<vmem_shared>> -> memref<10240xf32, #tpu.memory_space<vmem_shared>>
        tpu.enqueue_indirect_dma source(%arg20 : memref<80xf32, #tpu.memory_space<vmem>>) target(%dma_start3A_103 : memref<10240xf32, #tpu.memory_space<vmem_shared>>) offsets(%arg10 : memref<80xi32, #tpu.memory_space<vmem>>) semaphore(%run_scoped3A : memref<!tpu.dma_semaphore, #tpu.memory_space<semaphore_mem>>) {add = true}
        %dma_wait3A_104 = arith.constant 0 : i32
        %dma_wait3A_105 = tpu.memref_slice %arg18[%dma_wait3A_104] : memref<10240xf32, #tpu.memory_space<vmem_shared>> -> memref<10240xf32, #tpu.memory_space<vmem_shared>>
        tpu.wait_indirect_dma semaphore(%run_scoped3A : memref<!tpu.dma_semaphore, #tpu.memory_space<semaphore_mem>>) src(%arg20 : memref<80xf32, #tpu.memory_space<vmem>>) dst(%dma_wait3A_105 : memref<10240xf32, #tpu.memory_space<vmem_shared>>)
        tpu.yield
      }) : () -> ()
    }
    %scan3A_69 = arith.constant 125 : i32
    %barrier3A_70 = arith.constant 0 : index
    tpu.barrier barrier_id(%barrier3A_70)
    "tpu.region"() ({
      %run_scoped3A = tpu.sem_alloc : memref<!tpu.dma_semaphore, #tpu.memory_space<semaphore_mem>>
      %dma_start3A = arith.constant 0 : i32
      %dma_start3A_74 = tpu.memref_slice %arg6[%arg0, %mul3A_3, %dma_start3A] : memref<2x10240x128xf32, #tpu.memory_space<hbm>> -> memref<1x640x128xf32, #tpu.memory_space<hbm>>
      %dma_start3A_75 = tpu.memref_squeeze %dma_start3A_74 : memref<1x640x128xf32, #tpu.memory_space<hbm>> -> memref<640x128xf32, #tpu.memory_space<hbm>>
      %dma_start3A_76 = arith.constant 0 : i32
      %dma_start3A_77 = tpu.memref_slice %arg8[%mul3A_3, %dma_start3A_76] : memref<10240x128xf32, #tpu.memory_space<vmem_shared>> -> memref<640x128xf32, #tpu.memory_space<vmem_shared>>
      tpu.enqueue_dma source(%dma_start3A_77 : memref<640x128xf32, #tpu.memory_space<vmem_shared>>) target(%dma_start3A_75 : memref<640x128xf32, #tpu.memory_space<hbm>>) target_semaphore(%run_scoped3A : memref<!tpu.dma_semaphore, #tpu.memory_space<semaphore_mem>>)
      %dma_wait3A = arith.constant 0 : i32
      %dma_wait3A_78 = tpu.memref_slice %arg6[%arg0, %mul3A_3, %dma_wait3A] : memref<2x10240x128xf32, #tpu.memory_space<hbm>> -> memref<1x640x128xf32, #tpu.memory_space<hbm>>
      %dma_wait3A_79 = tpu.memref_squeeze %dma_wait3A_78 : memref<1x640x128xf32, #tpu.memory_space<hbm>> -> memref<640x128xf32, #tpu.memory_space<hbm>>
      %dma_wait3A_80 = arith.constant 0 : i32
      %dma_wait3A_81 = tpu.memref_slice %arg8[%mul3A_3, %dma_wait3A_80] : memref<10240x128xf32, #tpu.memory_space<vmem_shared>> -> memref<640x128xf32, #tpu.memory_space<vmem_shared>>
      tpu.wait_dma2 semaphore(%run_scoped3A : memref<!tpu.dma_semaphore, #tpu.memory_space<semaphore_mem>>) src(%dma_wait3A_81 : memref<640x128xf32, #tpu.memory_space<vmem_shared>>) dst(%dma_wait3A_79 : memref<640x128xf32, #tpu.memory_space<hbm>>)
      tpu.yield
    }) : () -> ()
    %mul3A_71 = arith.constant 10240 : i32
    %mul3A_72 = arith.muli %arg0, %mul3A_71 : i32
    %add3A_73 = arith.addi %mul3A_72, %mul3A_3 : i32
    "tpu.region"() ({
      %run_scoped3A = tpu.sem_alloc : memref<!tpu.dma_semaphore, #tpu.memory_space<semaphore_mem>>
      %dma_start3A = tpu.memref_slice %arg7[%add3A_73] : memref<20480xf32, #tpu.memory_space<hbm>> -> memref<640xf32, #tpu.memory_space<hbm>>
      %dma_start3A_74 = tpu.memref_slice %arg18[%mul3A_3] : memref<10240xf32, #tpu.memory_space<vmem_shared>> -> memref<640xf32, #tpu.memory_space<vmem_shared>>
      tpu.enqueue_dma source(%dma_start3A_74 : memref<640xf32, #tpu.memory_space<vmem_shared>>) target(%dma_start3A : memref<640xf32, #tpu.memory_space<hbm>>) target_semaphore(%run_scoped3A : memref<!tpu.dma_semaphore, #tpu.memory_space<semaphore_mem>>)
      %dma_wait3A = tpu.memref_slice %arg7[%add3A_73] : memref<20480xf32, #tpu.memory_space<hbm>> -> memref<640xf32, #tpu.memory_space<hbm>>
      %dma_wait3A_75 = tpu.memref_slice %arg18[%mul3A_3] : memref<10240xf32, #tpu.memory_space<vmem_shared>> -> memref<640xf32, #tpu.memory_space<vmem_shared>>
      tpu.wait_dma2 semaphore(%run_scoped3A : memref<!tpu.dma_semaphore, #tpu.memory_space<semaphore_mem>>) src(%dma_wait3A_75 : memref<640xf32, #tpu.memory_space<vmem_shared>>) dst(%dma_wait3A : memref<640xf32, #tpu.memory_space<hbm>>)
      tpu.yield
    }) : () -> ()
    return
  }
}

#map = affine_map<(d0, d1) -> (0, 0)>
#map1 = affine_map<(d0, d1) -> (0)>
#map2 = affine_map<(d0, d1) -> (0, 0, 0)>
module attributes {stable_mosaic.version = 14 : i64} {
  func.func @body(%arg0: i32, %arg1: i32, %arg2: memref<10240x128xf32, #tpu.memory_space<hbm>>, %arg3: memref<320000x32xf32, #tpu.memory_space<hbm>>, %arg4: memref<320000xi32, #tpu.memory_space<hbm>>, %arg5: memref<320000xi32, #tpu.memory_space<hbm>>, %arg6: memref<2x10240x128xf32, #tpu.memory_space<hbm>>, %arg7: memref<10240x128xf32, #tpu.memory_space<vmem_shared>>, %arg8: memref<80xi32, #tpu.memory_space<vmem>>, %arg9: memref<80xi32, #tpu.memory_space<vmem>>, %arg10: memref<80x128xf32, #tpu.memory_space<vmem>>, %arg11: memref<80x128xf32, #tpu.memory_space<vmem>>, %arg12: memref<80x32xf32, #tpu.memory_space<vmem>>, %arg13: memref<80x128xf32, #tpu.memory_space<vmem>>, %arg14: memref<!tpu.dma_semaphore, #tpu.memory_space<semaphore_mem>>, %arg15: memref<!tpu.dma_semaphore, #tpu.memory_space<semaphore_mem>>, %arg16: memref<!tpu.dma_semaphore, #tpu.memory_space<semaphore_mem>>) attributes {dimension_semantics = [#tpu.dimension_semantics<core_parallel>, #tpu.dimension_semantics<subcore_parallel>], iteration_bounds = array<i64: 2, 16>, scalar_prefetch = 0 : i64, scratch_operands = 10 : i64, tpu.core_type = #tpu.core_type<sc_vector_subcore>, window_params = [{transform_indices = #map}, {transform_indices = #map}, {transform_indices = #map1}, {transform_indices = #map1}, {transform_indices = #map2}]} {
    %mul3A = arith.constant 2 : i32
    %mul3A_0 = arith.muli %arg1, %mul3A : i32
    %add3A = arith.addi %mul3A_0, %arg0 : i32
    %broadcast_in_dim3A = arith.constant 0.000000e+00 : f32
    %broadcast_in_dim3A_1 = vector.broadcast %broadcast_in_dim3A : f32 to vector<16xf32>
    %mul3A_2 = arith.constant 640 : i32
    %mul3A_3 = arith.muli %arg1, %mul3A_2 : i32
    %scan3A = arith.constant 0 : i32
    %scan3A_4 = arith.constant 0 : i32
    %scan3A_5 = arith.constant 80 : i32
    %scan3A_6 = arith.addi %scan3A_4, %scan3A_5 : i32
    %scan3A_7 = arith.constant 4 : i32
    scf.for %scan3A_24 = %scan3A_4 to %scan3A_6 step %scan3A_7  : i32 {
      %swap3A = arith.index_cast %scan3A_24 : i32 to index
      %swap3A_25 = arith.constant 0 : index
      %swap3A_26 = tpu.vector_load %arg13[%swap3A, %swap3A_25] {strides = array<i32>} : memref<80x128xf32, #tpu.memory_space<vmem>>, vector<1x16xf32>,
      %swap3A_27 = vector.shape_cast %swap3A_26 : vector<1x16xf32> to vector<16xf32>
      %swap3A_28 = vector.shape_cast %broadcast_in_dim3A_1 : vector<16xf32> to vector<1x16xf32>
      tpu.vector_store %arg13[%swap3A, %swap3A_25], %swap3A_28 {strides = array<i32>} : memref<80x128xf32, #tpu.memory_space<vmem>>, vector<1x16xf32>,
      %swap3A_29 = arith.index_cast %scan3A_24 : i32 to index
      %swap3A_30 = arith.constant 16 : index
      %swap3A_31 = tpu.vector_load %arg13[%swap3A_29, %swap3A_30] {strides = array<i32>} : memref<80x128xf32, #tpu.memory_space<vmem>>, vector<1x16xf32>,
      %swap3A_32 = vector.shape_cast %swap3A_31 : vector<1x16xf32> to vector<16xf32>
      %swap3A_33 = vector.shape_cast %broadcast_in_dim3A_1 : vector<16xf32> to vector<1x16xf32>
      tpu.vector_store %arg13[%swap3A_29, %swap3A_30], %swap3A_33 {strides = array<i32>} : memref<80x128xf32, #tpu.memory_space<vmem>>, vector<1x16xf32>,
      %swap3A_34 = arith.index_cast %scan3A_24 : i32 to index
      %swap3A_35 = arith.constant 32 : index
      %swap3A_36 = tpu.vector_load %arg13[%swap3A_34, %swap3A_35] {strides = array<i32>} : memref<80x128xf32, #tpu.memory_space<vmem>>, vector<1x16xf32>,
      %swap3A_37 = vector.shape_cast %swap3A_36 : vector<1x16xf32> to vector<16xf32>
      %swap3A_38 = vector.shape_cast %broadcast_in_dim3A_1 : vector<16xf32> to vector<1x16xf32>
      tpu.vector_store %arg13[%swap3A_34, %swap3A_35], %swap3A_38 {strides = array<i32>} : memref<80x128xf32, #tpu.memory_space<vmem>>, vector<1x16xf32>,
      %swap3A_39 = arith.index_cast %scan3A_24 : i32 to index
      %swap3A_40 = arith.constant 48 : index
      %swap3A_41 = tpu.vector_load %arg13[%swap3A_39, %swap3A_40] {strides = array<i32>} : memref<80x128xf32, #tpu.memory_space<vmem>>, vector<1x16xf32>,
      %swap3A_42 = vector.shape_cast %swap3A_41 : vector<1x16xf32> to vector<16xf32>
      %swap3A_43 = vector.shape_cast %broadcast_in_dim3A_1 : vector<16xf32> to vector<1x16xf32>
      tpu.vector_store %arg13[%swap3A_39, %swap3A_40], %swap3A_43 {strides = array<i32>} : memref<80x128xf32, #tpu.memory_space<vmem>>, vector<1x16xf32>,
      %swap3A_44 = arith.index_cast %scan3A_24 : i32 to index
      %swap3A_45 = arith.constant 64 : index
      %swap3A_46 = tpu.vector_load %arg13[%swap3A_44, %swap3A_45] {strides = array<i32>} : memref<80x128xf32, #tpu.memory_space<vmem>>, vector<1x16xf32>,
      %swap3A_47 = vector.shape_cast %swap3A_46 : vector<1x16xf32> to vector<16xf32>
      %swap3A_48 = vector.shape_cast %broadcast_in_dim3A_1 : vector<16xf32> to vector<1x16xf32>
      tpu.vector_store %arg13[%swap3A_44, %swap3A_45], %swap3A_48 {strides = array<i32>} : memref<80x128xf32, #tpu.memory_space<vmem>>, vector<1x16xf32>,
      %swap3A_49 = arith.index_cast %scan3A_24 : i32 to index
      %swap3A_50 = arith.constant 80 : index
      %swap3A_51 = tpu.vector_load %arg13[%swap3A_49, %swap3A_50] {strides = array<i32>} : memref<80x128xf32, #tpu.memory_space<vmem>>, vector<1x16xf32>,
      %swap3A_52 = vector.shape_cast %swap3A_51 : vector<1x16xf32> to vector<16xf32>
      %swap3A_53 = vector.shape_cast %broadcast_in_dim3A_1 : vector<16xf32> to vector<1x16xf32>
      tpu.vector_store %arg13[%swap3A_49, %swap3A_50], %swap3A_53 {strides = array<i32>} : memref<80x128xf32, #tpu.memory_space<vmem>>, vector<1x16xf32>,
      %swap3A_54 = arith.index_cast %scan3A_24 : i32 to index
      %swap3A_55 = arith.constant 96 : index
      %swap3A_56 = tpu.vector_load %arg13[%swap3A_54, %swap3A_55] {strides = array<i32>} : memref<80x128xf32, #tpu.memory_space<vmem>>, vector<1x16xf32>,
      %swap3A_57 = vector.shape_cast %swap3A_56 : vector<1x16xf32> to vector<16xf32>
      %swap3A_58 = vector.shape_cast %broadcast_in_dim3A_1 : vector<16xf32> to vector<1x16xf32>
      tpu.vector_store %arg13[%swap3A_54, %swap3A_55], %swap3A_58 {strides = array<i32>} : memref<80x128xf32, #tpu.memory_space<vmem>>, vector<1x16xf32>,
      %swap3A_59 = arith.index_cast %scan3A_24 : i32 to index
      %swap3A_60 = arith.constant 112 : index
      %swap3A_61 = tpu.vector_load %arg13[%swap3A_59, %swap3A_60] {strides = array<i32>} : memref<80x128xf32, #tpu.memory_space<vmem>>, vector<1x16xf32>,
      %swap3A_62 = vector.shape_cast %swap3A_61 : vector<1x16xf32> to vector<16xf32>
      %swap3A_63 = vector.shape_cast %broadcast_in_dim3A_1 : vector<16xf32> to vector<1x16xf32>
      tpu.vector_store %arg13[%swap3A_59, %swap3A_60], %swap3A_63 {strides = array<i32>} : memref<80x128xf32, #tpu.memory_space<vmem>>, vector<1x16xf32>,
      %scan3A_64 = arith.constant 1 : i32
      %scan3A_65 = arith.addi %scan3A_24, %scan3A_64 : i32
      %swap3A_66 = arith.index_cast %scan3A_65 : i32 to index
      %swap3A_67 = arith.constant 0 : index
      %swap3A_68 = tpu.vector_load %arg13[%swap3A_66, %swap3A_67] {strides = array<i32>} : memref<80x128xf32, #tpu.memory_space<vmem>>, vector<1x16xf32>,
      %swap3A_69 = vector.shape_cast %swap3A_68 : vector<1x16xf32> to vector<16xf32>
      %swap3A_70 = vector.shape_cast %broadcast_in_dim3A_1 : vector<16xf32> to vector<1x16xf32>
      tpu.vector_store %arg13[%swap3A_66, %swap3A_67], %swap3A_70 {strides = array<i32>} : memref<80x128xf32, #tpu.memory_space<vmem>>, vector<1x16xf32>,
      %swap3A_71 = arith.index_cast %scan3A_65 : i32 to index
      %swap3A_72 = arith.constant 16 : index
      %swap3A_73 = tpu.vector_load %arg13[%swap3A_71, %swap3A_72] {strides = array<i32>} : memref<80x128xf32, #tpu.memory_space<vmem>>, vector<1x16xf32>,
      %swap3A_74 = vector.shape_cast %swap3A_73 : vector<1x16xf32> to vector<16xf32>
      %swap3A_75 = vector.shape_cast %broadcast_in_dim3A_1 : vector<16xf32> to vector<1x16xf32>
      tpu.vector_store %arg13[%swap3A_71, %swap3A_72], %swap3A_75 {strides = array<i32>} : memref<80x128xf32, #tpu.memory_space<vmem>>, vector<1x16xf32>,
      %swap3A_76 = arith.index_cast %scan3A_65 : i32 to index
      %swap3A_77 = arith.constant 32 : index
      %swap3A_78 = tpu.vector_load %arg13[%swap3A_76, %swap3A_77] {strides = array<i32>} : memref<80x128xf32, #tpu.memory_space<vmem>>, vector<1x16xf32>,
      %swap3A_79 = vector.shape_cast %swap3A_78 : vector<1x16xf32> to vector<16xf32>
      %swap3A_80 = vector.shape_cast %broadcast_in_dim3A_1 : vector<16xf32> to vector<1x16xf32>
      tpu.vector_store %arg13[%swap3A_76, %swap3A_77], %swap3A_80 {strides = array<i32>} : memref<80x128xf32, #tpu.memory_space<vmem>>, vector<1x16xf32>,
      %swap3A_81 = arith.index_cast %scan3A_65 : i32 to index
      %swap3A_82 = arith.constant 48 : index
      %swap3A_83 = tpu.vector_load %arg13[%swap3A_81, %swap3A_82] {strides = array<i32>} : memref<80x128xf32, #tpu.memory_space<vmem>>, vector<1x16xf32>,
      %swap3A_84 = vector.shape_cast %swap3A_83 : vector<1x16xf32> to vector<16xf32>
      %swap3A_85 = vector.shape_cast %broadcast_in_dim3A_1 : vector<16xf32> to vector<1x16xf32>
      tpu.vector_store %arg13[%swap3A_81, %swap3A_82], %swap3A_85 {strides = array<i32>} : memref<80x128xf32, #tpu.memory_space<vmem>>, vector<1x16xf32>,
      %swap3A_86 = arith.index_cast %scan3A_65 : i32 to index
      %swap3A_87 = arith.constant 64 : index
      %swap3A_88 = tpu.vector_load %arg13[%swap3A_86, %swap3A_87] {strides = array<i32>} : memref<80x128xf32, #tpu.memory_space<vmem>>, vector<1x16xf32>,
      %swap3A_89 = vector.shape_cast %swap3A_88 : vector<1x16xf32> to vector<16xf32>
      %swap3A_90 = vector.shape_cast %broadcast_in_dim3A_1 : vector<16xf32> to vector<1x16xf32>
      tpu.vector_store %arg13[%swap3A_86, %swap3A_87], %swap3A_90 {strides = array<i32>} : memref<80x128xf32, #tpu.memory_space<vmem>>, vector<1x16xf32>,
      %swap3A_91 = arith.index_cast %scan3A_65 : i32 to index
      %swap3A_92 = arith.constant 80 : index
      %swap3A_93 = tpu.vector_load %arg13[%swap3A_91, %swap3A_92] {strides = array<i32>} : memref<80x128xf32, #tpu.memory_space<vmem>>, vector<1x16xf32>,
      %swap3A_94 = vector.shape_cast %swap3A_93 : vector<1x16xf32> to vector<16xf32>
      %swap3A_95 = vector.shape_cast %broadcast_in_dim3A_1 : vector<16xf32> to vector<1x16xf32>
      tpu.vector_store %arg13[%swap3A_91, %swap3A_92], %swap3A_95 {strides = array<i32>} : memref<80x128xf32, #tpu.memory_space<vmem>>, vector<1x16xf32>,
      %swap3A_96 = arith.index_cast %scan3A_65 : i32 to index
      %swap3A_97 = arith.constant 96 : index
      %swap3A_98 = tpu.vector_load %arg13[%swap3A_96, %swap3A_97] {strides = array<i32>} : memref<80x128xf32, #tpu.memory_space<vmem>>, vector<1x16xf32>,
      %swap3A_99 = vector.shape_cast %swap3A_98 : vector<1x16xf32> to vector<16xf32>
      %swap3A_100 = vector.shape_cast %broadcast_in_dim3A_1 : vector<16xf32> to vector<1x16xf32>
      tpu.vector_store %arg13[%swap3A_96, %swap3A_97], %swap3A_100 {strides = array<i32>} : memref<80x128xf32, #tpu.memory_space<vmem>>, vector<1x16xf32>,
      %swap3A_101 = arith.index_cast %scan3A_65 : i32 to index
      %swap3A_102 = arith.constant 112 : index
      %swap3A_103 = tpu.vector_load %arg13[%swap3A_101, %swap3A_102] {strides = array<i32>} : memref<80x128xf32, #tpu.memory_space<vmem>>, vector<1x16xf32>,
      %swap3A_104 = vector.shape_cast %swap3A_103 : vector<1x16xf32> to vector<16xf32>
      %swap3A_105 = vector.shape_cast %broadcast_in_dim3A_1 : vector<16xf32> to vector<1x16xf32>
      tpu.vector_store %arg13[%swap3A_101, %swap3A_102], %swap3A_105 {strides = array<i32>} : memref<80x128xf32, #tpu.memory_space<vmem>>, vector<1x16xf32>,
      %scan3A_106 = arith.constant 2 : i32
      %scan3A_107 = arith.addi %scan3A_24, %scan3A_106 : i32
      %swap3A_108 = arith.index_cast %scan3A_107 : i32 to index
      %swap3A_109 = arith.constant 0 : index
      %swap3A_110 = tpu.vector_load %arg13[%swap3A_108, %swap3A_109] {strides = array<i32>} : memref<80x128xf32, #tpu.memory_space<vmem>>, vector<1x16xf32>,
      %swap3A_111 = vector.shape_cast %swap3A_110 : vector<1x16xf32> to vector<16xf32>
      %swap3A_112 = vector.shape_cast %broadcast_in_dim3A_1 : vector<16xf32> to vector<1x16xf32>
      tpu.vector_store %arg13[%swap3A_108, %swap3A_109], %swap3A_112 {strides = array<i32>} : memref<80x128xf32, #tpu.memory_space<vmem>>, vector<1x16xf32>,
      %swap3A_113 = arith.index_cast %scan3A_107 : i32 to index
      %swap3A_114 = arith.constant 16 : index
      %swap3A_115 = tpu.vector_load %arg13[%swap3A_113, %swap3A_114] {strides = array<i32>} : memref<80x128xf32, #tpu.memory_space<vmem>>, vector<1x16xf32>,
      %swap3A_116 = vector.shape_cast %swap3A_115 : vector<1x16xf32> to vector<16xf32>
      %swap3A_117 = vector.shape_cast %broadcast_in_dim3A_1 : vector<16xf32> to vector<1x16xf32>
      tpu.vector_store %arg13[%swap3A_113, %swap3A_114], %swap3A_117 {strides = array<i32>} : memref<80x128xf32, #tpu.memory_space<vmem>>, vector<1x16xf32>,
      %swap3A_118 = arith.index_cast %scan3A_107 : i32 to index
      %swap3A_119 = arith.constant 32 : index
      %swap3A_120 = tpu.vector_load %arg13[%swap3A_118, %swap3A_119] {strides = array<i32>} : memref<80x128xf32, #tpu.memory_space<vmem>>, vector<1x16xf32>,
      %swap3A_121 = vector.shape_cast %swap3A_120 : vector<1x16xf32> to vector<16xf32>
      %swap3A_122 = vector.shape_cast %broadcast_in_dim3A_1 : vector<16xf32> to vector<1x16xf32>
      tpu.vector_store %arg13[%swap3A_118, %swap3A_119], %swap3A_122 {strides = array<i32>} : memref<80x128xf32, #tpu.memory_space<vmem>>, vector<1x16xf32>,
      %swap3A_123 = arith.index_cast %scan3A_107 : i32 to index
      %swap3A_124 = arith.constant 48 : index
      %swap3A_125 = tpu.vector_load %arg13[%swap3A_123, %swap3A_124] {strides = array<i32>} : memref<80x128xf32, #tpu.memory_space<vmem>>, vector<1x16xf32>,
      %swap3A_126 = vector.shape_cast %swap3A_125 : vector<1x16xf32> to vector<16xf32>
      %swap3A_127 = vector.shape_cast %broadcast_in_dim3A_1 : vector<16xf32> to vector<1x16xf32>
      tpu.vector_store %arg13[%swap3A_123, %swap3A_124], %swap3A_127 {strides = array<i32>} : memref<80x128xf32, #tpu.memory_space<vmem>>, vector<1x16xf32>,
      %swap3A_128 = arith.index_cast %scan3A_107 : i32 to index
      %swap3A_129 = arith.constant 64 : index
      %swap3A_130 = tpu.vector_load %arg13[%swap3A_128, %swap3A_129] {strides = array<i32>} : memref<80x128xf32, #tpu.memory_space<vmem>>, vector<1x16xf32>,
      %swap3A_131 = vector.shape_cast %swap3A_130 : vector<1x16xf32> to vector<16xf32>
      %swap3A_132 = vector.shape_cast %broadcast_in_dim3A_1 : vector<16xf32> to vector<1x16xf32>
      tpu.vector_store %arg13[%swap3A_128, %swap3A_129], %swap3A_132 {strides = array<i32>} : memref<80x128xf32, #tpu.memory_space<vmem>>, vector<1x16xf32>,
      %swap3A_133 = arith.index_cast %scan3A_107 : i32 to index
      %swap3A_134 = arith.constant 80 : index
      %swap3A_135 = tpu.vector_load %arg13[%swap3A_133, %swap3A_134] {strides = array<i32>} : memref<80x128xf32, #tpu.memory_space<vmem>>, vector<1x16xf32>,
      %swap3A_136 = vector.shape_cast %swap3A_135 : vector<1x16xf32> to vector<16xf32>
      %swap3A_137 = vector.shape_cast %broadcast_in_dim3A_1 : vector<16xf32> to vector<1x16xf32>
      tpu.vector_store %arg13[%swap3A_133, %swap3A_134], %swap3A_137 {strides = array<i32>} : memref<80x128xf32, #tpu.memory_space<vmem>>, vector<1x16xf32>,
      %swap3A_138 = arith.index_cast %scan3A_107 : i32 to index
      %swap3A_139 = arith.constant 96 : index
      %swap3A_140 = tpu.vector_load %arg13[%swap3A_138, %swap3A_139] {strides = array<i32>} : memref<80x128xf32, #tpu.memory_space<vmem>>, vector<1x16xf32>,
      %swap3A_141 = vector.shape_cast %swap3A_140 : vector<1x16xf32> to vector<16xf32>
      %swap3A_142 = vector.shape_cast %broadcast_in_dim3A_1 : vector<16xf32> to vector<1x16xf32>
      tpu.vector_store %arg13[%swap3A_138, %swap3A_139], %swap3A_142 {strides = array<i32>} : memref<80x128xf32, #tpu.memory_space<vmem>>, vector<1x16xf32>,
      %swap3A_143 = arith.index_cast %scan3A_107 : i32 to index
      %swap3A_144 = arith.constant 112 : index
      %swap3A_145 = tpu.vector_load %arg13[%swap3A_143, %swap3A_144] {strides = array<i32>} : memref<80x128xf32, #tpu.memory_space<vmem>>, vector<1x16xf32>,
      %swap3A_146 = vector.shape_cast %swap3A_145 : vector<1x16xf32> to vector<16xf32>
      %swap3A_147 = vector.shape_cast %broadcast_in_dim3A_1 : vector<16xf32> to vector<1x16xf32>
      tpu.vector_store %arg13[%swap3A_143, %swap3A_144], %swap3A_147 {strides = array<i32>} : memref<80x128xf32, #tpu.memory_space<vmem>>, vector<1x16xf32>,
      %scan3A_148 = arith.constant 3 : i32
      %scan3A_149 = arith.addi %scan3A_24, %scan3A_148 : i32
      %swap3A_150 = arith.index_cast %scan3A_149 : i32 to index
      %swap3A_151 = arith.constant 0 : index
      %swap3A_152 = tpu.vector_load %arg13[%swap3A_150, %swap3A_151] {strides = array<i32>} : memref<80x128xf32, #tpu.memory_space<vmem>>, vector<1x16xf32>,
      %swap3A_153 = vector.shape_cast %swap3A_152 : vector<1x16xf32> to vector<16xf32>
      %swap3A_154 = vector.shape_cast %broadcast_in_dim3A_1 : vector<16xf32> to vector<1x16xf32>
      tpu.vector_store %arg13[%swap3A_150, %swap3A_151], %swap3A_154 {strides = array<i32>} : memref<80x128xf32, #tpu.memory_space<vmem>>, vector<1x16xf32>,
      %swap3A_155 = arith.index_cast %scan3A_149 : i32 to index
      %swap3A_156 = arith.constant 16 : index
      %swap3A_157 = tpu.vector_load %arg13[%swap3A_155, %swap3A_156] {strides = array<i32>} : memref<80x128xf32, #tpu.memory_space<vmem>>, vector<1x16xf32>,
      %swap3A_158 = vector.shape_cast %swap3A_157 : vector<1x16xf32> to vector<16xf32>
      %swap3A_159 = vector.shape_cast %broadcast_in_dim3A_1 : vector<16xf32> to vector<1x16xf32>
      tpu.vector_store %arg13[%swap3A_155, %swap3A_156], %swap3A_159 {strides = array<i32>} : memref<80x128xf32, #tpu.memory_space<vmem>>, vector<1x16xf32>,
      %swap3A_160 = arith.index_cast %scan3A_149 : i32 to index
      %swap3A_161 = arith.constant 32 : index
      %swap3A_162 = tpu.vector_load %arg13[%swap3A_160, %swap3A_161] {strides = array<i32>} : memref<80x128xf32, #tpu.memory_space<vmem>>, vector<1x16xf32>,
      %swap3A_163 = vector.shape_cast %swap3A_162 : vector<1x16xf32> to vector<16xf32>
      %swap3A_164 = vector.shape_cast %broadcast_in_dim3A_1 : vector<16xf32> to vector<1x16xf32>
      tpu.vector_store %arg13[%swap3A_160, %swap3A_161], %swap3A_164 {strides = array<i32>} : memref<80x128xf32, #tpu.memory_space<vmem>>, vector<1x16xf32>,
      %swap3A_165 = arith.index_cast %scan3A_149 : i32 to index
      %swap3A_166 = arith.constant 48 : index
      %swap3A_167 = tpu.vector_load %arg13[%swap3A_165, %swap3A_166] {strides = array<i32>} : memref<80x128xf32, #tpu.memory_space<vmem>>, vector<1x16xf32>,
      %swap3A_168 = vector.shape_cast %swap3A_167 : vector<1x16xf32> to vector<16xf32>
      %swap3A_169 = vector.shape_cast %broadcast_in_dim3A_1 : vector<16xf32> to vector<1x16xf32>
      tpu.vector_store %arg13[%swap3A_165, %swap3A_166], %swap3A_169 {strides = array<i32>} : memref<80x128xf32, #tpu.memory_space<vmem>>, vector<1x16xf32>,
      %swap3A_170 = arith.index_cast %scan3A_149 : i32 to index
      %swap3A_171 = arith.constant 64 : index
      %swap3A_172 = tpu.vector_load %arg13[%swap3A_170, %swap3A_171] {strides = array<i32>} : memref<80x128xf32, #tpu.memory_space<vmem>>, vector<1x16xf32>,
      %swap3A_173 = vector.shape_cast %swap3A_172 : vector<1x16xf32> to vector<16xf32>
      %swap3A_174 = vector.shape_cast %broadcast_in_dim3A_1 : vector<16xf32> to vector<1x16xf32>
      tpu.vector_store %arg13[%swap3A_170, %swap3A_171], %swap3A_174 {strides = array<i32>} : memref<80x128xf32, #tpu.memory_space<vmem>>, vector<1x16xf32>,
      %swap3A_175 = arith.index_cast %scan3A_149 : i32 to index
      %swap3A_176 = arith.constant 80 : index
      %swap3A_177 = tpu.vector_load %arg13[%swap3A_175, %swap3A_176] {strides = array<i32>} : memref<80x128xf32, #tpu.memory_space<vmem>>, vector<1x16xf32>,
      %swap3A_178 = vector.shape_cast %swap3A_177 : vector<1x16xf32> to vector<16xf32>
      %swap3A_179 = vector.shape_cast %broadcast_in_dim3A_1 : vector<16xf32> to vector<1x16xf32>
      tpu.vector_store %arg13[%swap3A_175, %swap3A_176], %swap3A_179 {strides = array<i32>} : memref<80x128xf32, #tpu.memory_space<vmem>>, vector<1x16xf32>,
      %swap3A_180 = arith.index_cast %scan3A_149 : i32 to index
      %swap3A_181 = arith.constant 96 : index
      %swap3A_182 = tpu.vector_load %arg13[%swap3A_180, %swap3A_181] {strides = array<i32>} : memref<80x128xf32, #tpu.memory_space<vmem>>, vector<1x16xf32>,
      %swap3A_183 = vector.shape_cast %swap3A_182 : vector<1x16xf32> to vector<16xf32>
      %swap3A_184 = vector.shape_cast %broadcast_in_dim3A_1 : vector<16xf32> to vector<1x16xf32>
      tpu.vector_store %arg13[%swap3A_180, %swap3A_181], %swap3A_184 {strides = array<i32>} : memref<80x128xf32, #tpu.memory_space<vmem>>, vector<1x16xf32>,
      %swap3A_185 = arith.index_cast %scan3A_149 : i32 to index
      %swap3A_186 = arith.constant 112 : index
      %swap3A_187 = tpu.vector_load %arg13[%swap3A_185, %swap3A_186] {strides = array<i32>} : memref<80x128xf32, #tpu.memory_space<vmem>>, vector<1x16xf32>,
      %swap3A_188 = vector.shape_cast %swap3A_187 : vector<1x16xf32> to vector<16xf32>
      %swap3A_189 = vector.shape_cast %broadcast_in_dim3A_1 : vector<16xf32> to vector<1x16xf32>
      tpu.vector_store %arg13[%swap3A_185, %swap3A_186], %swap3A_189 {strides = array<i32>} : memref<80x128xf32, #tpu.memory_space<vmem>>, vector<1x16xf32>,
    }
    %scan3A_8 = arith.constant 80 : i32
    %scan3A_9 = arith.constant 0 : i32
    %scan3A_10 = arith.constant 0 : i32
    %scan3A_11 = arith.constant 8 : i32
    %scan3A_12 = arith.addi %scan3A_10, %scan3A_11 : i32
    %scan3A_13 = arith.constant 1 : i32
    scf.for %scan3A_24 = %scan3A_10 to %scan3A_12 step %scan3A_13  : i32 {
      %mul3A_25 = arith.constant 80 : i32
      %mul3A_26 = arith.muli %scan3A_24, %mul3A_25 : i32
      %add3A_27 = arith.addi %mul3A_3, %mul3A_26 : i32
      %multiple_of3A = tpu.assume_multiple %add3A_27, 8 : i32
      "tpu.region"() ({
        %run_scoped3A = tpu.sem_alloc : memref<!tpu.dma_semaphore, #tpu.memory_space<semaphore_mem>>
        %dma_start3A = arith.constant 0 : i32
        %dma_start3A_28 = tpu.memref_slice %arg7[%multiple_of3A, %dma_start3A] : memref<10240x128xf32, #tpu.memory_space<vmem_shared>> -> memref<80x128xf32, #tpu.memory_space<vmem_shared>>
        %dma_start3A_29 = arith.constant 0 : i32
        %dma_start3A_30 = tpu.memref_slice %arg7[%multiple_of3A, %dma_start3A_29] : memref<10240x128xf32, #tpu.memory_space<vmem_shared>> -> memref<80x128xf32, #tpu.memory_space<vmem_shared>>
        tpu.enqueue_dma source(%arg13 : memref<80x128xf32, #tpu.memory_space<vmem>>) target(%dma_start3A_30 : memref<80x128xf32, #tpu.memory_space<vmem_shared>>) target_semaphore(%run_scoped3A : memref<!tpu.dma_semaphore, #tpu.memory_space<semaphore_mem>>)
        %dma_wait3A = arith.constant 0 : i32
        %dma_wait3A_31 = tpu.memref_slice %arg7[%multiple_of3A, %dma_wait3A] : memref<10240x128xf32, #tpu.memory_space<vmem_shared>> -> memref<80x128xf32, #tpu.memory_space<vmem_shared>>
        %dma_wait3A_32 = arith.constant 0 : i32
        %dma_wait3A_33 = tpu.memref_slice %arg7[%multiple_of3A, %dma_wait3A_32] : memref<10240x128xf32, #tpu.memory_space<vmem_shared>> -> memref<80x128xf32, #tpu.memory_space<vmem_shared>>
        tpu.wait_dma2 semaphore(%run_scoped3A : memref<!tpu.dma_semaphore, #tpu.memory_space<semaphore_mem>>) src(%arg13 : memref<80x128xf32, #tpu.memory_space<vmem>>) dst(%dma_wait3A_33 : memref<80x128xf32, #tpu.memory_space<vmem_shared>>)
        tpu.yield
      }) : () -> ()
    }
    %scan3A_14 = arith.constant 8 : i32
    %barrier3A = arith.constant 0 : index
    tpu.barrier barrier_id(%barrier3A)
    %mul3A_15 = arith.constant 10000 : i32
    %mul3A_16 = arith.muli %add3A, %mul3A_15 : i32
    %scan3A_17 = arith.constant 0 : i32
    %scan3A_18 = arith.constant 0 : i32
    %scan3A_19 = arith.constant 125 : i32
    %scan3A_20 = arith.addi %scan3A_18, %scan3A_19 : i32
    %scan3A_21 = arith.constant 1 : i32
    scf.for %scan3A_24 = %scan3A_18 to %scan3A_20 step %scan3A_21  : i32 {
      %mul3A_25 = arith.constant 80 : i32
      %mul3A_26 = arith.muli %scan3A_24, %mul3A_25 : i32
      %add3A_27 = arith.addi %mul3A_16, %mul3A_26 : i32
      %multiple_of3A = tpu.assume_multiple %add3A_27, 8 : i32
      "tpu.region"() ({
        %run_scoped3A = tpu.sem_alloc : memref<!tpu.dma_semaphore, #tpu.memory_space<semaphore_mem>>
        %dma_start3A_52 = tpu.memref_slice %arg4[%multiple_of3A] : memref<320000xi32, #tpu.memory_space<hbm>> -> memref<80xi32, #tpu.memory_space<hbm>>
        %dma_start3A_53 = tpu.memref_slice %arg4[%multiple_of3A] : memref<320000xi32, #tpu.memory_space<hbm>> -> memref<80xi32, #tpu.memory_space<hbm>>
        tpu.enqueue_dma source(%dma_start3A_53 : memref<80xi32, #tpu.memory_space<hbm>>) target(%arg8 : memref<80xi32, #tpu.memory_space<vmem>>) target_semaphore(%run_scoped3A : memref<!tpu.dma_semaphore, #tpu.memory_space<semaphore_mem>>)
        %dma_wait3A_54 = tpu.memref_slice %arg4[%multiple_of3A] : memref<320000xi32, #tpu.memory_space<hbm>> -> memref<80xi32, #tpu.memory_space<hbm>>
        %dma_wait3A_55 = tpu.memref_slice %arg4[%multiple_of3A] : memref<320000xi32, #tpu.memory_space<hbm>> -> memref<80xi32, #tpu.memory_space<hbm>>
        tpu.wait_dma2 semaphore(%run_scoped3A : memref<!tpu.dma_semaphore, #tpu.memory_space<semaphore_mem>>) src(%dma_wait3A_55 : memref<80xi32, #tpu.memory_space<hbm>>) dst(%arg8 : memref<80xi32, #tpu.memory_space<vmem>>)
        tpu.yield
      }) : () -> ()
      "tpu.region"() ({
        %run_scoped3A = tpu.sem_alloc : memref<!tpu.dma_semaphore, #tpu.memory_space<semaphore_mem>>
        %dma_start3A_52 = tpu.memref_slice %arg5[%multiple_of3A] : memref<320000xi32, #tpu.memory_space<hbm>> -> memref<80xi32, #tpu.memory_space<hbm>>
        %dma_start3A_53 = tpu.memref_slice %arg5[%multiple_of3A] : memref<320000xi32, #tpu.memory_space<hbm>> -> memref<80xi32, #tpu.memory_space<hbm>>
        tpu.enqueue_dma source(%dma_start3A_53 : memref<80xi32, #tpu.memory_space<hbm>>) target(%arg9 : memref<80xi32, #tpu.memory_space<vmem>>) target_semaphore(%run_scoped3A : memref<!tpu.dma_semaphore, #tpu.memory_space<semaphore_mem>>)
        %dma_wait3A_54 = tpu.memref_slice %arg5[%multiple_of3A] : memref<320000xi32, #tpu.memory_space<hbm>> -> memref<80xi32, #tpu.memory_space<hbm>>
        %dma_wait3A_55 = tpu.memref_slice %arg5[%multiple_of3A] : memref<320000xi32, #tpu.memory_space<hbm>> -> memref<80xi32, #tpu.memory_space<hbm>>
        tpu.wait_dma2 semaphore(%run_scoped3A : memref<!tpu.dma_semaphore, #tpu.memory_space<semaphore_mem>>) src(%dma_wait3A_55 : memref<80xi32, #tpu.memory_space<hbm>>) dst(%arg9 : memref<80xi32, #tpu.memory_space<vmem>>)
        tpu.yield
      }) : () -> ()
      %dma_start3A = arith.constant 0 : i32
      %dma_start3A_28 = arith.constant 0 : i32
      %dma_start3A_29 = tpu.memref_slice %arg2[%dma_start3A, %dma_start3A_28] : memref<10240x128xf32, #tpu.memory_space<hbm>> -> memref<10240x128xf32, #tpu.memory_space<hbm>>
      tpu.enqueue_indirect_dma source(%dma_start3A_29 : memref<10240x128xf32, #tpu.memory_space<hbm>>) target(%arg10 : memref<80x128xf32, #tpu.memory_space<vmem>>) offsets(%arg8 : memref<80xi32, #tpu.memory_space<vmem>>) semaphore(%arg14 : memref<!tpu.dma_semaphore, #tpu.memory_space<semaphore_mem>>)
      %dma_start3A_30 = arith.constant 0 : i32
      %dma_start3A_31 = arith.constant 0 : i32
      %dma_start3A_32 = tpu.memref_slice %arg2[%dma_start3A_30, %dma_start3A_31] : memref<10240x128xf32, #tpu.memory_space<hbm>> -> memref<10240x128xf32, #tpu.memory_space<hbm>>
      tpu.enqueue_indirect_dma source(%dma_start3A_32 : memref<10240x128xf32, #tpu.memory_space<hbm>>) target(%arg11 : memref<80x128xf32, #tpu.memory_space<vmem>>) offsets(%arg9 : memref<80xi32, #tpu.memory_space<vmem>>) semaphore(%arg15 : memref<!tpu.dma_semaphore, #tpu.memory_space<semaphore_mem>>)
      %dma_start3A_33 = arith.constant 0 : i32
      %dma_start3A_34 = tpu.memref_slice %arg3[%multiple_of3A, %dma_start3A_33] : memref<320000x32xf32, #tpu.memory_space<hbm>> -> memref<80x32xf32, #tpu.memory_space<hbm>>
      %dma_start3A_35 = arith.constant 0 : i32
      %dma_start3A_36 = tpu.memref_slice %arg3[%multiple_of3A, %dma_start3A_35] : memref<320000x32xf32, #tpu.memory_space<hbm>> -> memref<80x32xf32, #tpu.memory_space<hbm>>
      tpu.enqueue_dma source(%dma_start3A_36 : memref<80x32xf32, #tpu.memory_space<hbm>>) target(%arg12 : memref<80x32xf32, #tpu.memory_space<vmem>>) target_semaphore(%arg16 : memref<!tpu.dma_semaphore, #tpu.memory_space<semaphore_mem>>)
      %dma_wait3A = arith.constant 0 : i32
      %dma_wait3A_37 = arith.constant 0 : i32
      %dma_wait3A_38 = tpu.memref_slice %arg2[%dma_wait3A, %dma_wait3A_37] : memref<10240x128xf32, #tpu.memory_space<hbm>> -> memref<10240x128xf32, #tpu.memory_space<hbm>>
      tpu.wait_indirect_dma semaphore(%arg14 : memref<!tpu.dma_semaphore, #tpu.memory_space<semaphore_mem>>) src(%dma_wait3A_38 : memref<10240x128xf32, #tpu.memory_space<hbm>>) dst(%arg10 : memref<80x128xf32, #tpu.memory_space<vmem>>)
      %dma_wait3A_39 = arith.constant 0 : i32
      %dma_wait3A_40 = arith.constant 0 : i32
      %dma_wait3A_41 = tpu.memref_slice %arg2[%dma_wait3A_39, %dma_wait3A_40] : memref<10240x128xf32, #tpu.memory_space<hbm>> -> memref<10240x128xf32, #tpu.memory_space<hbm>>
      tpu.wait_indirect_dma semaphore(%arg15 : memref<!tpu.dma_semaphore, #tpu.memory_space<semaphore_mem>>) src(%dma_wait3A_41 : memref<10240x128xf32, #tpu.memory_space<hbm>>) dst(%arg11 : memref<80x128xf32, #tpu.memory_space<vmem>>)
      %dma_wait3A_42 = arith.constant 0 : i32
      %dma_wait3A_43 = tpu.memref_slice %arg3[%multiple_of3A, %dma_wait3A_42] : memref<320000x32xf32, #tpu.memory_space<hbm>> -> memref<80x32xf32, #tpu.memory_space<hbm>>
      %dma_wait3A_44 = arith.constant 0 : i32
      %dma_wait3A_45 = tpu.memref_slice %arg3[%multiple_of3A, %dma_wait3A_44] : memref<320000x32xf32, #tpu.memory_space<hbm>> -> memref<80x32xf32, #tpu.memory_space<hbm>>
      tpu.wait_dma2 semaphore(%arg16 : memref<!tpu.dma_semaphore, #tpu.memory_space<semaphore_mem>>) src(%dma_wait3A_45 : memref<80x32xf32, #tpu.memory_space<hbm>>) dst(%arg12 : memref<80x32xf32, #tpu.memory_space<vmem>>)
      %scan3A_46 = arith.constant 0 : i32
      %scan3A_47 = arith.constant 0 : i32
      %scan3A_48 = arith.constant 80 : i32
      %scan3A_49 = arith.addi %scan3A_47, %scan3A_48 : i32
      %scan3A_50 = arith.constant 4 : i32
      scf.for %scan3A_52 = %scan3A_47 to %scan3A_49 step %scan3A_50  : i32 {
        %get3A = arith.index_cast %scan3A_52 : i32 to index
        %get3A_53 = arith.constant 0 : index
        %get3A_54 = tpu.vector_load %arg10[%get3A, %get3A_53] {strides = array<i32>} : memref<80x128xf32, #tpu.memory_space<vmem>>, vector<1x16xf32>,
        %get3A_55 = vector.shape_cast %get3A_54 : vector<1x16xf32> to vector<16xf32>
        %swap3A = arith.index_cast %scan3A_52 : i32 to index
        %swap3A_56 = arith.constant 0 : index
        %swap3A_57 = tpu.vector_load %arg13[%swap3A, %swap3A_56] {strides = array<i32>} : memref<80x128xf32, #tpu.memory_space<vmem>>, vector<1x16xf32>,
        %swap3A_58 = vector.shape_cast %swap3A_57 : vector<1x16xf32> to vector<16xf32>
        %swap3A_59 = vector.shape_cast %get3A_55 : vector<16xf32> to vector<1x16xf32>
        tpu.vector_store %arg13[%swap3A, %swap3A_56], %swap3A_59 {strides = array<i32>} : memref<80x128xf32, #tpu.memory_space<vmem>>, vector<1x16xf32>,
        %get3A_60 = arith.index_cast %scan3A_52 : i32 to index
        %get3A_61 = arith.constant 64 : index
        %get3A_62 = tpu.vector_load %arg11[%get3A_60, %get3A_61] {strides = array<i32>} : memref<80x128xf32, #tpu.memory_space<vmem>>, vector<1x16xf32>,
        %get3A_63 = vector.shape_cast %get3A_62 : vector<1x16xf32> to vector<16xf32>
        %get3A_64 = arith.index_cast %scan3A_52 : i32 to index
        %get3A_65 = arith.constant 32 : index
        %get3A_66 = tpu.vector_load %arg10[%get3A_64, %get3A_65] {strides = array<i32>} : memref<80x128xf32, #tpu.memory_space<vmem>>, vector<1x16xf32>,
        %get3A_67 = vector.shape_cast %get3A_66 : vector<1x16xf32> to vector<16xf32>
        %get3A_68 = arith.index_cast %scan3A_52 : i32 to index
        %get3A_69 = arith.constant 0 : index
        %get3A_70 = tpu.vector_load %arg12[%get3A_68, %get3A_69] {strides = array<i32>} : memref<80x32xf32, #tpu.memory_space<vmem>>, vector<1x16xf32>,
        %get3A_71 = vector.shape_cast %get3A_70 : vector<1x16xf32> to vector<16xf32>
        %add3A_72 = arith.addf %get3A_63, %get3A_67 : vector<16xf32>
        %add3A_73 = arith.addf %add3A_72, %get3A_71 : vector<16xf32>
        %max3A = arith.constant 0.000000e+00 : f32
        %max3A_74 = vector.broadcast %max3A : f32 to vector<16xf32>
        %max3A_75 = arith.maximumf %add3A_73, %max3A_74 : vector<16xf32>
        %swap3A_76 = arith.index_cast %scan3A_52 : i32 to index
        %swap3A_77 = arith.constant 32 : index
        %swap3A_78 = tpu.vector_load %arg13[%swap3A_76, %swap3A_77] {strides = array<i32>} : memref<80x128xf32, #tpu.memory_space<vmem>>, vector<1x16xf32>,
        %swap3A_79 = vector.shape_cast %swap3A_78 : vector<1x16xf32> to vector<16xf32>
        %swap3A_80 = vector.shape_cast %max3A_75 : vector<16xf32> to vector<1x16xf32>
        tpu.vector_store %arg13[%swap3A_76, %swap3A_77], %swap3A_80 {strides = array<i32>} : memref<80x128xf32, #tpu.memory_space<vmem>>, vector<1x16xf32>,
        %get3A_81 = arith.index_cast %scan3A_52 : i32 to index
        %get3A_82 = arith.constant 16 : index
        %get3A_83 = tpu.vector_load %arg10[%get3A_81, %get3A_82] {strides = array<i32>} : memref<80x128xf32, #tpu.memory_space<vmem>>, vector<1x16xf32>,
        %get3A_84 = vector.shape_cast %get3A_83 : vector<1x16xf32> to vector<16xf32>
        %swap3A_85 = arith.index_cast %scan3A_52 : i32 to index
        %swap3A_86 = arith.constant 16 : index
        %swap3A_87 = tpu.vector_load %arg13[%swap3A_85, %swap3A_86] {strides = array<i32>} : memref<80x128xf32, #tpu.memory_space<vmem>>, vector<1x16xf32>,
        %swap3A_88 = vector.shape_cast %swap3A_87 : vector<1x16xf32> to vector<16xf32>
        %swap3A_89 = vector.shape_cast %get3A_84 : vector<16xf32> to vector<1x16xf32>
        tpu.vector_store %arg13[%swap3A_85, %swap3A_86], %swap3A_89 {strides = array<i32>} : memref<80x128xf32, #tpu.memory_space<vmem>>, vector<1x16xf32>,
        %get3A_90 = arith.index_cast %scan3A_52 : i32 to index
        %get3A_91 = arith.constant 80 : index
        %get3A_92 = tpu.vector_load %arg11[%get3A_90, %get3A_91] {strides = array<i32>} : memref<80x128xf32, #tpu.memory_space<vmem>>, vector<1x16xf32>,
        %get3A_93 = vector.shape_cast %get3A_92 : vector<1x16xf32> to vector<16xf32>
        %get3A_94 = arith.index_cast %scan3A_52 : i32 to index
        %get3A_95 = arith.constant 48 : index
        %get3A_96 = tpu.vector_load %arg10[%get3A_94, %get3A_95] {strides = array<i32>} : memref<80x128xf32, #tpu.memory_space<vmem>>, vector<1x16xf32>,
        %get3A_97 = vector.shape_cast %get3A_96 : vector<1x16xf32> to vector<16xf32>
        %get3A_98 = arith.index_cast %scan3A_52 : i32 to index
        %get3A_99 = arith.constant 16 : index
        %get3A_100 = tpu.vector_load %arg12[%get3A_98, %get3A_99] {strides = array<i32>} : memref<80x32xf32, #tpu.memory_space<vmem>>, vector<1x16xf32>,
        %get3A_101 = vector.shape_cast %get3A_100 : vector<1x16xf32> to vector<16xf32>
        %add3A_102 = arith.addf %get3A_93, %get3A_97 : vector<16xf32>
        %add3A_103 = arith.addf %add3A_102, %get3A_101 : vector<16xf32>
        %max3A_104 = arith.constant 0.000000e+00 : f32
        %max3A_105 = vector.broadcast %max3A_104 : f32 to vector<16xf32>
        %max3A_106 = arith.maximumf %add3A_103, %max3A_105 : vector<16xf32>
        %swap3A_107 = arith.index_cast %scan3A_52 : i32 to index
        %swap3A_108 = arith.constant 48 : index
        %swap3A_109 = tpu.vector_load %arg13[%swap3A_107, %swap3A_108] {strides = array<i32>} : memref<80x128xf32, #tpu.memory_space<vmem>>, vector<1x16xf32>,
        %swap3A_110 = vector.shape_cast %swap3A_109 : vector<1x16xf32> to vector<16xf32>
        %swap3A_111 = vector.shape_cast %max3A_106 : vector<16xf32> to vector<1x16xf32>
        tpu.vector_store %arg13[%swap3A_107, %swap3A_108], %swap3A_111 {strides = array<i32>} : memref<80x128xf32, #tpu.memory_space<vmem>>, vector<1x16xf32>,
        %scan3A_112 = arith.constant 1 : i32
        %scan3A_113 = arith.addi %scan3A_52, %scan3A_112 : i32
        %get3A_114 = arith.index_cast %scan3A_113 : i32 to index
        %get3A_115 = arith.constant 0 : index
        %get3A_116 = tpu.vector_load %arg10[%get3A_114, %get3A_115] {strides = array<i32>} : memref<80x128xf32, #tpu.memory_space<vmem>>, vector<1x16xf32>,
        %get3A_117 = vector.shape_cast %get3A_116 : vector<1x16xf32> to vector<16xf32>
        %swap3A_118 = arith.index_cast %scan3A_113 : i32 to index
        %swap3A_119 = arith.constant 0 : index
        %swap3A_120 = tpu.vector_load %arg13[%swap3A_118, %swap3A_119] {strides = array<i32>} : memref<80x128xf32, #tpu.memory_space<vmem>>, vector<1x16xf32>,
        %swap3A_121 = vector.shape_cast %swap3A_120 : vector<1x16xf32> to vector<16xf32>
        %swap3A_122 = vector.shape_cast %get3A_117 : vector<16xf32> to vector<1x16xf32>
        tpu.vector_store %arg13[%swap3A_118, %swap3A_119], %swap3A_122 {strides = array<i32>} : memref<80x128xf32, #tpu.memory_space<vmem>>, vector<1x16xf32>,
        %get3A_123 = arith.index_cast %scan3A_113 : i32 to index
        %get3A_124 = arith.constant 64 : index
        %get3A_125 = tpu.vector_load %arg11[%get3A_123, %get3A_124] {strides = array<i32>} : memref<80x128xf32, #tpu.memory_space<vmem>>, vector<1x16xf32>,
        %get3A_126 = vector.shape_cast %get3A_125 : vector<1x16xf32> to vector<16xf32>
        %get3A_127 = arith.index_cast %scan3A_113 : i32 to index
        %get3A_128 = arith.constant 32 : index
        %get3A_129 = tpu.vector_load %arg10[%get3A_127, %get3A_128] {strides = array<i32>} : memref<80x128xf32, #tpu.memory_space<vmem>>, vector<1x16xf32>,
        %get3A_130 = vector.shape_cast %get3A_129 : vector<1x16xf32> to vector<16xf32>
        %get3A_131 = arith.index_cast %scan3A_113 : i32 to index
        %get3A_132 = arith.constant 0 : index
        %get3A_133 = tpu.vector_load %arg12[%get3A_131, %get3A_132] {strides = array<i32>} : memref<80x32xf32, #tpu.memory_space<vmem>>, vector<1x16xf32>,
        %get3A_134 = vector.shape_cast %get3A_133 : vector<1x16xf32> to vector<16xf32>
        %add3A_135 = arith.addf %get3A_126, %get3A_130 : vector<16xf32>
        %add3A_136 = arith.addf %add3A_135, %get3A_134 : vector<16xf32>
        %max3A_137 = arith.constant 0.000000e+00 : f32
        %max3A_138 = vector.broadcast %max3A_137 : f32 to vector<16xf32>
        %max3A_139 = arith.maximumf %add3A_136, %max3A_138 : vector<16xf32>
        %swap3A_140 = arith.index_cast %scan3A_113 : i32 to index
        %swap3A_141 = arith.constant 32 : index
        %swap3A_142 = tpu.vector_load %arg13[%swap3A_140, %swap3A_141] {strides = array<i32>} : memref<80x128xf32, #tpu.memory_space<vmem>>, vector<1x16xf32>,
        %swap3A_143 = vector.shape_cast %swap3A_142 : vector<1x16xf32> to vector<16xf32>
        %swap3A_144 = vector.shape_cast %max3A_139 : vector<16xf32> to vector<1x16xf32>
        tpu.vector_store %arg13[%swap3A_140, %swap3A_141], %swap3A_144 {strides = array<i32>} : memref<80x128xf32, #tpu.memory_space<vmem>>, vector<1x16xf32>,
        %get3A_145 = arith.index_cast %scan3A_113 : i32 to index
        %get3A_146 = arith.constant 16 : index
        %get3A_147 = tpu.vector_load %arg10[%get3A_145, %get3A_146] {strides = array<i32>} : memref<80x128xf32, #tpu.memory_space<vmem>>, vector<1x16xf32>,
        %get3A_148 = vector.shape_cast %get3A_147 : vector<1x16xf32> to vector<16xf32>
        %swap3A_149 = arith.index_cast %scan3A_113 : i32 to index
        %swap3A_150 = arith.constant 16 : index
        %swap3A_151 = tpu.vector_load %arg13[%swap3A_149, %swap3A_150] {strides = array<i32>} : memref<80x128xf32, #tpu.memory_space<vmem>>, vector<1x16xf32>,
        %swap3A_152 = vector.shape_cast %swap3A_151 : vector<1x16xf32> to vector<16xf32>
        %swap3A_153 = vector.shape_cast %get3A_148 : vector<16xf32> to vector<1x16xf32>
        tpu.vector_store %arg13[%swap3A_149, %swap3A_150], %swap3A_153 {strides = array<i32>} : memref<80x128xf32, #tpu.memory_space<vmem>>, vector<1x16xf32>,
        %get3A_154 = arith.index_cast %scan3A_113 : i32 to index
        %get3A_155 = arith.constant 80 : index
        %get3A_156 = tpu.vector_load %arg11[%get3A_154, %get3A_155] {strides = array<i32>} : memref<80x128xf32, #tpu.memory_space<vmem>>, vector<1x16xf32>,
        %get3A_157 = vector.shape_cast %get3A_156 : vector<1x16xf32> to vector<16xf32>
        %get3A_158 = arith.index_cast %scan3A_113 : i32 to index
        %get3A_159 = arith.constant 48 : index
        %get3A_160 = tpu.vector_load %arg10[%get3A_158, %get3A_159] {strides = array<i32>} : memref<80x128xf32, #tpu.memory_space<vmem>>, vector<1x16xf32>,
        %get3A_161 = vector.shape_cast %get3A_160 : vector<1x16xf32> to vector<16xf32>
        %get3A_162 = arith.index_cast %scan3A_113 : i32 to index
        %get3A_163 = arith.constant 16 : index
        %get3A_164 = tpu.vector_load %arg12[%get3A_162, %get3A_163] {strides = array<i32>} : memref<80x32xf32, #tpu.memory_space<vmem>>, vector<1x16xf32>,
        %get3A_165 = vector.shape_cast %get3A_164 : vector<1x16xf32> to vector<16xf32>
        %add3A_166 = arith.addf %get3A_157, %get3A_161 : vector<16xf32>
        %add3A_167 = arith.addf %add3A_166, %get3A_165 : vector<16xf32>
        %max3A_168 = arith.constant 0.000000e+00 : f32
        %max3A_169 = vector.broadcast %max3A_168 : f32 to vector<16xf32>
        %max3A_170 = arith.maximumf %add3A_167, %max3A_169 : vector<16xf32>
        %swap3A_171 = arith.index_cast %scan3A_113 : i32 to index
        %swap3A_172 = arith.constant 48 : index
        %swap3A_173 = tpu.vector_load %arg13[%swap3A_171, %swap3A_172] {strides = array<i32>} : memref<80x128xf32, #tpu.memory_space<vmem>>, vector<1x16xf32>,
        %swap3A_174 = vector.shape_cast %swap3A_173 : vector<1x16xf32> to vector<16xf32>
        %swap3A_175 = vector.shape_cast %max3A_170 : vector<16xf32> to vector<1x16xf32>
        tpu.vector_store %arg13[%swap3A_171, %swap3A_172], %swap3A_175 {strides = array<i32>} : memref<80x128xf32, #tpu.memory_space<vmem>>, vector<1x16xf32>,
        %scan3A_176 = arith.constant 2 : i32
        %scan3A_177 = arith.addi %scan3A_52, %scan3A_176 : i32
        %get3A_178 = arith.index_cast %scan3A_177 : i32 to index
        %get3A_179 = arith.constant 0 : index
        %get3A_180 = tpu.vector_load %arg10[%get3A_178, %get3A_179] {strides = array<i32>} : memref<80x128xf32, #tpu.memory_space<vmem>>, vector<1x16xf32>,
        %get3A_181 = vector.shape_cast %get3A_180 : vector<1x16xf32> to vector<16xf32>
        %swap3A_182 = arith.index_cast %scan3A_177 : i32 to index
        %swap3A_183 = arith.constant 0 : index
        %swap3A_184 = tpu.vector_load %arg13[%swap3A_182, %swap3A_183] {strides = array<i32>} : memref<80x128xf32, #tpu.memory_space<vmem>>, vector<1x16xf32>,
        %swap3A_185 = vector.shape_cast %swap3A_184 : vector<1x16xf32> to vector<16xf32>
        %swap3A_186 = vector.shape_cast %get3A_181 : vector<16xf32> to vector<1x16xf32>
        tpu.vector_store %arg13[%swap3A_182, %swap3A_183], %swap3A_186 {strides = array<i32>} : memref<80x128xf32, #tpu.memory_space<vmem>>, vector<1x16xf32>,
        %get3A_187 = arith.index_cast %scan3A_177 : i32 to index
        %get3A_188 = arith.constant 64 : index
        %get3A_189 = tpu.vector_load %arg11[%get3A_187, %get3A_188] {strides = array<i32>} : memref<80x128xf32, #tpu.memory_space<vmem>>, vector<1x16xf32>,
        %get3A_190 = vector.shape_cast %get3A_189 : vector<1x16xf32> to vector<16xf32>
        %get3A_191 = arith.index_cast %scan3A_177 : i32 to index
        %get3A_192 = arith.constant 32 : index
        %get3A_193 = tpu.vector_load %arg10[%get3A_191, %get3A_192] {strides = array<i32>} : memref<80x128xf32, #tpu.memory_space<vmem>>, vector<1x16xf32>,
        %get3A_194 = vector.shape_cast %get3A_193 : vector<1x16xf32> to vector<16xf32>
        %get3A_195 = arith.index_cast %scan3A_177 : i32 to index
        %get3A_196 = arith.constant 0 : index
        %get3A_197 = tpu.vector_load %arg12[%get3A_195, %get3A_196] {strides = array<i32>} : memref<80x32xf32, #tpu.memory_space<vmem>>, vector<1x16xf32>,
        %get3A_198 = vector.shape_cast %get3A_197 : vector<1x16xf32> to vector<16xf32>
        %add3A_199 = arith.addf %get3A_190, %get3A_194 : vector<16xf32>
        %add3A_200 = arith.addf %add3A_199, %get3A_198 : vector<16xf32>
        %max3A_201 = arith.constant 0.000000e+00 : f32
        %max3A_202 = vector.broadcast %max3A_201 : f32 to vector<16xf32>
        %max3A_203 = arith.maximumf %add3A_200, %max3A_202 : vector<16xf32>
        %swap3A_204 = arith.index_cast %scan3A_177 : i32 to index
        %swap3A_205 = arith.constant 32 : index
        %swap3A_206 = tpu.vector_load %arg13[%swap3A_204, %swap3A_205] {strides = array<i32>} : memref<80x128xf32, #tpu.memory_space<vmem>>, vector<1x16xf32>,
        %swap3A_207 = vector.shape_cast %swap3A_206 : vector<1x16xf32> to vector<16xf32>
        %swap3A_208 = vector.shape_cast %max3A_203 : vector<16xf32> to vector<1x16xf32>
        tpu.vector_store %arg13[%swap3A_204, %swap3A_205], %swap3A_208 {strides = array<i32>} : memref<80x128xf32, #tpu.memory_space<vmem>>, vector<1x16xf32>,
        %get3A_209 = arith.index_cast %scan3A_177 : i32 to index
        %get3A_210 = arith.constant 16 : index
        %get3A_211 = tpu.vector_load %arg10[%get3A_209, %get3A_210] {strides = array<i32>} : memref<80x128xf32, #tpu.memory_space<vmem>>, vector<1x16xf32>,
        %get3A_212 = vector.shape_cast %get3A_211 : vector<1x16xf32> to vector<16xf32>
        %swap3A_213 = arith.index_cast %scan3A_177 : i32 to index
        %swap3A_214 = arith.constant 16 : index
        %swap3A_215 = tpu.vector_load %arg13[%swap3A_213, %swap3A_214] {strides = array<i32>} : memref<80x128xf32, #tpu.memory_space<vmem>>, vector<1x16xf32>,
        %swap3A_216 = vector.shape_cast %swap3A_215 : vector<1x16xf32> to vector<16xf32>
        %swap3A_217 = vector.shape_cast %get3A_212 : vector<16xf32> to vector<1x16xf32>
        tpu.vector_store %arg13[%swap3A_213, %swap3A_214], %swap3A_217 {strides = array<i32>} : memref<80x128xf32, #tpu.memory_space<vmem>>, vector<1x16xf32>,
        %get3A_218 = arith.index_cast %scan3A_177 : i32 to index
        %get3A_219 = arith.constant 80 : index
        %get3A_220 = tpu.vector_load %arg11[%get3A_218, %get3A_219] {strides = array<i32>} : memref<80x128xf32, #tpu.memory_space<vmem>>, vector<1x16xf32>,
        %get3A_221 = vector.shape_cast %get3A_220 : vector<1x16xf32> to vector<16xf32>
        %get3A_222 = arith.index_cast %scan3A_177 : i32 to index
        %get3A_223 = arith.constant 48 : index
        %get3A_224 = tpu.vector_load %arg10[%get3A_222, %get3A_223] {strides = array<i32>} : memref<80x128xf32, #tpu.memory_space<vmem>>, vector<1x16xf32>,
        %get3A_225 = vector.shape_cast %get3A_224 : vector<1x16xf32> to vector<16xf32>
        %get3A_226 = arith.index_cast %scan3A_177 : i32 to index
        %get3A_227 = arith.constant 16 : index
        %get3A_228 = tpu.vector_load %arg12[%get3A_226, %get3A_227] {strides = array<i32>} : memref<80x32xf32, #tpu.memory_space<vmem>>, vector<1x16xf32>,
        %get3A_229 = vector.shape_cast %get3A_228 : vector<1x16xf32> to vector<16xf32>
        %add3A_230 = arith.addf %get3A_221, %get3A_225 : vector<16xf32>
        %add3A_231 = arith.addf %add3A_230, %get3A_229 : vector<16xf32>
        %max3A_232 = arith.constant 0.000000e+00 : f32
        %max3A_233 = vector.broadcast %max3A_232 : f32 to vector<16xf32>
        %max3A_234 = arith.maximumf %add3A_231, %max3A_233 : vector<16xf32>
        %swap3A_235 = arith.index_cast %scan3A_177 : i32 to index
        %swap3A_236 = arith.constant 48 : index
        %swap3A_237 = tpu.vector_load %arg13[%swap3A_235, %swap3A_236] {strides = array<i32>} : memref<80x128xf32, #tpu.memory_space<vmem>>, vector<1x16xf32>,
        %swap3A_238 = vector.shape_cast %swap3A_237 : vector<1x16xf32> to vector<16xf32>
        %swap3A_239 = vector.shape_cast %max3A_234 : vector<16xf32> to vector<1x16xf32>
        tpu.vector_store %arg13[%swap3A_235, %swap3A_236], %swap3A_239 {strides = array<i32>} : memref<80x128xf32, #tpu.memory_space<vmem>>, vector<1x16xf32>,
        %scan3A_240 = arith.constant 3 : i32
        %scan3A_241 = arith.addi %scan3A_52, %scan3A_240 : i32
        %get3A_242 = arith.index_cast %scan3A_241 : i32 to index
        %get3A_243 = arith.constant 0 : index
        %get3A_244 = tpu.vector_load %arg10[%get3A_242, %get3A_243] {strides = array<i32>} : memref<80x128xf32, #tpu.memory_space<vmem>>, vector<1x16xf32>,
        %get3A_245 = vector.shape_cast %get3A_244 : vector<1x16xf32> to vector<16xf32>
        %swap3A_246 = arith.index_cast %scan3A_241 : i32 to index
        %swap3A_247 = arith.constant 0 : index
        %swap3A_248 = tpu.vector_load %arg13[%swap3A_246, %swap3A_247] {strides = array<i32>} : memref<80x128xf32, #tpu.memory_space<vmem>>, vector<1x16xf32>,
        %swap3A_249 = vector.shape_cast %swap3A_248 : vector<1x16xf32> to vector<16xf32>
        %swap3A_250 = vector.shape_cast %get3A_245 : vector<16xf32> to vector<1x16xf32>
        tpu.vector_store %arg13[%swap3A_246, %swap3A_247], %swap3A_250 {strides = array<i32>} : memref<80x128xf32, #tpu.memory_space<vmem>>, vector<1x16xf32>,
        %get3A_251 = arith.index_cast %scan3A_241 : i32 to index
        %get3A_252 = arith.constant 64 : index
        %get3A_253 = tpu.vector_load %arg11[%get3A_251, %get3A_252] {strides = array<i32>} : memref<80x128xf32, #tpu.memory_space<vmem>>, vector<1x16xf32>,
        %get3A_254 = vector.shape_cast %get3A_253 : vector<1x16xf32> to vector<16xf32>
        %get3A_255 = arith.index_cast %scan3A_241 : i32 to index
        %get3A_256 = arith.constant 32 : index
        %get3A_257 = tpu.vector_load %arg10[%get3A_255, %get3A_256] {strides = array<i32>} : memref<80x128xf32, #tpu.memory_space<vmem>>, vector<1x16xf32>,
        %get3A_258 = vector.shape_cast %get3A_257 : vector<1x16xf32> to vector<16xf32>
        %get3A_259 = arith.index_cast %scan3A_241 : i32 to index
        %get3A_260 = arith.constant 0 : index
        %get3A_261 = tpu.vector_load %arg12[%get3A_259, %get3A_260] {strides = array<i32>} : memref<80x32xf32, #tpu.memory_space<vmem>>, vector<1x16xf32>,
        %get3A_262 = vector.shape_cast %get3A_261 : vector<1x16xf32> to vector<16xf32>
        %add3A_263 = arith.addf %get3A_254, %get3A_258 : vector<16xf32>
        %add3A_264 = arith.addf %add3A_263, %get3A_262 : vector<16xf32>
        %max3A_265 = arith.constant 0.000000e+00 : f32
        %max3A_266 = vector.broadcast %max3A_265 : f32 to vector<16xf32>
        %max3A_267 = arith.maximumf %add3A_264, %max3A_266 : vector<16xf32>
        %swap3A_268 = arith.index_cast %scan3A_241 : i32 to index
        %swap3A_269 = arith.constant 32 : index
        %swap3A_270 = tpu.vector_load %arg13[%swap3A_268, %swap3A_269] {strides = array<i32>} : memref<80x128xf32, #tpu.memory_space<vmem>>, vector<1x16xf32>,
        %swap3A_271 = vector.shape_cast %swap3A_270 : vector<1x16xf32> to vector<16xf32>
        %swap3A_272 = vector.shape_cast %max3A_267 : vector<16xf32> to vector<1x16xf32>
        tpu.vector_store %arg13[%swap3A_268, %swap3A_269], %swap3A_272 {strides = array<i32>} : memref<80x128xf32, #tpu.memory_space<vmem>>, vector<1x16xf32>,
        %get3A_273 = arith.index_cast %scan3A_241 : i32 to index
        %get3A_274 = arith.constant 16 : index
        %get3A_275 = tpu.vector_load %arg10[%get3A_273, %get3A_274] {strides = array<i32>} : memref<80x128xf32, #tpu.memory_space<vmem>>, vector<1x16xf32>,
        %get3A_276 = vector.shape_cast %get3A_275 : vector<1x16xf32> to vector<16xf32>
        %swap3A_277 = arith.index_cast %scan3A_241 : i32 to index
        %swap3A_278 = arith.constant 16 : index
        %swap3A_279 = tpu.vector_load %arg13[%swap3A_277, %swap3A_278] {strides = array<i32>} : memref<80x128xf32, #tpu.memory_space<vmem>>, vector<1x16xf32>,
        %swap3A_280 = vector.shape_cast %swap3A_279 : vector<1x16xf32> to vector<16xf32>
        %swap3A_281 = vector.shape_cast %get3A_276 : vector<16xf32> to vector<1x16xf32>
        tpu.vector_store %arg13[%swap3A_277, %swap3A_278], %swap3A_281 {strides = array<i32>} : memref<80x128xf32, #tpu.memory_space<vmem>>, vector<1x16xf32>,
        %get3A_282 = arith.index_cast %scan3A_241 : i32 to index
        %get3A_283 = arith.constant 80 : index
        %get3A_284 = tpu.vector_load %arg11[%get3A_282, %get3A_283] {strides = array<i32>} : memref<80x128xf32, #tpu.memory_space<vmem>>, vector<1x16xf32>,
        %get3A_285 = vector.shape_cast %get3A_284 : vector<1x16xf32> to vector<16xf32>
        %get3A_286 = arith.index_cast %scan3A_241 : i32 to index
        %get3A_287 = arith.constant 48 : index
        %get3A_288 = tpu.vector_load %arg10[%get3A_286, %get3A_287] {strides = array<i32>} : memref<80x128xf32, #tpu.memory_space<vmem>>, vector<1x16xf32>,
        %get3A_289 = vector.shape_cast %get3A_288 : vector<1x16xf32> to vector<16xf32>
        %get3A_290 = arith.index_cast %scan3A_241 : i32 to index
        %get3A_291 = arith.constant 16 : index
        %get3A_292 = tpu.vector_load %arg12[%get3A_290, %get3A_291] {strides = array<i32>} : memref<80x32xf32, #tpu.memory_space<vmem>>, vector<1x16xf32>,
        %get3A_293 = vector.shape_cast %get3A_292 : vector<1x16xf32> to vector<16xf32>
        %add3A_294 = arith.addf %get3A_285, %get3A_289 : vector<16xf32>
        %add3A_295 = arith.addf %add3A_294, %get3A_293 : vector<16xf32>
        %max3A_296 = arith.constant 0.000000e+00 : f32
        %max3A_297 = vector.broadcast %max3A_296 : f32 to vector<16xf32>
        %max3A_298 = arith.maximumf %add3A_295, %max3A_297 : vector<16xf32>
        %swap3A_299 = arith.index_cast %scan3A_241 : i32 to index
        %swap3A_300 = arith.constant 48 : index
        %swap3A_301 = tpu.vector_load %arg13[%swap3A_299, %swap3A_300] {strides = array<i32>} : memref<80x128xf32, #tpu.memory_space<vmem>>, vector<1x16xf32>,
        %swap3A_302 = vector.shape_cast %swap3A_301 : vector<1x16xf32> to vector<16xf32>
        %swap3A_303 = vector.shape_cast %max3A_298 : vector<16xf32> to vector<1x16xf32>
        tpu.vector_store %arg13[%swap3A_299, %swap3A_300], %swap3A_303 {strides = array<i32>} : memref<80x128xf32, #tpu.memory_space<vmem>>, vector<1x16xf32>,
      }
      %scan3A_51 = arith.constant 80 : i32
      "tpu.region"() ({
        %run_scoped3A = tpu.sem_alloc : memref<!tpu.dma_semaphore, #tpu.memory_space<semaphore_mem>>
        %dma_start3A_52 = arith.constant 0 : i32
        %dma_start3A_53 = arith.constant 0 : i32
        %dma_start3A_54 = tpu.memref_slice %arg7[%dma_start3A_52, %dma_start3A_53] : memref<10240x128xf32, #tpu.memory_space<vmem_shared>> -> memref<10240x128xf32, #tpu.memory_space<vmem_shared>>
        tpu.enqueue_indirect_dma source(%arg13 : memref<80x128xf32, #tpu.memory_space<vmem>>) target(%dma_start3A_54 : memref<10240x128xf32, #tpu.memory_space<vmem_shared>>) offsets(%arg9 : memref<80xi32, #tpu.memory_space<vmem>>) semaphore(%run_scoped3A : memref<!tpu.dma_semaphore, #tpu.memory_space<semaphore_mem>>) {add = true}
        %dma_wait3A_55 = arith.constant 0 : i32
        %dma_wait3A_56 = arith.constant 0 : i32
        %dma_wait3A_57 = tpu.memref_slice %arg7[%dma_wait3A_55, %dma_wait3A_56] : memref<10240x128xf32, #tpu.memory_space<vmem_shared>> -> memref<10240x128xf32, #tpu.memory_space<vmem_shared>>
        tpu.wait_indirect_dma semaphore(%run_scoped3A : memref<!tpu.dma_semaphore, #tpu.memory_space<semaphore_mem>>) src(%arg13 : memref<80x128xf32, #tpu.memory_space<vmem>>) dst(%dma_wait3A_57 : memref<10240x128xf32, #tpu.memory_space<vmem_shared>>)
        tpu.yield
      }) : () -> ()
    }
    %scan3A_22 = arith.constant 125 : i32
    %barrier3A_23 = arith.constant 0 : index
    tpu.barrier barrier_id(%barrier3A_23)
    "tpu.region"() ({
      %run_scoped3A = tpu.sem_alloc : memref<!tpu.dma_semaphore, #tpu.memory_space<semaphore_mem>>
      %dma_start3A = arith.constant 0 : i32
      %dma_start3A_24 = tpu.memref_slice %arg6[%arg0, %mul3A_3, %dma_start3A] : memref<2x10240x128xf32, #tpu.memory_space<hbm>> -> memref<1x640x128xf32, #tpu.memory_space<hbm>>
      %dma_start3A_25 = tpu.memref_squeeze %dma_start3A_24 : memref<1x640x128xf32, #tpu.memory_space<hbm>> -> memref<640x128xf32, #tpu.memory_space<hbm>>
      %dma_start3A_26 = arith.constant 0 : i32
      %dma_start3A_27 = tpu.memref_slice %arg7[%mul3A_3, %dma_start3A_26] : memref<10240x128xf32, #tpu.memory_space<vmem_shared>> -> memref<640x128xf32, #tpu.memory_space<vmem_shared>>
      tpu.enqueue_dma source(%dma_start3A_27 : memref<640x128xf32, #tpu.memory_space<vmem_shared>>) target(%dma_start3A_25 : memref<640x128xf32, #tpu.memory_space<hbm>>) target_semaphore(%run_scoped3A : memref<!tpu.dma_semaphore, #tpu.memory_space<semaphore_mem>>)
      %dma_wait3A = arith.constant 0 : i32
      %dma_wait3A_28 = tpu.memref_slice %arg6[%arg0, %mul3A_3, %dma_wait3A] : memref<2x10240x128xf32, #tpu.memory_space<hbm>> -> memref<1x640x128xf32, #tpu.memory_space<hbm>>
      %dma_wait3A_29 = tpu.memref_squeeze %dma_wait3A_28 : memref<1x640x128xf32, #tpu.memory_space<hbm>> -> memref<640x128xf32, #tpu.memory_space<hbm>>
      %dma_wait3A_30 = arith.constant 0 : i32
      %dma_wait3A_31 = tpu.memref_slice %arg7[%mul3A_3, %dma_wait3A_30] : memref<10240x128xf32, #tpu.memory_space<vmem_shared>> -> memref<640x128xf32, #tpu.memory_space<vmem_shared>>
      tpu.wait_dma2 semaphore(%run_scoped3A : memref<!tpu.dma_semaphore, #tpu.memory_space<semaphore_mem>>) src(%dma_wait3A_31 : memref<640x128xf32, #tpu.memory_space<vmem_shared>>) dst(%dma_wait3A_29 : memref<640x128xf32, #tpu.memory_space<hbm>>)
      tpu.yield
    }) : () -> ()
    return
  }
}

module attributes {stable_mosaic.version = 14 : i64} {
  func.func @_ef_body(%arg0: i32, %arg1: memref<2000x16xf32, #tpu.memory_space<vmem>>, %arg2: memref<4x16x32xf32, #tpu.memory_space<vmem>>, %arg3: memref<4x1x32xf32, #tpu.memory_space<vmem>>, %arg4: memref<4x2000x32xf32, #tpu.memory_space<vmem>>) attributes {dimension_semantics = [#tpu.dimension_semantics<arbitrary>], iteration_bounds = array<i64: 160>, scalar_prefetch = 0 : i64, scratch_operands = 0 : i64, tpu.core_type = #tpu.core_type<tc>, window_params = [{transform_indices = @transform_0, window_bounds = array<i64: 2000, 16>}, {pipeline_mode = #tpu.pipeline_mode<synchronous>, transform_indices = @transform_1, window_bounds = array<i64: 4, 16, 32>}, {pipeline_mode = #tpu.pipeline_mode<synchronous>, transform_indices = @transform_2, window_bounds = array<i64: 4, 1, 32>}, {transform_indices = @transform_3, window_bounds = array<i64: 4, 2000, 32>}]} {
    %get3A = arith.constant 0 : index
    %get3A_0 = arith.constant 0 : index
    %get3A_1 = vector.load %arg1[%get3A, %get3A_0] : memref<2000x16xf32, #tpu.memory_space<vmem>>, vector<2000x16xf32>
    %get3A_2 = arith.constant 0 : index
    %get3A_3 = arith.constant 0 : index
    %get3A_4 = arith.constant 0 : index
    %get3A_5 = vector.load %arg2[%get3A_2, %get3A_3, %get3A_4] : memref<4x16x32xf32, #tpu.memory_space<vmem>>, vector<1x16x32xf32>
    %get3A_6 = vector.shape_cast %get3A_5 : vector<1x16x32xf32> to vector<16x32xf32>
    %dot_general3A = arith.constant dense<0.000000e+00> : vector<2000x32xf32>
    %dot_general3A_7 = tpu.matmul %get3A_1, %get3A_6, %dot_general3A {dimension_numbers = #tpu.dot_dimension_numbers<[1], [0], [0], [1], [0, 0, 1, 1], [], []>, transpose_lhs_hint = false} : vector<2000x16xf32>, vector<16x32xf32>, vector<2000x32xf32> -> vector<2000x32xf32>
    %get3A_8 = arith.constant 0 : index
    %get3A_9 = arith.constant 0 : index
    %get3A_10 = arith.constant 0 : index
    %get3A_11 = vector.load %arg3[%get3A_8, %get3A_9, %get3A_10] : memref<4x1x32xf32, #tpu.memory_space<vmem>>, vector<1x1x32xf32>
    %get3A_12 = vector.shape_cast %get3A_11 : vector<1x1x32xf32> to vector<1x32xf32>
    %add3A = vector.broadcast %get3A_12 : vector<1x32xf32> to vector<2000x32xf32>
    %add3A_13 = arith.addf %dot_general3A_7, %add3A : vector<2000x32xf32>
    %swap3A = arith.constant 0 : index
    %swap3A_14 = arith.constant 0 : index
    %swap3A_15 = arith.constant 0 : index
    %swap3A_16 = vector.load %arg4[%swap3A, %swap3A_14, %swap3A_15] : memref<4x2000x32xf32, #tpu.memory_space<vmem>>, vector<1x2000x32xf32>
    %swap3A_17 = vector.shape_cast %swap3A_16 : vector<1x2000x32xf32> to vector<2000x32xf32>
    %swap3A_18 = vector.shape_cast %add3A_13 : vector<2000x32xf32> to vector<1x2000x32xf32>
    tpu.vector_store %arg4[%swap3A, %swap3A_14, %swap3A_15], %swap3A_18 {strides = array<i32>} : memref<4x2000x32xf32, #tpu.memory_space<vmem>>, vector<1x2000x32xf32>,
    %get3A_19 = arith.constant 1 : index
    %get3A_20 = arith.constant 0 : index
    %get3A_21 = arith.constant 0 : index
    %get3A_22 = vector.load %arg2[%get3A_19, %get3A_20, %get3A_21] : memref<4x16x32xf32, #tpu.memory_space<vmem>>, vector<1x16x32xf32>
    %get3A_23 = vector.shape_cast %get3A_22 : vector<1x16x32xf32> to vector<16x32xf32>
    %dot_general3A_24 = arith.constant dense<0.000000e+00> : vector<2000x32xf32>
    %dot_general3A_25 = tpu.matmul %get3A_1, %get3A_23, %dot_general3A_24 {dimension_numbers = #tpu.dot_dimension_numbers<[1], [0], [0], [1], [0, 0, 1, 1], [], []>, transpose_lhs_hint = false} : vector<2000x16xf32>, vector<16x32xf32>, vector<2000x32xf32> -> vector<2000x32xf32>
    %get3A_26 = arith.constant 1 : index
    %get3A_27 = arith.constant 0 : index
    %get3A_28 = arith.constant 0 : index
    %get3A_29 = vector.load %arg3[%get3A_26, %get3A_27, %get3A_28] : memref<4x1x32xf32, #tpu.memory_space<vmem>>, vector<1x1x32xf32>
    %get3A_30 = vector.shape_cast %get3A_29 : vector<1x1x32xf32> to vector<1x32xf32>
    %add3A_31 = vector.broadcast %get3A_30 : vector<1x32xf32> to vector<2000x32xf32>
    %add3A_32 = arith.addf %dot_general3A_25, %add3A_31 : vector<2000x32xf32>
    %swap3A_33 = arith.constant 1 : index
    %swap3A_34 = arith.constant 0 : index
    %swap3A_35 = arith.constant 0 : index
    %swap3A_36 = vector.load %arg4[%swap3A_33, %swap3A_34, %swap3A_35] : memref<4x2000x32xf32, #tpu.memory_space<vmem>>, vector<1x2000x32xf32>
    %swap3A_37 = vector.shape_cast %swap3A_36 : vector<1x2000x32xf32> to vector<2000x32xf32>
    %swap3A_38 = vector.shape_cast %add3A_32 : vector<2000x32xf32> to vector<1x2000x32xf32>
    tpu.vector_store %arg4[%swap3A_33, %swap3A_34, %swap3A_35], %swap3A_38 {strides = array<i32>} : memref<4x2000x32xf32, #tpu.memory_space<vmem>>, vector<1x2000x32xf32>,
    %get3A_39 = arith.constant 2 : index
    %get3A_40 = arith.constant 0 : index
    %get3A_41 = arith.constant 0 : index
    %get3A_42 = vector.load %arg2[%get3A_39, %get3A_40, %get3A_41] : memref<4x16x32xf32, #tpu.memory_space<vmem>>, vector<1x16x32xf32>
    %get3A_43 = vector.shape_cast %get3A_42 : vector<1x16x32xf32> to vector<16x32xf32>
    %dot_general3A_44 = arith.constant dense<0.000000e+00> : vector<2000x32xf32>
    %dot_general3A_45 = tpu.matmul %get3A_1, %get3A_43, %dot_general3A_44 {dimension_numbers = #tpu.dot_dimension_numbers<[1], [0], [0], [1], [0, 0, 1, 1], [], []>, transpose_lhs_hint = false} : vector<2000x16xf32>, vector<16x32xf32>, vector<2000x32xf32> -> vector<2000x32xf32>
    %get3A_46 = arith.constant 2 : index
    %get3A_47 = arith.constant 0 : index
    %get3A_48 = arith.constant 0 : index
    %get3A_49 = vector.load %arg3[%get3A_46, %get3A_47, %get3A_48] : memref<4x1x32xf32, #tpu.memory_space<vmem>>, vector<1x1x32xf32>
    %get3A_50 = vector.shape_cast %get3A_49 : vector<1x1x32xf32> to vector<1x32xf32>
    %add3A_51 = vector.broadcast %get3A_50 : vector<1x32xf32> to vector<2000x32xf32>
    %add3A_52 = arith.addf %dot_general3A_45, %add3A_51 : vector<2000x32xf32>
    %swap3A_53 = arith.constant 2 : index
    %swap3A_54 = arith.constant 0 : index
    %swap3A_55 = arith.constant 0 : index
    %swap3A_56 = vector.load %arg4[%swap3A_53, %swap3A_54, %swap3A_55] : memref<4x2000x32xf32, #tpu.memory_space<vmem>>, vector<1x2000x32xf32>
    %swap3A_57 = vector.shape_cast %swap3A_56 : vector<1x2000x32xf32> to vector<2000x32xf32>
    %swap3A_58 = vector.shape_cast %add3A_52 : vector<2000x32xf32> to vector<1x2000x32xf32>
    tpu.vector_store %arg4[%swap3A_53, %swap3A_54, %swap3A_55], %swap3A_58 {strides = array<i32>} : memref<4x2000x32xf32, #tpu.memory_space<vmem>>, vector<1x2000x32xf32>,
    %get3A_59 = arith.constant 3 : index
    %get3A_60 = arith.constant 0 : index
    %get3A_61 = arith.constant 0 : index
    %get3A_62 = vector.load %arg2[%get3A_59, %get3A_60, %get3A_61] : memref<4x16x32xf32, #tpu.memory_space<vmem>>, vector<1x16x32xf32>
    %get3A_63 = vector.shape_cast %get3A_62 : vector<1x16x32xf32> to vector<16x32xf32>
    %dot_general3A_64 = arith.constant dense<0.000000e+00> : vector<2000x32xf32>
    %dot_general3A_65 = tpu.matmul %get3A_1, %get3A_63, %dot_general3A_64 {dimension_numbers = #tpu.dot_dimension_numbers<[1], [0], [0], [1], [0, 0, 1, 1], [], []>, transpose_lhs_hint = false} : vector<2000x16xf32>, vector<16x32xf32>, vector<2000x32xf32> -> vector<2000x32xf32>
    %get3A_66 = arith.constant 3 : index
    %get3A_67 = arith.constant 0 : index
    %get3A_68 = arith.constant 0 : index
    %get3A_69 = vector.load %arg3[%get3A_66, %get3A_67, %get3A_68] : memref<4x1x32xf32, #tpu.memory_space<vmem>>, vector<1x1x32xf32>
    %get3A_70 = vector.shape_cast %get3A_69 : vector<1x1x32xf32> to vector<1x32xf32>
    %add3A_71 = vector.broadcast %get3A_70 : vector<1x32xf32> to vector<2000x32xf32>
    %add3A_72 = arith.addf %dot_general3A_65, %add3A_71 : vector<2000x32xf32>
    %swap3A_73 = arith.constant 3 : index
    %swap3A_74 = arith.constant 0 : index
    %swap3A_75 = arith.constant 0 : index
    %swap3A_76 = vector.load %arg4[%swap3A_73, %swap3A_74, %swap3A_75] : memref<4x2000x32xf32, #tpu.memory_space<vmem>>, vector<1x2000x32xf32>
    %swap3A_77 = vector.shape_cast %swap3A_76 : vector<1x2000x32xf32> to vector<2000x32xf32>
    %swap3A_78 = vector.shape_cast %add3A_72 : vector<2000x32xf32> to vector<1x2000x32xf32>
    tpu.vector_store %arg4[%swap3A_73, %swap3A_74, %swap3A_75], %swap3A_78 {strides = array<i32>} : memref<4x2000x32xf32, #tpu.memory_space<vmem>>, vector<1x2000x32xf32>,
    return
  }
  func.func @transform_0(%arg0: i32) -> (i32, i32) {
    %c0_i32 = arith.constant 0 : i32
    %c0_i32_0 = arith.constant 0 : i32
    return %arg0, %c0_i32 : i32, i32
  }
  func.func @transform_1(%arg0: i32) -> (i32, i32, i32) {
    %c0_i32 = arith.constant 0 : i32
    %c0_i32_0 = arith.constant 0 : i32
    %c0_i32_1 = arith.constant 0 : i32
    %c0_i32_2 = arith.constant 0 : i32
    return %c0_i32, %c0_i32_0, %c0_i32_1 : i32, i32, i32
  }
  func.func @transform_2(%arg0: i32) -> (i32, i32, i32) {
    %c0_i32 = arith.constant 0 : i32
    %c0_i32_0 = arith.constant 0 : i32
    %c0_i32_1 = arith.constant 0 : i32
    %c0_i32_2 = arith.constant 0 : i32
    return %c0_i32, %c0_i32_0, %c0_i32_1 : i32, i32, i32
  }
  func.func @transform_3(%arg0: i32) -> (i32, i32, i32) {
    %c0_i32 = arith.constant 0 : i32
    %c0_i32_0 = arith.constant 0 : i32
    %c0_i32_1 = arith.constant 0 : i32
    return %c0_i32, %arg0, %c0_i32_0 : i32, i32, i32
  }
}

module attributes {stable_mosaic.version = 14 : i64} {
  func.func @_tc0_body(%arg0: memref<10000x128xf32, #tpu.memory_space<vmem>>, %arg1: memref<1x10000xi32, #tpu.memory_space<vmem>>, %arg2: memref<128x32xf32, #tpu.memory_space<vmem>>, %arg3: memref<1x32xf32, #tpu.memory_space<vmem>>, %arg4: memref<128x64xf32, #tpu.memory_space<vmem>>, %arg5: memref<1x64xf32, #tpu.memory_space<vmem>>, %arg6: memref<64x64xf32, #tpu.memory_space<vmem>>, %arg7: memref<1x64xf32, #tpu.memory_space<vmem>>, %arg8: memref<32x32xf32, #tpu.memory_space<vmem>>, %arg9: memref<1x32xf32, #tpu.memory_space<vmem>>, %arg10: memref<32x32xf32, #tpu.memory_space<vmem>>, %arg11: memref<32x32xf32, #tpu.memory_space<vmem>>, %arg12: memref<64x64xf32, #tpu.memory_space<vmem>>, %arg13: memref<10000x32xf32, #tpu.memory_space<vmem>>, %arg14: memref<10240x128xf32, #tpu.memory_space<vmem>>) attributes {dimension_semantics = [], scalar_prefetch = 0 : i64, scratch_operands = 0 : i64, tpu.core_type = #tpu.core_type<tc>} {
    %get3A = arith.constant 0 : index
    %get3A_0 = arith.constant 0 : index
    %get3A_1 = vector.load %arg0[%get3A, %get3A_0] : memref<10000x128xf32, #tpu.memory_space<vmem>>, vector<10000x128xf32>
    %get3A_2 = arith.constant 0 : index
    %get3A_3 = arith.constant 0 : index
    %get3A_4 = vector.load %arg1[%get3A_2, %get3A_3] : memref<1x10000xi32, #tpu.memory_space<vmem>>, vector<1x10000xi32>
    %iota3A = tpu.iota {dimensions = array<i32: 0>} : vector<64x1xi32>
    %eq3A = vector.broadcast %get3A_4 : vector<1x10000xi32> to vector<64x10000xi32>
    %eq3A_5 = vector.broadcast %iota3A : vector<64x1xi32> to vector<64x10000xi32>
    %eq3A_6 = arith.cmpi eq, %eq3A, %eq3A_5 : vector<64x10000xi32>
    %convert_element_type3A = arith.extui %eq3A_6 : vector<64x10000xi1> to vector<64x10000xi32>
    %convert_element_type3A_7 = arith.sitofp %convert_element_type3A : vector<64x10000xi32> to vector<64x10000xf32>
    %reduce_sum3A = arith.constant dense<0.000000e+00> : vector<64xf32>
    %reduce_sum3A_8 = vector.multi_reduction <add>, %convert_element_type3A_7, %reduce_sum3A [1] : vector<64x10000xf32> to vector<64xf32>
    %broadcast_in_dim3A = vector.shape_cast %reduce_sum3A_8 : vector<64xf32> to vector<64x1xf32>
    %max3A = arith.constant 1.000000e+00 : f32
    %max3A_9 = vector.broadcast %max3A : f32 to vector<64x1xf32>
    %max3A_10 = arith.maximumf %broadcast_in_dim3A, %max3A_9 : vector<64x1xf32>
    %dot_general3A = arith.constant dense<0.000000e+00> : vector<64x128xf32>
    %dot_general3A_11 = tpu.matmul %convert_element_type3A_7, %get3A_1, %dot_general3A {dimension_numbers = #tpu.dot_dimension_numbers<[1], [0], [0], [1], [0, 0, 1, 1], [], []>, transpose_lhs_hint = false} : vector<64x10000xf32>, vector<10000x128xf32>, vector<64x128xf32> -> vector<64x128xf32>
    %div3A = vector.broadcast %max3A_10 : vector<64x1xf32> to vector<64x128xf32>
    %div3A_12 = arith.divf %dot_general3A_11, %div3A : vector<64x128xf32>
    %get3A_13 = arith.constant 0 : index
    %get3A_14 = arith.constant 0 : index
    %get3A_15 = vector.load %arg4[%get3A_13, %get3A_14] : memref<128x64xf32, #tpu.memory_space<vmem>>, vector<128x64xf32>
    %dot_general3A_16 = arith.constant dense<0.000000e+00> : vector<64x64xf32>
    %dot_general3A_17 = tpu.matmul %div3A_12, %get3A_15, %dot_general3A_16 {dimension_numbers = #tpu.dot_dimension_numbers<[1], [0], [0], [1], [0, 0, 1, 1], [], []>, transpose_lhs_hint = false} : vector<64x128xf32>, vector<128x64xf32>, vector<64x64xf32> -> vector<64x64xf32>
    %get3A_18 = arith.constant 0 : index
    %get3A_19 = arith.constant 0 : index
    %get3A_20 = vector.load %arg5[%get3A_18, %get3A_19] : memref<1x64xf32, #tpu.memory_space<vmem>>, vector<1x64xf32>
    %add3A = vector.broadcast %get3A_20 : vector<1x64xf32> to vector<64x64xf32>
    %add3A_21 = arith.addf %dot_general3A_17, %add3A : vector<64x64xf32>
    %get3A_22 = arith.constant 0 : index
    %get3A_23 = arith.constant 0 : index
    %get3A_24 = vector.load %arg6[%get3A_22, %get3A_23] : memref<64x64xf32, #tpu.memory_space<vmem>>, vector<64x64xf32>
    %dot_general3A_25 = arith.constant dense<0.000000e+00> : vector<64x64xf32>
    %dot_general3A_26 = tpu.matmul %add3A_21, %get3A_24, %dot_general3A_25 {dimension_numbers = #tpu.dot_dimension_numbers<[1], [0], [0], [1], [0, 0, 1, 1], [], []>, transpose_lhs_hint = false} : vector<64x64xf32>, vector<64x64xf32>, vector<64x64xf32> -> vector<64x64xf32>
    %get3A_27 = arith.constant 0 : index
    %get3A_28 = arith.constant 0 : index
    %get3A_29 = vector.load %arg7[%get3A_27, %get3A_28] : memref<1x64xf32, #tpu.memory_space<vmem>>, vector<1x64xf32>
    %add3A_30 = vector.broadcast %get3A_29 : vector<1x64xf32> to vector<64x64xf32>
    %add3A_31 = arith.addf %dot_general3A_26, %add3A_30 : vector<64x64xf32>
    %max3A_32 = arith.constant 0.000000e+00 : f32
    %max3A_33 = vector.broadcast %max3A_32 : f32 to vector<64x64xf32>
    %max3A_34 = arith.maximumf %add3A_31, %max3A_33 : vector<64x64xf32>
    %add3A_35 = arith.addf %add3A_21, %max3A_34 : vector<64x64xf32>
    %swap3A = arith.constant 0 : index
    %swap3A_36 = arith.constant 0 : index
    %swap3A_37 = vector.load %arg12[%swap3A, %swap3A_36] : memref<64x64xf32, #tpu.memory_space<vmem>>, vector<64x64xf32>
    tpu.vector_store %arg12[%swap3A, %swap3A_36], %add3A_35 {strides = array<i32>} : memref<64x64xf32, #tpu.memory_space<vmem>>, vector<64x64xf32>,
    %get3A_38 = arith.constant 0 : index
    %get3A_39 = arith.constant 0 : index
    %get3A_40 = vector.load %arg2[%get3A_38, %get3A_39] : memref<128x32xf32, #tpu.memory_space<vmem>>, vector<128x32xf32>
    %dot_general3A_41 = arith.constant dense<0.000000e+00> : vector<10000x32xf32>
    %dot_general3A_42 = tpu.matmul %get3A_1, %get3A_40, %dot_general3A_41 {dimension_numbers = #tpu.dot_dimension_numbers<[1], [0], [0], [1], [0, 0, 1, 1], [], []>, transpose_lhs_hint = false} : vector<10000x128xf32>, vector<128x32xf32>, vector<10000x32xf32> -> vector<10000x32xf32>
    %get3A_43 = arith.constant 0 : index
    %get3A_44 = arith.constant 0 : index
    %get3A_45 = vector.load %arg3[%get3A_43, %get3A_44] : memref<1x32xf32, #tpu.memory_space<vmem>>, vector<1x32xf32>
    %add3A_46 = vector.broadcast %get3A_45 : vector<1x32xf32> to vector<10000x32xf32>
    %add3A_47 = arith.addf %dot_general3A_42, %add3A_46 : vector<10000x32xf32>
    %swap3A_48 = arith.constant 0 : index
    %swap3A_49 = arith.constant 0 : index
    %swap3A_50 = vector.load %arg13[%swap3A_48, %swap3A_49] : memref<10000x32xf32, #tpu.memory_space<vmem>>, vector<10000x32xf32>
    tpu.vector_store %arg13[%swap3A_48, %swap3A_49], %add3A_47 {strides = array<i32>} : memref<10000x32xf32, #tpu.memory_space<vmem>>, vector<10000x32xf32>,
    %get3A_51 = arith.constant 0 : index
    %get3A_52 = arith.constant 0 : index
    %get3A_53 = vector.load %arg8[%get3A_51, %get3A_52] : memref<32x32xf32, #tpu.memory_space<vmem>>, vector<32x32xf32>
    %dot_general3A_54 = arith.constant dense<0.000000e+00> : vector<10000x32xf32>
    %dot_general3A_55 = tpu.matmul %add3A_47, %get3A_53, %dot_general3A_54 {dimension_numbers = #tpu.dot_dimension_numbers<[1], [0], [0], [1], [0, 0, 1, 1], [], []>, transpose_lhs_hint = false} : vector<10000x32xf32>, vector<32x32xf32>, vector<10000x32xf32> -> vector<10000x32xf32>
    %get3A_56 = arith.constant 0 : index
    %get3A_57 = arith.constant 0 : index
    %get3A_58 = vector.load %arg9[%get3A_56, %get3A_57] : memref<1x32xf32, #tpu.memory_space<vmem>>, vector<1x32xf32>
    %add3A_59 = vector.broadcast %get3A_58 : vector<1x32xf32> to vector<10000x32xf32>
    %add3A_60 = arith.addf %dot_general3A_55, %add3A_59 : vector<10000x32xf32>
    %get3A_61 = arith.constant 0 : index
    %get3A_62 = arith.constant 0 : index
    %get3A_63 = vector.load %arg10[%get3A_61, %get3A_62] : memref<32x32xf32, #tpu.memory_space<vmem>>, vector<32x32xf32>
    %dot_general3A_64 = arith.constant dense<0.000000e+00> : vector<10000x32xf32>
    %dot_general3A_65 = tpu.matmul %add3A_60, %get3A_63, %dot_general3A_64 {dimension_numbers = #tpu.dot_dimension_numbers<[1], [0], [0], [1], [0, 0, 1, 1], [], []>, transpose_lhs_hint = false} : vector<10000x32xf32>, vector<32x32xf32>, vector<10000x32xf32> -> vector<10000x32xf32>
    %get3A_66 = arith.constant 0 : index
    %get3A_67 = arith.constant 0 : index
    %get3A_68 = vector.load %arg11[%get3A_66, %get3A_67] : memref<32x32xf32, #tpu.memory_space<vmem>>, vector<32x32xf32>
    %dot_general3A_69 = arith.constant dense<0.000000e+00> : vector<10000x32xf32>
    %dot_general3A_70 = tpu.matmul %add3A_60, %get3A_68, %dot_general3A_69 {dimension_numbers = #tpu.dot_dimension_numbers<[1], [0], [0], [1], [0, 0, 1, 1], [], []>, transpose_lhs_hint = false} : vector<10000x32xf32>, vector<32x32xf32>, vector<10000x32xf32> -> vector<10000x32xf32>
    %swap3A_71 = arith.constant 0 : index
    %swap3A_72 = arith.constant 0 : index
    %swap3A_73 = vector.load %arg14[%swap3A_71, %swap3A_72] : memref<10240x128xf32, #tpu.memory_space<vmem>>, vector<10000x32xf32>
    tpu.vector_store %arg14[%swap3A_71, %swap3A_72], %add3A_60 {strides = array<i32>} : memref<10240x128xf32, #tpu.memory_space<vmem>>, vector<10000x32xf32>,
    %swap3A_74 = arith.constant 0 : index
    %swap3A_75 = arith.constant 32 : index
    %swap3A_76 = vector.load %arg14[%swap3A_74, %swap3A_75] : memref<10240x128xf32, #tpu.memory_space<vmem>>, vector<10000x32xf32>
    tpu.vector_store %arg14[%swap3A_74, %swap3A_75], %dot_general3A_70 {strides = array<i32>} : memref<10240x128xf32, #tpu.memory_space<vmem>>, vector<10000x32xf32>,
    %swap3A_77 = arith.constant 0 : index
    %swap3A_78 = arith.constant 64 : index
    %swap3A_79 = vector.load %arg14[%swap3A_77, %swap3A_78] : memref<10240x128xf32, #tpu.memory_space<vmem>>, vector<10000x32xf32>
    tpu.vector_store %arg14[%swap3A_77, %swap3A_78], %dot_general3A_65 {strides = array<i32>} : memref<10240x128xf32, #tpu.memory_space<vmem>>, vector<10000x32xf32>,
    %broadcast_in_dim3A_80 = arith.constant 0.000000e+00 : f32
    %broadcast_in_dim3A_81 = vector.broadcast %broadcast_in_dim3A_80 : f32 to vector<10000x32xf32>
    %swap3A_82 = arith.constant 0 : index
    %swap3A_83 = arith.constant 96 : index
    %swap3A_84 = vector.load %arg14[%swap3A_82, %swap3A_83] : memref<10240x128xf32, #tpu.memory_space<vmem>>, vector<10000x32xf32>
    tpu.vector_store %arg14[%swap3A_82, %swap3A_83], %broadcast_in_dim3A_81 {strides = array<i32>} : memref<10240x128xf32, #tpu.memory_space<vmem>>, vector<10000x32xf32>,
    %broadcast_in_dim3A_85 = arith.constant 0.000000e+00 : f32
    %broadcast_in_dim3A_86 = vector.broadcast %broadcast_in_dim3A_85 : f32 to vector<240x128xf32>
    %swap3A_87 = arith.constant 10000 : index
    %swap3A_88 = arith.constant 0 : index
    %swap3A_89 = vector.load %arg14[%swap3A_87, %swap3A_88] : memref<10240x128xf32, #tpu.memory_space<vmem>>, vector<240x128xf32>
    tpu.vector_store %arg14[%swap3A_87, %swap3A_88], %broadcast_in_dim3A_86 {strides = array<i32>} : memref<10240x128xf32, #tpu.memory_space<vmem>>, vector<240x128xf32>,
    return
  }
}

module attributes {stable_mosaic.version = 14 : i64} {
  func.func @_nodeupd_body(%arg0: i32, %arg1: memref<2000x32xf32, #tpu.memory_space<vmem>>, %arg2: memref<2000x128xf32, #tpu.memory_space<vmem>>, %arg3: memref<2x2000x128xf32, #tpu.memory_space<vmem>>, %arg4: memref<2000x1xf32, #tpu.memory_space<vmem>>, %arg5: memref<32x32xf32, #tpu.memory_space<vmem>>, %arg6: memref<32x32xf32, #tpu.memory_space<vmem>>, %arg7: memref<32x32xf32, #tpu.memory_space<vmem>>, %arg8: memref<1x32xf32, #tpu.memory_space<vmem>>, %arg9: memref<32x32xf32, #tpu.memory_space<vmem>>, %arg10: memref<1x32xf32, #tpu.memory_space<vmem>>, %arg11: memref<2000x32xf32, #tpu.memory_space<vmem>>) attributes {dimension_semantics = [#tpu.dimension_semantics<arbitrary>], iteration_bounds = array<i64: 5>, scalar_prefetch = 0 : i64, scratch_operands = 0 : i64, tpu.core_type = #tpu.core_type<tc>, window_params = [{transform_indices = @transform_0, window_bounds = array<i64: 2000, 32>}, {transform_indices = @transform_1, window_bounds = array<i64: 2000, 128>}, {transform_indices = @transform_2, window_bounds = array<i64: 2, 2000, 128>}, {transform_indices = @transform_3, window_bounds = array<i64: 2000, 1>}, {pipeline_mode = #tpu.pipeline_mode<synchronous>, transform_indices = @transform_4, window_bounds = array<i64: 32, 32>}, {pipeline_mode = #tpu.pipeline_mode<synchronous>, transform_indices = @transform_5, window_bounds = array<i64: 32, 32>}, {pipeline_mode = #tpu.pipeline_mode<synchronous>, transform_indices = @transform_6, window_bounds = array<i64: 32, 32>}, {pipeline_mode = #tpu.pipeline_mode<synchronous>, transform_indices = @transform_7, window_bounds = array<i64: 1, 32>}, {pipeline_mode = #tpu.pipeline_mode<synchronous>, transform_indices = @transform_8, window_bounds = array<i64: 32, 32>}, {pipeline_mode = #tpu.pipeline_mode<synchronous>, transform_indices = @transform_9, window_bounds = array<i64: 1, 32>}, {transform_indices = @transform_10, window_bounds = array<i64: 2000, 32>}]} {
    %get3A = arith.constant 0 : index
    %get3A_0 = arith.constant 0 : index
    %get3A_1 = vector.load %arg2[%get3A, %get3A_0] : memref<2000x128xf32, #tpu.memory_space<vmem>>, vector<2000x32xf32>
    %get3A_2 = arith.constant 0 : index
    %get3A_3 = arith.constant 0 : index
    %get3A_4 = arith.constant 0 : index
    %get3A_5 = vector.load %arg3[%get3A_2, %get3A_3, %get3A_4] : memref<2x2000x128xf32, #tpu.memory_space<vmem>>, vector<1x2000x32xf32>
    %get3A_6 = vector.shape_cast %get3A_5 : vector<1x2000x32xf32> to vector<2000x32xf32>
    %get3A_7 = arith.constant 1 : index
    %get3A_8 = arith.constant 0 : index
    %get3A_9 = arith.constant 0 : index
    %get3A_10 = vector.load %arg3[%get3A_7, %get3A_8, %get3A_9] : memref<2x2000x128xf32, #tpu.memory_space<vmem>>, vector<1x2000x32xf32>
    %get3A_11 = vector.shape_cast %get3A_10 : vector<1x2000x32xf32> to vector<2000x32xf32>
    %add3A = arith.addf %get3A_6, %get3A_11 : vector<2000x32xf32>
    %get3A_12 = arith.constant 0 : index
    %get3A_13 = arith.constant 0 : index
    %get3A_14 = arith.constant 32 : index
    %get3A_15 = vector.load %arg3[%get3A_12, %get3A_13, %get3A_14] : memref<2x2000x128xf32, #tpu.memory_space<vmem>>, vector<1x2000x32xf32>
    %get3A_16 = vector.shape_cast %get3A_15 : vector<1x2000x32xf32> to vector<2000x32xf32>
    %get3A_17 = arith.constant 1 : index
    %get3A_18 = arith.constant 0 : index
    %get3A_19 = arith.constant 32 : index
    %get3A_20 = vector.load %arg3[%get3A_17, %get3A_18, %get3A_19] : memref<2x2000x128xf32, #tpu.memory_space<vmem>>, vector<1x2000x32xf32>
    %get3A_21 = vector.shape_cast %get3A_20 : vector<1x2000x32xf32> to vector<2000x32xf32>
    %add3A_22 = arith.addf %get3A_16, %get3A_21 : vector<2000x32xf32>
    %get3A_23 = arith.constant 0 : index
    %get3A_24 = arith.constant 0 : index
    %get3A_25 = vector.load %arg5[%get3A_23, %get3A_24] : memref<32x32xf32, #tpu.memory_space<vmem>>, vector<32x32xf32>
    %dot_general3A = arith.constant dense<0.000000e+00> : vector<2000x32xf32>
    %dot_general3A_26 = tpu.matmul %add3A_22, %get3A_25, %dot_general3A {dimension_numbers = #tpu.dot_dimension_numbers<[1], [0], [0], [1], [0, 0, 1, 1], [], []>, transpose_lhs_hint = false} : vector<2000x32xf32>, vector<32x32xf32>, vector<2000x32xf32> -> vector<2000x32xf32>
    %add3A_27 = arith.addf %add3A, %dot_general3A_26 : vector<2000x32xf32>
    %get3A_28 = arith.constant 0 : index
    %get3A_29 = arith.constant 0 : index
    %get3A_30 = vector.load %arg6[%get3A_28, %get3A_29] : memref<32x32xf32, #tpu.memory_space<vmem>>, vector<32x32xf32>
    %dot_general3A_31 = arith.constant dense<0.000000e+00> : vector<2000x32xf32>
    %dot_general3A_32 = tpu.matmul %get3A_1, %get3A_30, %dot_general3A_31 {dimension_numbers = #tpu.dot_dimension_numbers<[1], [0], [0], [1], [0, 0, 1, 1], [], []>, transpose_lhs_hint = false} : vector<2000x32xf32>, vector<32x32xf32>, vector<2000x32xf32> -> vector<2000x32xf32>
    %get3A_33 = arith.constant 0 : index
    %get3A_34 = arith.constant 0 : index
    %get3A_35 = vector.load %arg7[%get3A_33, %get3A_34] : memref<32x32xf32, #tpu.memory_space<vmem>>, vector<32x32xf32>
    %dot_general3A_36 = arith.constant dense<0.000000e+00> : vector<2000x32xf32>
    %dot_general3A_37 = tpu.matmul %add3A_27, %get3A_35, %dot_general3A_36 {dimension_numbers = #tpu.dot_dimension_numbers<[1], [0], [0], [1], [0, 0, 1, 1], [], []>, transpose_lhs_hint = false} : vector<2000x32xf32>, vector<32x32xf32>, vector<2000x32xf32> -> vector<2000x32xf32>
    %add3A_38 = arith.addf %dot_general3A_32, %dot_general3A_37 : vector<2000x32xf32>
    %get3A_39 = arith.constant 0 : index
    %get3A_40 = arith.constant 0 : index
    %get3A_41 = vector.load %arg8[%get3A_39, %get3A_40] : memref<1x32xf32, #tpu.memory_space<vmem>>, vector<1x32xf32>
    %add3A_42 = vector.broadcast %get3A_41 : vector<1x32xf32> to vector<2000x32xf32>
    %add3A_43 = arith.addf %add3A_38, %add3A_42 : vector<2000x32xf32>
    %get3A_44 = arith.constant 0 : index
    %get3A_45 = arith.constant 0 : index
    %get3A_46 = vector.load %arg9[%get3A_44, %get3A_45] : memref<32x32xf32, #tpu.memory_space<vmem>>, vector<32x32xf32>
    %dot_general3A_47 = arith.constant dense<0.000000e+00> : vector<2000x32xf32>
    %dot_general3A_48 = tpu.matmul %add3A_43, %get3A_46, %dot_general3A_47 {dimension_numbers = #tpu.dot_dimension_numbers<[1], [0], [0], [1], [0, 0, 1, 1], [], []>, transpose_lhs_hint = false} : vector<2000x32xf32>, vector<32x32xf32>, vector<2000x32xf32> -> vector<2000x32xf32>
    %add3A_49 = arith.addf %add3A_43, %dot_general3A_48 : vector<2000x32xf32>
    %get3A_50 = arith.constant 0 : index
    %get3A_51 = arith.constant 0 : index
    %get3A_52 = vector.load %arg10[%get3A_50, %get3A_51] : memref<1x32xf32, #tpu.memory_space<vmem>>, vector<1x32xf32>
    %add3A_53 = vector.broadcast %get3A_52 : vector<1x32xf32> to vector<2000x32xf32>
    %add3A_54 = arith.addf %add3A_49, %add3A_53 : vector<2000x32xf32>
    %get3A_55 = arith.constant 0 : index
    %get3A_56 = arith.constant 0 : index
    %get3A_57 = vector.load %arg1[%get3A_55, %get3A_56] : memref<2000x32xf32, #tpu.memory_space<vmem>>, vector<2000x32xf32>
    %add3A_58 = arith.addf %add3A_54, %get3A_1 : vector<2000x32xf32>
    %get3A_59 = arith.constant 0 : index
    %get3A_60 = arith.constant 0 : index
    %get3A_61 = vector.load %arg4[%get3A_59, %get3A_60] : memref<2000x1xf32, #tpu.memory_space<vmem>>, vector<2000x1xf32>
    %div3A = vector.broadcast %get3A_61 : vector<2000x1xf32> to vector<2000x32xf32>
    %div3A_62 = arith.divf %add3A_58, %div3A : vector<2000x32xf32>
    %add3A_63 = arith.addf %get3A_57, %div3A_62 : vector<2000x32xf32>
    %swap3A = arith.constant 0 : index
    %swap3A_64 = arith.constant 0 : index
    %swap3A_65 = vector.load %arg11[%swap3A, %swap3A_64] : memref<2000x32xf32, #tpu.memory_space<vmem>>, vector<2000x32xf32>
    tpu.vector_store %arg11[%swap3A, %swap3A_64], %add3A_63 {strides = array<i32>} : memref<2000x32xf32, #tpu.memory_space<vmem>>, vector<2000x32xf32>,
    return
  }
  func.func @transform_0(%arg0: i32) -> (i32, i32) {
    %c0_i32 = arith.constant 0 : i32
    %c0_i32_0 = arith.constant 0 : i32
    return %arg0, %c0_i32 : i32, i32
  }
  func.func @transform_1(%arg0: i32) -> (i32, i32) {
    %c0_i32 = arith.constant 0 : i32
    %c0_i32_0 = arith.constant 0 : i32
    return %arg0, %c0_i32 : i32, i32
  }
  func.func @transform_2(%arg0: i32) -> (i32, i32, i32) {
    %c0_i32 = arith.constant 0 : i32
    %c0_i32_0 = arith.constant 0 : i32
    %c0_i32_1 = arith.constant 0 : i32
    return %c0_i32, %arg0, %c0_i32_0 : i32, i32, i32
  }
  func.func @transform_3(%arg0: i32) -> (i32, i32) {
    %c0_i32 = arith.constant 0 : i32
    %c0_i32_0 = arith.constant 0 : i32
    return %arg0, %c0_i32 : i32, i32
  }
  func.func @transform_4(%arg0: i32) -> (i32, i32) {
    %c0_i32 = arith.constant 0 : i32
    %c0_i32_0 = arith.constant 0 : i32
    %c0_i32_1 = arith.constant 0 : i32
    return %c0_i32, %c0_i32_0 : i32, i32
  }
  func.func @transform_5(%arg0: i32) -> (i32, i32) {
    %c0_i32 = arith.constant 0 : i32
    %c0_i32_0 = arith.constant 0 : i32
    %c0_i32_1 = arith.constant 0 : i32
    return %c0_i32, %c0_i32_0 : i32, i32
  }
  func.func @transform_6(%arg0: i32) -> (i32, i32) {
    %c0_i32 = arith.constant 0 : i32
    %c0_i32_0 = arith.constant 0 : i32
    %c0_i32_1 = arith.constant 0 : i32
    return %c0_i32, %c0_i32_0 : i32, i32
  }
  func.func @transform_7(%arg0: i32) -> (i32, i32) {
    %c0_i32 = arith.constant 0 : i32
    %c0_i32_0 = arith.constant 0 : i32
    %c0_i32_1 = arith.constant 0 : i32
    return %c0_i32, %c0_i32_0 : i32, i32
  }
  func.func @transform_8(%arg0: i32) -> (i32, i32) {
    %c0_i32 = arith.constant 0 : i32
    %c0_i32_0 = arith.constant 0 : i32
    %c0_i32_1 = arith.constant 0 : i32
    return %c0_i32, %c0_i32_0 : i32, i32
  }
  func.func @transform_9(%arg0: i32) -> (i32, i32) {
    %c0_i32 = arith.constant 0 : i32
    %c0_i32_0 = arith.constant 0 : i32
    %c0_i32_1 = arith.constant 0 : i32
    return %c0_i32, %c0_i32_0 : i32, i32
  }
  func.func @transform_10(%arg0: i32) -> (i32, i32) {
    %c0_i32 = arith.constant 0 : i32
    %c0_i32_0 = arith.constant 0 : i32
    return %arg0, %c0_i32 : i32, i32
  }
}

module attributes {stable_mosaic.version = 14 : i64} {
  func.func @_avg_body(%arg0: memref<2x10240xf32, #tpu.memory_space<vmem>>, %arg1: memref<10000x1xi32, #tpu.memory_space<vmem>>, %arg2: memref<10000x1xf32, #tpu.memory_space<vmem>>) attributes {dimension_semantics = [], scalar_prefetch = 0 : i64, scratch_operands = 0 : i64, tpu.core_type = #tpu.core_type<tc>} {
    %get3A = arith.constant 0 : index
    %get3A_0 = arith.constant 0 : index
    %get3A_1 = vector.load %arg0[%get3A, %get3A_0] : memref<2x10240xf32, #tpu.memory_space<vmem>>, vector<1x10000xf32>
    %get3A_2 = arith.constant 1 : index
    %get3A_3 = arith.constant 0 : index
    %get3A_4 = vector.load %arg0[%get3A_2, %get3A_3] : memref<2x10240xf32, #tpu.memory_space<vmem>>, vector<1x10000xf32>
    %add3A = arith.addf %get3A_1, %get3A_4 : vector<1x10000xf32>
    %get3A_5 = arith.constant 0 : index
    %get3A_6 = arith.constant 0 : index
    %get3A_7 = vector.load %arg1[%get3A_5, %get3A_6] : memref<10000x1xi32, #tpu.memory_space<vmem>>, vector<10000x1xi32>
    %iota3A = tpu.iota {dimensions = array<i32: 1>} : vector<1x64xi32>
    %eq3A = vector.broadcast %get3A_7 : vector<10000x1xi32> to vector<10000x64xi32>
    %eq3A_8 = vector.broadcast %iota3A : vector<1x64xi32> to vector<10000x64xi32>
    %eq3A_9 = arith.cmpi eq, %eq3A, %eq3A_8 : vector<10000x64xi32>
    %convert_element_type3A = arith.extui %eq3A_9 : vector<10000x64xi1> to vector<10000x64xi32>
    %convert_element_type3A_10 = arith.sitofp %convert_element_type3A : vector<10000x64xi32> to vector<10000x64xf32>
    %dot_general3A = arith.constant dense<0.000000e+00> : vector<1x64xf32>
    %dot_general3A_11 = tpu.matmul %add3A, %convert_element_type3A_10, %dot_general3A {dimension_numbers = #tpu.dot_dimension_numbers<[1], [0], [0], [1], [0, 0, 1, 1], [], []>, transpose_lhs_hint = false} : vector<1x10000xf32>, vector<10000x64xf32>, vector<1x64xf32> -> vector<1x64xf32>
    %reduce_sum3A = arith.constant dense<0.000000e+00> : vector<64xf32>
    %reduce_sum3A_12 = vector.multi_reduction <add>, %convert_element_type3A_10, %reduce_sum3A [0] : vector<10000x64xf32> to vector<64xf32>
    %broadcast_in_dim3A = vector.shape_cast %reduce_sum3A_12 : vector<64xf32> to vector<1x64xf32>
    %max3A = arith.constant 1.000000e+00 : f32
    %max3A_13 = vector.broadcast %max3A : f32 to vector<1x64xf32>
    %max3A_14 = arith.maximumf %broadcast_in_dim3A, %max3A_13 : vector<1x64xf32>
    %div3A = arith.divf %dot_general3A_11, %max3A_14 : vector<1x64xf32>
    %dot_general3A_15 = arith.constant dense<0.000000e+00> : vector<10000x1xf32>
    %dot_general3A_16 = tpu.matmul %convert_element_type3A_10, %div3A, %dot_general3A_15 {dimension_numbers = #tpu.dot_dimension_numbers<[1], [1], [0], [0], [0, 0, 1, 0], [], []>, transpose_lhs_hint = false} : vector<10000x64xf32>, vector<1x64xf32>, vector<10000x1xf32> -> vector<10000x1xf32>
    %max3A_17 = arith.constant 1.000000e+00 : f32
    %max3A_18 = vector.broadcast %max3A_17 : f32 to vector<10000x1xf32>
    %max3A_19 = arith.maximumf %dot_general3A_16, %max3A_18 : vector<10000x1xf32>
    %swap3A = arith.constant 0 : index
    %swap3A_20 = arith.constant 0 : index
    %swap3A_21 = vector.load %arg2[%swap3A, %swap3A_20] : memref<10000x1xf32, #tpu.memory_space<vmem>>, vector<10000x1xf32>
    tpu.vector_store %arg2[%swap3A, %swap3A_20], %max3A_19 {strides = array<i32>} : memref<10000x1xf32, #tpu.memory_space<vmem>>, vector<10000x1xf32>,
    return
  }
}

module attributes {stable_mosaic.version = 14 : i64} {
  func.func @body(%arg0: memref<10000x32xf32, #tpu.memory_space<vmem>>, %arg1: memref<1x10000xi32, #tpu.memory_space<vmem>>, %arg2: memref<64x64xf32, #tpu.memory_space<vmem>>, %arg3: memref<32x64xf32, #tpu.memory_space<vmem>>, %arg4: memref<1x64xf32, #tpu.memory_space<vmem>>, %arg5: memref<64x64xf32, #tpu.memory_space<vmem>>, %arg6: memref<1x64xf32, #tpu.memory_space<vmem>>, %arg7: memref<1x32xf32, #tpu.memory_space<vmem>>, %arg8: memref<1x32xf32, #tpu.memory_space<vmem>>, %arg9: memref<32x32xf32, #tpu.memory_space<vmem>>, %arg10: memref<1x32xf32, #tpu.memory_space<vmem>>, %arg11: memref<32x32xf32, #tpu.memory_space<vmem>>, %arg12: memref<32x32xf32, #tpu.memory_space<vmem>>, %arg13: memref<10000x32xf32, #tpu.memory_space<vmem>>, %arg14: memref<64x64xf32, #tpu.memory_space<vmem>>, %arg15: memref<10240x128xf32, #tpu.memory_space<vmem>>) attributes {dimension_semantics = [], scalar_prefetch = 0 : i64, scratch_operands = 0 : i64, tpu.core_type = #tpu.core_type<tc>} {
    %get3A = arith.constant 0 : index
    %get3A_0 = arith.constant 0 : index
    %get3A_1 = vector.load %arg0[%get3A, %get3A_0] : memref<10000x32xf32, #tpu.memory_space<vmem>>, vector<10000x32xf32>
    %get3A_2 = arith.constant 0 : index
    %get3A_3 = arith.constant 0 : index
    %get3A_4 = vector.load %arg1[%get3A_2, %get3A_3] : memref<1x10000xi32, #tpu.memory_space<vmem>>, vector<1x10000xi32>
    %iota3A = tpu.iota {dimensions = array<i32: 0>} : vector<64x1xi32>
    %eq3A = vector.broadcast %get3A_4 : vector<1x10000xi32> to vector<64x10000xi32>
    %eq3A_5 = vector.broadcast %iota3A : vector<64x1xi32> to vector<64x10000xi32>
    %eq3A_6 = arith.cmpi eq, %eq3A, %eq3A_5 : vector<64x10000xi32>
    %convert_element_type3A = arith.extui %eq3A_6 : vector<64x10000xi1> to vector<64x10000xi32>
    %convert_element_type3A_7 = arith.sitofp %convert_element_type3A : vector<64x10000xi32> to vector<64x10000xf32>
    %reduce_sum3A = arith.constant dense<0.000000e+00> : vector<64xf32>
    %reduce_sum3A_8 = vector.multi_reduction <add>, %convert_element_type3A_7, %reduce_sum3A [1] : vector<64x10000xf32> to vector<64xf32>
    %broadcast_in_dim3A = vector.shape_cast %reduce_sum3A_8 : vector<64xf32> to vector<64x1xf32>
    %max3A = arith.constant 1.000000e+00 : f32
    %max3A_9 = vector.broadcast %max3A : f32 to vector<64x1xf32>
    %max3A_10 = arith.maximumf %broadcast_in_dim3A, %max3A_9 : vector<64x1xf32>
    %dot_general3A = arith.constant dense<0.000000e+00> : vector<64x32xf32>
    %dot_general3A_11 = tpu.matmul %convert_element_type3A_7, %get3A_1, %dot_general3A {dimension_numbers = #tpu.dot_dimension_numbers<[1], [0], [0], [1], [0, 0, 1, 1], [], []>, transpose_lhs_hint = false} : vector<64x10000xf32>, vector<10000x32xf32>, vector<64x32xf32> -> vector<64x32xf32>
    %div3A = vector.broadcast %max3A_10 : vector<64x1xf32> to vector<64x32xf32>
    %div3A_12 = arith.divf %dot_general3A_11, %div3A : vector<64x32xf32>
    %get3A_13 = arith.constant 0 : index
    %get3A_14 = arith.constant 0 : index
    %get3A_15 = vector.load %arg3[%get3A_13, %get3A_14] : memref<32x64xf32, #tpu.memory_space<vmem>>, vector<32x64xf32>
    %dot_general3A_16 = arith.constant dense<0.000000e+00> : vector<64x64xf32>
    %dot_general3A_17 = tpu.matmul %div3A_12, %get3A_15, %dot_general3A_16 {dimension_numbers = #tpu.dot_dimension_numbers<[1], [0], [0], [1], [0, 0, 1, 1], [], []>, transpose_lhs_hint = false} : vector<64x32xf32>, vector<32x64xf32>, vector<64x64xf32> -> vector<64x64xf32>
    %get3A_18 = arith.constant 0 : index
    %get3A_19 = arith.constant 0 : index
    %get3A_20 = vector.load %arg4[%get3A_18, %get3A_19] : memref<1x64xf32, #tpu.memory_space<vmem>>, vector<1x64xf32>
    %add3A = vector.broadcast %get3A_20 : vector<1x64xf32> to vector<64x64xf32>
    %add3A_21 = arith.addf %dot_general3A_17, %add3A : vector<64x64xf32>
    %get3A_22 = arith.constant 0 : index
    %get3A_23 = arith.constant 0 : index
    %get3A_24 = vector.load %arg5[%get3A_22, %get3A_23] : memref<64x64xf32, #tpu.memory_space<vmem>>, vector<64x64xf32>
    %dot_general3A_25 = arith.constant dense<0.000000e+00> : vector<64x64xf32>
    %dot_general3A_26 = tpu.matmul %add3A_21, %get3A_24, %dot_general3A_25 {dimension_numbers = #tpu.dot_dimension_numbers<[1], [0], [0], [1], [0, 0, 1, 1], [], []>, transpose_lhs_hint = false} : vector<64x64xf32>, vector<64x64xf32>, vector<64x64xf32> -> vector<64x64xf32>
    %get3A_27 = arith.constant 0 : index
    %get3A_28 = arith.constant 0 : index
    %get3A_29 = vector.load %arg6[%get3A_27, %get3A_28] : memref<1x64xf32, #tpu.memory_space<vmem>>, vector<1x64xf32>
    %add3A_30 = vector.broadcast %get3A_29 : vector<1x64xf32> to vector<64x64xf32>
    %add3A_31 = arith.addf %dot_general3A_26, %add3A_30 : vector<64x64xf32>
    %max3A_32 = arith.constant 0.000000e+00 : f32
    %max3A_33 = vector.broadcast %max3A_32 : f32 to vector<64x64xf32>
    %max3A_34 = arith.maximumf %add3A_31, %max3A_33 : vector<64x64xf32>
    %add3A_35 = arith.addf %add3A_21, %max3A_34 : vector<64x64xf32>
    %get3A_36 = arith.constant 0 : index
    %get3A_37 = arith.constant 0 : index
    %get3A_38 = vector.load %arg2[%get3A_36, %get3A_37] : memref<64x64xf32, #tpu.memory_space<vmem>>, vector<64x64xf32>
    %mul3A = arith.constant 2.500000e-01 : f32
    %mul3A_39 = vector.broadcast %mul3A : f32 to vector<64x64xf32>
    %mul3A_40 = arith.mulf %add3A_35, %mul3A_39 : vector<64x64xf32>
    %add3A_41 = arith.addf %get3A_38, %mul3A_40 : vector<64x64xf32>
    %swap3A = arith.constant 0 : index
    %swap3A_42 = arith.constant 0 : index
    %swap3A_43 = vector.load %arg14[%swap3A, %swap3A_42] : memref<64x64xf32, #tpu.memory_space<vmem>>, vector<64x64xf32>
    tpu.vector_store %arg14[%swap3A, %swap3A_42], %add3A_41 {strides = array<i32>} : memref<64x64xf32, #tpu.memory_space<vmem>>, vector<64x64xf32>,
    %reduce_sum3A_44 = arith.constant dense<0.000000e+00> : vector<32xf32>
    %reduce_sum3A_45 = vector.multi_reduction <add>, %get3A_1, %reduce_sum3A_44 [0] : vector<10000x32xf32> to vector<32xf32>
    %broadcast_in_dim3A_46 = vector.shape_cast %reduce_sum3A_45 : vector<32xf32> to vector<1x32xf32>
    %div3A_47 = arith.constant 1.000000e+04 : f32
    %div3A_48 = vector.broadcast %div3A_47 : f32 to vector<1x32xf32>
    %div3A_49 = arith.divf %broadcast_in_dim3A_46, %div3A_48 : vector<1x32xf32>
    %sub3A = vector.broadcast %div3A_49 : vector<1x32xf32> to vector<10000x32xf32>
    %sub3A_50 = arith.subf %get3A_1, %sub3A : vector<10000x32xf32>
    %integer_pow3A = arith.mulf %sub3A_50, %sub3A_50 : vector<10000x32xf32>
    %reduce_sum3A_51 = arith.constant dense<0.000000e+00> : vector<32xf32>
    %reduce_sum3A_52 = vector.multi_reduction <add>, %integer_pow3A, %reduce_sum3A_51 [0] : vector<10000x32xf32> to vector<32xf32>
    %broadcast_in_dim3A_53 = vector.shape_cast %reduce_sum3A_52 : vector<32xf32> to vector<1x32xf32>
    %div3A_54 = arith.constant 1.000000e+04 : f32
    %div3A_55 = vector.broadcast %div3A_54 : f32 to vector<1x32xf32>
    %div3A_56 = arith.divf %broadcast_in_dim3A_53, %div3A_55 : vector<1x32xf32>
    %sub3A_57 = vector.broadcast %div3A_49 : vector<1x32xf32> to vector<10000x32xf32>
    %sub3A_58 = arith.subf %get3A_1, %sub3A_57 : vector<10000x32xf32>
    %add3A_59 = arith.constant 9.99999974E-6 : f32
    %add3A_60 = vector.broadcast %add3A_59 : f32 to vector<1x32xf32>
    %add3A_61 = arith.addf %div3A_56, %add3A_60 : vector<1x32xf32>
    %rsqrt3A = math.rsqrt %add3A_61 : vector<1x32xf32>
    %mul3A_62 = vector.broadcast %rsqrt3A : vector<1x32xf32> to vector<10000x32xf32>
    %mul3A_63 = arith.mulf %sub3A_58, %mul3A_62 : vector<10000x32xf32>
    %get3A_64 = arith.constant 0 : index
    %get3A_65 = arith.constant 0 : index
    %get3A_66 = vector.load %arg7[%get3A_64, %get3A_65] : memref<1x32xf32, #tpu.memory_space<vmem>>, vector<1x32xf32>
    %mul3A_67 = vector.broadcast %get3A_66 : vector<1x32xf32> to vector<10000x32xf32>
    %mul3A_68 = arith.mulf %mul3A_63, %mul3A_67 : vector<10000x32xf32>
    %get3A_69 = arith.constant 0 : index
    %get3A_70 = arith.constant 0 : index
    %get3A_71 = vector.load %arg8[%get3A_69, %get3A_70] : memref<1x32xf32, #tpu.memory_space<vmem>>, vector<1x32xf32>
    %add3A_72 = vector.broadcast %get3A_71 : vector<1x32xf32> to vector<10000x32xf32>
    %add3A_73 = arith.addf %mul3A_68, %add3A_72 : vector<10000x32xf32>
    %swap3A_74 = arith.constant 0 : index
    %swap3A_75 = arith.constant 0 : index
    %swap3A_76 = vector.load %arg13[%swap3A_74, %swap3A_75] : memref<10000x32xf32, #tpu.memory_space<vmem>>, vector<10000x32xf32>
    tpu.vector_store %arg13[%swap3A_74, %swap3A_75], %add3A_73 {strides = array<i32>} : memref<10000x32xf32, #tpu.memory_space<vmem>>, vector<10000x32xf32>,
    %get3A_77 = arith.constant 0 : index
    %get3A_78 = arith.constant 0 : index
    %get3A_79 = vector.load %arg9[%get3A_77, %get3A_78] : memref<32x32xf32, #tpu.memory_space<vmem>>, vector<32x32xf32>
    %dot_general3A_80 = arith.constant dense<0.000000e+00> : vector<10000x32xf32>
    %dot_general3A_81 = tpu.matmul %add3A_73, %get3A_79, %dot_general3A_80 {dimension_numbers = #tpu.dot_dimension_numbers<[1], [0], [0], [1], [0, 0, 1, 1], [], []>, transpose_lhs_hint = false} : vector<10000x32xf32>, vector<32x32xf32>, vector<10000x32xf32> -> vector<10000x32xf32>
    %get3A_82 = arith.constant 0 : index
    %get3A_83 = arith.constant 0 : index
    %get3A_84 = vector.load %arg10[%get3A_82, %get3A_83] : memref<1x32xf32, #tpu.memory_space<vmem>>, vector<1x32xf32>
    %add3A_85 = vector.broadcast %get3A_84 : vector<1x32xf32> to vector<10000x32xf32>
    %add3A_86 = arith.addf %dot_general3A_81, %add3A_85 : vector<10000x32xf32>
    %get3A_87 = arith.constant 0 : index
    %get3A_88 = arith.constant 0 : index
    %get3A_89 = vector.load %arg11[%get3A_87, %get3A_88] : memref<32x32xf32, #tpu.memory_space<vmem>>, vector<32x32xf32>
    %dot_general3A_90 = arith.constant dense<0.000000e+00> : vector<10000x32xf32>
    %dot_general3A_91 = tpu.matmul %add3A_86, %get3A_89, %dot_general3A_90 {dimension_numbers = #tpu.dot_dimension_numbers<[1], [0], [0], [1], [0, 0, 1, 1], [], []>, transpose_lhs_hint = false} : vector<10000x32xf32>, vector<32x32xf32>, vector<10000x32xf32> -> vector<10000x32xf32>
    %get3A_92 = arith.constant 0 : index
    %get3A_93 = arith.constant 0 : index
    %get3A_94 = vector.load %arg12[%get3A_92, %get3A_93] : memref<32x32xf32, #tpu.memory_space<vmem>>, vector<32x32xf32>
    %dot_general3A_95 = arith.constant dense<0.000000e+00> : vector<10000x32xf32>
    %dot_general3A_96 = tpu.matmul %add3A_86, %get3A_94, %dot_general3A_95 {dimension_numbers = #tpu.dot_dimension_numbers<[1], [0], [0], [1], [0, 0, 1, 1], [], []>, transpose_lhs_hint = false} : vector<10000x32xf32>, vector<32x32xf32>, vector<10000x32xf32> -> vector<10000x32xf32>
    %swap3A_97 = arith.constant 0 : index
    %swap3A_98 = arith.constant 0 : index
    %swap3A_99 = vector.load %arg15[%swap3A_97, %swap3A_98] : memref<10240x128xf32, #tpu.memory_space<vmem>>, vector<10000x32xf32>
    tpu.vector_store %arg15[%swap3A_97, %swap3A_98], %add3A_86 {strides = array<i32>} : memref<10240x128xf32, #tpu.memory_space<vmem>>, vector<10000x32xf32>,
    %swap3A_100 = arith.constant 0 : index
    %swap3A_101 = arith.constant 32 : index
    %swap3A_102 = vector.load %arg15[%swap3A_100, %swap3A_101] : memref<10240x128xf32, #tpu.memory_space<vmem>>, vector<10000x32xf32>
    tpu.vector_store %arg15[%swap3A_100, %swap3A_101], %dot_general3A_96 {strides = array<i32>} : memref<10240x128xf32, #tpu.memory_space<vmem>>, vector<10000x32xf32>,
    %swap3A_103 = arith.constant 0 : index
    %swap3A_104 = arith.constant 64 : index
    %swap3A_105 = vector.load %arg15[%swap3A_103, %swap3A_104] : memref<10240x128xf32, #tpu.memory_space<vmem>>, vector<10000x32xf32>
    tpu.vector_store %arg15[%swap3A_103, %swap3A_104], %dot_general3A_91 {strides = array<i32>} : memref<10240x128xf32, #tpu.memory_space<vmem>>, vector<10000x32xf32>,
    %broadcast_in_dim3A_106 = arith.constant 0.000000e+00 : f32
    %broadcast_in_dim3A_107 = vector.broadcast %broadcast_in_dim3A_106 : f32 to vector<10000x32xf32>
    %swap3A_108 = arith.constant 0 : index
    %swap3A_109 = arith.constant 96 : index
    %swap3A_110 = vector.load %arg15[%swap3A_108, %swap3A_109] : memref<10240x128xf32, #tpu.memory_space<vmem>>, vector<10000x32xf32>
    tpu.vector_store %arg15[%swap3A_108, %swap3A_109], %broadcast_in_dim3A_107 {strides = array<i32>} : memref<10240x128xf32, #tpu.memory_space<vmem>>, vector<10000x32xf32>,
    %broadcast_in_dim3A_111 = arith.constant 0.000000e+00 : f32
    %broadcast_in_dim3A_112 = vector.broadcast %broadcast_in_dim3A_111 : f32 to vector<240x128xf32>
    %swap3A_113 = arith.constant 10000 : index
    %swap3A_114 = arith.constant 0 : index
    %swap3A_115 = vector.load %arg15[%swap3A_113, %swap3A_114] : memref<10240x128xf32, #tpu.memory_space<vmem>>, vector<240x128xf32>
    tpu.vector_store %arg15[%swap3A_113, %swap3A_114], %broadcast_in_dim3A_112 {strides = array<i32>} : memref<10240x128xf32, #tpu.memory_space<vmem>>, vector<240x128xf32>,
    return
  }
}

module attributes {stable_mosaic.version = 14 : i64} {
  func.func @body(%arg0: memref<10000x32xf32, #tpu.memory_space<vmem>>, %arg1: memref<1x10000xi32, #tpu.memory_space<vmem>>, %arg2: memref<64x64xf32, #tpu.memory_space<vmem>>, %arg3: memref<32x64xf32, #tpu.memory_space<vmem>>, %arg4: memref<1x64xf32, #tpu.memory_space<vmem>>, %arg5: memref<64x64xf32, #tpu.memory_space<vmem>>, %arg6: memref<1x64xf32, #tpu.memory_space<vmem>>, %arg7: memref<64x64xf32, #tpu.memory_space<vmem>>, %arg8: memref<1x64xf32, #tpu.memory_space<vmem>>, %arg9: memref<64x1xf32, #tpu.memory_space<vmem>>, %arg10: memref<1x1xf32, #tpu.memory_space<vmem>>, %arg11: memref<64x1xf32, #tpu.memory_space<vmem>>) attributes {dimension_semantics = [], scalar_prefetch = 0 : i64, scratch_operands = 0 : i64, tpu.core_type = #tpu.core_type<tc>} {
    %get3A = arith.constant 0 : index
    %get3A_0 = arith.constant 0 : index
    %get3A_1 = vector.load %arg0[%get3A, %get3A_0] : memref<10000x32xf32, #tpu.memory_space<vmem>>, vector<10000x32xf32>
    %get3A_2 = arith.constant 0 : index
    %get3A_3 = arith.constant 0 : index
    %get3A_4 = vector.load %arg1[%get3A_2, %get3A_3] : memref<1x10000xi32, #tpu.memory_space<vmem>>, vector<1x10000xi32>
    %iota3A = tpu.iota {dimensions = array<i32: 0>} : vector<64x1xi32>
    %eq3A = vector.broadcast %get3A_4 : vector<1x10000xi32> to vector<64x10000xi32>
    %eq3A_5 = vector.broadcast %iota3A : vector<64x1xi32> to vector<64x10000xi32>
    %eq3A_6 = arith.cmpi eq, %eq3A, %eq3A_5 : vector<64x10000xi32>
    %convert_element_type3A = arith.extui %eq3A_6 : vector<64x10000xi1> to vector<64x10000xi32>
    %convert_element_type3A_7 = arith.sitofp %convert_element_type3A : vector<64x10000xi32> to vector<64x10000xf32>
    %reduce_sum3A = arith.constant dense<0.000000e+00> : vector<64xf32>
    %reduce_sum3A_8 = vector.multi_reduction <add>, %convert_element_type3A_7, %reduce_sum3A [1] : vector<64x10000xf32> to vector<64xf32>
    %broadcast_in_dim3A = vector.shape_cast %reduce_sum3A_8 : vector<64xf32> to vector<64x1xf32>
    %max3A = arith.constant 1.000000e+00 : f32
    %max3A_9 = vector.broadcast %max3A : f32 to vector<64x1xf32>
    %max3A_10 = arith.maximumf %broadcast_in_dim3A, %max3A_9 : vector<64x1xf32>
    %dot_general3A = arith.constant dense<0.000000e+00> : vector<64x32xf32>
    %dot_general3A_11 = tpu.matmul %convert_element_type3A_7, %get3A_1, %dot_general3A {dimension_numbers = #tpu.dot_dimension_numbers<[1], [0], [0], [1], [0, 0, 1, 1], [], []>, transpose_lhs_hint = false} : vector<64x10000xf32>, vector<10000x32xf32>, vector<64x32xf32> -> vector<64x32xf32>
    %div3A = vector.broadcast %max3A_10 : vector<64x1xf32> to vector<64x32xf32>
    %div3A_12 = arith.divf %dot_general3A_11, %div3A : vector<64x32xf32>
    %get3A_13 = arith.constant 0 : index
    %get3A_14 = arith.constant 0 : index
    %get3A_15 = vector.load %arg3[%get3A_13, %get3A_14] : memref<32x64xf32, #tpu.memory_space<vmem>>, vector<32x64xf32>
    %dot_general3A_16 = arith.constant dense<0.000000e+00> : vector<64x64xf32>
    %dot_general3A_17 = tpu.matmul %div3A_12, %get3A_15, %dot_general3A_16 {dimension_numbers = #tpu.dot_dimension_numbers<[1], [0], [0], [1], [0, 0, 1, 1], [], []>, transpose_lhs_hint = false} : vector<64x32xf32>, vector<32x64xf32>, vector<64x64xf32> -> vector<64x64xf32>
    %get3A_18 = arith.constant 0 : index
    %get3A_19 = arith.constant 0 : index
    %get3A_20 = vector.load %arg4[%get3A_18, %get3A_19] : memref<1x64xf32, #tpu.memory_space<vmem>>, vector<1x64xf32>
    %add3A = vector.broadcast %get3A_20 : vector<1x64xf32> to vector<64x64xf32>
    %add3A_21 = arith.addf %dot_general3A_17, %add3A : vector<64x64xf32>
    %get3A_22 = arith.constant 0 : index
    %get3A_23 = arith.constant 0 : index
    %get3A_24 = vector.load %arg5[%get3A_22, %get3A_23] : memref<64x64xf32, #tpu.memory_space<vmem>>, vector<64x64xf32>
    %dot_general3A_25 = arith.constant dense<0.000000e+00> : vector<64x64xf32>
    %dot_general3A_26 = tpu.matmul %add3A_21, %get3A_24, %dot_general3A_25 {dimension_numbers = #tpu.dot_dimension_numbers<[1], [0], [0], [1], [0, 0, 1, 1], [], []>, transpose_lhs_hint = false} : vector<64x64xf32>, vector<64x64xf32>, vector<64x64xf32> -> vector<64x64xf32>
    %get3A_27 = arith.constant 0 : index
    %get3A_28 = arith.constant 0 : index
    %get3A_29 = vector.load %arg6[%get3A_27, %get3A_28] : memref<1x64xf32, #tpu.memory_space<vmem>>, vector<1x64xf32>
    %add3A_30 = vector.broadcast %get3A_29 : vector<1x64xf32> to vector<64x64xf32>
    %add3A_31 = arith.addf %dot_general3A_26, %add3A_30 : vector<64x64xf32>
    %max3A_32 = arith.constant 0.000000e+00 : f32
    %max3A_33 = vector.broadcast %max3A_32 : f32 to vector<64x64xf32>
    %max3A_34 = arith.maximumf %add3A_31, %max3A_33 : vector<64x64xf32>
    %add3A_35 = arith.addf %add3A_21, %max3A_34 : vector<64x64xf32>
    %get3A_36 = arith.constant 0 : index
    %get3A_37 = arith.constant 0 : index
    %get3A_38 = vector.load %arg2[%get3A_36, %get3A_37] : memref<64x64xf32, #tpu.memory_space<vmem>>, vector<64x64xf32>
    %mul3A = arith.constant 2.500000e-01 : f32
    %mul3A_39 = vector.broadcast %mul3A : f32 to vector<64x64xf32>
    %mul3A_40 = arith.mulf %add3A_35, %mul3A_39 : vector<64x64xf32>
    %add3A_41 = arith.addf %get3A_38, %mul3A_40 : vector<64x64xf32>
    %get3A_42 = arith.constant 0 : index
    %get3A_43 = arith.constant 0 : index
    %get3A_44 = vector.load %arg7[%get3A_42, %get3A_43] : memref<64x64xf32, #tpu.memory_space<vmem>>, vector<64x64xf32>
    %dot_general3A_45 = arith.constant dense<0.000000e+00> : vector<64x64xf32>
    %dot_general3A_46 = tpu.matmul %add3A_41, %get3A_44, %dot_general3A_45 {dimension_numbers = #tpu.dot_dimension_numbers<[1], [0], [0], [1], [0, 0, 1, 1], [], []>, transpose_lhs_hint = false} : vector<64x64xf32>, vector<64x64xf32>, vector<64x64xf32> -> vector<64x64xf32>
    %get3A_47 = arith.constant 0 : index
    %get3A_48 = arith.constant 0 : index
    %get3A_49 = vector.load %arg8[%get3A_47, %get3A_48] : memref<1x64xf32, #tpu.memory_space<vmem>>, vector<1x64xf32>
    %add3A_50 = vector.broadcast %get3A_49 : vector<1x64xf32> to vector<64x64xf32>
    %add3A_51 = arith.addf %dot_general3A_46, %add3A_50 : vector<64x64xf32>
    %max3A_52 = arith.constant 0.000000e+00 : f32
    %max3A_53 = vector.broadcast %max3A_52 : f32 to vector<64x64xf32>
    %max3A_54 = arith.maximumf %add3A_51, %max3A_53 : vector<64x64xf32>
    %add3A_55 = arith.addf %max3A_54, %add3A_41 : vector<64x64xf32>
    %get3A_56 = arith.constant 0 : index
    %get3A_57 = arith.constant 0 : index
    %get3A_58 = vector.load %arg9[%get3A_56, %get3A_57] : memref<64x1xf32, #tpu.memory_space<vmem>>, vector<64x1xf32>
    %dot_general3A_59 = arith.constant dense<0.000000e+00> : vector<64x1xf32>
    %dot_general3A_60 = tpu.matmul %add3A_55, %get3A_58, %dot_general3A_59 {dimension_numbers = #tpu.dot_dimension_numbers<[1], [0], [0], [1], [0, 0, 1, 1], [], []>, transpose_lhs_hint = false} : vector<64x64xf32>, vector<64x1xf32>, vector<64x1xf32> -> vector<64x1xf32>
    %get3A_61 = arith.constant 0 : index
    %get3A_62 = arith.constant 0 : index
    %get3A_63 = vector.load %arg10[%get3A_61, %get3A_62] : memref<1x1xf32, #tpu.memory_space<vmem>>, vector<1x1xf32>
    %add3A_64 = vector.broadcast %get3A_63 : vector<1x1xf32> to vector<64x1xf32>
    %add3A_65 = arith.addf %dot_general3A_60, %add3A_64 : vector<64x1xf32>
    %swap3A = arith.constant 0 : index
    %swap3A_66 = arith.constant 0 : index
    %swap3A_67 = vector.load %arg11[%swap3A, %swap3A_66] : memref<64x1xf32, #tpu.memory_space<vmem>>, vector<64x1xf32>
    tpu.vector_store %arg11[%swap3A, %swap3A_66], %add3A_65 {strides = array<i32>} : memref<64x1xf32, #tpu.memory_space<vmem>>, vector<64x1xf32>,
    return
  }
}

</mosaic_0001>

<sc_bundles>
// kernel: kernel.17.cloned.1.call-start
scs
__scs_entry_jumppad:
0x0: {  	(pc) =	sbr.rel $0x88, $3  }
0x1: {  	(tag) =	ssettag $0x0;
	lr =	simm.s32 $0x1  }
0x2: {  	[smem:$0x3F82] =	sst lr;
	_ =	strace $0xD0000000  }
0x3: {  	_ = 	snop  }
0x4: {  	_ = 	snop  }
0x5: {  	_ = 	snop  }
0x6: {  	_ = 	snop  }
0x7: {  	_ = 	snop  }
__scs_overlays_trampoline_lowered:
0x8: {  	[smem:$0x3F91] =	sst s0  }
0x9: {  	[smem:$0x3F92] =	sst s1  }
0xa: {  	[smem:$0x3F93] =	sst s2  }
0xb: {  	[smem:$0x3F94] =	sst s3  }
0xc: {  	[smem:$0x3F95] =	sst s4  }
0xd: {  	[smem:$0x3F96] =	sst s5  }
0xe: {  	[smem:$0x3F97] =	sst s6  }
0xf: {  	[smem:$0x3F98] =	sst s7  }
0x10: {  	[smem:$0x3F99] =	sst s8  }
0x11: {  	[smem:$0x3F9A] =	sst s9;
	s0 =	simm.s32 @!p0 $0x0  }
0x12: {  	s1 =	sld [smem:$0x3F80];
	s0 =	simm.s32 @p0 $0x1  }
0x13: {  	[smem:$0x3F9B] =	sst s0;
	s0 =	simm.s32 @!p1 $0x0  }
0x14: {  	s2 =	sld [smem:$0x3F7F];
	s0 =	simm.s32 @p1 $0x1  }
0x15: {  	[smem:$0x3F9C] =	sst s0;
	s0 =	simm.s32 @!p2 $0x0  }
0x16: {  	s3 =	sld [smem:$0x3FDB];
	s0 =	simm.s32 @p2 $0x1  }
0x17: {  	s4 =	simm.s32 $0x1BF5;
	[smem:$0x3F9E] =	sst s0  }
0x18: {  	s0 =	sld [smem:$0x3F81];
	_ =	swait.ge [sflag:s4], $0x0  }
0x19: {  	s7 =	sld [smem:$0x3F82]  }
0x1a: {  	s8 =	sadd.s32 $0xFFFFE003, lr  }
0x1b: {  	s9 =	sadd.s32 $0xFFFFFEF7, lr;
	s5 =	simm.s32 $0xFFFFFFFF;
	p2 =	slt.u32 s8, $0xFFFFF086  }
0x1c: {  	p1 =	slt.u32 s9, $0xF7A;
	s5 =	simm.s32 @!p2 $0x0  }
0x1d: {  	s5 =	simm.s32 @p1 $0x1;
	p0 =	seq.s32 s7, s2  }
0x1e: {  	s7 =	smul.u32 @!p0 $0xF7A, s2;
	p2 =	seq.s32 @!p0 s5, $0x0  }
0x1f: {  	s9 =	smul.u32 $0xF7A, s1;
	s8 =	simm.s32 @!p0 $0x1BF5;
	p2 =	por !p2, p0  }
0x20: {  	[sflag:s8] =	ssyncset.s32 @!p0 $0xFFFFF086;
	s6 =	sadd.s32 @!p0 s3, s7;
	s7 =	simm.s32 @!p0 $0x108  }
0x21: {  	s3 =	sadd.s32 s3, s9;
	s6 =	sadd.s32 @!p0 $0x88, s6;
	s7 =	simm.s32 @p2 $0x1082  }
0x22: {  	[simem:s7], [sflag:s8] =	dma.local @!p0 [hbm:s6], $0xF7A  }
0x23: {  	s9 =	sor.u32 $0xD0000000, s2;
	s6 =	simm.s32 $0x108;
	_ =	swait.ge @!p0 [sflag:s8], $0x0  }
0x24: {  	s3 =	sadd.s32 $0x88, s3;
	s6 =	simm.s32 @!p1 $0x1082;
	[sflag:s4] =	ssyncset.s32 $0xFFFFF086  }
0x25: {  	[simem:s6], [sflag:s4] =	dma.local [hbm:s3], $0xF7A  }
0x26: {  	[smem:$0x3F82] =	sst s1;
	(tag) =	ssettag s2;
	_ =	strace s9  }
0x27: {  	s1 =	sld [smem:$0x3F92]  }
0x28: {  	s2 =	sld [smem:$0x3F93]  }
0x29: {  	s4 =	sld [smem:$0x3F95]  }
0x2a: {  	p0 =	seq.s32 s5, $0x0;
	s5 =	sld [smem:$0x3F96]  }
0x2b: {  	s6 =	sld [smem:$0x3F97]  }
0x2c: {  	s7 =	sld [smem:$0x3F98]  }
0x2d: {  	s3 =	simm.s32 $0x108;
	s8 =	sld [smem:$0x3F99]  }
0x2e: {  	s3 =	simm.s32 @!p0 $0x1082;
	s9 =	sld [smem:$0x3F9A]  }
0x2f: {  	lr =	sadd.s32 s0, s3;
	s0 =	sld [smem:$0x3F91]  }
0x30: {  	s3 =	sld [smem:$0x3F94]  }
0x31: {  	[smem:$0x3F9D] =	sst s10  }
0x32: {  	s10 =	sld [smem:$0x3F9B];
	_ =	sdelay $0x3  }
0x33: {  	p0 =	seq.s32 s10, $0x1;
	s10 =	sld [smem:$0x3F9D];
	_ =	sdelay $0x3  }
0x34: {  	[smem:$0x3F9D] =	sst s10  }
0x35: {  	s10 =	sld [smem:$0x3F9C];
	_ =	sdelay $0x3  }
0x36: {  	p1 =	seq.s32 s10, $0x1;
	s10 =	sld [smem:$0x3F9D];
	_ =	sdelay $0x3  }
0x37: {  	[smem:$0x3F9D] =	sst s10  }
0x38: {  	s10 =	sld [smem:$0x3F9E]  }
0x39: {  	_ = 	snop;
	(pc) =	sbr.ind lr, $3  }
0x3a: {  	_ = 	snop  }
0x3b: {  	_ = 	snop  }
0x3c: {  	p2 =	seq.s32 s10, $0x1;
	s10 =	sld [smem:$0x3F9D]  }
0x3d: {  	_ =	shalt  }
0x3e: {  	_ =	shalt  }
0x3f: {  	_ =	shalt  }
0x40: {  	_ =	shalt  }
0x41: {  	_ =	shalt  }
0x42: {  	_ =	shalt  }
0x43: {  	_ =	shalt  }
0x44: {  	_ =	shalt  }
0x45: {  	_ =	shalt  }
0x46: {  	_ =	shalt  }
0x47: {  	_ =	shalt  }
0x48: {  	_ =	shalt  }
0x49: {  	_ =	shalt  }
0x4a: {  	_ =	shalt  }
0x4b: {  	_ =	shalt  }
0x4c: {  	_ =	shalt  }
0x4d: {  	_ =	shalt  }
0x4e: {  	_ =	shalt  }
0x4f: {  	_ =	shalt  }
0x50: {  	_ =	shalt  }
0x51: {  	_ =	shalt  }
0x52: {  	_ =	shalt  }
0x53: {  	_ =	shalt  }
0x54: {  	_ =	shalt  }
0x55: {  	_ =	shalt  }
0x56: {  	_ =	shalt  }
0x57: {  	_ =	shalt  }
0x58: {  	_ =	shalt  }
0x59: {  	_ =	shalt  }
0x5a: {  	_ =	shalt  }
0x5b: {  	_ =	shalt  }
0x5c: {  	_ =	shalt  }
0x5d: {  	_ =	shalt  }
0x5e: {  	_ =	shalt  }
0x5f: {  	_ =	shalt  }
0x60: {  	_ =	shalt  }
0x61: {  	_ =	shalt  }
0x62: {  	_ =	shalt  }
0x63: {  	_ =	shalt  }
0x64: {  	_ =	shalt  }
0x65: {  	_ =	shalt  }
0x66: {  	_ =	shalt  }
0x67: {  	_ =	shalt  }
0x68: {  	_ =	shalt  }
0x69: {  	_ =	shalt  }
0x6a: {  	_ =	shalt  }
0x6b: {  	_ =	shalt  }
0x6c: {  	_ =	shalt  }
0x6d: {  	_ =	shalt  }
0x6e: {  	_ =	shalt  }
0x6f: {  	_ =	shalt  }
0x70: {  	_ =	shalt  }
0x71: {  	_ =	shalt  }
0x72: {  	_ =	shalt  }
0x73: {  	_ =	shalt  }
0x74: {  	_ =	shalt  }
0x75: {  	_ =	shalt  }
0x76: {  	_ =	shalt  }
0x77: {  	_ =	shalt  }
0x78: {  	_ =	shalt  }
0x79: {  	_ =	shalt  }
0x7a: {  	_ =	shalt  }
0x7b: {  	_ =	shalt  }
0x7c: {  	_ =	shalt  }
0x7d: {  	_ =	shalt  }
0x7e: {  	_ =	shalt  }
0x7f: {  	_ =	shalt  }
0x80: {  	_ =	shalt  }
0x81: {  	_ =	shalt  }
0x82: {  	_ =	shalt  }
0x83: {  	_ =	shalt  }
0x84: {  	_ =	shalt  }
0x85: {  	_ =	shalt  }
0x86: {  	_ =	shalt  }
0x87: {  	_ =	shalt  }
.Lfunc_end0:
.L_simem_size_0:
called_computation_lowered:
.L_overlay_start_0:
0x88: {  	s2 =	sld [smem:$0x3FD9]  }
0x89: {  	s3 =	sld [smem:$0x3FFE];
	_ =	sdelay $0x1  }
0x8a: {  	s1 =	srdreg.scid  }
0x8b: {  	s0 =	sand.u32 $0x1, s1  }
0x8c: {  	s16 =	sshll.u32 s0, $0xA;
	s2 =	sadd.s32 s3, s2  }
0x8d: {  	s2 =	sadd.s32 s2, s16  }
0x8e: {  	[smem:$0x3FA9] =	sst s2  }
0x8f: {  	_ = 	snop  }
0x90: {  	(tm) =	ssettm $0x1  }
0x91: {  	s17 =	sld [smem:$0x3FFB];
	_ =	sdelay $0x3  }
0x92: {  	_ =	strace s17  }
0x93: {  	s2 =	sld [smem:$0x3FFC];
	_ =	sdelay $0x3  }
0x94: {  	_ =	strace s2  }
0x95: {  	s2 =	sld [smem:$0x3FFD];
	_ =	sdelay $0x3  }
0x96: {  	_ =	strace s2  }
0x97: {  	_ =	strace $0x8FFFFFFF  }
0x98: {  	s18 =	sld [smem:$0x3FDB];
	_ =	sdelay $0x1  }
0x99: {  	s19 =	simm.s32 $_scs_section_size  }
0x9a: {  	s4 =	simm.s32 $_size__tile_overlayer_lowered;
	s5 =	simm.s32 $_tile_overlayer_lowered  }
0x9b: {  	s22 =	simm.s32 $0x1BFF;
	s21 =	sshll.u32 s5, $0x1;
	s2 =	sadd.s32 s19, s18  }
0x9c: {  	s6 =	simm.s32 $0x0;
	s20 =	sshll.u32 s4, $0x1;
	s4 =	sadd.s32 s21, s2  }
0x9d: {  	[timem:s6], [sflag:s22] =	dma.local [hbm:s4], s20  }
0x9e: {  	_ =	swait.ge [sflag:s22], s20  }
0x9f: {  	s3 =	ssub.s32 $0x0, s20;
	[sflag:s22] =	ssyncset.done $0x0  }
0xa0: {  	[sflag:s22] =	ssyncadd.s32 s3;
	_ =	sdelay $0x1  }
0xa1: {  	s23 =	simm.s32 $0x1B8B  }
0xa2: {  	_ =	swait.ge [sflag:s23], $0x1  }
0xa3: {  	[sflag:s23] =	ssyncset.done $0x0  }
0xa4: {  	s25 =	simm.s32 $0x1B8E;
	s24 =	sld [smem:$0x3FFE];
	[sflag:s23] =	ssyncadd.s32 $0xFFFFFFFF  }
0xa5: {  	s26 =	simm.s32 $execute0_lowered;
	[smem:$0x3FD2] =	sst s25  }
0xa6: {  	s4 =	sshll.u32 s26, $0x1;
	_ =	strace $0x80000046;
	[dreg:$0x1] =	wrdreg $0xFFFFFFFF  }
0xa7: {  	s28 =	simm.s32 $_size_execute0_lowered;
	s2 =	sadd.s32 s2, s4;
	[dreg:$0x0] =	wrdreg $0x0  }
0xa8: {  	s4 =	sshll.u32 s28, $0x1;
	[dreg:$0x2] =	wrdreg s2  }
0xa9: {  	[dreg:$0x3] =	wrdreg s4  }
0xaa: {  	[dreg:$0x4] =	wrdreg $0xC0  }
0xab: {  	_ =	task [dreg:s6], $0x5FFFF  }
0xac: {  	[dreg:$0x1] =	wrdreg $0xFFFFFFFF  }
0xad: {  	[dreg:$0x0] =	wrdreg $0x60  }
0xae: {  	[dreg:$0x2] =	wrdreg s24  }
0xaf: {  	[dreg:$0x3] =	wrdreg $0x0  }
0xb0: {  	[dreg:$0x4] =	wrdreg $0x1E1000  }
0xb1: {  	[dreg:$0x5] =	wrdreg $0x9  }
0xb2: {  	_ =	task.clear_ibuf [dreg:s6], $0x6FFFF;
	_ =	strace $0x90000046  }
0xb3: {  	s29 =	simm.s32 $0x9;
	_ =	strace $0x80000048  }
0xb4: {  	_ =	swait.ge [sflag:s29], $0x1  }
0xb5: {  	[sflag:s29] =	ssyncadd.s32 $0xFFFFFFFF  }
0xb6: {  	_ =	strace $0x90000048  }
0xb7: {  	_ =	sfence  }
0xb8: {  	s30 =	sld [smem:$0x0];
	_ =	sdelay $0x2  }
0xb9: {  	s31 =	sshll.u32 s1, $0xD;
	s1 =	sshrl.u32 s1, $0x2  }
0xba: {  	s3 =	sand.u32 $0x4000, s31;
	s1 =	sadd.s32 s1, s30  }
0xbb: {  	s0 =	sor.u32 s3, s0;
	s1 =	sshll.u32 s1, $0x11  }
0xbc: {  	s0 =	sor.u32 s1, s0  }
0xbd: {  	s0 =	sadd.s32 $0x8F2B, s0  }
0xbe: {  	[sflag:s0] =	ssyncadd.remote.s32 $0x1  }
0xbf: {  	_ =	sfence.sel $0xFFFF  }
0xc0: {  	[dreg:$0x0] =	wrdreg $0xFFFFFFFF;
	(pc) =	sbr.abs _section_cstart, $3  }
0xc1: {  	[dreg:$0x1] =	wrdreg $0xFFFFFFFF  }
0xc2: {  	_ =	task.clear_ibuf [dreg:s6], $0x2FFFF;
	_ =	strace $0x9FFFFFFF  }
0xc3: {  	(tm) =	ssettm $0x7FFFFFFF  }
tec
execute0_lowered:
.L_overlay_start_1:
0x0: {  	(tag) =	ssettag $0x1  }
0x1: {  	s0 =	rddreg [dreg:$0x0]  }
0x2: {  	s1 =	rddreg [dreg:$0x1]  }
0x3: {  	s2 =	rddreg [dreg:$0x2];
	s15 =	stileid.u32  }
0x4: {  	s4 =	simm.s32 $0x0;
	s3 =	srdreg.scid;
	s8 =	smul.u32 $0x14000, s15  }
0x5: {  	s30 =	simm.s32 $0x1B900;
	s31 =	simm.s32 $0x4;
	s9 =	smul.u32 $0x280, s15  }
0x6: {  	[smem:$0x7FF] =	sst s4;
	s3 =	sand.u32 $0x1, s3;
	s14 =	smul.u32 $0x50000, s15  }
0x7: {  	s26 =	sshll.u32 s15, $0x1;
	s7 =	smul.u32 $0x140000, s3;
	_ =	strace $0x80000047  }
0x8: {  	s11 =	smul.u32 $0x2800, s3;
	s25 =	ssub.s32 $0x2, s3;
	s23 =	sadd.s32 s9, s2  }
0x9: {  	s3 =	sor.u32 s3, s26;
	s13 =	sshrl.u32 s25, $0x1;
	s20 =	sadd.s32 $0x50, s23  }
0xa: {  	s10 =	sadd.s32 s8, s7;
	s21 =	sadd.s32 $0xA0, s23;
	[dreg:$0xf] =	wrdreg s20  }
0xb: {  	s24 =	sadd.s32 s9, s11;
	s22 =	sadd.s32 $0xF0, s23;
	[dreg:$0x10] =	wrdreg s21  }
0xc: {  	s11 =	ssub.s32 s25, s13;
	s25 =	sadd.s32 $0x140, s23;
	[dreg:$0x11] =	wrdreg s22  }
0xd: {  	s26 =	sadd.s32 $0x190, s23;
	s10 =	sshrl.u32 s10, $0x3;
	[dreg:$0x12] =	wrdreg s25  }
0xe: {  	s28 =	sshrl.u32 s14, $0x2;
	[dreg:$0x13] =	wrdreg s26;
	s12 =	sadd.s32 s10, s0  }
0xf: {  	s10 =	sshrl.u32 s24, $0x3;
	s24 =	sadd.s32 s28, s1;
	s28 =	sadd.s32 $0x1E0, s23  }
0x10: {  	s5 =	sadd.s32 $0x50E800, s0;
	s6 =	sadd.s32 $0x18200, s0;
	[dreg:$0x14] =	wrdreg s28  }
0x11: {  	s7 =	sadd.s32 $0x504000, s0;
	s29 =	sadd.s32 $0x55DA00, s12;
	[dreg:$0x5] =	wrdreg s24  }
0x12: {  	s8 =	sadd.s32 $0x4FA200, s0;
	s12 =	smax.u32 s11, $0x1;
	[dreg:$0x4] =	wrdreg s29  }
0x13: {  	s20 =	simm.s32 $0x1E400;
	s13 =	sadd.s32 $0x2800, s24;
	[dreg:$0x7] =	wrdreg s12  }
0x14: {  	s21 =	simm.s32 $0x0;
	s14 =	sadd.s32 $0x5000, s24;
	[dreg:$0x8] =	wrdreg s13  }
0x15: {  	s0 =	sadd.s32 s10, s0;
	s15 =	sadd.s32 $0x7800, s24;
	[dreg:$0x9] =	wrdreg s14  }
0x16: {  	s10 =	smul.u32 $0x2710, s3;
	s16 =	sadd.s32 $0xA000, s24;
	[dreg:$0xa] =	wrdreg s15  }
0x17: {  	s17 =	sadd.s32 $0xC800, s24;
	s18 =	sadd.s32 $0xF000, s24;
	[dreg:$0xb] =	wrdreg s16  }
0x18: {  	s19 =	sadd.s32 $0x11800, s24;
	s3 =	simm.s32 $0x14000;
	[dreg:$0xc] =	wrdreg s17  }
0x19: {  	s11 =	simm.s32 $0x14080;
	s0 =	sadd.s32 $0x16A00, s0;
	[dreg:$0xd] =	wrdreg s18  }
0x1a: {  	[dreg:$0xe] =	wrdreg s19;
	s29 =	sadd.s32 $0x230, s23;
	s13 =	simm.s32 $0x50  }
0x1b: {  	s14 =	simm.s32 $0x14100;
	s15 =	simm.s32 $0x16900;
	s16 =	simm.s32 $0x19100  }
0x1c: {  	s17 =	simm.s32 $0x1;
	s18 =	simm.s32 $0x2;
	[dreg:$0x6] =	wrdreg s0  }
0x1d: {  	v0 =	vimm.f32 $0.0e+00;
	v1 =	vimm.f32 $1.000000000e+00;
	s19 =	simm.s32 $0x3;
	[dreg:$0x15] =	wrdreg s29;
	s0 =	simm.s32 $0x1E380  }
.LBB2_1:
0x1e: {  	s9 =	simm.s32 $0x1BA00  }
0x1f: {  	[tilespmem:s9+$0xFFFFFF00] =	vst v0  }
0x20: {  	[tilespmem:s9+$0xF0] =	vst v0  }
0x21: {  	[tilespmem:s9+$0xE0] =	vst v0  }
0x22: {  	[tilespmem:s9+$0xD0] =	vst v0  }
0x23: {  	[tilespmem:s9+$0xC0] =	vst v0  }
0x24: {  	[tilespmem:s9+$0xB0] =	vst v0  }
0x25: {  	[tilespmem:s9+$0xA0] =	vst v0  }
0x26: {  	[tilespmem:s9+$0x90] =	vst v0  }
0x27: {  	[tilespmem:s9+$0x80] =	vst v0  }
0x28: {  	[tilespmem:s9+$0x70] =	vst v0  }
0x29: {  	[tilespmem:s9+$0x60] =	vst v0  }
0x2a: {  	[tilespmem:s9+$0x50] =	vst v0  }
0x2b: {  	[tilespmem:s9+$0x40] =	vst v0  }
0x2c: {  	[tilespmem:s9+$0x30] =	vst v0  }
0x2d: {  	[tilespmem:s9+$0x20] =	vst v0  }
0x2e: {  	[tilespmem:s9+$0x10] =	vst v0  }
0x2f: {  	[tilespmem:s9+$0x0] =	vst v0  }
0x30: {  	[tilespmem:s9+$0xFFFFFFF0] =	vst v0  }
0x31: {  	[tilespmem:s9+$0xFFFFFFE0] =	vst v0  }
0x32: {  	[tilespmem:s9+$0xFFFFFFD0] =	vst v0  }
0x33: {  	[tilespmem:s9+$0xFFFFFFC0] =	vst v0  }
0x34: {  	[tilespmem:s9+$0xFFFFFFB0] =	vst v0  }
0x35: {  	[tilespmem:s9+$0xFFFFFFA0] =	vst v0  }
0x36: {  	[tilespmem:s9+$0xFFFFFF90] =	vst v0  }
0x37: {  	[tilespmem:s9+$0xFFFFFF80] =	vst v0  }
0x38: {  	[tilespmem:s9+$0xFFFFFF70] =	vst v0  }
0x39: {  	[tilespmem:s9+$0xFFFFFF60] =	vst v0  }
0x3a: {  	[tilespmem:s9+$0xFFFFFF50] =	vst v0  }
0x3b: {  	[tilespmem:s9+$0xFFFFFF40] =	vst v0  }
0x3c: {  	[tilespmem:s9+$0xFFFFFF30] =	vst v0  }
0x3d: {  	s22 =	simm.s32 $0x0;
	[tilespmem:s9+$0xFFFFFF20] =	vst v0  }
.LBB2_2:
0x3e: {  	s22 =	sadd.s32 $0x4, s22;
	[tilespmem:s9+$0xFFFFFF10] =	vst v0;
	s9 =	sadd.s32 $0x200, s9  }
0x3f: {  	[tilespmem:s9+$0xFFFFFF00] =	vst v0;
	p0 =	slt.u32 s22, $0x4C  }
0x40: {  	[tilespmem:s9+$0xF0] =	vst v0  }
0x41: {  	[tilespmem:s9+$0xE0] =	vst v0  }
0x42: {  	[tilespmem:s9+$0xD0] =	vst v0  }
0x43: {  	[tilespmem:s9+$0xC0] =	vst v0  }
0x44: {  	[tilespmem:s9+$0xB0] =	vst v0  }
0x45: {  	[tilespmem:s9+$0xA0] =	vst v0  }
0x46: {  	[tilespmem:s9+$0x90] =	vst v0  }
0x47: {  	[tilespmem:s9+$0x80] =	vst v0  }
0x48: {  	[tilespmem:s9+$0x70] =	vst v0  }
0x49: {  	[tilespmem:s9+$0x60] =	vst v0  }
0x4a: {  	[tilespmem:s9+$0x50] =	vst v0  }
0x4b: {  	[tilespmem:s9+$0x40] =	vst v0  }
0x4c: {  	[tilespmem:s9+$0x30] =	vst v0  }
0x4d: {  	[tilespmem:s9+$0x20] =	vst v0  }
0x4e: {  	[tilespmem:s9+$0x10] =	vst v0  }
0x4f: {  	[tilespmem:s9+$0x0] =	vst v0  }
0x50: {  	[tilespmem:s9+$0xFFFFFFF0] =	vst v0  }
0x51: {  	[tilespmem:s9+$0xFFFFFFE0] =	vst v0  }
0x52: {  	[tilespmem:s9+$0xFFFFFFD0] =	vst v0  }
0x53: {  	[tilespmem:s9+$0xFFFFFFC0] =	vst v0  }
0x54: {  	[tilespmem:s9+$0xFFFFFFB0] =	vst v0  }
0x55: {  	[tilespmem:s9+$0xFFFFFFA0] =	vst v0  }
0x56: {  	[tilespmem:s9+$0xFFFFFF90] =	vst v0  }
0x57: {  	[tilespmem:s9+$0xFFFFFF80] =	vst v0  }
0x58: {  	[tilespmem:s9+$0xFFFFFF70] =	vst v0  }
.Ltmp0:
0x59: {  	[tilespmem:s9+$0xFFFFFF60] =	vst v0;
	(pc) =	sbr.rel @p0 .LBB2_2-.Ltmp0, $4  }
0x5a: {  	[tilespmem:s9+$0xFFFFFF50] =	vst v0  }
0x5b: {  	[tilespmem:s9+$0xFFFFFF40] =	vst v0  }
0x5c: {  	[tilespmem:s9+$0xFFFFFF30] =	vst v0  }
0x5d: {  	[tilespmem:s9+$0xFFFFFF20] =	vst v0  }
0x5e: {  	[tilespmem:s9+$0xFFFFFF10] =	vst v0  }
0x5f: {  	[spmem:s24] =	stream.linear.scatter [tilespmem:s30], [sflag:$0x4], $0x2800, $0x38;
	[tilespmem:$0x1E480] =	vst v63  }
0x60: {  	_ =	swait.ge [sflag:s31], $0x2800  }
0x61: {  	[sflag:s31] =	ssyncset.done $0x0  }
0x62: {  	s22 =	rddreg [dreg:$0x8];
	[sflag:s31] =	ssyncadd.s32 $0xFFFFD800  }
0x63: {  	[spmem:s22] =	stream.linear.scatter [tilespmem:s30], [sflag:$0x4], $0x2800, $0x38;
	[tilespmem:$0x1E480] =	vst v63  }
0x64: {  	_ =	swait.ge [sflag:s31], $0x2800  }
0x65: {  	[sflag:s31] =	ssyncset.done $0x0  }
0x66: {  	s24 =	rddreg [dreg:$0x9];
	[sflag:s31] =	ssyncadd.s32 $0xFFFFD800  }
0x67: {  	[spmem:s24] =	stream.linear.scatter [tilespmem:s30], [sflag:$0x4], $0x2800, $0x38;
	[tilespmem:$0x1E480] =	vst v63  }
0x68: {  	_ =	swait.ge [sflag:s31], $0x2800  }
0x69: {  	[sflag:s31] =	ssyncset.done $0x0  }
0x6a: {  	s25 =	rddreg [dreg:$0xa];
	[sflag:s31] =	ssyncadd.s32 $0xFFFFD800  }
0x6b: {  	[spmem:s25] =	stream.linear.scatter [tilespmem:s30], [sflag:$0x4], $0x2800, $0x38;
	[tilespmem:$0x1E480] =	vst v63  }
0x6c: {  	_ =	swait.ge [sflag:s31], $0x2800  }
0x6d: {  	[sflag:s31] =	ssyncset.done $0x0  }
0x6e: {  	s26 =	rddreg [dreg:$0xb];
	[sflag:s31] =	ssyncadd.s32 $0xFFFFD800  }
0x6f: {  	[spmem:s26] =	stream.linear.scatter [tilespmem:s30], [sflag:$0x4], $0x2800, $0x38;
	[tilespmem:$0x1E480] =	vst v63  }
0x70: {  	_ =	swait.ge [sflag:s31], $0x2800  }
0x71: {  	[sflag:s31] =	ssyncset.done $0x0  }
0x72: {  	s28 =	rddreg [dreg:$0xc];
	[sflag:s31] =	ssyncadd.s32 $0xFFFFD800  }
0x73: {  	[spmem:s28] =	stream.linear.scatter [tilespmem:s30], [sflag:$0x4], $0x2800, $0x38;
	[tilespmem:$0x1E480] =	vst v63  }
0x74: {  	_ =	swait.ge [sflag:s31], $0x2800  }
0x75: {  	[sflag:s31] =	ssyncset.done $0x0  }
0x76: {  	s29 =	rddreg [dreg:$0xd];
	[sflag:s31] =	ssyncadd.s32 $0xFFFFD800  }
0x77: {  	[spmem:s29] =	stream.linear.scatter [tilespmem:s30], [sflag:$0x4], $0x2800, $0x38;
	[tilespmem:$0x1E480] =	vst v63  }
0x78: {  	_ =	swait.ge [sflag:s31], $0x2800  }
0x79: {  	[sflag:s31] =	ssyncset.done $0x0  }
0x7a: {  	s12 =	rddreg [dreg:$0xe];
	[sflag:s31] =	ssyncadd.s32 $0xFFFFD800  }
0x7b: {  	[spmem:s12] =	stream.linear.scatter [tilespmem:s30], [sflag:$0x4], $0x2800, $0x38;
	[tilespmem:$0x1E480] =	vst v63  }
0x7c: {  	_ =	swait.ge [sflag:s31], $0x2800  }
0x7d: {  	[sflag:s31] =	ssyncset.done $0x0  }
0x7e: {  	[sflag:s31] =	ssyncadd.s32 $0xFFFFD800  }
0x7f: {  	[tilespmem:$0x1E380] =	vst v0  }
0x80: {  	[tilespmem:$0x1E390] =	vst v0  }
0x81: {  	[tilespmem:$0x1E3A0] =	vst v0  }
0x82: {  	[tilespmem:$0x1E3B0] =	vst v0  }
0x83: {  	[tilespmem:$0x1E3C0] =	vst v0  }
0x84: {  	[spmem:s23] =	stream.linear.scatter [tilespmem:s0], [sflag:$0x4], $0x50, $0x38;
	[tilespmem:$0x1E480] =	vst v63  }
0x85: {  	_ =	swait.ge [sflag:s31], $0x50  }
0x86: {  	[sflag:s31] =	ssyncset.done $0x0  }
0x87: {  	s22 =	rddreg [dreg:$0xf];
	[sflag:s31] =	ssyncadd.s32 $0xFFFFFFB0  }
0x88: {  	[spmem:s22] =	stream.linear.scatter [tilespmem:s0], [sflag:$0x4], $0x50, $0x38;
	[tilespmem:$0x1E480] =	vst v63  }
0x89: {  	_ =	swait.ge [sflag:s31], $0x50  }
0x8a: {  	[sflag:s31] =	ssyncset.done $0x0  }
0x8b: {  	s12 =	smov.u32 s23;
	s23 =	rddreg [dreg:$0x10];
	[sflag:s31] =	ssyncadd.s32 $0xFFFFFFB0  }
0x8c: {  	[spmem:s23] =	stream.linear.scatter [tilespmem:s0], [sflag:$0x4], $0x50, $0x38;
	[tilespmem:$0x1E480] =	vst v63  }
0x8d: {  	_ =	swait.ge [sflag:s31], $0x50  }
0x8e: {  	[sflag:s31] =	ssyncset.done $0x0  }
0x8f: {  	s24 =	rddreg [dreg:$0x11];
	[sflag:s31] =	ssyncadd.s32 $0xFFFFFFB0  }
0x90: {  	[spmem:s24] =	stream.linear.scatter [tilespmem:s0], [sflag:$0x4], $0x50, $0x38;
	[tilespmem:$0x1E480] =	vst v63  }
0x91: {  	_ =	swait.ge [sflag:s31], $0x50  }
0x92: {  	[sflag:s31] =	ssyncset.done $0x0  }
0x93: {  	s25 =	rddreg [dreg:$0x12];
	[sflag:s31] =	ssyncadd.s32 $0xFFFFFFB0  }
0x94: {  	[spmem:s25] =	stream.linear.scatter [tilespmem:s0], [sflag:$0x4], $0x50, $0x38;
	[tilespmem:$0x1E480] =	vst v63  }
0x95: {  	_ =	swait.ge [sflag:s31], $0x50  }
0x96: {  	[sflag:s31] =	ssyncset.done $0x0  }
0x97: {  	s26 =	rddreg [dreg:$0x13];
	[sflag:s31] =	ssyncadd.s32 $0xFFFFFFB0  }
0x98: {  	[spmem:s26] =	stream.linear.scatter [tilespmem:s0], [sflag:$0x4], $0x50, $0x38;
	[tilespmem:$0x1E480] =	vst v63  }
0x99: {  	_ =	swait.ge [sflag:s31], $0x50  }
0x9a: {  	[sflag:s31] =	ssyncset.done $0x0  }
0x9b: {  	s28 =	rddreg [dreg:$0x14];
	[sflag:s31] =	ssyncadd.s32 $0xFFFFFFB0  }
0x9c: {  	[spmem:s28] =	stream.linear.scatter [tilespmem:s0], [sflag:$0x4], $0x50, $0x38;
	[tilespmem:$0x1E480] =	vst v63  }
0x9d: {  	_ =	swait.ge [sflag:s31], $0x50  }
0x9e: {  	[sflag:s31] =	ssyncset.done $0x0  }
0x9f: {  	s29 =	rddreg [dreg:$0x15];
	[sflag:s31] =	ssyncadd.s32 $0xFFFFFFB0  }
0xa0: {  	[spmem:s29] =	stream.linear.scatter [tilespmem:s0], [sflag:$0x4], $0x50, $0x38;
	[tilespmem:$0x1E480] =	vst v63  }
0xa1: {  	_ =	swait.ge [sflag:s31], $0x50  }
0xa2: {  	[sflag:s31] =	ssyncset.done $0x0  }
0xa3: {  	[sflag:s31] =	ssyncadd.s32 $0xFFFFFFB0  }
0xa4: {  	[tilespmem:$0x1E400] =	vst v1  }
0xa5: {  	[tilespmem:$0x1E410] =	vst v1  }
0xa6: {  	[tilespmem:$0x1E420] =	vst v1  }
0xa7: {  	[tilespmem:$0x1E430] =	vst v1  }
0xa8: {  	[tilespmem:$0x1E440] =	vst v1  }
0xa9: {  	s22 =	simm.s32 $0x0;
	[bflag:$0x0] =	sbarrier.arrive $0xFFFF  }
.LBB2_4:
0xaa: {  	s9 =	smul.u32 $0x50, s22;
	_ =	sdelay $0x1  }
0xab: {  	s9 =	sadd.s32 s10, s9  }
0xac: {  	s23 =	sshrl.u32 s9, $0x3  }
0xad: {  	s24 =	sadd.s32 s7, s23  }
0xae: {  	[tilespmem:s3], [sflag:$0x4] =	stream.linear.gather [hbm4b:s24+s4], $0x50, $0x38;
	[tilespmem:$0x1E480] =	vst v63  }
0xaf: {  	_ =	swait.ge [sflag:s31], $0x50  }
0xb0: {  	[sflag:s31] =	ssyncset.done $0x0  }
0xb1: {  	s23 =	sadd.s32 s8, s23;
	[sflag:s31] =	ssyncadd.s32 $0xFFFFFFB0  }
0xb2: {  	[tilespmem:s11], [sflag:$0x4] =	stream.linear.gather [hbm4b:s23+s4], $0x50, $0x38;
	[tilespmem:$0x1E480] =	vst v63  }
0xb3: {  	_ =	swait.ge [sflag:s31], $0x50  }
0xb4: {  	[sflag:s31] =	ssyncset.done $0x0  }
0xb5: {  	[sflag:s31] =	ssyncadd.s32 $0xFFFFFFB0  }
0xb6: {  	[tilespmem:s14], [sflag:$0x1] =	stream.indirect.gather [hbm4b:s5+s13], $0x80, s3, s13, $0xb8;
	[tilespmem:$0x1E480] =	vst v63  }
0xb7: {  	s9 =	sshll.u32 s9, $0x4  }
0xb8: {  	[tilespmem:s15], [sflag:$0x2] =	stream.indirect.gather [hbm4b:s5+s13], $0x80, s11, s13, $0xb8;
	[tilespmem:$0x1E480] =	vst v63  }
0xb9: {  	s9 =	sadd.s32 s6, s9  }
0xba: {  	[tilespmem:s16], [sflag:$0x3] =	stream.linear.gather [hbm4b:s9+s4], $0x2800, $0x38;
	[tilespmem:$0x1E480] =	vst v63  }
0xbb: {  	_ =	swait.ge [sflag:s17], $0x2800  }
0xbc: {  	[sflag:s17] =	ssyncset.done $0x0  }
0xbd: {  	[sflag:s17] =	ssyncadd.s32 $0xFFFFD800  }
0xbe: {  	_ =	swait.ge [sflag:s18], $0x2800  }
0xbf: {  	[sflag:s18] =	ssyncset.done $0x0  }
0xc0: {  	[sflag:s18] =	ssyncadd.s32 $0xFFFFD800  }
0xc1: {  	_ =	swait.ge [sflag:s19], $0x2800  }
0xc2: {  	[sflag:s19] =	ssyncset.done $0x0  }
0xc3: {  	s24 =	simm.s32 $0x14200;
	[sflag:s19] =	ssyncadd.s32 $0xFFFFD800  }
0xc4: {  	v2 =	vld [tilespmem:s24+$0xFFFFFF00];
	_ =	sdelay $0x3  }
0xc5: {  	s23 =	simm.s32 $0x1BA00  }
0xc6: {  	s25 =	simm.s32 $0x16A40;
	[tilespmem:s23+$0xFFFFFF00] =	vst v2  }
0xc7: {  	v2 =	vld [tilespmem:s25+$0xFFFFFF00]  }
0xc8: {  	v3 =	vld [tilespmem:s24+$0xFFFFFF20]  }
0xc9: {  	s26 =	simm.s32 $0x19200  }
0xca: {  	v4 =	vld [tilespmem:s26+$0xFFFFFF00];
	_ =	sdelay $0x2  }
0xcb: {  	v2 =	vadd.f32 v3, v2;
	_ =	sdelay $0x1  }
0xcc: {  	v2 =	vadd.f32 v4, v2;
	_ =	sdelay $0x1  }
0xcd: {  	v2 =	vmax.f32 v2, $0.0e+00  }
0xce: {  	[tilespmem:s23+$0xFFFFFF20] =	vst v2  }
0xcf: {  	v2 =	vld [tilespmem:s24+$0xFFFFFF10];
	_ =	sdelay $0x4  }
0xd0: {  	[tilespmem:s23+$0xFFFFFF10] =	vst v2  }
0xd1: {  	v2 =	vld [tilespmem:s25+$0xFFFFFF10]  }
0xd2: {  	v3 =	vld [tilespmem:s24+$0xFFFFFF30];
	_ =	sdelay $0x1  }
0xd3: {  	v4 =	vld [tilespmem:s26+$0xFFFFFF10];
	_ =	sdelay $0x2  }
0xd4: {  	v2 =	vadd.f32 v3, v2;
	_ =	sdelay $0x1  }
0xd5: {  	v2 =	vadd.f32 v4, v2;
	_ =	sdelay $0x1  }
0xd6: {  	v2 =	vmax.f32 v2, $0.0e+00  }
0xd7: {  	[tilespmem:s23+$0xFFFFFF30] =	vst v2  }
0xd8: {  	v2 =	vld [tilespmem:s24+$0xFFFFFF80];
	_ =	sdelay $0x4  }
0xd9: {  	[tilespmem:s23+$0xFFFFFF80] =	vst v2  }
0xda: {  	v2 =	vld [tilespmem:s25+$0xFFFFFF80]  }
0xdb: {  	v3 =	vld [tilespmem:s24+$0xFFFFFFA0];
	_ =	sdelay $0x1  }
0xdc: {  	v4 =	vld [tilespmem:s26+$0xFFFFFF80];
	_ =	sdelay $0x2  }
0xdd: {  	v2 =	vadd.f32 v3, v2;
	_ =	sdelay $0x1  }
0xde: {  	v2 =	vadd.f32 v4, v2;
	_ =	sdelay $0x1  }
0xdf: {  	v2 =	vmax.f32 v2, $0.0e+00  }
0xe0: {  	[tilespmem:s23+$0xFFFFFFA0] =	vst v2  }
0xe1: {  	v2 =	vld [tilespmem:s24+$0xFFFFFF90];
	_ =	sdelay $0x4  }
0xe2: {  	[tilespmem:s23+$0xFFFFFF90] =	vst v2  }
0xe3: {  	v2 =	vld [tilespmem:s25+$0xFFFFFF90]  }
0xe4: {  	v3 =	vld [tilespmem:s24+$0xFFFFFFB0];
	_ =	sdelay $0x1  }
0xe5: {  	v4 =	vld [tilespmem:s26+$0xFFFFFF90];
	_ =	sdelay $0x2  }
0xe6: {  	v2 =	vadd.f32 v3, v2;
	_ =	sdelay $0x1  }
0xe7: {  	v2 =	vadd.f32 v4, v2;
	_ =	sdelay $0x1  }
0xe8: {  	v2 =	vmax.f32 v2, $0.0e+00  }
0xe9: {  	[tilespmem:s23+$0xFFFFFFB0] =	vst v2  }
0xea: {  	v2 =	vld [tilespmem:s24+$0x0];
	_ =	sdelay $0x4  }
0xeb: {  	[tilespmem:s23+$0x0] =	vst v2  }
0xec: {  	v2 =	vld [tilespmem:s25+$0x0]  }
0xed: {  	v3 =	vld [tilespmem:s24+$0x20];
	_ =	sdelay $0x1  }
0xee: {  	v4 =	vld [tilespmem:s26+$0x0];
	_ =	sdelay $0x2  }
0xef: {  	v2 =	vadd.f32 v3, v2;
	_ =	sdelay $0x1  }
0xf0: {  	v2 =	vadd.f32 v4, v2;
	_ =	sdelay $0x1  }
0xf1: {  	v2 =	vmax.f32 v2, $0.0e+00  }
0xf2: {  	[tilespmem:s23+$0x20] =	vst v2  }
0xf3: {  	v2 =	vld [tilespmem:s24+$0x10];
	_ =	sdelay $0x4  }
0xf4: {  	[tilespmem:s23+$0x10] =	vst v2  }
0xf5: {  	v2 =	vld [tilespmem:s25+$0x10]  }
0xf6: {  	v3 =	vld [tilespmem:s24+$0x30];
	_ =	sdelay $0x1  }
0xf7: {  	v4 =	vld [tilespmem:s26+$0x10];
	_ =	sdelay $0x2  }
0xf8: {  	v2 =	vadd.f32 v3, v2;
	_ =	sdelay $0x1  }
0xf9: {  	v2 =	vadd.f32 v4, v2;
	_ =	sdelay $0x1  }
0xfa: {  	v2 =	vmax.f32 v2, $0.0e+00  }
0xfb: {  	[tilespmem:s23+$0x30] =	vst v2  }
0xfc: {  	v2 =	vld [tilespmem:s24+$0x80];
	_ =	sdelay $0x4  }
0xfd: {  	[tilespmem:s23+$0x80] =	vst v2  }
0xfe: {  	v2 =	vld [tilespmem:s25+$0x80]  }
0xff: {  	v3 =	vld [tilespmem:s24+$0xA0];
	_ =	sdelay $0x1  }
0x100: {  	v4 =	vld [tilespmem:s26+$0x80];
	_ =	sdelay $0x2  }
0x101: {  	v2 =	vadd.f32 v3, v2;
	_ =	sdelay $0x1  }
0x102: {  	v2 =	vadd.f32 v4, v2;
	_ =	sdelay $0x1  }
0x103: {  	v2 =	vmax.f32 v2, $0.0e+00  }
0x104: {  	[tilespmem:s23+$0xA0] =	vst v2  }
0x105: {  	v2 =	vld [tilespmem:s24+$0x90];
	_ =	sdelay $0x4  }
0x106: {  	[tilespmem:s23+$0x90] =	vst v2  }
0x107: {  	v2 =	vld [tilespmem:s25+$0x90]  }
0x108: {  	s28 =	simm.s32 $0x0;
	s29 =	simm.s32 $0x1BC00;
	s9 =	simm.s32 $0x19400;
	v3 =	vld [tilespmem:s24+$0xB0]  }
.LBB2_5:
0x109: {  	s28 =	sadd.s32 $0x4, s28;
	v4 =	vld [tilespmem:s26+$0x90];
	s25 =	sadd.s32 $0x200, s25;
	s24 =	sadd.s32 $0x200, s24  }
0x10a: {  	s26 =	smov.u32 s9;
	p0 =	slt.u32 s28, $0x4C;
	_ =	sdelay $0x2  }
0x10b: {  	v2 =	vadd.f32 v3, v2;
	_ =	sdelay $0x1  }
0x10c: {  	v2 =	vadd.f32 v4, v2;
	_ =	sdelay $0x1  }
0x10d: {  	v2 =	vmax.f32 v2, $0.0e+00  }
0x10e: {  	[tilespmem:s23+$0xB0] =	vst v2;
	s23 =	smov.u32 s29  }
0x10f: {  	v2 =	vld [tilespmem:s24+$0xFFFFFF00];
	_ =	sdelay $0x4  }
0x110: {  	[tilespmem:s29+$0xFFFFFF00] =	vst v2  }
0x111: {  	v2 =	vld [tilespmem:s25+$0xFFFFFF00]  }
0x112: {  	v3 =	vld [tilespmem:s24+$0xFFFFFF20]  }
0x113: {  	v4 =	vld [tilespmem:s9+$0xFFFFFF00];
	_ =	sdelay $0x3  }
0x114: {  	v2 =	vadd.f32 v3, v2;
	_ =	sdelay $0x1  }
0x115: {  	v2 =	vadd.f32 v4, v2;
	_ =	sdelay $0x1  }
0x116: {  	v2 =	vmax.f32 v2, $0.0e+00  }
0x117: {  	[tilespmem:s29+$0xFFFFFF20] =	vst v2  }
0x118: {  	v2 =	vld [tilespmem:s24+$0xFFFFFF10];
	_ =	sdelay $0x4  }
0x119: {  	[tilespmem:s29+$0xFFFFFF10] =	vst v2  }
0x11a: {  	v2 =	vld [tilespmem:s25+$0xFFFFFF10]  }
0x11b: {  	v3 =	vld [tilespmem:s24+$0xFFFFFF30];
	_ =	sdelay $0x1  }
0x11c: {  	v4 =	vld [tilespmem:s9+$0xFFFFFF10];
	_ =	sdelay $0x2  }
0x11d: {  	v2 =	vadd.f32 v3, v2;
	_ =	sdelay $0x1  }
0x11e: {  	v2 =	vadd.f32 v4, v2;
	_ =	sdelay $0x1  }
0x11f: {  	v2 =	vmax.f32 v2, $0.0e+00  }
0x120: {  	[tilespmem:s29+$0xFFFFFF30] =	vst v2  }
0x121: {  	v2 =	vld [tilespmem:s24+$0xFFFFFF80];
	_ =	sdelay $0x4  }
0x122: {  	[tilespmem:s29+$0xFFFFFF80] =	vst v2  }
0x123: {  	v2 =	vld [tilespmem:s25+$0xFFFFFF80]  }
0x124: {  	v3 =	vld [tilespmem:s24+$0xFFFFFFA0];
	_ =	sdelay $0x1  }
0x125: {  	v4 =	vld [tilespmem:s9+$0xFFFFFF80];
	_ =	sdelay $0x2  }
0x126: {  	v2 =	vadd.f32 v3, v2;
	_ =	sdelay $0x1  }
0x127: {  	v2 =	vadd.f32 v4, v2;
	_ =	sdelay $0x1  }
0x128: {  	v2 =	vmax.f32 v2, $0.0e+00  }
0x129: {  	[tilespmem:s29+$0xFFFFFFA0] =	vst v2  }
0x12a: {  	v2 =	vld [tilespmem:s24+$0xFFFFFF90];
	_ =	sdelay $0x4  }
0x12b: {  	[tilespmem:s29+$0xFFFFFF90] =	vst v2  }
0x12c: {  	v2 =	vld [tilespmem:s25+$0xFFFFFF90]  }
0x12d: {  	v3 =	vld [tilespmem:s24+$0xFFFFFFB0]  }
0x12e: {  	v4 =	vld [tilespmem:s9+$0xFFFFFF90];
	_ =	sdelay $0x3  }
0x12f: {  	v2 =	vadd.f32 v3, v2;
	_ =	sdelay $0x1  }
0x130: {  	v2 =	vadd.f32 v4, v2;
	_ =	sdelay $0x1  }
0x131: {  	v2 =	vmax.f32 v2, $0.0e+00  }
0x132: {  	[tilespmem:s29+$0xFFFFFFB0] =	vst v2  }
0x133: {  	v2 =	vld [tilespmem:s24+$0x0];
	_ =	sdelay $0x4  }
0x134: {  	[tilespmem:s29+$0x0] =	vst v2  }
0x135: {  	v2 =	vld [tilespmem:s25+$0x0]  }
0x136: {  	v3 =	vld [tilespmem:s24+$0x20]  }
0x137: {  	v4 =	vld [tilespmem:s9+$0x0];
	_ =	sdelay $0x3  }
0x138: {  	v2 =	vadd.f32 v3, v2;
	_ =	sdelay $0x1  }
0x139: {  	v2 =	vadd.f32 v4, v2;
	_ =	sdelay $0x1  }
0x13a: {  	v2 =	vmax.f32 v2, $0.0e+00  }
0x13b: {  	[tilespmem:s29+$0x20] =	vst v2  }
0x13c: {  	v2 =	vld [tilespmem:s24+$0x10];
	_ =	sdelay $0x4  }
0x13d: {  	[tilespmem:s29+$0x10] =	vst v2  }
0x13e: {  	v2 =	vld [tilespmem:s25+$0x10]  }
0x13f: {  	v3 =	vld [tilespmem:s24+$0x30]  }
0x140: {  	v4 =	vld [tilespmem:s9+$0x10];
	_ =	sdelay $0x3  }
0x141: {  	v2 =	vadd.f32 v3, v2;
	_ =	sdelay $0x1  }
0x142: {  	v2 =	vadd.f32 v4, v2;
	_ =	sdelay $0x1  }
0x143: {  	v2 =	vmax.f32 v2, $0.0e+00  }
0x144: {  	[tilespmem:s29+$0x30] =	vst v2  }
0x145: {  	v2 =	vld [tilespmem:s24+$0x80];
	_ =	sdelay $0x4  }
0x146: {  	[tilespmem:s29+$0x80] =	vst v2  }
0x147: {  	v2 =	vld [tilespmem:s25+$0x80]  }
0x148: {  	v3 =	vld [tilespmem:s24+$0xA0]  }
0x149: {  	v4 =	vld [tilespmem:s9+$0x80];
	_ =	sdelay $0x3  }
0x14a: {  	v2 =	vadd.f32 v3, v2;
	_ =	sdelay $0x1  }
0x14b: {  	v2 =	vadd.f32 v4, v2;
	_ =	sdelay $0x1  }
0x14c: {  	v2 =	vmax.f32 v2, $0.0e+00  }
0x14d: {  	[tilespmem:s29+$0xA0] =	vst v2  }
0x14e: {  	v2 =	vld [tilespmem:s24+$0x90];
	_ =	sdelay $0x2  }
.Ltmp1:
0x14f: {  	(pc) =	sbr.rel @p0 .LBB2_5-.Ltmp1, $4  }
0x150: {  	_ = 	snop  }
0x151: {  	[tilespmem:s29+$0x90] =	vst v2  }
0x152: {  	v2 =	vld [tilespmem:s25+$0x90]  }
0x153: {  	s9 =	sadd.s32 $0x200, s9;
	s29 =	sadd.s32 $0x200, s29;
	v3 =	vld [tilespmem:s24+$0xB0]  }
0x154: {  	_ = 	snop  }
0x155: {  	v4 =	vld [tilespmem:s26+$0x90];
	_ =	sdelay $0x2  }
0x156: {  	v2 =	vadd.f32 v3, v2;
	_ =	sdelay $0x1  }
0x157: {  	v2 =	vadd.f32 v4, v2;
	_ =	sdelay $0x1  }
0x158: {  	v2 =	vmax.f32 v2, $0.0e+00  }
0x159: {  	[tilespmem:s23+$0xB0] =	vst v2  }
0x15a: {  	[spmem:s1] =	stream.indirect.scatter.add.f32 [tilespmem:s30], [sflag:$0x4], $0x80, s11, s13, $0xb8;
	[tilespmem:$0x1E480] =	vst v63  }
0x15b: {  	s22 =	sadd.s32 $0x1, s22;
	_ =	swait.ge [sflag:s31], $0x2800  }
0x15c: {  	p0 =	sne.s32 s22, $0x7D;
	[sflag:s31] =	ssyncset.done $0x0  }
.Ltmp2:
0x15d: {  	[sflag:s31] =	ssyncadd.s32 $0xFFFFD800;
	(pc) =	sbr.rel @p0 .LBB2_4-.Ltmp2, $4  }
0x15e: {  	[spmem:s2] =	stream.indirect.scatter.add.f32 [tilespmem:s20], [sflag:$0x4], $0x1, s11, s13, $0xb8;
	[tilespmem:$0x1E480] =	vst v63  }
0x15f: {  	_ =	swait.ge [sflag:s31], $0x50  }
0x160: {  	[sflag:s31] =	ssyncset.done $0x0  }
0x161: {  	[sflag:s31] =	ssyncadd.s32 $0xFFFFFFB0  }
0x162: {  	s9 =	stileid.u32;
	[bflag:$0x0] =	sbarrier.arrive $0xFFFF  }
0x163: {  	s9 =	sshll.u32 s9, $0x6;
	s24 =	rddreg [dreg:$0x5]  }
0x164: {  	s23 =	rddreg [dreg:$0x4];
	s9 =	sor.u32 $0x1C04, s9;
	s22 =	sshrl.u32 s24, $0x3  }
0x165: {  	[hbm:s23], [sflag:s9] =	dma.local [spmem:s22], $0x2800  }
0x166: {  	_ =	swait.ge [sflag:s31], $0x2800  }
0x167: {  	[sflag:s31] =	ssyncset.done $0x0  }
0x168: {  	s26 =	sshrl.u32 s12, $0x3;
	s28 =	rddreg [dreg:$0x6];
	[sflag:s31] =	ssyncadd.s32 $0xFFFFD800  }
0x169: {  	[hbm:s28], [sflag:s9] =	dma.local [spmem:s26], $0x50  }
0x16a: {  	_ =	swait.ge [sflag:s31], $0x50  }
0x16b: {  	s21 =	sadd.s32 $0x1, s21;
	s29 =	rddreg [dreg:$0x7]  }
0x16c: {  	p0 =	sne.s32 s21, s29  }
.Ltmp3:
0x16d: {  	_ = 	snop;
	(pc) =	sbr.rel @p0 .LBB2_1-.Ltmp3, $3  }
0x16e: {  	_ =	sdelay $0x1  }
0x16f: {  	[sflag:s31] =	ssyncset.done $0x0  }
0x170: {  	s23 =	smov.u32 s12;
	[sflag:s31] =	ssyncadd.s32 $0xFFFFFFB0  }
0x171: {  	_ =	sfence.sel $0x180000  }
0x172: {  	[bflag:$0x0] =	sbarrier.arrive $0xFFFF  }
0x173: {  	_ =	strace $0x90000047  }
0x174: {  	s0 =	stileid.u32;
	[bflag:$0x2] =	sbarrier.arrive $0xFFFF  }
0x175: {  	p0 =	sne.s32 s0, $0x0;
	s0 =	rddreg [dreg:$0x3]  }
0x176: {  	s0 =	sadd.s32 @!p0 $0x100000, s0  }
0x177: {  	[sflag:s0] =	ssyncadd.tile.s32 @!p0 $0x1;
	_ =	shalt  }
.Lfunc_end2:
_tile_overlayer_lowered:
.L_overlay_start_2:
0x178: {  	(tag) =	ssettag $0x2  }
0x179: {  	s0 =	rddreg [dreg:$0x0];
	s2 =	stileid.u32  }
0x17a: {  	s1 =	rddreg [dreg:$0x1];
	p0 =	sne.s32 s2, $0x0  }
0x17b: {  	s3 =	rddreg [dreg:$0x2];
	[bflag:$0x3] =	sbarrier.arrive $0xFFFF;
	s2 =	simm.s32 @!p0 $0x1C04  }
0x17c: {  	[timem:s3], [sflag:s2] =	dma.local @!p0 [hbm:s0], s1  }
0x17d: {  	s0 =	simm.s32 @!p0 $0x4  }
0x17e: {  	_ =	swait.ge @!p0 [sflag:s0], s1  }
0x17f: {  	s1 =	ssub.s32 @!p0 $0x0, s1;
	[sflag:s0] =	ssyncset.done @!p0 $0x0  }
0x180: {  	[sflag:s0] =	ssyncadd.s32 @!p0 s1  }
0x181: {  	[bflag:$0x3] =	sbarrier.arrive $0xFFFF  }
0x182: {  	_ =	shalt  }

// kernel: kernel.20.cloned.1.call-start
scs
__scs_entry_jumppad:
0x0: {  	(pc) =	sbr.rel $0x88, $3  }
0x1: {  	(tag) =	ssettag $0x0;
	lr =	simm.s32 $0x1  }
0x2: {  	[smem:$0x3F82] =	sst lr;
	_ =	strace $0xD0000000  }
0x3: {  	_ = 	snop  }
0x4: {  	_ = 	snop  }
0x5: {  	_ = 	snop  }
0x6: {  	_ = 	snop  }
0x7: {  	_ = 	snop  }
__scs_overlays_trampoline_lowered:
0x8: {  	[smem:$0x3F91] =	sst s0  }
0x9: {  	[smem:$0x3F92] =	sst s1  }
0xa: {  	[smem:$0x3F93] =	sst s2  }
0xb: {  	[smem:$0x3F94] =	sst s3  }
0xc: {  	[smem:$0x3F95] =	sst s4  }
0xd: {  	[smem:$0x3F96] =	sst s5  }
0xe: {  	[smem:$0x3F97] =	sst s6  }
0xf: {  	[smem:$0x3F98] =	sst s7  }
0x10: {  	[smem:$0x3F99] =	sst s8  }
0x11: {  	[smem:$0x3F9A] =	sst s9;
	s0 =	simm.s32 @!p0 $0x0  }
0x12: {  	s1 =	sld [smem:$0x3F80];
	s0 =	simm.s32 @p0 $0x1  }
0x13: {  	[smem:$0x3F9B] =	sst s0;
	s0 =	simm.s32 @!p1 $0x0  }
0x14: {  	s2 =	sld [smem:$0x3F7F];
	s0 =	simm.s32 @p1 $0x1  }
0x15: {  	[smem:$0x3F9C] =	sst s0;
	s0 =	simm.s32 @!p2 $0x0  }
0x16: {  	s3 =	sld [smem:$0x3FDB];
	s0 =	simm.s32 @p2 $0x1  }
0x17: {  	s4 =	simm.s32 $0x1BF5;
	[smem:$0x3F9E] =	sst s0  }
0x18: {  	s0 =	sld [smem:$0x3F81];
	_ =	swait.ge [sflag:s4], $0x0  }
0x19: {  	s7 =	sld [smem:$0x3F82]  }
0x1a: {  	s8 =	sadd.s32 $0xFFFFE003, lr  }
0x1b: {  	s9 =	sadd.s32 $0xFFFFFEF7, lr;
	s5 =	simm.s32 $0xFFFFFFFF;
	p2 =	slt.u32 s8, $0xFFFFF086  }
0x1c: {  	p1 =	slt.u32 s9, $0xF7A;
	s5 =	simm.s32 @!p2 $0x0  }
0x1d: {  	s5 =	simm.s32 @p1 $0x1;
	p0 =	seq.s32 s7, s2  }
0x1e: {  	s7 =	smul.u32 @!p0 $0xF7A, s2;
	p2 =	seq.s32 @!p0 s5, $0x0  }
0x1f: {  	s9 =	smul.u32 $0xF7A, s1;
	s8 =	simm.s32 @!p0 $0x1BF5;
	p2 =	por !p2, p0  }
0x20: {  	[sflag:s8] =	ssyncset.s32 @!p0 $0xFFFFF086;
	s6 =	sadd.s32 @!p0 s3, s7;
	s7 =	simm.s32 @!p0 $0x108  }
0x21: {  	s3 =	sadd.s32 s3, s9;
	s6 =	sadd.s32 @!p0 $0x88, s6;
	s7 =	simm.s32 @p2 $0x1082  }
0x22: {  	[simem:s7], [sflag:s8] =	dma.local @!p0 [hbm:s6], $0xF7A  }
0x23: {  	s9 =	sor.u32 $0xD0000000, s2;
	s6 =	simm.s32 $0x108;
	_ =	swait.ge @!p0 [sflag:s8], $0x0  }
0x24: {  	s3 =	sadd.s32 $0x88, s3;
	s6 =	simm.s32 @!p1 $0x1082;
	[sflag:s4] =	ssyncset.s32 $0xFFFFF086  }
0x25: {  	[simem:s6], [sflag:s4] =	dma.local [hbm:s3], $0xF7A  }
0x26: {  	[smem:$0x3F82] =	sst s1;
	(tag) =	ssettag s2;
	_ =	strace s9  }
0x27: {  	s1 =	sld [smem:$0x3F92]  }
0x28: {  	s2 =	sld [smem:$0x3F93]  }
0x29: {  	s4 =	sld [smem:$0x3F95]  }
0x2a: {  	p0 =	seq.s32 s5, $0x0;
	s5 =	sld [smem:$0x3F96]  }
0x2b: {  	s6 =	sld [smem:$0x3F97]  }
0x2c: {  	s7 =	sld [smem:$0x3F98]  }
0x2d: {  	s3 =	simm.s32 $0x108;
	s8 =	sld [smem:$0x3F99]  }
0x2e: {  	s3 =	simm.s32 @!p0 $0x1082;
	s9 =	sld [smem:$0x3F9A]  }
0x2f: {  	lr =	sadd.s32 s0, s3;
	s0 =	sld [smem:$0x3F91]  }
0x30: {  	s3 =	sld [smem:$0x3F94]  }
0x31: {  	[smem:$0x3F9D] =	sst s10  }
0x32: {  	s10 =	sld [smem:$0x3F9B];
	_ =	sdelay $0x3  }
0x33: {  	p0 =	seq.s32 s10, $0x1;
	s10 =	sld [smem:$0x3F9D];
	_ =	sdelay $0x3  }
0x34: {  	[smem:$0x3F9D] =	sst s10  }
0x35: {  	s10 =	sld [smem:$0x3F9C];
	_ =	sdelay $0x3  }
0x36: {  	p1 =	seq.s32 s10, $0x1;
	s10 =	sld [smem:$0x3F9D];
	_ =	sdelay $0x3  }
0x37: {  	[smem:$0x3F9D] =	sst s10  }
0x38: {  	s10 =	sld [smem:$0x3F9E]  }
0x39: {  	_ = 	snop;
	(pc) =	sbr.ind lr, $3  }
0x3a: {  	_ = 	snop  }
0x3b: {  	_ = 	snop  }
0x3c: {  	p2 =	seq.s32 s10, $0x1;
	s10 =	sld [smem:$0x3F9D]  }
0x3d: {  	_ =	shalt  }
0x3e: {  	_ =	shalt  }
0x3f: {  	_ =	shalt  }
0x40: {  	_ =	shalt  }
0x41: {  	_ =	shalt  }
0x42: {  	_ =	shalt  }
0x43: {  	_ =	shalt  }
0x44: {  	_ =	shalt  }
0x45: {  	_ =	shalt  }
0x46: {  	_ =	shalt  }
0x47: {  	_ =	shalt  }
0x48: {  	_ =	shalt  }
0x49: {  	_ =	shalt  }
0x4a: {  	_ =	shalt  }
0x4b: {  	_ =	shalt  }
0x4c: {  	_ =	shalt  }
0x4d: {  	_ =	shalt  }
0x4e: {  	_ =	shalt  }
0x4f: {  	_ =	shalt  }
0x50: {  	_ =	shalt  }
0x51: {  	_ =	shalt  }
0x52: {  	_ =	shalt  }
0x53: {  	_ =	shalt  }
0x54: {  	_ =	shalt  }
0x55: {  	_ =	shalt  }
0x56: {  	_ =	shalt  }
0x57: {  	_ =	shalt  }
0x58: {  	_ =	shalt  }
0x59: {  	_ =	shalt  }
0x5a: {  	_ =	shalt  }
0x5b: {  	_ =	shalt  }
0x5c: {  	_ =	shalt  }
0x5d: {  	_ =	shalt  }
0x5e: {  	_ =	shalt  }
0x5f: {  	_ =	shalt  }
0x60: {  	_ =	shalt  }
0x61: {  	_ =	shalt  }
0x62: {  	_ =	shalt  }
0x63: {  	_ =	shalt  }
0x64: {  	_ =	shalt  }
0x65: {  	_ =	shalt  }
0x66: {  	_ =	shalt  }
0x67: {  	_ =	shalt  }
0x68: {  	_ =	shalt  }
0x69: {  	_ =	shalt  }
0x6a: {  	_ =	shalt  }
0x6b: {  	_ =	shalt  }
0x6c: {  	_ =	shalt  }
0x6d: {  	_ =	shalt  }
0x6e: {  	_ =	shalt  }
0x6f: {  	_ =	shalt  }
0x70: {  	_ =	shalt  }
0x71: {  	_ =	shalt  }
0x72: {  	_ =	shalt  }
0x73: {  	_ =	shalt  }
0x74: {  	_ =	shalt  }
0x75: {  	_ =	shalt  }
0x76: {  	_ =	shalt  }
0x77: {  	_ =	shalt  }
0x78: {  	_ =	shalt  }
0x79: {  	_ =	shalt  }
0x7a: {  	_ =	shalt  }
0x7b: {  	_ =	shalt  }
0x7c: {  	_ =	shalt  }
0x7d: {  	_ =	shalt  }
0x7e: {  	_ =	shalt  }
0x7f: {  	_ =	shalt  }
0x80: {  	_ =	shalt  }
0x81: {  	_ =	shalt  }
0x82: {  	_ =	shalt  }
0x83: {  	_ =	shalt  }
0x84: {  	_ =	shalt  }
0x85: {  	_ =	shalt  }
0x86: {  	_ =	shalt  }
0x87: {  	_ =	shalt  }
.Lfunc_end0:
.L_simem_size_0:
called_computation.1_lowered:
.L_overlay_start_0:
0x88: {  	s2 =	sld [smem:$0x3FD9]  }
0x89: {  	s3 =	sld [smem:$0x3FFE];
	_ =	sdelay $0x1  }
0x8a: {  	s1 =	srdreg.scid  }
0x8b: {  	s0 =	sand.u32 $0x1, s1  }
0x8c: {  	s16 =	sshll.u32 s0, $0xA;
	s2 =	sadd.s32 s3, s2  }
0x8d: {  	s2 =	sadd.s32 s2, s16  }
0x8e: {  	[smem:$0x3FA9] =	sst s2  }
0x8f: {  	_ = 	snop  }
0x90: {  	(tm) =	ssettm $0x1  }
0x91: {  	s17 =	sld [smem:$0x3FFB];
	_ =	sdelay $0x3  }
0x92: {  	_ =	strace s17  }
0x93: {  	s2 =	sld [smem:$0x3FFC];
	_ =	sdelay $0x3  }
0x94: {  	_ =	strace s2  }
0x95: {  	s2 =	sld [smem:$0x3FFD];
	_ =	sdelay $0x3  }
0x96: {  	_ =	strace s2  }
0x97: {  	_ =	strace $0x8FFFFFFF  }
0x98: {  	s18 =	sld [smem:$0x3FDB];
	_ =	sdelay $0x1  }
0x99: {  	s19 =	simm.s32 $_scs_section_size  }
0x9a: {  	s4 =	simm.s32 $_size__tile_overlayer_lowered;
	s5 =	simm.s32 $_tile_overlayer_lowered  }
0x9b: {  	s22 =	simm.s32 $0x1BFF;
	s21 =	sshll.u32 s5, $0x1;
	s2 =	sadd.s32 s19, s18  }
0x9c: {  	s6 =	simm.s32 $0x0;
	s20 =	sshll.u32 s4, $0x1;
	s4 =	sadd.s32 s21, s2  }
0x9d: {  	[timem:s6], [sflag:s22] =	dma.local [hbm:s4], s20  }
0x9e: {  	_ =	swait.ge [sflag:s22], s20  }
0x9f: {  	s3 =	ssub.s32 $0x0, s20;
	[sflag:s22] =	ssyncset.done $0x0  }
0xa0: {  	[sflag:s22] =	ssyncadd.s32 s3;
	_ =	sdelay $0x1  }
0xa1: {  	s23 =	simm.s32 $0x1B8B  }
0xa2: {  	_ =	swait.ge [sflag:s23], $0x1  }
0xa3: {  	[sflag:s23] =	ssyncset.done $0x0  }
0xa4: {  	s25 =	simm.s32 $0x1B8E;
	s24 =	sld [smem:$0x3FFE];
	[sflag:s23] =	ssyncadd.s32 $0xFFFFFFFF  }
0xa5: {  	s26 =	simm.s32 $execute0_lowered;
	[smem:$0x3FD2] =	sst s25  }
0xa6: {  	s4 =	sshll.u32 s26, $0x1;
	_ =	strace $0x80000049;
	[dreg:$0x1] =	wrdreg $0xFFFFFFFF  }
0xa7: {  	s28 =	simm.s32 $_size_execute0_lowered;
	s2 =	sadd.s32 s2, s4;
	[dreg:$0x0] =	wrdreg $0x0  }
0xa8: {  	s4 =	sshll.u32 s28, $0x1;
	[dreg:$0x2] =	wrdreg s2  }
0xa9: {  	[dreg:$0x3] =	wrdreg s4  }
0xaa: {  	[dreg:$0x4] =	wrdreg $0xC0  }
0xab: {  	_ =	task [dreg:s6], $0x5FFFF  }
0xac: {  	[dreg:$0x1] =	wrdreg $0xFFFFFFFF  }
0xad: {  	[dreg:$0x0] =	wrdreg $0x60  }
0xae: {  	[dreg:$0x2] =	wrdreg s24  }
0xaf: {  	[dreg:$0x3] =	wrdreg $0x0  }
0xb0: {  	[dreg:$0x4] =	wrdreg $0x9  }
0xb1: {  	_ =	task.clear_ibuf [dreg:s6], $0x5FFFF;
	_ =	strace $0x90000049  }
0xb2: {  	s29 =	simm.s32 $0x9;
	_ =	strace $0x8000004B  }
0xb3: {  	_ =	swait.ge [sflag:s29], $0x1  }
0xb4: {  	[sflag:s29] =	ssyncadd.s32 $0xFFFFFFFF  }
0xb5: {  	_ =	strace $0x9000004B  }
0xb6: {  	_ =	sfence  }
0xb7: {  	s30 =	sld [smem:$0x0];
	_ =	sdelay $0x2  }
0xb8: {  	s31 =	sshll.u32 s1, $0xD;
	s1 =	sshrl.u32 s1, $0x2  }
0xb9: {  	s3 =	sand.u32 $0x4000, s31;
	s1 =	sadd.s32 s1, s30  }
0xba: {  	s0 =	sor.u32 s3, s0;
	s1 =	sshll.u32 s1, $0x11  }
0xbb: {  	s0 =	sor.u32 s1, s0  }
0xbc: {  	s0 =	sadd.s32 $0x8F2B, s0  }
0xbd: {  	[sflag:s0] =	ssyncadd.remote.s32 $0x1  }
0xbe: {  	_ =	sfence.sel $0xFFFF  }
0xbf: {  	[dreg:$0x0] =	wrdreg $0xFFFFFFFF;
	(pc) =	sbr.abs _section_cstart, $3  }
0xc0: {  	[dreg:$0x1] =	wrdreg $0xFFFFFFFF  }
0xc1: {  	_ =	task.clear_ibuf [dreg:s6], $0x2FFFF;
	_ =	strace $0x9FFFFFFF  }
0xc2: {  	(tm) =	ssettm $0x7FFFFFFF  }
0xc3: {  	_ =	shalt  }
tec
execute0_lowered:
.L_overlay_start_1:
0x0: {  	(tag) =	ssettag $0x1  }
0x1: {  	s0 =	rddreg [dreg:$0x0]  }
0x2: {  	s1 =	rddreg [dreg:$0x1]  }
0x3: {  	s2 =	srdreg.scid;
	s3 =	simm.s32 $0x0;
	s10 =	stileid.u32  }
0x4: {  	s19 =	simm.s32 $0x1B900;
	s28 =	simm.s32 $0x1;
	s29 =	simm.s32 $0x2  }
0x5: {  	s30 =	simm.s32 $0x3;
	s31 =	simm.s32 $0x0;
	s2 =	sand.u32 $0x1, s2  }
0x6: {  	[smem:$0x7FF] =	sst s3;
	s8 =	smul.u32 $0x14000, s10;
	s4 =	sadd.s32 $0x50E800, s0  }
0x7: {  	s5 =	sadd.s32 $0x1882200, s0;
	s6 =	sadd.s32 $0x504000, s0;
	s9 =	smul.u32 $0x50000, s10  }
0x8: {  	s10 =	sshll.u32 s10, $0x1;
	s7 =	smul.u32 $0x140000, s2;
	s20 =	ssub.s32 $0x2, s2  }
0x9: {  	_ =	strace $0x8000004A;
	s2 =	sor.u32 s2, s10;
	s11 =	sshrl.u32 s20, $0x1  }
0xa: {  	s9 =	sshrl.u32 s9, $0x2;
	s8 =	sadd.s32 s8, s7;
	s7 =	sadd.s32 $0x4FA200, s0  }
0xb: {  	s21 =	ssub.s32 s20, s11;
	s9 =	sadd.s32 s9, s1;
	s20 =	simm.s32 $0x4  }
0xc: {  	s8 =	sshrl.u32 s8, $0x3;
	s22 =	smax.u32 s21, $0x1;
	s23 =	sadd.s32 $0x2800, s9  }
0xd: {  	s24 =	sadd.s32 $0x5000, s9;
	s25 =	sadd.s32 $0x7800, s9;
	[dreg:$0x4] =	wrdreg s22  }
0xe: {  	s26 =	sadd.s32 $0xA000, s9;
	s16 =	sadd.s32 $0xC800, s9;
	[dreg:$0x5] =	wrdreg s23  }
0xf: {  	s17 =	sadd.s32 $0xF000, s9;
	s18 =	sadd.s32 $0x11800, s9;
	[dreg:$0x6] =	wrdreg s24  }
0x10: {  	s21 =	simm.s32 $0x14000;
	s0 =	sadd.s32 s8, s0;
	[dreg:$0x7] =	wrdreg s25  }
0x11: {  	s8 =	smul.u32 $0x2710, s2;
	[dreg:$0x8] =	wrdreg s26;
	s22 =	simm.s32 $0x14080  }
0x12: {  	s23 =	simm.s32 $0x50;
	s24 =	simm.s32 $0x14100;
	s0 =	sadd.s32 $0x55DA00, s0  }
0x13: {  	v0 =	vimm.f32 $0.0e+00;
	s25 =	simm.s32 $0x16900;
	s26 =	simm.s32 $0x19100;
	[dreg:$0x3] =	wrdreg s0  }
.LBB2_1:
0x14: {  	s0 =	simm.s32 $0x1BA00  }
0x15: {  	[tilespmem:s0+$0xFFFFFF00] =	vst v0  }
0x16: {  	[tilespmem:s0+$0xF0] =	vst v0  }
0x17: {  	[tilespmem:s0+$0xE0] =	vst v0  }
0x18: {  	[tilespmem:s0+$0xD0] =	vst v0  }
0x19: {  	[tilespmem:s0+$0xC0] =	vst v0  }
0x1a: {  	[tilespmem:s0+$0xB0] =	vst v0  }
0x1b: {  	[tilespmem:s0+$0xA0] =	vst v0  }
0x1c: {  	[tilespmem:s0+$0x90] =	vst v0  }
0x1d: {  	[tilespmem:s0+$0x80] =	vst v0  }
0x1e: {  	[tilespmem:s0+$0x70] =	vst v0  }
0x1f: {  	[tilespmem:s0+$0x60] =	vst v0  }
0x20: {  	[tilespmem:s0+$0x50] =	vst v0  }
0x21: {  	[tilespmem:s0+$0x40] =	vst v0  }
0x22: {  	[tilespmem:s0+$0x30] =	vst v0  }
0x23: {  	[tilespmem:s0+$0x20] =	vst v0  }
0x24: {  	[tilespmem:s0+$0x10] =	vst v0  }
0x25: {  	[tilespmem:s0+$0x0] =	vst v0  }
0x26: {  	[tilespmem:s0+$0xFFFFFFF0] =	vst v0  }
0x27: {  	[tilespmem:s0+$0xFFFFFFE0] =	vst v0  }
0x28: {  	[tilespmem:s0+$0xFFFFFFD0] =	vst v0  }
0x29: {  	[tilespmem:s0+$0xFFFFFFC0] =	vst v0  }
0x2a: {  	[tilespmem:s0+$0xFFFFFFB0] =	vst v0  }
0x2b: {  	[tilespmem:s0+$0xFFFFFFA0] =	vst v0  }
0x2c: {  	[tilespmem:s0+$0xFFFFFF90] =	vst v0  }
0x2d: {  	[tilespmem:s0+$0xFFFFFF80] =	vst v0  }
0x2e: {  	[tilespmem:s0+$0xFFFFFF70] =	vst v0  }
0x2f: {  	[tilespmem:s0+$0xFFFFFF60] =	vst v0  }
0x30: {  	[tilespmem:s0+$0xFFFFFF50] =	vst v0  }
0x31: {  	[tilespmem:s0+$0xFFFFFF40] =	vst v0  }
0x32: {  	[tilespmem:s0+$0xFFFFFF30] =	vst v0  }
0x33: {  	s2 =	simm.s32 $0x0;
	[tilespmem:s0+$0xFFFFFF20] =	vst v0  }
.LBB2_2:
0x34: {  	s2 =	sadd.s32 $0x4, s2;
	[tilespmem:s0+$0xFFFFFF10] =	vst v0;
	s0 =	sadd.s32 $0x200, s0  }
0x35: {  	[tilespmem:s0+$0xFFFFFF00] =	vst v0;
	p0 =	slt.u32 s2, $0x4C  }
0x36: {  	[tilespmem:s0+$0xF0] =	vst v0  }
0x37: {  	[tilespmem:s0+$0xE0] =	vst v0  }
0x38: {  	[tilespmem:s0+$0xD0] =	vst v0  }
0x39: {  	[tilespmem:s0+$0xC0] =	vst v0  }
0x3a: {  	[tilespmem:s0+$0xB0] =	vst v0  }
0x3b: {  	[tilespmem:s0+$0xA0] =	vst v0  }
0x3c: {  	[tilespmem:s0+$0x90] =	vst v0  }
0x3d: {  	[tilespmem:s0+$0x80] =	vst v0  }
0x3e: {  	[tilespmem:s0+$0x70] =	vst v0  }
0x3f: {  	[tilespmem:s0+$0x60] =	vst v0  }
0x40: {  	[tilespmem:s0+$0x50] =	vst v0  }
0x41: {  	[tilespmem:s0+$0x40] =	vst v0  }
0x42: {  	[tilespmem:s0+$0x30] =	vst v0  }
0x43: {  	[tilespmem:s0+$0x20] =	vst v0  }
0x44: {  	[tilespmem:s0+$0x10] =	vst v0  }
0x45: {  	[tilespmem:s0+$0x0] =	vst v0  }
0x46: {  	[tilespmem:s0+$0xFFFFFFF0] =	vst v0  }
0x47: {  	[tilespmem:s0+$0xFFFFFFE0] =	vst v0  }
0x48: {  	[tilespmem:s0+$0xFFFFFFD0] =	vst v0  }
0x49: {  	[tilespmem:s0+$0xFFFFFFC0] =	vst v0  }
0x4a: {  	[tilespmem:s0+$0xFFFFFFB0] =	vst v0  }
0x4b: {  	[tilespmem:s0+$0xFFFFFFA0] =	vst v0  }
0x4c: {  	[tilespmem:s0+$0xFFFFFF90] =	vst v0  }
0x4d: {  	[tilespmem:s0+$0xFFFFFF80] =	vst v0  }
0x4e: {  	[tilespmem:s0+$0xFFFFFF70] =	vst v0  }
.Ltmp0:
0x4f: {  	[tilespmem:s0+$0xFFFFFF60] =	vst v0;
	(pc) =	sbr.rel @p0 .LBB2_2-.Ltmp0, $4  }
0x50: {  	[tilespmem:s0+$0xFFFFFF50] =	vst v0  }
0x51: {  	[tilespmem:s0+$0xFFFFFF40] =	vst v0  }
0x52: {  	[tilespmem:s0+$0xFFFFFF30] =	vst v0  }
0x53: {  	[tilespmem:s0+$0xFFFFFF20] =	vst v0  }
0x54: {  	[tilespmem:s0+$0xFFFFFF10] =	vst v0  }
0x55: {  	[spmem:s9] =	stream.linear.scatter [tilespmem:s19], [sflag:$0x4], $0x2800, $0x38;
	[tilespmem:$0x1E100] =	vst v63  }
0x56: {  	_ =	swait.ge [sflag:s20], $0x2800  }
0x57: {  	[sflag:s20] =	ssyncset.done $0x0  }
0x58: {  	s12 =	rddreg [dreg:$0x5];
	[sflag:s20] =	ssyncadd.s32 $0xFFFFD800  }
0x59: {  	[spmem:s12] =	stream.linear.scatter [tilespmem:s19], [sflag:$0x4], $0x2800, $0x38;
	[tilespmem:$0x1E100] =	vst v63  }
0x5a: {  	_ =	swait.ge [sflag:s20], $0x2800  }
0x5b: {  	[sflag:s20] =	ssyncset.done $0x0  }
0x5c: {  	s13 =	rddreg [dreg:$0x6];
	[sflag:s20] =	ssyncadd.s32 $0xFFFFD800  }
0x5d: {  	[spmem:s13] =	stream.linear.scatter [tilespmem:s19], [sflag:$0x4], $0x2800, $0x38;
	[tilespmem:$0x1E100] =	vst v63  }
0x5e: {  	_ =	swait.ge [sflag:s20], $0x2800  }
0x5f: {  	[sflag:s20] =	ssyncset.done $0x0  }
0x60: {  	s14 =	rddreg [dreg:$0x7];
	[sflag:s20] =	ssyncadd.s32 $0xFFFFD800  }
0x61: {  	[spmem:s14] =	stream.linear.scatter [tilespmem:s19], [sflag:$0x4], $0x2800, $0x38;
	[tilespmem:$0x1E100] =	vst v63  }
0x62: {  	_ =	swait.ge [sflag:s20], $0x2800  }
0x63: {  	[sflag:s20] =	ssyncset.done $0x0  }
0x64: {  	s15 =	rddreg [dreg:$0x8];
	[sflag:s20] =	ssyncadd.s32 $0xFFFFD800  }
0x65: {  	[spmem:s15] =	stream.linear.scatter [tilespmem:s19], [sflag:$0x4], $0x2800, $0x38;
	[tilespmem:$0x1E100] =	vst v63  }
0x66: {  	_ =	swait.ge [sflag:s20], $0x2800  }
0x67: {  	[sflag:s20] =	ssyncset.done $0x0  }
0x68: {  	[sflag:s20] =	ssyncadd.s32 $0xFFFFD800  }
0x69: {  	[spmem:s16] =	stream.linear.scatter [tilespmem:s19], [sflag:$0x4], $0x2800, $0x38;
	[tilespmem:$0x1E100] =	vst v63  }
0x6a: {  	_ =	swait.ge [sflag:s20], $0x2800  }
0x6b: {  	[sflag:s20] =	ssyncset.done $0x0  }
0x6c: {  	[sflag:s20] =	ssyncadd.s32 $0xFFFFD800  }
0x6d: {  	[spmem:s17] =	stream.linear.scatter [tilespmem:s19], [sflag:$0x4], $0x2800, $0x38;
	[tilespmem:$0x1E100] =	vst v63  }
0x6e: {  	_ =	swait.ge [sflag:s20], $0x2800  }
0x6f: {  	[sflag:s20] =	ssyncset.done $0x0  }
0x70: {  	[sflag:s20] =	ssyncadd.s32 $0xFFFFD800  }
0x71: {  	[spmem:s18] =	stream.linear.scatter [tilespmem:s19], [sflag:$0x4], $0x2800, $0x38;
	[tilespmem:$0x1E100] =	vst v63  }
0x72: {  	_ =	swait.ge [sflag:s20], $0x2800  }
0x73: {  	[sflag:s20] =	ssyncset.done $0x0  }
0x74: {  	[sflag:s20] =	ssyncadd.s32 $0xFFFFD800  }
0x75: {  	s0 =	simm.s32 $0x0;
	[bflag:$0x0] =	sbarrier.arrive $0xFFFF  }
.LBB2_4:
0x76: {  	s2 =	smul.u32 $0x50, s0;
	_ =	sdelay $0x1  }
0x77: {  	s2 =	sadd.s32 s8, s2  }
0x78: {  	s10 =	sshrl.u32 s2, $0x3  }
0x79: {  	s11 =	sadd.s32 s6, s10  }
0x7a: {  	[tilespmem:s21], [sflag:$0x4] =	stream.linear.gather [hbm4b:s11+s3], $0x50, $0x38;
	[tilespmem:$0x1E100] =	vst v63  }
0x7b: {  	_ =	swait.ge [sflag:s20], $0x50  }
0x7c: {  	[sflag:s20] =	ssyncset.done $0x0  }
0x7d: {  	s10 =	sadd.s32 s7, s10;
	[sflag:s20] =	ssyncadd.s32 $0xFFFFFFB0  }
0x7e: {  	[tilespmem:s22], [sflag:$0x4] =	stream.linear.gather [hbm4b:s10+s3], $0x50, $0x38;
	[tilespmem:$0x1E100] =	vst v63  }
0x7f: {  	_ =	swait.ge [sflag:s20], $0x50  }
0x80: {  	[sflag:s20] =	ssyncset.done $0x0  }
0x81: {  	[sflag:s20] =	ssyncadd.s32 $0xFFFFFFB0  }
0x82: {  	[tilespmem:s24], [sflag:$0x1] =	stream.indirect.gather [hbm4b:s4+s23], $0x80, s21, s23, $0xb8;
	[tilespmem:$0x1E100] =	vst v63  }
0x83: {  	s2 =	sshll.u32 s2, $0x4  }
0x84: {  	[tilespmem:s25], [sflag:$0x2] =	stream.indirect.gather [hbm4b:s4+s23], $0x80, s22, s23, $0xb8;
	[tilespmem:$0x1E100] =	vst v63  }
0x85: {  	s2 =	sadd.s32 s5, s2  }
0x86: {  	[tilespmem:s26], [sflag:$0x3] =	stream.linear.gather [hbm4b:s2+s3], $0x2800, $0x38;
	[tilespmem:$0x1E100] =	vst v63  }
0x87: {  	_ =	swait.ge [sflag:s28], $0x2800  }
0x88: {  	[sflag:s28] =	ssyncset.done $0x0  }
0x89: {  	[sflag:s28] =	ssyncadd.s32 $0xFFFFD800  }
0x8a: {  	_ =	swait.ge [sflag:s29], $0x2800  }
0x8b: {  	[sflag:s29] =	ssyncset.done $0x0  }
0x8c: {  	[sflag:s29] =	ssyncadd.s32 $0xFFFFD800  }
0x8d: {  	_ =	swait.ge [sflag:s30], $0x2800  }
0x8e: {  	[sflag:s30] =	ssyncset.done $0x0  }
0x8f: {  	s10 =	simm.s32 $0x14200;
	[sflag:s30] =	ssyncadd.s32 $0xFFFFD800  }
0x90: {  	v1 =	vld [tilespmem:s10+$0xFFFFFF00];
	_ =	sdelay $0x3  }
0x91: {  	s2 =	simm.s32 $0x1BA00  }
0x92: {  	s11 =	simm.s32 $0x16A40;
	[tilespmem:s2+$0xFFFFFF00] =	vst v1  }
0x93: {  	v1 =	vld [tilespmem:s11+$0xFFFFFF00]  }
0x94: {  	v2 =	vld [tilespmem:s10+$0xFFFFFF20]  }
0x95: {  	s12 =	simm.s32 $0x19200  }
0x96: {  	v3 =	vld [tilespmem:s12+$0xFFFFFF00];
	_ =	sdelay $0x2  }
0x97: {  	v1 =	vadd.f32 v2, v1;
	_ =	sdelay $0x1  }
0x98: {  	v1 =	vadd.f32 v3, v1;
	_ =	sdelay $0x1  }
0x99: {  	v1 =	vmax.f32 v1, $0.0e+00  }
0x9a: {  	[tilespmem:s2+$0xFFFFFF20] =	vst v1  }
0x9b: {  	v1 =	vld [tilespmem:s10+$0xFFFFFF10];
	_ =	sdelay $0x4  }
0x9c: {  	[tilespmem:s2+$0xFFFFFF10] =	vst v1  }
0x9d: {  	v1 =	vld [tilespmem:s11+$0xFFFFFF10]  }
0x9e: {  	v2 =	vld [tilespmem:s10+$0xFFFFFF30];
	_ =	sdelay $0x1  }
0x9f: {  	v3 =	vld [tilespmem:s12+$0xFFFFFF10];
	_ =	sdelay $0x2  }
0xa0: {  	v1 =	vadd.f32 v2, v1;
	_ =	sdelay $0x1  }
0xa1: {  	v1 =	vadd.f32 v3, v1;
	_ =	sdelay $0x1  }
0xa2: {  	v1 =	vmax.f32 v1, $0.0e+00  }
0xa3: {  	[tilespmem:s2+$0xFFFFFF30] =	vst v1  }
0xa4: {  	v1 =	vld [tilespmem:s10+$0xFFFFFF80];
	_ =	sdelay $0x4  }
0xa5: {  	[tilespmem:s2+$0xFFFFFF80] =	vst v1  }
0xa6: {  	v1 =	vld [tilespmem:s11+$0xFFFFFF80]  }
0xa7: {  	v2 =	vld [tilespmem:s10+$0xFFFFFFA0];
	_ =	sdelay $0x1  }
0xa8: {  	v3 =	vld [tilespmem:s12+$0xFFFFFF80];
	_ =	sdelay $0x2  }
0xa9: {  	v1 =	vadd.f32 v2, v1;
	_ =	sdelay $0x1  }
0xaa: {  	v1 =	vadd.f32 v3, v1;
	_ =	sdelay $0x1  }
0xab: {  	v1 =	vmax.f32 v1, $0.0e+00  }
0xac: {  	[tilespmem:s2+$0xFFFFFFA0] =	vst v1  }
0xad: {  	v1 =	vld [tilespmem:s10+$0xFFFFFF90];
	_ =	sdelay $0x4  }
0xae: {  	[tilespmem:s2+$0xFFFFFF90] =	vst v1  }
0xaf: {  	v1 =	vld [tilespmem:s11+$0xFFFFFF90]  }
0xb0: {  	v2 =	vld [tilespmem:s10+$0xFFFFFFB0];
	_ =	sdelay $0x1  }
0xb1: {  	v3 =	vld [tilespmem:s12+$0xFFFFFF90];
	_ =	sdelay $0x2  }
0xb2: {  	v1 =	vadd.f32 v2, v1;
	_ =	sdelay $0x1  }
0xb3: {  	v1 =	vadd.f32 v3, v1;
	_ =	sdelay $0x1  }
0xb4: {  	v1 =	vmax.f32 v1, $0.0e+00  }
0xb5: {  	[tilespmem:s2+$0xFFFFFFB0] =	vst v1  }
0xb6: {  	v1 =	vld [tilespmem:s10+$0x0];
	_ =	sdelay $0x4  }
0xb7: {  	[tilespmem:s2+$0x0] =	vst v1  }
0xb8: {  	v1 =	vld [tilespmem:s11+$0x0]  }
0xb9: {  	v2 =	vld [tilespmem:s10+$0x20];
	_ =	sdelay $0x1  }
0xba: {  	v3 =	vld [tilespmem:s12+$0x0];
	_ =	sdelay $0x2  }
0xbb: {  	v1 =	vadd.f32 v2, v1;
	_ =	sdelay $0x1  }
0xbc: {  	v1 =	vadd.f32 v3, v1;
	_ =	sdelay $0x1  }
0xbd: {  	v1 =	vmax.f32 v1, $0.0e+00  }
0xbe: {  	[tilespmem:s2+$0x20] =	vst v1  }
0xbf: {  	v1 =	vld [tilespmem:s10+$0x10];
	_ =	sdelay $0x4  }
0xc0: {  	[tilespmem:s2+$0x10] =	vst v1  }
0xc1: {  	v1 =	vld [tilespmem:s11+$0x10]  }
0xc2: {  	v2 =	vld [tilespmem:s10+$0x30];
	_ =	sdelay $0x1  }
0xc3: {  	v3 =	vld [tilespmem:s12+$0x10];
	_ =	sdelay $0x2  }
0xc4: {  	v1 =	vadd.f32 v2, v1;
	_ =	sdelay $0x1  }
0xc5: {  	v1 =	vadd.f32 v3, v1;
	_ =	sdelay $0x1  }
0xc6: {  	v1 =	vmax.f32 v1, $0.0e+00  }
0xc7: {  	[tilespmem:s2+$0x30] =	vst v1  }
0xc8: {  	v1 =	vld [tilespmem:s10+$0x80];
	_ =	sdelay $0x4  }
0xc9: {  	[tilespmem:s2+$0x80] =	vst v1  }
0xca: {  	v1 =	vld [tilespmem:s11+$0x80]  }
0xcb: {  	v2 =	vld [tilespmem:s10+$0xA0];
	_ =	sdelay $0x1  }
0xcc: {  	v3 =	vld [tilespmem:s12+$0x80];
	_ =	sdelay $0x2  }
0xcd: {  	v1 =	vadd.f32 v2, v1;
	_ =	sdelay $0x1  }
0xce: {  	v1 =	vadd.f32 v3, v1;
	_ =	sdelay $0x1  }
0xcf: {  	v1 =	vmax.f32 v1, $0.0e+00  }
0xd0: {  	[tilespmem:s2+$0xA0] =	vst v1  }
0xd1: {  	v1 =	vld [tilespmem:s10+$0x90];
	_ =	sdelay $0x4  }
0xd2: {  	[tilespmem:s2+$0x90] =	vst v1  }
0xd3: {  	v1 =	vld [tilespmem:s11+$0x90]  }
0xd4: {  	s13 =	simm.s32 $0x0;
	s14 =	simm.s32 $0x1BC00;
	s15 =	simm.s32 $0x19400;
	v2 =	vld [tilespmem:s10+$0xB0]  }
.LBB2_5:
0xd5: {  	s13 =	sadd.s32 $0x4, s13;
	v3 =	vld [tilespmem:s12+$0x90];
	s11 =	sadd.s32 $0x200, s11;
	s10 =	sadd.s32 $0x200, s10  }
0xd6: {  	s12 =	smov.u32 s15;
	p0 =	slt.u32 s13, $0x4C;
	_ =	sdelay $0x2  }
0xd7: {  	v1 =	vadd.f32 v2, v1;
	_ =	sdelay $0x1  }
0xd8: {  	v1 =	vadd.f32 v3, v1;
	_ =	sdelay $0x1  }
0xd9: {  	v1 =	vmax.f32 v1, $0.0e+00  }
0xda: {  	[tilespmem:s2+$0xB0] =	vst v1;
	s2 =	smov.u32 s14  }
0xdb: {  	v1 =	vld [tilespmem:s10+$0xFFFFFF00];
	_ =	sdelay $0x4  }
0xdc: {  	[tilespmem:s14+$0xFFFFFF00] =	vst v1  }
0xdd: {  	v1 =	vld [tilespmem:s11+$0xFFFFFF00]  }
0xde: {  	v2 =	vld [tilespmem:s10+$0xFFFFFF20]  }
0xdf: {  	v3 =	vld [tilespmem:s15+$0xFFFFFF00];
	_ =	sdelay $0x3  }
0xe0: {  	v1 =	vadd.f32 v2, v1;
	_ =	sdelay $0x1  }
0xe1: {  	v1 =	vadd.f32 v3, v1;
	_ =	sdelay $0x1  }
0xe2: {  	v1 =	vmax.f32 v1, $0.0e+00  }
0xe3: {  	[tilespmem:s14+$0xFFFFFF20] =	vst v1  }
0xe4: {  	v1 =	vld [tilespmem:s10+$0xFFFFFF10];
	_ =	sdelay $0x4  }
0xe5: {  	[tilespmem:s14+$0xFFFFFF10] =	vst v1  }
0xe6: {  	v1 =	vld [tilespmem:s11+$0xFFFFFF10]  }
0xe7: {  	v2 =	vld [tilespmem:s10+$0xFFFFFF30];
	_ =	sdelay $0x1  }
0xe8: {  	v3 =	vld [tilespmem:s15+$0xFFFFFF10];
	_ =	sdelay $0x2  }
0xe9: {  	v1 =	vadd.f32 v2, v1;
	_ =	sdelay $0x1  }
0xea: {  	v1 =	vadd.f32 v3, v1;
	_ =	sdelay $0x1  }
0xeb: {  	v1 =	vmax.f32 v1, $0.0e+00  }
0xec: {  	[tilespmem:s14+$0xFFFFFF30] =	vst v1  }
0xed: {  	v1 =	vld [tilespmem:s10+$0xFFFFFF80];
	_ =	sdelay $0x4  }
0xee: {  	[tilespmem:s14+$0xFFFFFF80] =	vst v1  }
0xef: {  	v1 =	vld [tilespmem:s11+$0xFFFFFF80]  }
0xf0: {  	v2 =	vld [tilespmem:s10+$0xFFFFFFA0];
	_ =	sdelay $0x1  }
0xf1: {  	v3 =	vld [tilespmem:s15+$0xFFFFFF80];
	_ =	sdelay $0x2  }
0xf2: {  	v1 =	vadd.f32 v2, v1;
	_ =	sdelay $0x1  }
0xf3: {  	v1 =	vadd.f32 v3, v1;
	_ =	sdelay $0x1  }
0xf4: {  	v1 =	vmax.f32 v1, $0.0e+00  }
0xf5: {  	[tilespmem:s14+$0xFFFFFFA0] =	vst v1  }
0xf6: {  	v1 =	vld [tilespmem:s10+$0xFFFFFF90];
	_ =	sdelay $0x4  }
0xf7: {  	[tilespmem:s14+$0xFFFFFF90] =	vst v1  }
0xf8: {  	v1 =	vld [tilespmem:s11+$0xFFFFFF90]  }
0xf9: {  	v2 =	vld [tilespmem:s10+$0xFFFFFFB0]  }
0xfa: {  	v3 =	vld [tilespmem:s15+$0xFFFFFF90];
	_ =	sdelay $0x3  }
0xfb: {  	v1 =	vadd.f32 v2, v1;
	_ =	sdelay $0x1  }
0xfc: {  	v1 =	vadd.f32 v3, v1;
	_ =	sdelay $0x1  }
0xfd: {  	v1 =	vmax.f32 v1, $0.0e+00  }
0xfe: {  	[tilespmem:s14+$0xFFFFFFB0] =	vst v1  }
0xff: {  	v1 =	vld [tilespmem:s10+$0x0];
	_ =	sdelay $0x4  }
0x100: {  	[tilespmem:s14+$0x0] =	vst v1  }
0x101: {  	v1 =	vld [tilespmem:s11+$0x0]  }
0x102: {  	v2 =	vld [tilespmem:s10+$0x20]  }
0x103: {  	v3 =	vld [tilespmem:s15+$0x0];
	_ =	sdelay $0x3  }
0x104: {  	v1 =	vadd.f32 v2, v1;
	_ =	sdelay $0x1  }
0x105: {  	v1 =	vadd.f32 v3, v1;
	_ =	sdelay $0x1  }
0x106: {  	v1 =	vmax.f32 v1, $0.0e+00  }
0x107: {  	[tilespmem:s14+$0x20] =	vst v1  }
0x108: {  	v1 =	vld [tilespmem:s10+$0x10];
	_ =	sdelay $0x4  }
0x109: {  	[tilespmem:s14+$0x10] =	vst v1  }
0x10a: {  	v1 =	vld [tilespmem:s11+$0x10]  }
0x10b: {  	v2 =	vld [tilespmem:s10+$0x30]  }
0x10c: {  	v3 =	vld [tilespmem:s15+$0x10];
	_ =	sdelay $0x3  }
0x10d: {  	v1 =	vadd.f32 v2, v1;
	_ =	sdelay $0x1  }
0x10e: {  	v1 =	vadd.f32 v3, v1;
	_ =	sdelay $0x1  }
0x10f: {  	v1 =	vmax.f32 v1, $0.0e+00  }
0x110: {  	[tilespmem:s14+$0x30] =	vst v1  }
0x111: {  	v1 =	vld [tilespmem:s10+$0x80];
	_ =	sdelay $0x4  }
0x112: {  	[tilespmem:s14+$0x80] =	vst v1  }
0x113: {  	v1 =	vld [tilespmem:s11+$0x80]  }
0x114: {  	v2 =	vld [tilespmem:s10+$0xA0]  }
0x115: {  	v3 =	vld [tilespmem:s15+$0x80];
	_ =	sdelay $0x3  }
0x116: {  	v1 =	vadd.f32 v2, v1;
	_ =	sdelay $0x1  }
0x117: {  	v1 =	vadd.f32 v3, v1;
	_ =	sdelay $0x1  }
0x118: {  	v1 =	vmax.f32 v1, $0.0e+00  }
0x119: {  	[tilespmem:s14+$0xA0] =	vst v1  }
0x11a: {  	v1 =	vld [tilespmem:s10+$0x90];
	_ =	sdelay $0x2  }
.Ltmp1:
0x11b: {  	(pc) =	sbr.rel @p0 .LBB2_5-.Ltmp1, $4  }
0x11c: {  	_ = 	snop  }
0x11d: {  	[tilespmem:s14+$0x90] =	vst v1  }
0x11e: {  	v1 =	vld [tilespmem:s11+$0x90]  }
0x11f: {  	s15 =	sadd.s32 $0x200, s15;
	s14 =	sadd.s32 $0x200, s14;
	v2 =	vld [tilespmem:s10+$0xB0]  }
0x120: {  	_ = 	snop  }
0x121: {  	v3 =	vld [tilespmem:s12+$0x90];
	_ =	sdelay $0x2  }
0x122: {  	v1 =	vadd.f32 v2, v1;
	_ =	sdelay $0x1  }
0x123: {  	v1 =	vadd.f32 v3, v1  }
0x124: {  	s0 =	sadd.s32 $0x1, s0  }
0x125: {  	p0 =	sne.s32 s0, $0x7D;
	v1 =	vmax.f32 v1, $0.0e+00  }
.Ltmp2:
0x126: {  	[tilespmem:s2+$0xB0] =	vst v1;
	(pc) =	sbr.rel @p0 .LBB2_4-.Ltmp2, $4  }
0x127: {  	[spmem:s1] =	stream.indirect.scatter.add.f32 [tilespmem:s19], [sflag:$0x4], $0x80, s22, s23, $0xb8;
	[tilespmem:$0x1E100] =	vst v63  }
0x128: {  	_ =	swait.ge [sflag:s20], $0x2800  }
0x129: {  	[sflag:s20] =	ssyncset.done $0x0  }
0x12a: {  	[sflag:s20] =	ssyncadd.s32 $0xFFFFD800  }
0x12b: {  	s0 =	stileid.u32  }
0x12c: {  	[bflag:$0x0] =	sbarrier.arrive $0xFFFF;
	s0 =	sshll.u32 s0, $0x6  }
0x12d: {  	s2 =	sshrl.u32 s9, $0x3;
	s10 =	rddreg [dreg:$0x3];
	s0 =	sor.u32 $0x1C04, s0  }
0x12e: {  	[hbm:s10], [sflag:s0] =	dma.local [spmem:s2], $0x2800  }
0x12f: {  	_ =	swait.ge [sflag:s20], $0x2800  }
0x130: {  	s31 =	sadd.s32 $0x1, s31;
	s15 =	rddreg [dreg:$0x4]  }
0x131: {  	p0 =	sne.s32 s31, s15  }
.Ltmp3:
0x132: {  	_ = 	snop;
	(pc) =	sbr.rel @p0 .LBB2_1-.Ltmp3, $3  }
0x133: {  	_ =	sdelay $0x1  }
0x134: {  	[sflag:s20] =	ssyncset.done $0x0  }
0x135: {  	[sflag:s20] =	ssyncadd.s32 $0xFFFFD800  }
0x136: {  	_ =	sfence.sel $0x180000  }
0x137: {  	[bflag:$0x0] =	sbarrier.arrive $0xFFFF  }
0x138: {  	_ =	strace $0x9000004A  }
0x139: {  	s0 =	stileid.u32;
	[bflag:$0x2] =	sbarrier.arrive $0xFFFF  }
0x13a: {  	p0 =	sne.s32 s0, $0x0;
	s0 =	rddreg [dreg:$0x2]  }
0x13b: {  	s0 =	sadd.s32 @!p0 $0x100000, s0  }
0x13c: {  	[sflag:s0] =	ssyncadd.tile.s32 @!p0 $0x1;
	_ =	shalt  }
.Lfunc_end2:
_tile_overlayer_lowered:
.L_overlay_start_2:
0x13d: {  	(tag) =	ssettag $0x2  }
0x13e: {  	s0 =	rddreg [dreg:$0x0];
	s2 =	stileid.u32  }
0x13f: {  	s1 =	rddreg [dreg:$0x1];
	p0 =	sne.s32 s2, $0x0  }
0x140: {  	s3 =	rddreg [dreg:$0x2];
	[bflag:$0x3] =	sbarrier.arrive $0xFFFF;
	s2 =	simm.s32 @!p0 $0x1C04  }
0x141: {  	[timem:s3], [sflag:s2] =	dma.local @!p0 [hbm:s0], s1  }
0x142: {  	s0 =	simm.s32 @!p0 $0x4  }
0x143: {  	_ =	swait.ge @!p0 [sflag:s0], s1  }
0x144: {  	s1 =	ssub.s32 @!p0 $0x0, s1;
	[sflag:s0] =	ssyncset.done @!p0 $0x0  }
0x145: {  	[sflag:s0] =	ssyncadd.s32 @!p0 s1  }
0x146: {  	[bflag:$0x3] =	sbarrier.arrive $0xFFFF  }
0x147: {  	_ =	shalt  }

// kernel: kernel.23.cloned.1.call-start
scs
__scs_entry_jumppad:
0x0: {  	(pc) =	sbr.rel $0x88, $3  }
0x1: {  	(tag) =	ssettag $0x0;
	lr =	simm.s32 $0x1  }
0x2: {  	[smem:$0x3F82] =	sst lr;
	_ =	strace $0xD0000000  }
0x3: {  	_ = 	snop  }
0x4: {  	_ = 	snop  }
0x5: {  	_ = 	snop  }
0x6: {  	_ = 	snop  }
0x7: {  	_ = 	snop  }
__scs_overlays_trampoline_lowered:
0x8: {  	[smem:$0x3F91] =	sst s0  }
0x9: {  	[smem:$0x3F92] =	sst s1  }
0xa: {  	[smem:$0x3F93] =	sst s2  }
0xb: {  	[smem:$0x3F94] =	sst s3  }
0xc: {  	[smem:$0x3F95] =	sst s4  }
0xd: {  	[smem:$0x3F96] =	sst s5  }
0xe: {  	[smem:$0x3F97] =	sst s6  }
0xf: {  	[smem:$0x3F98] =	sst s7  }
0x10: {  	[smem:$0x3F99] =	sst s8  }
0x11: {  	[smem:$0x3F9A] =	sst s9;
	s0 =	simm.s32 @!p0 $0x0  }
0x12: {  	s1 =	sld [smem:$0x3F80];
	s0 =	simm.s32 @p0 $0x1  }
0x13: {  	[smem:$0x3F9B] =	sst s0;
	s0 =	simm.s32 @!p1 $0x0  }
0x14: {  	s2 =	sld [smem:$0x3F7F];
	s0 =	simm.s32 @p1 $0x1  }
0x15: {  	[smem:$0x3F9C] =	sst s0;
	s0 =	simm.s32 @!p2 $0x0  }
0x16: {  	s3 =	sld [smem:$0x3FDB];
	s0 =	simm.s32 @p2 $0x1  }
0x17: {  	s4 =	simm.s32 $0x1BF5;
	[smem:$0x3F9E] =	sst s0  }
0x18: {  	s0 =	sld [smem:$0x3F81];
	_ =	swait.ge [sflag:s4], $0x0  }
0x19: {  	s7 =	sld [smem:$0x3F82]  }
0x1a: {  	s8 =	sadd.s32 $0xFFFFE003, lr  }
0x1b: {  	s9 =	sadd.s32 $0xFFFFFEF7, lr;
	s5 =	simm.s32 $0xFFFFFFFF;
	p2 =	slt.u32 s8, $0xFFFFF086  }
0x1c: {  	p1 =	slt.u32 s9, $0xF7A;
	s5 =	simm.s32 @!p2 $0x0  }
0x1d: {  	s5 =	simm.s32 @p1 $0x1;
	p0 =	seq.s32 s7, s2  }
0x1e: {  	s7 =	smul.u32 @!p0 $0xF7A, s2;
	p2 =	seq.s32 @!p0 s5, $0x0  }
0x1f: {  	s9 =	smul.u32 $0xF7A, s1;
	s8 =	simm.s32 @!p0 $0x1BF5;
	p2 =	por !p2, p0  }
0x20: {  	[sflag:s8] =	ssyncset.s32 @!p0 $0xFFFFF086;
	s6 =	sadd.s32 @!p0 s3, s7;
	s7 =	simm.s32 @!p0 $0x108  }
0x21: {  	s3 =	sadd.s32 s3, s9;
	s6 =	sadd.s32 @!p0 $0x88, s6;
	s7 =	simm.s32 @p2 $0x1082  }
0x22: {  	[simem:s7], [sflag:s8] =	dma.local @!p0 [hbm:s6], $0xF7A  }
0x23: {  	s9 =	sor.u32 $0xD0000000, s2;
	s6 =	simm.s32 $0x108;
	_ =	swait.ge @!p0 [sflag:s8], $0x0  }
0x24: {  	s3 =	sadd.s32 $0x88, s3;
	s6 =	simm.s32 @!p1 $0x1082;
	[sflag:s4] =	ssyncset.s32 $0xFFFFF086  }
0x25: {  	[simem:s6], [sflag:s4] =	dma.local [hbm:s3], $0xF7A  }
0x26: {  	[smem:$0x3F82] =	sst s1;
	(tag) =	ssettag s2;
	_ =	strace s9  }
0x27: {  	s1 =	sld [smem:$0x3F92]  }
0x28: {  	s2 =	sld [smem:$0x3F93]  }
0x29: {  	s4 =	sld [smem:$0x3F95]  }
0x2a: {  	p0 =	seq.s32 s5, $0x0;
	s5 =	sld [smem:$0x3F96]  }
0x2b: {  	s6 =	sld [smem:$0x3F97]  }
0x2c: {  	s7 =	sld [smem:$0x3F98]  }
0x2d: {  	s3 =	simm.s32 $0x108;
	s8 =	sld [smem:$0x3F99]  }
0x2e: {  	s3 =	simm.s32 @!p0 $0x1082;
	s9 =	sld [smem:$0x3F9A]  }
0x2f: {  	lr =	sadd.s32 s0, s3;
	s0 =	sld [smem:$0x3F91]  }
0x30: {  	s3 =	sld [smem:$0x3F94]  }
0x31: {  	[smem:$0x3F9D] =	sst s10  }
0x32: {  	s10 =	sld [smem:$0x3F9B];
	_ =	sdelay $0x3  }
0x33: {  	p0 =	seq.s32 s10, $0x1;
	s10 =	sld [smem:$0x3F9D];
	_ =	sdelay $0x3  }
0x34: {  	[smem:$0x3F9D] =	sst s10  }
0x35: {  	s10 =	sld [smem:$0x3F9C];
	_ =	sdelay $0x3  }
0x36: {  	p1 =	seq.s32 s10, $0x1;
	s10 =	sld [smem:$0x3F9D];
	_ =	sdelay $0x3  }
0x37: {  	[smem:$0x3F9D] =	sst s10  }
0x38: {  	s10 =	sld [smem:$0x3F9E]  }
0x39: {  	_ = 	snop;
	(pc) =	sbr.ind lr, $3  }
0x3a: {  	_ = 	snop  }
0x3b: {  	_ = 	snop  }
0x3c: {  	p2 =	seq.s32 s10, $0x1;
	s10 =	sld [smem:$0x3F9D]  }
0x3d: {  	_ =	shalt  }
0x3e: {  	_ =	shalt  }
0x3f: {  	_ =	shalt  }
0x40: {  	_ =	shalt  }
0x41: {  	_ =	shalt  }
0x42: {  	_ =	shalt  }
0x43: {  	_ =	shalt  }
0x44: {  	_ =	shalt  }
0x45: {  	_ =	shalt  }
0x46: {  	_ =	shalt  }
0x47: {  	_ =	shalt  }
0x48: {  	_ =	shalt  }
0x49: {  	_ =	shalt  }
0x4a: {  	_ =	shalt  }
0x4b: {  	_ =	shalt  }
0x4c: {  	_ =	shalt  }
0x4d: {  	_ =	shalt  }
0x4e: {  	_ =	shalt  }
0x4f: {  	_ =	shalt  }
0x50: {  	_ =	shalt  }
0x51: {  	_ =	shalt  }
0x52: {  	_ =	shalt  }
0x53: {  	_ =	shalt  }
0x54: {  	_ =	shalt  }
0x55: {  	_ =	shalt  }
0x56: {  	_ =	shalt  }
0x57: {  	_ =	shalt  }
0x58: {  	_ =	shalt  }
0x59: {  	_ =	shalt  }
0x5a: {  	_ =	shalt  }
0x5b: {  	_ =	shalt  }
0x5c: {  	_ =	shalt  }
0x5d: {  	_ =	shalt  }
0x5e: {  	_ =	shalt  }
0x5f: {  	_ =	shalt  }
0x60: {  	_ =	shalt  }
0x61: {  	_ =	shalt  }
0x62: {  	_ =	shalt  }
0x63: {  	_ =	shalt  }
0x64: {  	_ =	shalt  }
0x65: {  	_ =	shalt  }
0x66: {  	_ =	shalt  }
0x67: {  	_ =	shalt  }
0x68: {  	_ =	shalt  }
0x69: {  	_ =	shalt  }
0x6a: {  	_ =	shalt  }
0x6b: {  	_ =	shalt  }
0x6c: {  	_ =	shalt  }
0x6d: {  	_ =	shalt  }
0x6e: {  	_ =	shalt  }
0x6f: {  	_ =	shalt  }
0x70: {  	_ =	shalt  }
0x71: {  	_ =	shalt  }
0x72: {  	_ =	shalt  }
0x73: {  	_ =	shalt  }
0x74: {  	_ =	shalt  }
0x75: {  	_ =	shalt  }
0x76: {  	_ =	shalt  }
0x77: {  	_ =	shalt  }
0x78: {  	_ =	shalt  }
0x79: {  	_ =	shalt  }
0x7a: {  	_ =	shalt  }
0x7b: {  	_ =	shalt  }
0x7c: {  	_ =	shalt  }
0x7d: {  	_ =	shalt  }
0x7e: {  	_ =	shalt  }
0x7f: {  	_ =	shalt  }
0x80: {  	_ =	shalt  }
0x81: {  	_ =	shalt  }
0x82: {  	_ =	shalt  }
0x83: {  	_ =	shalt  }
0x84: {  	_ =	shalt  }
0x85: {  	_ =	shalt  }
0x86: {  	_ =	shalt  }
0x87: {  	_ =	shalt  }
.Lfunc_end0:
.L_simem_size_0:
called_computation.2_lowered:
.L_overlay_start_0:
0x88: {  	s2 =	sld [smem:$0x3FD9]  }
0x89: {  	s3 =	sld [smem:$0x3FFE];
	_ =	sdelay $0x1  }
0x8a: {  	s1 =	srdreg.scid  }
0x8b: {  	s0 =	sand.u32 $0x1, s1  }
0x8c: {  	s16 =	sshll.u32 s0, $0xA;
	s2 =	sadd.s32 s3, s2  }
0x8d: {  	s2 =	sadd.s32 s2, s16  }
0x8e: {  	[smem:$0x3FA9] =	sst s2  }
0x8f: {  	_ = 	snop  }
0x90: {  	(tm) =	ssettm $0x1  }
0x91: {  	s17 =	sld [smem:$0x3FFB];
	_ =	sdelay $0x3  }
0x92: {  	_ =	strace s17  }
0x93: {  	s2 =	sld [smem:$0x3FFC];
	_ =	sdelay $0x3  }
0x94: {  	_ =	strace s2  }
0x95: {  	s2 =	sld [smem:$0x3FFD];
	_ =	sdelay $0x3  }
0x96: {  	_ =	strace s2  }
0x97: {  	_ =	strace $0x8FFFFFFF  }
0x98: {  	s18 =	sld [smem:$0x3FDB];
	_ =	sdelay $0x1  }
0x99: {  	s19 =	simm.s32 $_scs_section_size  }
0x9a: {  	s4 =	simm.s32 $_size__tile_overlayer_lowered;
	s5 =	simm.s32 $_tile_overlayer_lowered  }
0x9b: {  	s22 =	simm.s32 $0x1BFF;
	s21 =	sshll.u32 s5, $0x1;
	s2 =	sadd.s32 s19, s18  }
0x9c: {  	s6 =	simm.s32 $0x0;
	s20 =	sshll.u32 s4, $0x1;
	s4 =	sadd.s32 s21, s2  }
0x9d: {  	[timem:s6], [sflag:s22] =	dma.local [hbm:s4], s20  }
0x9e: {  	_ =	swait.ge [sflag:s22], s20  }
0x9f: {  	s3 =	ssub.s32 $0x0, s20;
	[sflag:s22] =	ssyncset.done $0x0  }
0xa0: {  	[sflag:s22] =	ssyncadd.s32 s3;
	_ =	sdelay $0x1  }
0xa1: {  	s23 =	simm.s32 $0x1B8B  }
0xa2: {  	_ =	swait.ge [sflag:s23], $0x1  }
0xa3: {  	[sflag:s23] =	ssyncset.done $0x0  }
0xa4: {  	s25 =	simm.s32 $0x1B8E;
	s24 =	sld [smem:$0x3FFE];
	[sflag:s23] =	ssyncadd.s32 $0xFFFFFFFF  }
0xa5: {  	s26 =	simm.s32 $execute0_lowered;
	[smem:$0x3FD2] =	sst s25  }
0xa6: {  	s4 =	sshll.u32 s26, $0x1;
	_ =	strace $0x8000004C;
	[dreg:$0x1] =	wrdreg $0xFFFFFFFF  }
0xa7: {  	s28 =	simm.s32 $_size_execute0_lowered;
	s2 =	sadd.s32 s2, s4;
	[dreg:$0x0] =	wrdreg $0x0  }
0xa8: {  	s4 =	sshll.u32 s28, $0x1;
	[dreg:$0x2] =	wrdreg s2  }
0xa9: {  	[dreg:$0x3] =	wrdreg s4  }
0xaa: {  	[dreg:$0x4] =	wrdreg $0xC0  }
0xab: {  	_ =	task [dreg:s6], $0x5FFFF  }
0xac: {  	[dreg:$0x1] =	wrdreg $0xFFFFFFFF  }
0xad: {  	[dreg:$0x0] =	wrdreg $0x60  }
0xae: {  	[dreg:$0x2] =	wrdreg s24  }
0xaf: {  	[dreg:$0x3] =	wrdreg $0x0  }
0xb0: {  	[dreg:$0x4] =	wrdreg $0x9  }
0xb1: {  	_ =	task.clear_ibuf [dreg:s6], $0x5FFFF;
	_ =	strace $0x9000004C  }
0xb2: {  	s29 =	simm.s32 $0x9;
	_ =	strace $0x8000004E  }
0xb3: {  	_ =	swait.ge [sflag:s29], $0x1  }
0xb4: {  	[sflag:s29] =	ssyncadd.s32 $0xFFFFFFFF  }
0xb5: {  	_ =	strace $0x9000004E  }
0xb6: {  	_ =	sfence  }
0xb7: {  	s30 =	sld [smem:$0x0];
	_ =	sdelay $0x2  }
0xb8: {  	s31 =	sshll.u32 s1, $0xD;
	s1 =	sshrl.u32 s1, $0x2  }
0xb9: {  	s3 =	sand.u32 $0x4000, s31;
	s1 =	sadd.s32 s1, s30  }
0xba: {  	s0 =	sor.u32 s3, s0;
	s1 =	sshll.u32 s1, $0x11  }
0xbb: {  	s0 =	sor.u32 s1, s0  }
0xbc: {  	s0 =	sadd.s32 $0x8F2B, s0  }
0xbd: {  	[sflag:s0] =	ssyncadd.remote.s32 $0x1  }
0xbe: {  	_ =	sfence.sel $0xFFFF  }
0xbf: {  	[dreg:$0x0] =	wrdreg $0xFFFFFFFF;
	(pc) =	sbr.abs _section_cstart, $3  }
0xc0: {  	[dreg:$0x1] =	wrdreg $0xFFFFFFFF  }
0xc1: {  	_ =	task.clear_ibuf [dreg:s6], $0x2FFFF;
	_ =	strace $0x9FFFFFFF  }
0xc2: {  	(tm) =	ssettm $0x7FFFFFFF  }
0xc3: {  	_ =	shalt  }
tec
execute0_lowered:
.L_overlay_start_1:
0x0: {  	(tag) =	ssettag $0x1  }
0x1: {  	s0 =	rddreg [dreg:$0x0]  }
0x2: {  	s1 =	rddreg [dreg:$0x1]  }
0x3: {  	s2 =	srdreg.scid;
	s3 =	simm.s32 $0x0;
	s10 =	stileid.u32  }
0x4: {  	s19 =	simm.s32 $0x1B900;
	s28 =	simm.s32 $0x1;
	s29 =	simm.s32 $0x2  }
0x5: {  	s30 =	simm.s32 $0x3;
	s31 =	simm.s32 $0x0;
	s2 =	sand.u32 $0x1, s2  }
0x6: {  	[smem:$0x7FF] =	sst s3;
	s8 =	smul.u32 $0x14000, s10;
	s4 =	sadd.s32 $0x50E800, s0  }
0x7: {  	s5 =	sadd.s32 $0x1D64200, s0;
	s6 =	sadd.s32 $0x504000, s0;
	s9 =	smul.u32 $0x50000, s10  }
0x8: {  	s10 =	sshll.u32 s10, $0x1;
	s7 =	smul.u32 $0x140000, s2;
	s20 =	ssub.s32 $0x2, s2  }
0x9: {  	_ =	strace $0x8000004D;
	s2 =	sor.u32 s2, s10;
	s11 =	sshrl.u32 s20, $0x1  }
0xa: {  	s9 =	sshrl.u32 s9, $0x2;
	s8 =	sadd.s32 s8, s7;
	s7 =	sadd.s32 $0x4FA200, s0  }
0xb: {  	s21 =	ssub.s32 s20, s11;
	s9 =	sadd.s32 s9, s1;
	s20 =	simm.s32 $0x4  }
0xc: {  	s8 =	sshrl.u32 s8, $0x3;
	s22 =	smax.u32 s21, $0x1;
	s23 =	sadd.s32 $0x2800, s9  }
0xd: {  	s24 =	sadd.s32 $0x5000, s9;
	s25 =	sadd.s32 $0x7800, s9;
	[dreg:$0x4] =	wrdreg s22  }
0xe: {  	s26 =	sadd.s32 $0xA000, s9;
	s16 =	sadd.s32 $0xC800, s9;
	[dreg:$0x5] =	wrdreg s23  }
0xf: {  	s17 =	sadd.s32 $0xF000, s9;
	s18 =	sadd.s32 $0x11800, s9;
	[dreg:$0x6] =	wrdreg s24  }
0x10: {  	s21 =	simm.s32 $0x14000;
	s0 =	sadd.s32 s8, s0;
	[dreg:$0x7] =	wrdreg s25  }
0x11: {  	s8 =	smul.u32 $0x2710, s2;
	[dreg:$0x8] =	wrdreg s26;
	s22 =	simm.s32 $0x14080  }
0x12: {  	s23 =	simm.s32 $0x50;
	s24 =	simm.s32 $0x14100;
	s0 =	sadd.s32 $0x55DA00, s0  }
0x13: {  	v0 =	vimm.f32 $0.0e+00;
	s25 =	simm.s32 $0x16900;
	s26 =	simm.s32 $0x19100;
	[dreg:$0x3] =	wrdreg s0  }
.LBB2_1:
0x14: {  	s0 =	simm.s32 $0x1BA00  }
0x15: {  	[tilespmem:s0+$0xFFFFFF00] =	vst v0  }
0x16: {  	[tilespmem:s0+$0xF0] =	vst v0  }
0x17: {  	[tilespmem:s0+$0xE0] =	vst v0  }
0x18: {  	[tilespmem:s0+$0xD0] =	vst v0  }
0x19: {  	[tilespmem:s0+$0xC0] =	vst v0  }
0x1a: {  	[tilespmem:s0+$0xB0] =	vst v0  }
0x1b: {  	[tilespmem:s0+$0xA0] =	vst v0  }
0x1c: {  	[tilespmem:s0+$0x90] =	vst v0  }
0x1d: {  	[tilespmem:s0+$0x80] =	vst v0  }
0x1e: {  	[tilespmem:s0+$0x70] =	vst v0  }
0x1f: {  	[tilespmem:s0+$0x60] =	vst v0  }
0x20: {  	[tilespmem:s0+$0x50] =	vst v0  }
0x21: {  	[tilespmem:s0+$0x40] =	vst v0  }
0x22: {  	[tilespmem:s0+$0x30] =	vst v0  }
0x23: {  	[tilespmem:s0+$0x20] =	vst v0  }
0x24: {  	[tilespmem:s0+$0x10] =	vst v0  }
0x25: {  	[tilespmem:s0+$0x0] =	vst v0  }
0x26: {  	[tilespmem:s0+$0xFFFFFFF0] =	vst v0  }
0x27: {  	[tilespmem:s0+$0xFFFFFFE0] =	vst v0  }
0x28: {  	[tilespmem:s0+$0xFFFFFFD0] =	vst v0  }
0x29: {  	[tilespmem:s0+$0xFFFFFFC0] =	vst v0  }
0x2a: {  	[tilespmem:s0+$0xFFFFFFB0] =	vst v0  }
0x2b: {  	[tilespmem:s0+$0xFFFFFFA0] =	vst v0  }
0x2c: {  	[tilespmem:s0+$0xFFFFFF90] =	vst v0  }
0x2d: {  	[tilespmem:s0+$0xFFFFFF80] =	vst v0  }
0x2e: {  	[tilespmem:s0+$0xFFFFFF70] =	vst v0  }
0x2f: {  	[tilespmem:s0+$0xFFFFFF60] =	vst v0  }
0x30: {  	[tilespmem:s0+$0xFFFFFF50] =	vst v0  }
0x31: {  	[tilespmem:s0+$0xFFFFFF40] =	vst v0  }
0x32: {  	[tilespmem:s0+$0xFFFFFF30] =	vst v0  }
0x33: {  	s2 =	simm.s32 $0x0;
	[tilespmem:s0+$0xFFFFFF20] =	vst v0  }
.LBB2_2:
0x34: {  	s2 =	sadd.s32 $0x4, s2;
	[tilespmem:s0+$0xFFFFFF10] =	vst v0;
	s0 =	sadd.s32 $0x200, s0  }
0x35: {  	[tilespmem:s0+$0xFFFFFF00] =	vst v0;
	p0 =	slt.u32 s2, $0x4C  }
0x36: {  	[tilespmem:s0+$0xF0] =	vst v0  }
0x37: {  	[tilespmem:s0+$0xE0] =	vst v0  }
0x38: {  	[tilespmem:s0+$0xD0] =	vst v0  }
0x39: {  	[tilespmem:s0+$0xC0] =	vst v0  }
0x3a: {  	[tilespmem:s0+$0xB0] =	vst v0  }
0x3b: {  	[tilespmem:s0+$0xA0] =	vst v0  }
0x3c: {  	[tilespmem:s0+$0x90] =	vst v0  }
0x3d: {  	[tilespmem:s0+$0x80] =	vst v0  }
0x3e: {  	[tilespmem:s0+$0x70] =	vst v0  }
0x3f: {  	[tilespmem:s0+$0x60] =	vst v0  }
0x40: {  	[tilespmem:s0+$0x50] =	vst v0  }
0x41: {  	[tilespmem:s0+$0x40] =	vst v0  }
0x42: {  	[tilespmem:s0+$0x30] =	vst v0  }
0x43: {  	[tilespmem:s0+$0x20] =	vst v0  }
0x44: {  	[tilespmem:s0+$0x10] =	vst v0  }
0x45: {  	[tilespmem:s0+$0x0] =	vst v0  }
0x46: {  	[tilespmem:s0+$0xFFFFFFF0] =	vst v0  }
0x47: {  	[tilespmem:s0+$0xFFFFFFE0] =	vst v0  }
0x48: {  	[tilespmem:s0+$0xFFFFFFD0] =	vst v0  }
0x49: {  	[tilespmem:s0+$0xFFFFFFC0] =	vst v0  }
0x4a: {  	[tilespmem:s0+$0xFFFFFFB0] =	vst v0  }
0x4b: {  	[tilespmem:s0+$0xFFFFFFA0] =	vst v0  }
0x4c: {  	[tilespmem:s0+$0xFFFFFF90] =	vst v0  }
0x4d: {  	[tilespmem:s0+$0xFFFFFF80] =	vst v0  }
0x4e: {  	[tilespmem:s0+$0xFFFFFF70] =	vst v0  }
.Ltmp0:
0x4f: {  	[tilespmem:s0+$0xFFFFFF60] =	vst v0;
	(pc) =	sbr.rel @p0 .LBB2_2-.Ltmp0, $4  }
0x50: {  	[tilespmem:s0+$0xFFFFFF50] =	vst v0  }
0x51: {  	[tilespmem:s0+$0xFFFFFF40] =	vst v0  }
0x52: {  	[tilespmem:s0+$0xFFFFFF30] =	vst v0  }
0x53: {  	[tilespmem:s0+$0xFFFFFF20] =	vst v0  }
0x54: {  	[tilespmem:s0+$0xFFFFFF10] =	vst v0  }
0x55: {  	[spmem:s9] =	stream.linear.scatter [tilespmem:s19], [sflag:$0x4], $0x2800, $0x38;
	[tilespmem:$0x1E100] =	vst v63  }
0x56: {  	_ =	swait.ge [sflag:s20], $0x2800  }
0x57: {  	[sflag:s20] =	ssyncset.done $0x0  }
0x58: {  	s12 =	rddreg [dreg:$0x5];
	[sflag:s20] =	ssyncadd.s32 $0xFFFFD800  }
0x59: {  	[spmem:s12] =	stream.linear.scatter [tilespmem:s19], [sflag:$0x4], $0x2800, $0x38;
	[tilespmem:$0x1E100] =	vst v63  }
0x5a: {  	_ =	swait.ge [sflag:s20], $0x2800  }
0x5b: {  	[sflag:s20] =	ssyncset.done $0x0  }
0x5c: {  	s13 =	rddreg [dreg:$0x6];
	[sflag:s20] =	ssyncadd.s32 $0xFFFFD800  }
0x5d: {  	[spmem:s13] =	stream.linear.scatter [tilespmem:s19], [sflag:$0x4], $0x2800, $0x38;
	[tilespmem:$0x1E100] =	vst v63  }
0x5e: {  	_ =	swait.ge [sflag:s20], $0x2800  }
0x5f: {  	[sflag:s20] =	ssyncset.done $0x0  }
0x60: {  	s14 =	rddreg [dreg:$0x7];
	[sflag:s20] =	ssyncadd.s32 $0xFFFFD800  }
0x61: {  	[spmem:s14] =	stream.linear.scatter [tilespmem:s19], [sflag:$0x4], $0x2800, $0x38;
	[tilespmem:$0x1E100] =	vst v63  }
0x62: {  	_ =	swait.ge [sflag:s20], $0x2800  }
0x63: {  	[sflag:s20] =	ssyncset.done $0x0  }
0x64: {  	s15 =	rddreg [dreg:$0x8];
	[sflag:s20] =	ssyncadd.s32 $0xFFFFD800  }
0x65: {  	[spmem:s15] =	stream.linear.scatter [tilespmem:s19], [sflag:$0x4], $0x2800, $0x38;
	[tilespmem:$0x1E100] =	vst v63  }
0x66: {  	_ =	swait.ge [sflag:s20], $0x2800  }
0x67: {  	[sflag:s20] =	ssyncset.done $0x0  }
0x68: {  	[sflag:s20] =	ssyncadd.s32 $0xFFFFD800  }
0x69: {  	[spmem:s16] =	stream.linear.scatter [tilespmem:s19], [sflag:$0x4], $0x2800, $0x38;
	[tilespmem:$0x1E100] =	vst v63  }
0x6a: {  	_ =	swait.ge [sflag:s20], $0x2800  }
0x6b: {  	[sflag:s20] =	ssyncset.done $0x0  }
0x6c: {  	[sflag:s20] =	ssyncadd.s32 $0xFFFFD800  }
0x6d: {  	[spmem:s17] =	stream.linear.scatter [tilespmem:s19], [sflag:$0x4], $0x2800, $0x38;
	[tilespmem:$0x1E100] =	vst v63  }
0x6e: {  	_ =	swait.ge [sflag:s20], $0x2800  }
0x6f: {  	[sflag:s20] =	ssyncset.done $0x0  }
0x70: {  	[sflag:s20] =	ssyncadd.s32 $0xFFFFD800  }
0x71: {  	[spmem:s18] =	stream.linear.scatter [tilespmem:s19], [sflag:$0x4], $0x2800, $0x38;
	[tilespmem:$0x1E100] =	vst v63  }
0x72: {  	_ =	swait.ge [sflag:s20], $0x2800  }
0x73: {  	[sflag:s20] =	ssyncset.done $0x0  }
0x74: {  	[sflag:s20] =	ssyncadd.s32 $0xFFFFD800  }
0x75: {  	s0 =	simm.s32 $0x0;
	[bflag:$0x0] =	sbarrier.arrive $0xFFFF  }
.LBB2_4:
0x76: {  	s2 =	smul.u32 $0x50, s0;
	_ =	sdelay $0x1  }
0x77: {  	s2 =	sadd.s32 s8, s2  }
0x78: {  	s10 =	sshrl.u32 s2, $0x3  }
0x79: {  	s11 =	sadd.s32 s6, s10  }
0x7a: {  	[tilespmem:s21], [sflag:$0x4] =	stream.linear.gather [hbm4b:s11+s3], $0x50, $0x38;
	[tilespmem:$0x1E100] =	vst v63  }
0x7b: {  	_ =	swait.ge [sflag:s20], $0x50  }
0x7c: {  	[sflag:s20] =	ssyncset.done $0x0  }
0x7d: {  	s10 =	sadd.s32 s7, s10;
	[sflag:s20] =	ssyncadd.s32 $0xFFFFFFB0  }
0x7e: {  	[tilespmem:s22], [sflag:$0x4] =	stream.linear.gather [hbm4b:s10+s3], $0x50, $0x38;
	[tilespmem:$0x1E100] =	vst v63  }
0x7f: {  	_ =	swait.ge [sflag:s20], $0x50  }
0x80: {  	[sflag:s20] =	ssyncset.done $0x0  }
0x81: {  	[sflag:s20] =	ssyncadd.s32 $0xFFFFFFB0  }
0x82: {  	[tilespmem:s24], [sflag:$0x1] =	stream.indirect.gather [hbm4b:s4+s23], $0x80, s21, s23, $0xb8;
	[tilespmem:$0x1E100] =	vst v63  }
0x83: {  	s2 =	sshll.u32 s2, $0x4  }
0x84: {  	[tilespmem:s25], [sflag:$0x2] =	stream.indirect.gather [hbm4b:s4+s23], $0x80, s22, s23, $0xb8;
	[tilespmem:$0x1E100] =	vst v63  }
0x85: {  	s2 =	sadd.s32 s5, s2  }
0x86: {  	[tilespmem:s26], [sflag:$0x3] =	stream.linear.gather [hbm4b:s2+s3], $0x2800, $0x38;
	[tilespmem:$0x1E100] =	vst v63  }
0x87: {  	_ =	swait.ge [sflag:s28], $0x2800  }
0x88: {  	[sflag:s28] =	ssyncset.done $0x0  }
0x89: {  	[sflag:s28] =	ssyncadd.s32 $0xFFFFD800  }
0x8a: {  	_ =	swait.ge [sflag:s29], $0x2800  }
0x8b: {  	[sflag:s29] =	ssyncset.done $0x0  }
0x8c: {  	[sflag:s29] =	ssyncadd.s32 $0xFFFFD800  }
0x8d: {  	_ =	swait.ge [sflag:s30], $0x2800  }
0x8e: {  	[sflag:s30] =	ssyncset.done $0x0  }
0x8f: {  	s10 =	simm.s32 $0x14200;
	[sflag:s30] =	ssyncadd.s32 $0xFFFFD800  }
0x90: {  	v1 =	vld [tilespmem:s10+$0xFFFFFF00];
	_ =	sdelay $0x3  }
0x91: {  	s2 =	simm.s32 $0x1BA00  }
0x92: {  	s11 =	simm.s32 $0x16A40;
	[tilespmem:s2+$0xFFFFFF00] =	vst v1  }
0x93: {  	v1 =	vld [tilespmem:s11+$0xFFFFFF00]  }
0x94: {  	v2 =	vld [tilespmem:s10+$0xFFFFFF20]  }
0x95: {  	s12 =	simm.s32 $0x19200  }
0x96: {  	v3 =	vld [tilespmem:s12+$0xFFFFFF00];
	_ =	sdelay $0x2  }
0x97: {  	v1 =	vadd.f32 v2, v1;
	_ =	sdelay $0x1  }
0x98: {  	v1 =	vadd.f32 v3, v1;
	_ =	sdelay $0x1  }
0x99: {  	v1 =	vmax.f32 v1, $0.0e+00  }
0x9a: {  	[tilespmem:s2+$0xFFFFFF20] =	vst v1  }
0x9b: {  	v1 =	vld [tilespmem:s10+$0xFFFFFF10];
	_ =	sdelay $0x4  }
0x9c: {  	[tilespmem:s2+$0xFFFFFF10] =	vst v1  }
0x9d: {  	v1 =	vld [tilespmem:s11+$0xFFFFFF10]  }
0x9e: {  	v2 =	vld [tilespmem:s10+$0xFFFFFF30];
	_ =	sdelay $0x1  }
0x9f: {  	v3 =	vld [tilespmem:s12+$0xFFFFFF10];
	_ =	sdelay $0x2  }
0xa0: {  	v1 =	vadd.f32 v2, v1;
	_ =	sdelay $0x1  }
0xa1: {  	v1 =	vadd.f32 v3, v1;
	_ =	sdelay $0x1  }
0xa2: {  	v1 =	vmax.f32 v1, $0.0e+00  }
0xa3: {  	[tilespmem:s2+$0xFFFFFF30] =	vst v1  }
0xa4: {  	v1 =	vld [tilespmem:s10+$0xFFFFFF80];
	_ =	sdelay $0x4  }
0xa5: {  	[tilespmem:s2+$0xFFFFFF80] =	vst v1  }
0xa6: {  	v1 =	vld [tilespmem:s11+$0xFFFFFF80]  }
0xa7: {  	v2 =	vld [tilespmem:s10+$0xFFFFFFA0];
	_ =	sdelay $0x1  }
0xa8: {  	v3 =	vld [tilespmem:s12+$0xFFFFFF80];
	_ =	sdelay $0x2  }
0xa9: {  	v1 =	vadd.f32 v2, v1;
	_ =	sdelay $0x1  }
0xaa: {  	v1 =	vadd.f32 v3, v1;
	_ =	sdelay $0x1  }
0xab: {  	v1 =	vmax.f32 v1, $0.0e+00  }
0xac: {  	[tilespmem:s2+$0xFFFFFFA0] =	vst v1  }
0xad: {  	v1 =	vld [tilespmem:s10+$0xFFFFFF90];
	_ =	sdelay $0x4  }
0xae: {  	[tilespmem:s2+$0xFFFFFF90] =	vst v1  }
0xaf: {  	v1 =	vld [tilespmem:s11+$0xFFFFFF90]  }
0xb0: {  	v2 =	vld [tilespmem:s10+$0xFFFFFFB0];
	_ =	sdelay $0x1  }
0xb1: {  	v3 =	vld [tilespmem:s12+$0xFFFFFF90];
	_ =	sdelay $0x2  }
0xb2: {  	v1 =	vadd.f32 v2, v1;
	_ =	sdelay $0x1  }
0xb3: {  	v1 =	vadd.f32 v3, v1;
	_ =	sdelay $0x1  }
0xb4: {  	v1 =	vmax.f32 v1, $0.0e+00  }
0xb5: {  	[tilespmem:s2+$0xFFFFFFB0] =	vst v1  }
0xb6: {  	v1 =	vld [tilespmem:s10+$0x0];
	_ =	sdelay $0x4  }
0xb7: {  	[tilespmem:s2+$0x0] =	vst v1  }
0xb8: {  	v1 =	vld [tilespmem:s11+$0x0]  }
0xb9: {  	v2 =	vld [tilespmem:s10+$0x20];
	_ =	sdelay $0x1  }
0xba: {  	v3 =	vld [tilespmem:s12+$0x0];
	_ =	sdelay $0x2  }
0xbb: {  	v1 =	vadd.f32 v2, v1;
	_ =	sdelay $0x1  }
0xbc: {  	v1 =	vadd.f32 v3, v1;
	_ =	sdelay $0x1  }
0xbd: {  	v1 =	vmax.f32 v1, $0.0e+00  }
0xbe: {  	[tilespmem:s2+$0x20] =	vst v1  }
0xbf: {  	v1 =	vld [tilespmem:s10+$0x10];
	_ =	sdelay $0x4  }
0xc0: {  	[tilespmem:s2+$0x10] =	vst v1  }
0xc1: {  	v1 =	vld [tilespmem:s11+$0x10]  }
0xc2: {  	v2 =	vld [tilespmem:s10+$0x30];
	_ =	sdelay $0x1  }
0xc3: {  	v3 =	vld [tilespmem:s12+$0x10];
	_ =	sdelay $0x2  }
0xc4: {  	v1 =	vadd.f32 v2, v1;
	_ =	sdelay $0x1  }
0xc5: {  	v1 =	vadd.f32 v3, v1;
	_ =	sdelay $0x1  }
0xc6: {  	v1 =	vmax.f32 v1, $0.0e+00  }
0xc7: {  	[tilespmem:s2+$0x30] =	vst v1  }
0xc8: {  	v1 =	vld [tilespmem:s10+$0x80];
	_ =	sdelay $0x4  }
0xc9: {  	[tilespmem:s2+$0x80] =	vst v1  }
0xca: {  	v1 =	vld [tilespmem:s11+$0x80]  }
0xcb: {  	v2 =	vld [tilespmem:s10+$0xA0];
	_ =	sdelay $0x1  }
0xcc: {  	v3 =	vld [tilespmem:s12+$0x80];
	_ =	sdelay $0x2  }
0xcd: {  	v1 =	vadd.f32 v2, v1;
	_ =	sdelay $0x1  }
0xce: {  	v1 =	vadd.f32 v3, v1;
	_ =	sdelay $0x1  }
0xcf: {  	v1 =	vmax.f32 v1, $0.0e+00  }
0xd0: {  	[tilespmem:s2+$0xA0] =	vst v1  }
0xd1: {  	v1 =	vld [tilespmem:s10+$0x90];
	_ =	sdelay $0x4  }
0xd2: {  	[tilespmem:s2+$0x90] =	vst v1  }
0xd3: {  	v1 =	vld [tilespmem:s11+$0x90]  }
0xd4: {  	s13 =	simm.s32 $0x0;
	s14 =	simm.s32 $0x1BC00;
	s15 =	simm.s32 $0x19400;
	v2 =	vld [tilespmem:s10+$0xB0]  }
.LBB2_5:
0xd5: {  	s13 =	sadd.s32 $0x4, s13;
	v3 =	vld [tilespmem:s12+$0x90];
	s11 =	sadd.s32 $0x200, s11;
	s10 =	sadd.s32 $0x200, s10  }
0xd6: {  	s12 =	smov.u32 s15;
	p0 =	slt.u32 s13, $0x4C;
	_ =	sdelay $0x2  }
0xd7: {  	v1 =	vadd.f32 v2, v1;
	_ =	sdelay $0x1  }
0xd8: {  	v1 =	vadd.f32 v3, v1;
	_ =	sdelay $0x1  }
0xd9: {  	v1 =	vmax.f32 v1, $0.0e+00  }
0xda: {  	[tilespmem:s2+$0xB0] =	vst v1;
	s2 =	smov.u32 s14  }
0xdb: {  	v1 =	vld [tilespmem:s10+$0xFFFFFF00];
	_ =	sdelay $0x4  }
0xdc: {  	[tilespmem:s14+$0xFFFFFF00] =	vst v1  }
0xdd: {  	v1 =	vld [tilespmem:s11+$0xFFFFFF00]  }
0xde: {  	v2 =	vld [tilespmem:s10+$0xFFFFFF20]  }
0xdf: {  	v3 =	vld [tilespmem:s15+$0xFFFFFF00];
	_ =	sdelay $0x3  }
0xe0: {  	v1 =	vadd.f32 v2, v1;
	_ =	sdelay $0x1  }
0xe1: {  	v1 =	vadd.f32 v3, v1;
	_ =	sdelay $0x1  }
0xe2: {  	v1 =	vmax.f32 v1, $0.0e+00  }
0xe3: {  	[tilespmem:s14+$0xFFFFFF20] =	vst v1  }
0xe4: {  	v1 =	vld [tilespmem:s10+$0xFFFFFF10];
	_ =	sdelay $0x4  }
0xe5: {  	[tilespmem:s14+$0xFFFFFF10] =	vst v1  }
0xe6: {  	v1 =	vld [tilespmem:s11+$0xFFFFFF10]  }
0xe7: {  	v2 =	vld [tilespmem:s10+$0xFFFFFF30];
	_ =	sdelay $0x1  }
0xe8: {  	v3 =	vld [tilespmem:s15+$0xFFFFFF10];
	_ =	sdelay $0x2  }
0xe9: {  	v1 =	vadd.f32 v2, v1;
	_ =	sdelay $0x1  }
0xea: {  	v1 =	vadd.f32 v3, v1;
	_ =	sdelay $0x1  }
0xeb: {  	v1 =	vmax.f32 v1, $0.0e+00  }
0xec: {  	[tilespmem:s14+$0xFFFFFF30] =	vst v1  }
0xed: {  	v1 =	vld [tilespmem:s10+$0xFFFFFF80];
	_ =	sdelay $0x4  }
0xee: {  	[tilespmem:s14+$0xFFFFFF80] =	vst v1  }
0xef: {  	v1 =	vld [tilespmem:s11+$0xFFFFFF80]  }
0xf0: {  	v2 =	vld [tilespmem:s10+$0xFFFFFFA0];
	_ =	sdelay $0x1  }
0xf1: {  	v3 =	vld [tilespmem:s15+$0xFFFFFF80];
	_ =	sdelay $0x2  }
0xf2: {  	v1 =	vadd.f32 v2, v1;
	_ =	sdelay $0x1  }
0xf3: {  	v1 =	vadd.f32 v3, v1;
	_ =	sdelay $0x1  }
0xf4: {  	v1 =	vmax.f32 v1, $0.0e+00  }
0xf5: {  	[tilespmem:s14+$0xFFFFFFA0] =	vst v1  }
0xf6: {  	v1 =	vld [tilespmem:s10+$0xFFFFFF90];
	_ =	sdelay $0x4  }
0xf7: {  	[tilespmem:s14+$0xFFFFFF90] =	vst v1  }
0xf8: {  	v1 =	vld [tilespmem:s11+$0xFFFFFF90]  }
0xf9: {  	v2 =	vld [tilespmem:s10+$0xFFFFFFB0]  }
0xfa: {  	v3 =	vld [tilespmem:s15+$0xFFFFFF90];
	_ =	sdelay $0x3  }
0xfb: {  	v1 =	vadd.f32 v2, v1;
	_ =	sdelay $0x1  }
0xfc: {  	v1 =	vadd.f32 v3, v1;
	_ =	sdelay $0x1  }
0xfd: {  	v1 =	vmax.f32 v1, $0.0e+00  }
0xfe: {  	[tilespmem:s14+$0xFFFFFFB0] =	vst v1  }
0xff: {  	v1 =	vld [tilespmem:s10+$0x0];
	_ =	sdelay $0x4  }
0x100: {  	[tilespmem:s14+$0x0] =	vst v1  }
0x101: {  	v1 =	vld [tilespmem:s11+$0x0]  }
0x102: {  	v2 =	vld [tilespmem:s10+$0x20]  }
0x103: {  	v3 =	vld [tilespmem:s15+$0x0];
	_ =	sdelay $0x3  }
0x104: {  	v1 =	vadd.f32 v2, v1;
	_ =	sdelay $0x1  }
0x105: {  	v1 =	vadd.f32 v3, v1;
	_ =	sdelay $0x1  }
0x106: {  	v1 =	vmax.f32 v1, $0.0e+00  }
0x107: {  	[tilespmem:s14+$0x20] =	vst v1  }
0x108: {  	v1 =	vld [tilespmem:s10+$0x10];
	_ =	sdelay $0x4  }
0x109: {  	[tilespmem:s14+$0x10] =	vst v1  }
0x10a: {  	v1 =	vld [tilespmem:s11+$0x10]  }
0x10b: {  	v2 =	vld [tilespmem:s10+$0x30]  }
0x10c: {  	v3 =	vld [tilespmem:s15+$0x10];
	_ =	sdelay $0x3  }
0x10d: {  	v1 =	vadd.f32 v2, v1;
	_ =	sdelay $0x1  }
0x10e: {  	v1 =	vadd.f32 v3, v1;
	_ =	sdelay $0x1  }
0x10f: {  	v1 =	vmax.f32 v1, $0.0e+00  }
0x110: {  	[tilespmem:s14+$0x30] =	vst v1  }
0x111: {  	v1 =	vld [tilespmem:s10+$0x80];
	_ =	sdelay $0x4  }
0x112: {  	[tilespmem:s14+$0x80] =	vst v1  }
0x113: {  	v1 =	vld [tilespmem:s11+$0x80]  }
0x114: {  	v2 =	vld [tilespmem:s10+$0xA0]  }
0x115: {  	v3 =	vld [tilespmem:s15+$0x80];
	_ =	sdelay $0x3  }
0x116: {  	v1 =	vadd.f32 v2, v1;
	_ =	sdelay $0x1  }
0x117: {  	v1 =	vadd.f32 v3, v1;
	_ =	sdelay $0x1  }
0x118: {  	v1 =	vmax.f32 v1, $0.0e+00  }
0x119: {  	[tilespmem:s14+$0xA0] =	vst v1  }
0x11a: {  	v1 =	vld [tilespmem:s10+$0x90];
	_ =	sdelay $0x2  }
.Ltmp1:
0x11b: {  	(pc) =	sbr.rel @p0 .LBB2_5-.Ltmp1, $4  }
0x11c: {  	_ = 	snop  }
0x11d: {  	[tilespmem:s14+$0x90] =	vst v1  }
0x11e: {  	v1 =	vld [tilespmem:s11+$0x90]  }
0x11f: {  	s15 =	sadd.s32 $0x200, s15;
	s14 =	sadd.s32 $0x200, s14;
	v2 =	vld [tilespmem:s10+$0xB0]  }
0x120: {  	_ = 	snop  }
0x121: {  	v3 =	vld [tilespmem:s12+$0x90];
	_ =	sdelay $0x2  }
0x122: {  	v1 =	vadd.f32 v2, v1;
	_ =	sdelay $0x1  }
0x123: {  	v1 =	vadd.f32 v3, v1  }
0x124: {  	s0 =	sadd.s32 $0x1, s0  }
0x125: {  	p0 =	sne.s32 s0, $0x7D;
	v1 =	vmax.f32 v1, $0.0e+00  }
.Ltmp2:
0x126: {  	[tilespmem:s2+$0xB0] =	vst v1;
	(pc) =	sbr.rel @p0 .LBB2_4-.Ltmp2, $4  }
0x127: {  	[spmem:s1] =	stream.indirect.scatter.add.f32 [tilespmem:s19], [sflag:$0x4], $0x80, s22, s23, $0xb8;
	[tilespmem:$0x1E100] =	vst v63  }
0x128: {  	_ =	swait.ge [sflag:s20], $0x2800  }
0x129: {  	[sflag:s20] =	ssyncset.done $0x0  }
0x12a: {  	[sflag:s20] =	ssyncadd.s32 $0xFFFFD800  }
0x12b: {  	s0 =	stileid.u32  }
0x12c: {  	[bflag:$0x0] =	sbarrier.arrive $0xFFFF;
	s0 =	sshll.u32 s0, $0x6  }
0x12d: {  	s2 =	sshrl.u32 s9, $0x3;
	s10 =	rddreg [dreg:$0x3];
	s0 =	sor.u32 $0x1C04, s0  }
0x12e: {  	[hbm:s10], [sflag:s0] =	dma.local [spmem:s2], $0x2800  }
0x12f: {  	_ =	swait.ge [sflag:s20], $0x2800  }
0x130: {  	s31 =	sadd.s32 $0x1, s31;
	s15 =	rddreg [dreg:$0x4]  }
0x131: {  	p0 =	sne.s32 s31, s15  }
.Ltmp3:
0x132: {  	_ = 	snop;
	(pc) =	sbr.rel @p0 .LBB2_1-.Ltmp3, $3  }
0x133: {  	_ =	sdelay $0x1  }
0x134: {  	[sflag:s20] =	ssyncset.done $0x0  }
0x135: {  	[sflag:s20] =	ssyncadd.s32 $0xFFFFD800  }
0x136: {  	_ =	sfence.sel $0x180000  }
0x137: {  	[bflag:$0x0] =	sbarrier.arrive $0xFFFF  }
0x138: {  	_ =	strace $0x9000004D  }
0x139: {  	s0 =	stileid.u32;
	[bflag:$0x2] =	sbarrier.arrive $0xFFFF  }
0x13a: {  	p0 =	sne.s32 s0, $0x0;
	s0 =	rddreg [dreg:$0x2]  }
0x13b: {  	s0 =	sadd.s32 @!p0 $0x100000, s0  }
0x13c: {  	[sflag:s0] =	ssyncadd.tile.s32 @!p0 $0x1;
	_ =	shalt  }
.Lfunc_end2:
_tile_overlayer_lowered:
.L_overlay_start_2:
0x13d: {  	(tag) =	ssettag $0x2  }
0x13e: {  	s0 =	rddreg [dreg:$0x0];
	s2 =	stileid.u32  }
0x13f: {  	s1 =	rddreg [dreg:$0x1];
	p0 =	sne.s32 s2, $0x0  }
0x140: {  	s3 =	rddreg [dreg:$0x2];
	[bflag:$0x3] =	sbarrier.arrive $0xFFFF;
	s2 =	simm.s32 @!p0 $0x1C04  }
0x141: {  	[timem:s3], [sflag:s2] =	dma.local @!p0 [hbm:s0], s1  }
0x142: {  	s0 =	simm.s32 @!p0 $0x4  }
0x143: {  	_ =	swait.ge @!p0 [sflag:s0], s1  }
0x144: {  	s1 =	ssub.s32 @!p0 $0x0, s1;
	[sflag:s0] =	ssyncset.done @!p0 $0x0  }
0x145: {  	[sflag:s0] =	ssyncadd.s32 @!p0 s1  }
0x146: {  	[bflag:$0x3] =	sbarrier.arrive $0xFFFF  }
0x147: {  	_ =	shalt  }

// kernel: kernel.26.cloned.1.call-start
scs
__scs_entry_jumppad:
0x0: {  	(pc) =	sbr.rel $0x88, $3  }
0x1: {  	(tag) =	ssettag $0x0;
	lr =	simm.s32 $0x1  }
0x2: {  	[smem:$0x3F82] =	sst lr;
	_ =	strace $0xD0000000  }
0x3: {  	_ = 	snop  }
0x4: {  	_ = 	snop  }
0x5: {  	_ = 	snop  }
0x6: {  	_ = 	snop  }
0x7: {  	_ = 	snop  }
__scs_overlays_trampoline_lowered:
0x8: {  	[smem:$0x3F91] =	sst s0  }
0x9: {  	[smem:$0x3F92] =	sst s1  }
0xa: {  	[smem:$0x3F93] =	sst s2  }
0xb: {  	[smem:$0x3F94] =	sst s3  }
0xc: {  	[smem:$0x3F95] =	sst s4  }
0xd: {  	[smem:$0x3F96] =	sst s5  }
0xe: {  	[smem:$0x3F97] =	sst s6  }
0xf: {  	[smem:$0x3F98] =	sst s7  }
0x10: {  	[smem:$0x3F99] =	sst s8  }
0x11: {  	[smem:$0x3F9A] =	sst s9;
	s0 =	simm.s32 @!p0 $0x0  }
0x12: {  	s1 =	sld [smem:$0x3F80];
	s0 =	simm.s32 @p0 $0x1  }
0x13: {  	[smem:$0x3F9B] =	sst s0;
	s0 =	simm.s32 @!p1 $0x0  }
0x14: {  	s2 =	sld [smem:$0x3F7F];
	s0 =	simm.s32 @p1 $0x1  }
0x15: {  	[smem:$0x3F9C] =	sst s0;
	s0 =	simm.s32 @!p2 $0x0  }
0x16: {  	s3 =	sld [smem:$0x3FDB];
	s0 =	simm.s32 @p2 $0x1  }
0x17: {  	s4 =	simm.s32 $0x1BF5;
	[smem:$0x3F9E] =	sst s0  }
0x18: {  	s0 =	sld [smem:$0x3F81];
	_ =	swait.ge [sflag:s4], $0x0  }
0x19: {  	s7 =	sld [smem:$0x3F82]  }
0x1a: {  	s8 =	sadd.s32 $0xFFFFE003, lr  }
0x1b: {  	s9 =	sadd.s32 $0xFFFFFEF7, lr;
	s5 =	simm.s32 $0xFFFFFFFF;
	p2 =	slt.u32 s8, $0xFFFFF086  }
0x1c: {  	p1 =	slt.u32 s9, $0xF7A;
	s5 =	simm.s32 @!p2 $0x0  }
0x1d: {  	s5 =	simm.s32 @p1 $0x1;
	p0 =	seq.s32 s7, s2  }
0x1e: {  	s7 =	smul.u32 @!p0 $0xF7A, s2;
	p2 =	seq.s32 @!p0 s5, $0x0  }
0x1f: {  	s9 =	smul.u32 $0xF7A, s1;
	s8 =	simm.s32 @!p0 $0x1BF5;
	p2 =	por !p2, p0  }
0x20: {  	[sflag:s8] =	ssyncset.s32 @!p0 $0xFFFFF086;
	s6 =	sadd.s32 @!p0 s3, s7;
	s7 =	simm.s32 @!p0 $0x108  }
0x21: {  	s3 =	sadd.s32 s3, s9;
	s6 =	sadd.s32 @!p0 $0x88, s6;
	s7 =	simm.s32 @p2 $0x1082  }
0x22: {  	[simem:s7], [sflag:s8] =	dma.local @!p0 [hbm:s6], $0xF7A  }
0x23: {  	s9 =	sor.u32 $0xD0000000, s2;
	s6 =	simm.s32 $0x108;
	_ =	swait.ge @!p0 [sflag:s8], $0x0  }
0x24: {  	s3 =	sadd.s32 $0x88, s3;
	s6 =	simm.s32 @!p1 $0x1082;
	[sflag:s4] =	ssyncset.s32 $0xFFFFF086  }
0x25: {  	[simem:s6], [sflag:s4] =	dma.local [hbm:s3], $0xF7A  }
0x26: {  	[smem:$0x3F82] =	sst s1;
	(tag) =	ssettag s2;
	_ =	strace s9  }
0x27: {  	s1 =	sld [smem:$0x3F92]  }
0x28: {  	s2 =	sld [smem:$0x3F93]  }
0x29: {  	s4 =	sld [smem:$0x3F95]  }
0x2a: {  	p0 =	seq.s32 s5, $0x0;
	s5 =	sld [smem:$0x3F96]  }
0x2b: {  	s6 =	sld [smem:$0x3F97]  }
0x2c: {  	s7 =	sld [smem:$0x3F98]  }
0x2d: {  	s3 =	simm.s32 $0x108;
	s8 =	sld [smem:$0x3F99]  }
0x2e: {  	s3 =	simm.s32 @!p0 $0x1082;
	s9 =	sld [smem:$0x3F9A]  }
0x2f: {  	lr =	sadd.s32 s0, s3;
	s0 =	sld [smem:$0x3F91]  }
0x30: {  	s3 =	sld [smem:$0x3F94]  }
0x31: {  	[smem:$0x3F9D] =	sst s10  }
0x32: {  	s10 =	sld [smem:$0x3F9B];
	_ =	sdelay $0x3  }
0x33: {  	p0 =	seq.s32 s10, $0x1;
	s10 =	sld [smem:$0x3F9D];
	_ =	sdelay $0x3  }
0x34: {  	[smem:$0x3F9D] =	sst s10  }
0x35: {  	s10 =	sld [smem:$0x3F9C];
	_ =	sdelay $0x3  }
0x36: {  	p1 =	seq.s32 s10, $0x1;
	s10 =	sld [smem:$0x3F9D];
	_ =	sdelay $0x3  }
0x37: {  	[smem:$0x3F9D] =	sst s10  }
0x38: {  	s10 =	sld [smem:$0x3F9E]  }
0x39: {  	_ = 	snop;
	(pc) =	sbr.ind lr, $3  }
0x3a: {  	_ = 	snop  }
0x3b: {  	_ = 	snop  }
0x3c: {  	p2 =	seq.s32 s10, $0x1;
	s10 =	sld [smem:$0x3F9D]  }
0x3d: {  	_ =	shalt  }
0x3e: {  	_ =	shalt  }
0x3f: {  	_ =	shalt  }
0x40: {  	_ =	shalt  }
0x41: {  	_ =	shalt  }
0x42: {  	_ =	shalt  }
0x43: {  	_ =	shalt  }
0x44: {  	_ =	shalt  }
0x45: {  	_ =	shalt  }
0x46: {  	_ =	shalt  }
0x47: {  	_ =	shalt  }
0x48: {  	_ =	shalt  }
0x49: {  	_ =	shalt  }
0x4a: {  	_ =	shalt  }
0x4b: {  	_ =	shalt  }
0x4c: {  	_ =	shalt  }
0x4d: {  	_ =	shalt  }
0x4e: {  	_ =	shalt  }
0x4f: {  	_ =	shalt  }
0x50: {  	_ =	shalt  }
0x51: {  	_ =	shalt  }
0x52: {  	_ =	shalt  }
0x53: {  	_ =	shalt  }
0x54: {  	_ =	shalt  }
0x55: {  	_ =	shalt  }
0x56: {  	_ =	shalt  }
0x57: {  	_ =	shalt  }
0x58: {  	_ =	shalt  }
0x59: {  	_ =	shalt  }
0x5a: {  	_ =	shalt  }
0x5b: {  	_ =	shalt  }
0x5c: {  	_ =	shalt  }
0x5d: {  	_ =	shalt  }
0x5e: {  	_ =	shalt  }
0x5f: {  	_ =	shalt  }
0x60: {  	_ =	shalt  }
0x61: {  	_ =	shalt  }
0x62: {  	_ =	shalt  }
0x63: {  	_ =	shalt  }
0x64: {  	_ =	shalt  }
0x65: {  	_ =	shalt  }
0x66: {  	_ =	shalt  }
0x67: {  	_ =	shalt  }
0x68: {  	_ =	shalt  }
0x69: {  	_ =	shalt  }
0x6a: {  	_ =	shalt  }
0x6b: {  	_ =	shalt  }
0x6c: {  	_ =	shalt  }
0x6d: {  	_ =	shalt  }
0x6e: {  	_ =	shalt  }
0x6f: {  	_ =	shalt  }
0x70: {  	_ =	shalt  }
0x71: {  	_ =	shalt  }
0x72: {  	_ =	shalt  }
0x73: {  	_ =	shalt  }
0x74: {  	_ =	shalt  }
0x75: {  	_ =	shalt  }
0x76: {  	_ =	shalt  }
0x77: {  	_ =	shalt  }
0x78: {  	_ =	shalt  }
0x79: {  	_ =	shalt  }
0x7a: {  	_ =	shalt  }
0x7b: {  	_ =	shalt  }
0x7c: {  	_ =	shalt  }
0x7d: {  	_ =	shalt  }
0x7e: {  	_ =	shalt  }
0x7f: {  	_ =	shalt  }
0x80: {  	_ =	shalt  }
0x81: {  	_ =	shalt  }
0x82: {  	_ =	shalt  }
0x83: {  	_ =	shalt  }
0x84: {  	_ =	shalt  }
0x85: {  	_ =	shalt  }
0x86: {  	_ =	shalt  }
0x87: {  	_ =	shalt  }
.Lfunc_end0:
.L_simem_size_0:
called_computation.3_lowered:
.L_overlay_start_0:
0x88: {  	s2 =	sld [smem:$0x3FD9]  }
0x89: {  	s3 =	sld [smem:$0x3FFE];
	_ =	sdelay $0x1  }
0x8a: {  	s1 =	srdreg.scid  }
0x8b: {  	s0 =	sand.u32 $0x1, s1  }
0x8c: {  	s16 =	sshll.u32 s0, $0xA;
	s2 =	sadd.s32 s3, s2  }
0x8d: {  	s2 =	sadd.s32 s2, s16  }
0x8e: {  	[smem:$0x3FA9] =	sst s2  }
0x8f: {  	_ = 	snop  }
0x90: {  	(tm) =	ssettm $0x1  }
0x91: {  	s17 =	sld [smem:$0x3FFB];
	_ =	sdelay $0x3  }
0x92: {  	_ =	strace s17  }
0x93: {  	s2 =	sld [smem:$0x3FFC];
	_ =	sdelay $0x3  }
0x94: {  	_ =	strace s2  }
0x95: {  	s2 =	sld [smem:$0x3FFD];
	_ =	sdelay $0x3  }
0x96: {  	_ =	strace s2  }
0x97: {  	_ =	strace $0x8FFFFFFF  }
0x98: {  	s18 =	sld [smem:$0x3FDB];
	_ =	sdelay $0x1  }
0x99: {  	s19 =	simm.s32 $_scs_section_size  }
0x9a: {  	s4 =	simm.s32 $_size__tile_overlayer_lowered;
	s5 =	simm.s32 $_tile_overlayer_lowered  }
0x9b: {  	s22 =	simm.s32 $0x1BFF;
	s21 =	sshll.u32 s5, $0x1;
	s2 =	sadd.s32 s19, s18  }
0x9c: {  	s6 =	simm.s32 $0x0;
	s20 =	sshll.u32 s4, $0x1;
	s4 =	sadd.s32 s21, s2  }
0x9d: {  	[timem:s6], [sflag:s22] =	dma.local [hbm:s4], s20  }
0x9e: {  	_ =	swait.ge [sflag:s22], s20  }
0x9f: {  	s3 =	ssub.s32 $0x0, s20;
	[sflag:s22] =	ssyncset.done $0x0  }
0xa0: {  	[sflag:s22] =	ssyncadd.s32 s3;
	_ =	sdelay $0x1  }
0xa1: {  	s23 =	simm.s32 $0x1B8B  }
0xa2: {  	_ =	swait.ge [sflag:s23], $0x1  }
0xa3: {  	[sflag:s23] =	ssyncset.done $0x0  }
0xa4: {  	s25 =	simm.s32 $0x1B8E;
	s24 =	sld [smem:$0x3FFE];
	[sflag:s23] =	ssyncadd.s32 $0xFFFFFFFF  }
0xa5: {  	s26 =	simm.s32 $execute0_lowered;
	[smem:$0x3FD2] =	sst s25  }
0xa6: {  	s4 =	sshll.u32 s26, $0x1;
	_ =	strace $0x8000004F;
	[dreg:$0x1] =	wrdreg $0xFFFFFFFF  }
0xa7: {  	s28 =	simm.s32 $_size_execute0_lowered;
	s2 =	sadd.s32 s2, s4;
	[dreg:$0x0] =	wrdreg $0x0  }
0xa8: {  	s4 =	sshll.u32 s28, $0x1;
	[dreg:$0x2] =	wrdreg s2  }
0xa9: {  	[dreg:$0x3] =	wrdreg s4  }
0xaa: {  	[dreg:$0x4] =	wrdreg $0xC0  }
0xab: {  	_ =	task [dreg:s6], $0x5FFFF  }
0xac: {  	[dreg:$0x1] =	wrdreg $0xFFFFFFFF  }
0xad: {  	[dreg:$0x0] =	wrdreg $0x60  }
0xae: {  	[dreg:$0x2] =	wrdreg s24  }
0xaf: {  	[dreg:$0x3] =	wrdreg $0x0  }
0xb0: {  	[dreg:$0x4] =	wrdreg $0x9  }
0xb1: {  	_ =	task.clear_ibuf [dreg:s6], $0x5FFFF;
	_ =	strace $0x9000004F  }
0xb2: {  	s29 =	simm.s32 $0x9;
	_ =	strace $0x80000051  }
0xb3: {  	_ =	swait.ge [sflag:s29], $0x1  }
0xb4: {  	[sflag:s29] =	ssyncadd.s32 $0xFFFFFFFF  }
0xb5: {  	_ =	strace $0x90000051  }
0xb6: {  	_ =	sfence  }
0xb7: {  	s30 =	sld [smem:$0x0];
	_ =	sdelay $0x2  }
0xb8: {  	s31 =	sshll.u32 s1, $0xD;
	s1 =	sshrl.u32 s1, $0x2  }
0xb9: {  	s3 =	sand.u32 $0x4000, s31;
	s1 =	sadd.s32 s1, s30  }
0xba: {  	s0 =	sor.u32 s3, s0;
	s1 =	sshll.u32 s1, $0x11  }
0xbb: {  	s0 =	sor.u32 s1, s0  }
0xbc: {  	s0 =	sadd.s32 $0x8F2B, s0  }
0xbd: {  	[sflag:s0] =	ssyncadd.remote.s32 $0x1  }
0xbe: {  	_ =	sfence.sel $0xFFFF  }
0xbf: {  	[dreg:$0x0] =	wrdreg $0xFFFFFFFF;
	(pc) =	sbr.abs _section_cstart, $3  }
0xc0: {  	[dreg:$0x1] =	wrdreg $0xFFFFFFFF  }
0xc1: {  	_ =	task.clear_ibuf [dreg:s6], $0x2FFFF;
	_ =	strace $0x9FFFFFFF  }
0xc2: {  	(tm) =	ssettm $0x7FFFFFFF  }
0xc3: {  	_ =	shalt  }
tec
execute0_lowered:
.L_overlay_start_1:
0x0: {  	(tag) =	ssettag $0x1  }
0x1: {  	s0 =	rddreg [dreg:$0x0]  }
0x2: {  	s1 =	rddreg [dreg:$0x1]  }
0x3: {  	s2 =	srdreg.scid;
	s3 =	simm.s32 $0x0;
	s10 =	stileid.u32  }
0x4: {  	s19 =	simm.s32 $0x1B900;
	s28 =	simm.s32 $0x1;
	s29 =	simm.s32 $0x2  }
0x5: {  	s30 =	simm.s32 $0x3;
	s31 =	simm.s32 $0x0;
	s2 =	sand.u32 $0x1, s2  }
0x6: {  	[smem:$0x7FF] =	sst s3;
	s8 =	smul.u32 $0x14000, s10;
	s4 =	sadd.s32 $0x50DE00, s0  }
0x7: {  	s5 =	sadd.s32 $0x2246200, s0;
	s6 =	sadd.s32 $0x504000, s0;
	s9 =	smul.u32 $0x50000, s10  }
0x8: {  	s10 =	sshll.u32 s10, $0x1;
	s7 =	smul.u32 $0x140000, s2;
	s20 =	ssub.s32 $0x2, s2  }
0x9: {  	_ =	strace $0x80000050;
	s2 =	sor.u32 s2, s10;
	s11 =	sshrl.u32 s20, $0x1  }
0xa: {  	s9 =	sshrl.u32 s9, $0x2;
	s8 =	sadd.s32 s8, s7;
	s7 =	sadd.s32 $0x4FA200, s0  }
0xb: {  	s21 =	ssub.s32 s20, s11;
	s9 =	sadd.s32 s9, s1;
	s20 =	simm.s32 $0x4  }
0xc: {  	s8 =	sshrl.u32 s8, $0x3;
	s22 =	smax.u32 s21, $0x1;
	s23 =	sadd.s32 $0x2800, s9  }
0xd: {  	s24 =	sadd.s32 $0x5000, s9;
	s25 =	sadd.s32 $0x7800, s9;
	[dreg:$0x4] =	wrdreg s22  }
0xe: {  	s26 =	sadd.s32 $0xA000, s9;
	s16 =	sadd.s32 $0xC800, s9;
	[dreg:$0x5] =	wrdreg s23  }
0xf: {  	s17 =	sadd.s32 $0xF000, s9;
	s18 =	sadd.s32 $0x11800, s9;
	[dreg:$0x6] =	wrdreg s24  }
0x10: {  	s21 =	simm.s32 $0x14000;
	s0 =	sadd.s32 s8, s0;
	[dreg:$0x7] =	wrdreg s25  }
0x11: {  	s8 =	smul.u32 $0x2710, s2;
	[dreg:$0x8] =	wrdreg s26;
	s22 =	simm.s32 $0x14080  }
0x12: {  	s23 =	simm.s32 $0x50;
	s24 =	simm.s32 $0x14100;
	s0 =	sadd.s32 $0x55D000, s0  }
0x13: {  	v0 =	vimm.f32 $0.0e+00;
	s25 =	simm.s32 $0x16900;
	s26 =	simm.s32 $0x19100;
	[dreg:$0x3] =	wrdreg s0  }
.LBB2_1:
0x14: {  	s0 =	simm.s32 $0x1BA00  }
0x15: {  	[tilespmem:s0+$0xFFFFFF00] =	vst v0  }
0x16: {  	[tilespmem:s0+$0xF0] =	vst v0  }
0x17: {  	[tilespmem:s0+$0xE0] =	vst v0  }
0x18: {  	[tilespmem:s0+$0xD0] =	vst v0  }
0x19: {  	[tilespmem:s0+$0xC0] =	vst v0  }
0x1a: {  	[tilespmem:s0+$0xB0] =	vst v0  }
0x1b: {  	[tilespmem:s0+$0xA0] =	vst v0  }
0x1c: {  	[tilespmem:s0+$0x90] =	vst v0  }
0x1d: {  	[tilespmem:s0+$0x80] =	vst v0  }
0x1e: {  	[tilespmem:s0+$0x70] =	vst v0  }
0x1f: {  	[tilespmem:s0+$0x60] =	vst v0  }
0x20: {  	[tilespmem:s0+$0x50] =	vst v0  }
0x21: {  	[tilespmem:s0+$0x40] =	vst v0  }
0x22: {  	[tilespmem:s0+$0x30] =	vst v0  }
0x23: {  	[tilespmem:s0+$0x20] =	vst v0  }
0x24: {  	[tilespmem:s0+$0x10] =	vst v0  }
0x25: {  	[tilespmem:s0+$0x0] =	vst v0  }
0x26: {  	[tilespmem:s0+$0xFFFFFFF0] =	vst v0  }
0x27: {  	[tilespmem:s0+$0xFFFFFFE0] =	vst v0  }
0x28: {  	[tilespmem:s0+$0xFFFFFFD0] =	vst v0  }
0x29: {  	[tilespmem:s0+$0xFFFFFFC0] =	vst v0  }
0x2a: {  	[tilespmem:s0+$0xFFFFFFB0] =	vst v0  }
0x2b: {  	[tilespmem:s0+$0xFFFFFFA0] =	vst v0  }
0x2c: {  	[tilespmem:s0+$0xFFFFFF90] =	vst v0  }
0x2d: {  	[tilespmem:s0+$0xFFFFFF80] =	vst v0  }
0x2e: {  	[tilespmem:s0+$0xFFFFFF70] =	vst v0  }
0x2f: {  	[tilespmem:s0+$0xFFFFFF60] =	vst v0  }
0x30: {  	[tilespmem:s0+$0xFFFFFF50] =	vst v0  }
0x31: {  	[tilespmem:s0+$0xFFFFFF40] =	vst v0  }
0x32: {  	[tilespmem:s0+$0xFFFFFF30] =	vst v0  }
0x33: {  	s2 =	simm.s32 $0x0;
	[tilespmem:s0+$0xFFFFFF20] =	vst v0  }
.LBB2_2:
0x34: {  	s2 =	sadd.s32 $0x4, s2;
	[tilespmem:s0+$0xFFFFFF10] =	vst v0;
	s0 =	sadd.s32 $0x200, s0  }
0x35: {  	[tilespmem:s0+$0xFFFFFF00] =	vst v0;
	p0 =	slt.u32 s2, $0x4C  }
0x36: {  	[tilespmem:s0+$0xF0] =	vst v0  }
0x37: {  	[tilespmem:s0+$0xE0] =	vst v0  }
0x38: {  	[tilespmem:s0+$0xD0] =	vst v0  }
0x39: {  	[tilespmem:s0+$0xC0] =	vst v0  }
0x3a: {  	[tilespmem:s0+$0xB0] =	vst v0  }
0x3b: {  	[tilespmem:s0+$0xA0] =	vst v0  }
0x3c: {  	[tilespmem:s0+$0x90] =	vst v0  }
0x3d: {  	[tilespmem:s0+$0x80] =	vst v0  }
0x3e: {  	[tilespmem:s0+$0x70] =	vst v0  }
0x3f: {  	[tilespmem:s0+$0x60] =	vst v0  }
0x40: {  	[tilespmem:s0+$0x50] =	vst v0  }
0x41: {  	[tilespmem:s0+$0x40] =	vst v0  }
0x42: {  	[tilespmem:s0+$0x30] =	vst v0  }
0x43: {  	[tilespmem:s0+$0x20] =	vst v0  }
0x44: {  	[tilespmem:s0+$0x10] =	vst v0  }
0x45: {  	[tilespmem:s0+$0x0] =	vst v0  }
0x46: {  	[tilespmem:s0+$0xFFFFFFF0] =	vst v0  }
0x47: {  	[tilespmem:s0+$0xFFFFFFE0] =	vst v0  }
0x48: {  	[tilespmem:s0+$0xFFFFFFD0] =	vst v0  }
0x49: {  	[tilespmem:s0+$0xFFFFFFC0] =	vst v0  }
0x4a: {  	[tilespmem:s0+$0xFFFFFFB0] =	vst v0  }
0x4b: {  	[tilespmem:s0+$0xFFFFFFA0] =	vst v0  }
0x4c: {  	[tilespmem:s0+$0xFFFFFF90] =	vst v0  }
0x4d: {  	[tilespmem:s0+$0xFFFFFF80] =	vst v0  }
0x4e: {  	[tilespmem:s0+$0xFFFFFF70] =	vst v0  }
.Ltmp0:
0x4f: {  	[tilespmem:s0+$0xFFFFFF60] =	vst v0;
	(pc) =	sbr.rel @p0 .LBB2_2-.Ltmp0, $4  }
0x50: {  	[tilespmem:s0+$0xFFFFFF50] =	vst v0  }
0x51: {  	[tilespmem:s0+$0xFFFFFF40] =	vst v0  }
0x52: {  	[tilespmem:s0+$0xFFFFFF30] =	vst v0  }
0x53: {  	[tilespmem:s0+$0xFFFFFF20] =	vst v0  }
0x54: {  	[tilespmem:s0+$0xFFFFFF10] =	vst v0  }
0x55: {  	[spmem:s9] =	stream.linear.scatter [tilespmem:s19], [sflag:$0x4], $0x2800, $0x38;
	[tilespmem:$0x1E100] =	vst v63  }
0x56: {  	_ =	swait.ge [sflag:s20], $0x2800  }
0x57: {  	[sflag:s20] =	ssyncset.done $0x0  }
0x58: {  	s12 =	rddreg [dreg:$0x5];
	[sflag:s20] =	ssyncadd.s32 $0xFFFFD800  }
0x59: {  	[spmem:s12] =	stream.linear.scatter [tilespmem:s19], [sflag:$0x4], $0x2800, $0x38;
	[tilespmem:$0x1E100] =	vst v63  }
0x5a: {  	_ =	swait.ge [sflag:s20], $0x2800  }
0x5b: {  	[sflag:s20] =	ssyncset.done $0x0  }
0x5c: {  	s13 =	rddreg [dreg:$0x6];
	[sflag:s20] =	ssyncadd.s32 $0xFFFFD800  }
0x5d: {  	[spmem:s13] =	stream.linear.scatter [tilespmem:s19], [sflag:$0x4], $0x2800, $0x38;
	[tilespmem:$0x1E100] =	vst v63  }
0x5e: {  	_ =	swait.ge [sflag:s20], $0x2800  }
0x5f: {  	[sflag:s20] =	ssyncset.done $0x0  }
0x60: {  	s14 =	rddreg [dreg:$0x7];
	[sflag:s20] =	ssyncadd.s32 $0xFFFFD800  }
0x61: {  	[spmem:s14] =	stream.linear.scatter [tilespmem:s19], [sflag:$0x4], $0x2800, $0x38;
	[tilespmem:$0x1E100] =	vst v63  }
0x62: {  	_ =	swait.ge [sflag:s20], $0x2800  }
0x63: {  	[sflag:s20] =	ssyncset.done $0x0  }
0x64: {  	s15 =	rddreg [dreg:$0x8];
	[sflag:s20] =	ssyncadd.s32 $0xFFFFD800  }
0x65: {  	[spmem:s15] =	stream.linear.scatter [tilespmem:s19], [sflag:$0x4], $0x2800, $0x38;
	[tilespmem:$0x1E100] =	vst v63  }
0x66: {  	_ =	swait.ge [sflag:s20], $0x2800  }
0x67: {  	[sflag:s20] =	ssyncset.done $0x0  }
0x68: {  	[sflag:s20] =	ssyncadd.s32 $0xFFFFD800  }
0x69: {  	[spmem:s16] =	stream.linear.scatter [tilespmem:s19], [sflag:$0x4], $0x2800, $0x38;
	[tilespmem:$0x1E100] =	vst v63  }
0x6a: {  	_ =	swait.ge [sflag:s20], $0x2800  }
0x6b: {  	[sflag:s20] =	ssyncset.done $0x0  }
0x6c: {  	[sflag:s20] =	ssyncadd.s32 $0xFFFFD800  }
0x6d: {  	[spmem:s17] =	stream.linear.scatter [tilespmem:s19], [sflag:$0x4], $0x2800, $0x38;
	[tilespmem:$0x1E100] =	vst v63  }
0x6e: {  	_ =	swait.ge [sflag:s20], $0x2800  }
0x6f: {  	[sflag:s20] =	ssyncset.done $0x0  }
0x70: {  	[sflag:s20] =	ssyncadd.s32 $0xFFFFD800  }
0x71: {  	[spmem:s18] =	stream.linear.scatter [tilespmem:s19], [sflag:$0x4], $0x2800, $0x38;
	[tilespmem:$0x1E100] =	vst v63  }
0x72: {  	_ =	swait.ge [sflag:s20], $0x2800  }
0x73: {  	[sflag:s20] =	ssyncset.done $0x0  }
0x74: {  	[sflag:s20] =	ssyncadd.s32 $0xFFFFD800  }
0x75: {  	s0 =	simm.s32 $0x0;
	[bflag:$0x0] =	sbarrier.arrive $0xFFFF  }
.LBB2_4:
0x76: {  	s2 =	smul.u32 $0x50, s0;
	_ =	sdelay $0x1  }
0x77: {  	s2 =	sadd.s32 s8, s2  }
0x78: {  	s10 =	sshrl.u32 s2, $0x3  }
0x79: {  	s11 =	sadd.s32 s6, s10  }
0x7a: {  	[tilespmem:s21], [sflag:$0x4] =	stream.linear.gather [hbm4b:s11+s3], $0x50, $0x38;
	[tilespmem:$0x1E100] =	vst v63  }
0x7b: {  	_ =	swait.ge [sflag:s20], $0x50  }
0x7c: {  	[sflag:s20] =	ssyncset.done $0x0  }
0x7d: {  	s10 =	sadd.s32 s7, s10;
	[sflag:s20] =	ssyncadd.s32 $0xFFFFFFB0  }
0x7e: {  	[tilespmem:s22], [sflag:$0x4] =	stream.linear.gather [hbm4b:s10+s3], $0x50, $0x38;
	[tilespmem:$0x1E100] =	vst v63  }
0x7f: {  	_ =	swait.ge [sflag:s20], $0x50  }
0x80: {  	[sflag:s20] =	ssyncset.done $0x0  }
0x81: {  	[sflag:s20] =	ssyncadd.s32 $0xFFFFFFB0  }
0x82: {  	[tilespmem:s24], [sflag:$0x1] =	stream.indirect.gather [hbm4b:s4+s23], $0x80, s21, s23, $0xb8;
	[tilespmem:$0x1E100] =	vst v63  }
0x83: {  	s2 =	sshll.u32 s2, $0x4  }
0x84: {  	[tilespmem:s25], [sflag:$0x2] =	stream.indirect.gather [hbm4b:s4+s23], $0x80, s22, s23, $0xb8;
	[tilespmem:$0x1E100] =	vst v63  }
0x85: {  	s2 =	sadd.s32 s5, s2  }
0x86: {  	[tilespmem:s26], [sflag:$0x3] =	stream.linear.gather [hbm4b:s2+s3], $0x2800, $0x38;
	[tilespmem:$0x1E100] =	vst v63  }
0x87: {  	_ =	swait.ge [sflag:s28], $0x2800  }
0x88: {  	[sflag:s28] =	ssyncset.done $0x0  }
0x89: {  	[sflag:s28] =	ssyncadd.s32 $0xFFFFD800  }
0x8a: {  	_ =	swait.ge [sflag:s29], $0x2800  }
0x8b: {  	[sflag:s29] =	ssyncset.done $0x0  }
0x8c: {  	[sflag:s29] =	ssyncadd.s32 $0xFFFFD800  }
0x8d: {  	_ =	swait.ge [sflag:s30], $0x2800  }
0x8e: {  	[sflag:s30] =	ssyncset.done $0x0  }
0x8f: {  	s10 =	simm.s32 $0x14200;
	[sflag:s30] =	ssyncadd.s32 $0xFFFFD800  }
0x90: {  	v1 =	vld [tilespmem:s10+$0xFFFFFF00];
	_ =	sdelay $0x3  }
0x91: {  	s2 =	simm.s32 $0x1BA00  }
0x92: {  	s11 =	simm.s32 $0x16A40;
	[tilespmem:s2+$0xFFFFFF00] =	vst v1  }
0x93: {  	v1 =	vld [tilespmem:s11+$0xFFFFFF00]  }
0x94: {  	v2 =	vld [tilespmem:s10+$0xFFFFFF20]  }
0x95: {  	s12 =	simm.s32 $0x19200  }
0x96: {  	v3 =	vld [tilespmem:s12+$0xFFFFFF00];
	_ =	sdelay $0x2  }
0x97: {  	v1 =	vadd.f32 v2, v1;
	_ =	sdelay $0x1  }
0x98: {  	v1 =	vadd.f32 v3, v1;
	_ =	sdelay $0x1  }
0x99: {  	v1 =	vmax.f32 v1, $0.0e+00  }
0x9a: {  	[tilespmem:s2+$0xFFFFFF20] =	vst v1  }
0x9b: {  	v1 =	vld [tilespmem:s10+$0xFFFFFF10];
	_ =	sdelay $0x4  }
0x9c: {  	[tilespmem:s2+$0xFFFFFF10] =	vst v1  }
0x9d: {  	v1 =	vld [tilespmem:s11+$0xFFFFFF10]  }
0x9e: {  	v2 =	vld [tilespmem:s10+$0xFFFFFF30];
	_ =	sdelay $0x1  }
0x9f: {  	v3 =	vld [tilespmem:s12+$0xFFFFFF10];
	_ =	sdelay $0x2  }
0xa0: {  	v1 =	vadd.f32 v2, v1;
	_ =	sdelay $0x1  }
0xa1: {  	v1 =	vadd.f32 v3, v1;
	_ =	sdelay $0x1  }
0xa2: {  	v1 =	vmax.f32 v1, $0.0e+00  }
0xa3: {  	[tilespmem:s2+$0xFFFFFF30] =	vst v1  }
0xa4: {  	v1 =	vld [tilespmem:s10+$0xFFFFFF80];
	_ =	sdelay $0x4  }
0xa5: {  	[tilespmem:s2+$0xFFFFFF80] =	vst v1  }
0xa6: {  	v1 =	vld [tilespmem:s11+$0xFFFFFF80]  }
0xa7: {  	v2 =	vld [tilespmem:s10+$0xFFFFFFA0];
	_ =	sdelay $0x1  }
0xa8: {  	v3 =	vld [tilespmem:s12+$0xFFFFFF80];
	_ =	sdelay $0x2  }
0xa9: {  	v1 =	vadd.f32 v2, v1;
	_ =	sdelay $0x1  }
0xaa: {  	v1 =	vadd.f32 v3, v1;
	_ =	sdelay $0x1  }
0xab: {  	v1 =	vmax.f32 v1, $0.0e+00  }
0xac: {  	[tilespmem:s2+$0xFFFFFFA0] =	vst v1  }
0xad: {  	v1 =	vld [tilespmem:s10+$0xFFFFFF90];
	_ =	sdelay $0x4  }
0xae: {  	[tilespmem:s2+$0xFFFFFF90] =	vst v1  }
0xaf: {  	v1 =	vld [tilespmem:s11+$0xFFFFFF90]  }
0xb0: {  	v2 =	vld [tilespmem:s10+$0xFFFFFFB0];
	_ =	sdelay $0x1  }
0xb1: {  	v3 =	vld [tilespmem:s12+$0xFFFFFF90];
	_ =	sdelay $0x2  }
0xb2: {  	v1 =	vadd.f32 v2, v1;
	_ =	sdelay $0x1  }
0xb3: {  	v1 =	vadd.f32 v3, v1;
	_ =	sdelay $0x1  }
0xb4: {  	v1 =	vmax.f32 v1, $0.0e+00  }
0xb5: {  	[tilespmem:s2+$0xFFFFFFB0] =	vst v1  }
0xb6: {  	v1 =	vld [tilespmem:s10+$0x0];
	_ =	sdelay $0x4  }
0xb7: {  	[tilespmem:s2+$0x0] =	vst v1  }
0xb8: {  	v1 =	vld [tilespmem:s11+$0x0]  }
0xb9: {  	v2 =	vld [tilespmem:s10+$0x20];
	_ =	sdelay $0x1  }
0xba: {  	v3 =	vld [tilespmem:s12+$0x0];
	_ =	sdelay $0x2  }
0xbb: {  	v1 =	vadd.f32 v2, v1;
	_ =	sdelay $0x1  }
0xbc: {  	v1 =	vadd.f32 v3, v1;
	_ =	sdelay $0x1  }
0xbd: {  	v1 =	vmax.f32 v1, $0.0e+00  }
0xbe: {  	[tilespmem:s2+$0x20] =	vst v1  }
0xbf: {  	v1 =	vld [tilespmem:s10+$0x10];
	_ =	sdelay $0x4  }
0xc0: {  	[tilespmem:s2+$0x10] =	vst v1  }
0xc1: {  	v1 =	vld [tilespmem:s11+$0x10]  }
0xc2: {  	v2 =	vld [tilespmem:s10+$0x30];
	_ =	sdelay $0x1  }
0xc3: {  	v3 =	vld [tilespmem:s12+$0x10];
	_ =	sdelay $0x2  }
0xc4: {  	v1 =	vadd.f32 v2, v1;
	_ =	sdelay $0x1  }
0xc5: {  	v1 =	vadd.f32 v3, v1;
	_ =	sdelay $0x1  }
0xc6: {  	v1 =	vmax.f32 v1, $0.0e+00  }
0xc7: {  	[tilespmem:s2+$0x30] =	vst v1  }
0xc8: {  	v1 =	vld [tilespmem:s10+$0x80];
	_ =	sdelay $0x4  }
0xc9: {  	[tilespmem:s2+$0x80] =	vst v1  }
0xca: {  	v1 =	vld [tilespmem:s11+$0x80]  }
0xcb: {  	v2 =	vld [tilespmem:s10+$0xA0];
	_ =	sdelay $0x1  }
0xcc: {  	v3 =	vld [tilespmem:s12+$0x80];
	_ =	sdelay $0x2  }
0xcd: {  	v1 =	vadd.f32 v2, v1;
	_ =	sdelay $0x1  }
0xce: {  	v1 =	vadd.f32 v3, v1;
	_ =	sdelay $0x1  }
0xcf: {  	v1 =	vmax.f32 v1, $0.0e+00  }
0xd0: {  	[tilespmem:s2+$0xA0] =	vst v1  }
0xd1: {  	v1 =	vld [tilespmem:s10+$0x90];
	_ =	sdelay $0x4  }
0xd2: {  	[tilespmem:s2+$0x90] =	vst v1  }
0xd3: {  	v1 =	vld [tilespmem:s11+$0x90]  }
0xd4: {  	s13 =	simm.s32 $0x0;
	s14 =	simm.s32 $0x1BC00;
	s15 =	simm.s32 $0x19400;
	v2 =	vld [tilespmem:s10+$0xB0]  }
.LBB2_5:
0xd5: {  	s13 =	sadd.s32 $0x4, s13;
	v3 =	vld [tilespmem:s12+$0x90];
	s11 =	sadd.s32 $0x200, s11;
	s10 =	sadd.s32 $0x200, s10  }
0xd6: {  	s12 =	smov.u32 s15;
	p0 =	slt.u32 s13, $0x4C;
	_ =	sdelay $0x2  }
0xd7: {  	v1 =	vadd.f32 v2, v1;
	_ =	sdelay $0x1  }
0xd8: {  	v1 =	vadd.f32 v3, v1;
	_ =	sdelay $0x1  }
0xd9: {  	v1 =	vmax.f32 v1, $0.0e+00  }
0xda: {  	[tilespmem:s2+$0xB0] =	vst v1;
	s2 =	smov.u32 s14  }
0xdb: {  	v1 =	vld [tilespmem:s10+$0xFFFFFF00];
	_ =	sdelay $0x4  }
0xdc: {  	[tilespmem:s14+$0xFFFFFF00] =	vst v1  }
0xdd: {  	v1 =	vld [tilespmem:s11+$0xFFFFFF00]  }
0xde: {  	v2 =	vld [tilespmem:s10+$0xFFFFFF20]  }
0xdf: {  	v3 =	vld [tilespmem:s15+$0xFFFFFF00];
	_ =	sdelay $0x3  }
0xe0: {  	v1 =	vadd.f32 v2, v1;
	_ =	sdelay $0x1  }
0xe1: {  	v1 =	vadd.f32 v3, v1;
	_ =	sdelay $0x1  }
0xe2: {  	v1 =	vmax.f32 v1, $0.0e+00  }
0xe3: {  	[tilespmem:s14+$0xFFFFFF20] =	vst v1  }
0xe4: {  	v1 =	vld [tilespmem:s10+$0xFFFFFF10];
	_ =	sdelay $0x4  }
0xe5: {  	[tilespmem:s14+$0xFFFFFF10] =	vst v1  }
0xe6: {  	v1 =	vld [tilespmem:s11+$0xFFFFFF10]  }
0xe7: {  	v2 =	vld [tilespmem:s10+$0xFFFFFF30];
	_ =	sdelay $0x1  }
0xe8: {  	v3 =	vld [tilespmem:s15+$0xFFFFFF10];
	_ =	sdelay $0x2  }
0xe9: {  	v1 =	vadd.f32 v2, v1;
	_ =	sdelay $0x1  }
0xea: {  	v1 =	vadd.f32 v3, v1;
	_ =	sdelay $0x1  }
0xeb: {  	v1 =	vmax.f32 v1, $0.0e+00  }
0xec: {  	[tilespmem:s14+$0xFFFFFF30] =	vst v1  }
0xed: {  	v1 =	vld [tilespmem:s10+$0xFFFFFF80];
	_ =	sdelay $0x4  }
0xee: {  	[tilespmem:s14+$0xFFFFFF80] =	vst v1  }
0xef: {  	v1 =	vld [tilespmem:s11+$0xFFFFFF80]  }
0xf0: {  	v2 =	vld [tilespmem:s10+$0xFFFFFFA0];
	_ =	sdelay $0x1  }
0xf1: {  	v3 =	vld [tilespmem:s15+$0xFFFFFF80];
	_ =	sdelay $0x2  }
0xf2: {  	v1 =	vadd.f32 v2, v1;
	_ =	sdelay $0x1  }
0xf3: {  	v1 =	vadd.f32 v3, v1;
	_ =	sdelay $0x1  }
0xf4: {  	v1 =	vmax.f32 v1, $0.0e+00  }
0xf5: {  	[tilespmem:s14+$0xFFFFFFA0] =	vst v1  }
0xf6: {  	v1 =	vld [tilespmem:s10+$0xFFFFFF90];
	_ =	sdelay $0x4  }
0xf7: {  	[tilespmem:s14+$0xFFFFFF90] =	vst v1  }
0xf8: {  	v1 =	vld [tilespmem:s11+$0xFFFFFF90]  }
0xf9: {  	v2 =	vld [tilespmem:s10+$0xFFFFFFB0]  }
0xfa: {  	v3 =	vld [tilespmem:s15+$0xFFFFFF90];
	_ =	sdelay $0x3  }
0xfb: {  	v1 =	vadd.f32 v2, v1;
	_ =	sdelay $0x1  }
0xfc: {  	v1 =	vadd.f32 v3, v1;
	_ =	sdelay $0x1  }
0xfd: {  	v1 =	vmax.f32 v1, $0.0e+00  }
0xfe: {  	[tilespmem:s14+$0xFFFFFFB0] =	vst v1  }
0xff: {  	v1 =	vld [tilespmem:s10+$0x0];
	_ =	sdelay $0x4  }
0x100: {  	[tilespmem:s14+$0x0] =	vst v1  }
0x101: {  	v1 =	vld [tilespmem:s11+$0x0]  }
0x102: {  	v2 =	vld [tilespmem:s10+$0x20]  }
0x103: {  	v3 =	vld [tilespmem:s15+$0x0];
	_ =	sdelay $0x3  }
0x104: {  	v1 =	vadd.f32 v2, v1;
	_ =	sdelay $0x1  }
0x105: {  	v1 =	vadd.f32 v3, v1;
	_ =	sdelay $0x1  }
0x106: {  	v1 =	vmax.f32 v1, $0.0e+00  }
0x107: {  	[tilespmem:s14+$0x20] =	vst v1  }
0x108: {  	v1 =	vld [tilespmem:s10+$0x10];
	_ =	sdelay $0x4  }
0x109: {  	[tilespmem:s14+$0x10] =	vst v1  }
0x10a: {  	v1 =	vld [tilespmem:s11+$0x10]  }
0x10b: {  	v2 =	vld [tilespmem:s10+$0x30]  }
0x10c: {  	v3 =	vld [tilespmem:s15+$0x10];
	_ =	sdelay $0x3  }
0x10d: {  	v1 =	vadd.f32 v2, v1;
	_ =	sdelay $0x1  }
0x10e: {  	v1 =	vadd.f32 v3, v1;
	_ =	sdelay $0x1  }
0x10f: {  	v1 =	vmax.f32 v1, $0.0e+00  }
0x110: {  	[tilespmem:s14+$0x30] =	vst v1  }
0x111: {  	v1 =	vld [tilespmem:s10+$0x80];
	_ =	sdelay $0x4  }
0x112: {  	[tilespmem:s14+$0x80] =	vst v1  }
0x113: {  	v1 =	vld [tilespmem:s11+$0x80]  }
0x114: {  	v2 =	vld [tilespmem:s10+$0xA0]  }
0x115: {  	v3 =	vld [tilespmem:s15+$0x80];
	_ =	sdelay $0x3  }
0x116: {  	v1 =	vadd.f32 v2, v1;
	_ =	sdelay $0x1  }
0x117: {  	v1 =	vadd.f32 v3, v1;
	_ =	sdelay $0x1  }
0x118: {  	v1 =	vmax.f32 v1, $0.0e+00  }
0x119: {  	[tilespmem:s14+$0xA0] =	vst v1  }
0x11a: {  	v1 =	vld [tilespmem:s10+$0x90];
	_ =	sdelay $0x2  }
.Ltmp1:
0x11b: {  	(pc) =	sbr.rel @p0 .LBB2_5-.Ltmp1, $4  }
0x11c: {  	_ = 	snop  }
0x11d: {  	[tilespmem:s14+$0x90] =	vst v1  }
0x11e: {  	v1 =	vld [tilespmem:s11+$0x90]  }
0x11f: {  	s15 =	sadd.s32 $0x200, s15;
	s14 =	sadd.s32 $0x200, s14;
	v2 =	vld [tilespmem:s10+$0xB0]  }
0x120: {  	_ = 	snop  }
0x121: {  	v3 =	vld [tilespmem:s12+$0x90];
	_ =	sdelay $0x2  }
0x122: {  	v1 =	vadd.f32 v2, v1;
	_ =	sdelay $0x1  }
0x123: {  	v1 =	vadd.f32 v3, v1  }
0x124: {  	s0 =	sadd.s32 $0x1, s0  }
0x125: {  	p0 =	sne.s32 s0, $0x7D;
	v1 =	vmax.f32 v1, $0.0e+00  }
.Ltmp2:
0x126: {  	[tilespmem:s2+$0xB0] =	vst v1;
	(pc) =	sbr.rel @p0 .LBB2_4-.Ltmp2, $4  }
0x127: {  	[spmem:s1] =	stream.indirect.scatter.add.f32 [tilespmem:s19], [sflag:$0x4], $0x80, s22, s23, $0xb8;
	[tilespmem:$0x1E100] =	vst v63  }
0x128: {  	_ =	swait.ge [sflag:s20], $0x2800  }
0x129: {  	[sflag:s20] =	ssyncset.done $0x0  }
0x12a: {  	[sflag:s20] =	ssyncadd.s32 $0xFFFFD800  }
0x12b: {  	s0 =	stileid.u32  }
0x12c: {  	[bflag:$0x0] =	sbarrier.arrive $0xFFFF;
	s0 =	sshll.u32 s0, $0x6  }
0x12d: {  	s2 =	sshrl.u32 s9, $0x3;
	s10 =	rddreg [dreg:$0x3];
	s0 =	sor.u32 $0x1C04, s0  }
0x12e: {  	[hbm:s10], [sflag:s0] =	dma.local [spmem:s2], $0x2800  }
0x12f: {  	_ =	swait.ge [sflag:s20], $0x2800  }
0x130: {  	s31 =	sadd.s32 $0x1, s31;
	s15 =	rddreg [dreg:$0x4]  }
0x131: {  	p0 =	sne.s32 s31, s15  }
.Ltmp3:
0x132: {  	_ = 	snop;
	(pc) =	sbr.rel @p0 .LBB2_1-.Ltmp3, $3  }
0x133: {  	_ =	sdelay $0x1  }
0x134: {  	[sflag:s20] =	ssyncset.done $0x0  }
0x135: {  	[sflag:s20] =	ssyncadd.s32 $0xFFFFD800  }
0x136: {  	_ =	sfence.sel $0x180000  }
0x137: {  	[bflag:$0x0] =	sbarrier.arrive $0xFFFF  }
0x138: {  	_ =	strace $0x90000050  }
0x139: {  	s0 =	stileid.u32;
	[bflag:$0x2] =	sbarrier.arrive $0xFFFF  }
0x13a: {  	p0 =	sne.s32 s0, $0x0;
	s0 =	rddreg [dreg:$0x2]  }
0x13b: {  	s0 =	sadd.s32 @!p0 $0x100000, s0  }
0x13c: {  	[sflag:s0] =	ssyncadd.tile.s32 @!p0 $0x1;
	_ =	shalt  }
.Lfunc_end2:
_tile_overlayer_lowered:
.L_overlay_start_2:
0x13d: {  	(tag) =	ssettag $0x2  }
0x13e: {  	s0 =	rddreg [dreg:$0x0];
	s2 =	stileid.u32  }
0x13f: {  	s1 =	rddreg [dreg:$0x1];
	p0 =	sne.s32 s2, $0x0  }
0x140: {  	s3 =	rddreg [dreg:$0x2];
	[bflag:$0x3] =	sbarrier.arrive $0xFFFF;
	s2 =	simm.s32 @!p0 $0x1C04  }
0x141: {  	[timem:s3], [sflag:s2] =	dma.local @!p0 [hbm:s0], s1  }
0x142: {  	s0 =	simm.s32 @!p0 $0x4  }
0x143: {  	_ =	swait.ge @!p0 [sflag:s0], s1  }
0x144: {  	s1 =	ssub.s32 @!p0 $0x0, s1;
	[sflag:s0] =	ssyncset.done @!p0 $0x0  }
0x145: {  	[sflag:s0] =	ssyncadd.s32 @!p0 s1  }
0x146: {  	[bflag:$0x3] =	sbarrier.arrive $0xFFFF  }
0x147: {  	_ =	shalt  }

</sc_bundles>
